<compile_context>
chip_gen: v7x
topology: tpu7x:2x2x1
jax: 0.10.2.dev20260603
libtpu: 0.0.44.dev20260713+nightly
codegen_flags: <defaults>
</compile_context>

<pallas_src>
import functools

import jax
import jax.numpy as jnp
from jax import lax
from jax.experimental import pallas as pl
from jax.experimental.pallas import tpu as pltpu
from jax.experimental.pallas import tpu_sc as plsc

NA = 10000
NAP = 10240
NE = 320000
ECH = 80
EPW = ECH * 128
NF = 2000
NFP = 2048
NFE = 8000
FCH = 2
D = 128
NC, NS = 2, 16
NW = NC * NS
APT = NAP // NS
APW = NAP // NW
FPT = NFP // NS

_MESH = plsc.VectorSubcoreMesh(core_axis_name="c", subcore_axis_name="s",
                               num_cores=NC, num_subcores=NS)

_f32 = jnp.float32


def _zero_fill(zrow, nrows):
    def body(r, _):
        for c in range(D // 16):
            zrow[r, pl.ds(c * 16, 16)] = jnp.zeros((16,), _f32)
        return 0
    lax.fori_loop(0, nrows, body, 0)


@functools.partial(
    pl.kernel, mesh=_MESH,
    out_type=jax.ShapeDtypeStruct((NC, NAP), _f32),
    scratch_types=[
        pltpu.VMEM((ECH, 128), jnp.int32),
        pltpu.VMEM((128,), _f32),
        pltpu.VMEM((APT,), _f32),
        pltpu.VMEM_SHARED((NAP,), _f32),
    ],
)
def _sc_degree(srcd_hbm, degp_hbm, idx_v, ones_v, zbuf, deg_sp):
    cid = lax.axis_index("c")
    sid = lax.axis_index("s")
    w = cid * NS + sid
    for c in range(128 // 16):
        ones_v[pl.ds(c * 16, 16)] = jnp.ones((16,), _f32)
    def zb(i, _):
        zbuf[pl.ds(i * 16, 16)] = jnp.zeros((16,), _f32)
        return 0
    lax.fori_loop(0, APT // 16, zb, 0)
    pltpu.sync_copy(zbuf, deg_sp.at[pl.ds(sid * APT, APT)])
    plsc.subcore_barrier()
    pltpu.sync_copy(srcd_hbm.at[w], idx_v)
    def body(j, _):
        pltpu.sync_copy(ones_v, deg_sp.at[idx_v.at[j]], add=True)
        return 0
    lax.fori_loop(0, ECH, body, 0)
    plsc.subcore_barrier()
    pltpu.sync_copy(deg_sp.at[pl.ds(sid * APT, APT)],
                    degp_hbm.at[cid, pl.ds(sid * APT, APT)])


HALF = NAP // NC
ACCR = HALF + 64
ECH2 = (NW * EPW) // (NS * 128)
NB = 2
DPT = HALF // NS


@functools.partial(
    pl.kernel, mesh=_MESH,
    out_type=(jax.ShapeDtypeStruct((NAP, D), _f32),
              jax.ShapeDtypeStruct((NFP, D), _f32),
              jax.ShapeDtypeStruct((NFP, D), _f32)),
    scratch_types=(
        [pltpu.VMEM((ECH2, 128), jnp.int32),
         pltpu.VMEM((ECH2, 128), jnp.int32),
         pltpu.VMEM((NB, 128, D), _f32),
         pltpu.VMEM((DPT // 64, 64), jnp.int32),
         pltpu.VMEM_SHARED((ACCR, D), _f32)]
        + [pltpu.SemaphoreType.DMA] * (2 * NB + 1)),
)
def _sc_edges_pool(g_hbm, dm_hbm, a2f2_hbm, srcg_hbm, dstp_hbm,
                   xnew_hbm, fragp0_hbm, fragp1_hbm,
                   src_v, dst_v, rb, ids_v, acc_sp, *sems):
    gsem = sems[:NB]
    ssem = sems[NB:2 * NB]
    esem = sems[2 * NB]
    cid = lax.axis_index("c")
    sid = lax.axis_index("s")

    def zb(r, _):
        for c in range(D // 16):
            rb[0, r, pl.ds(c * 16, 16)] = jnp.zeros((16,), _f32)
        return 0
    lax.fori_loop(0, 64, zb, 0)
    zpt = ACCR // NS
    for k in range(zpt // 64):
        pltpu.sync_copy(rb.at[0, pl.ds(0, 64)],
                        acc_sp.at[pl.ds(sid * zpt + k * 64, 64)])
    if zpt % 64:
        pltpu.sync_copy(rb.at[0, pl.ds(0, zpt % 64)],
                        acc_sp.at[pl.ds(sid * zpt + (zpt // 64) * 64,
                                        zpt % 64)])
    pltpu.sync_copy(srcg_hbm.at[sid], src_v)
    pltpu.sync_copy(dstp_hbm.at[sid], dst_v)
    base_g = cid * HALF + sid * DPT
    for j in range(DPT // 64):
        pltpu.sync_copy(a2f2_hbm.at[pl.ds(base_g + j * 64, 64)],
                        ids_v.at[j])

    base_lo = cid * HALF

    def remap_all(j, _):
        for c in range(128 // 16):
            s = pl.ds(c * 16, 16)
            d = dst_v[j, s]
            local = d - base_lo
            ok = (local >= 0) & (local < HALF)
            dst_v[j, s] = jnp.where(ok, local,
                                    HALF + jnp.bitwise_and(d, 63))
        return 0
    lax.fori_loop(0, ECH2, remap_all, 0)
    plsc.subcore_barrier()

    def body(k, _):
        j0 = 2 * k
        j1 = 2 * k + 1

        @pl.when(k > 0)
        def _w0():
            pltpu.make_async_copy(rb.at[0], acc_sp.at[dst_v.at[j0]],
                                  ssem[0]).wait()
        pltpu.async_copy(g_hbm.at[src_v.at[j0]], rb.at[0], gsem[0])

        @pl.when(k > 0)
        def _w1():
            pltpu.make_async_copy(rb.at[1], acc_sp.at[dst_v.at[j1]],
                                  ssem[1]).wait()
        pltpu.async_copy(g_hbm.at[src_v.at[j1]], rb.at[1], gsem[1])

        pltpu.make_async_copy(g_hbm.at[src_v.at[j0]], rb.at[0],
                              gsem[0]).wait()
        pltpu.async_copy(rb.at[0], acc_sp.at[dst_v.at[j0]], ssem[0],
                         add=True)
        pltpu.make_async_copy(g_hbm.at[src_v.at[j1]], rb.at[1],
                              gsem[1]).wait()
        pltpu.async_copy(rb.at[1], acc_sp.at[dst_v.at[j1]], ssem[1],
                         add=True)
        return 0
    lax.fori_loop(0, ECH2 // 2, body, 0)
    pltpu.make_async_copy(rb.at[0], acc_sp.at[dst_v.at[0]], ssem[0]).wait()
    pltpu.make_async_copy(rb.at[1], acc_sp.at[dst_v.at[1]], ssem[1]).wait()
    plsc.subcore_barrier()

    b0 = rb.at[0, pl.ds(0, 64)]
    bg = rb.at[1, pl.ds(0, 64)]
    bd = rb.at[0, pl.ds(64, 64)]
    xb = rb.at[1, pl.ds(64, 64)]
    for j in range(DPT // 64):
        r0 = sid * DPT + j * 64
        rg = base_g + j * 64
        c1 = pltpu.async_copy(g_hbm.at[pl.ds(rg, 64)], bg, esem)
        c2 = pltpu.async_copy(dm_hbm.at[pl.ds(rg, 64)], bd, esem)
        pltpu.sync_copy(acc_sp.at[pl.ds(r0, 64)], b0)
        c1.wait()
        c2.wait()

        def rows(r, _):
            for c in range(D // 16):
                s = pl.ds(c * 16, 16)
                rb[1, 64 + r, s] = ((rb[0, r, s] + rb[1, r, s])
                                    * rb[0, 64 + r, s])
            return 0
        lax.fori_loop(0, 64, rows, 0)
        pltpu.sync_copy(xb, xnew_hbm.at[pl.ds(rg, 64)])
    plsc.subcore_barrier()

    def zb2(r, _):
        for c in range(D // 16):
            rb[0, r, pl.ds(c * 16, 16)] = jnp.zeros((16,), _f32)
        return 0
    lax.fori_loop(0, 64, zb2, 0)
    for k in range(FPT // 64):
        pltpu.sync_copy(rb.at[0, pl.ds(0, 64)],
                        acc_sp.at[pl.ds(sid * FPT + k * 64, 64)])
    plsc.subcore_barrier()
    for j in range(DPT // 64):
        rg = base_g + j * 64
        pltpu.sync_copy(xnew_hbm.at[pl.ds(rg, 64)], bg)
        pltpu.sync_copy(bg, acc_sp.at[ids_v.at[j]], add=True)
    plsc.subcore_barrier()

    @pl.when(cid == 0)
    def _dump0():
        pltpu.sync_copy(acc_sp.at[pl.ds(sid * FPT, FPT)],
                        fragp0_hbm.at[pl.ds(sid * FPT, FPT)])

    @pl.when(cid == 1)
    def _dump1():
        pltpu.sync_copy(acc_sp.at[pl.ds(sid * FPT, FPT)],
                        fragp1_hbm.at[pl.ds(sid * FPT, FPT)])


@functools.partial(
    pl.kernel, mesh=_MESH,
    out_type=jax.ShapeDtypeStruct((NC, NFP, D), _f32),
    scratch_types=[
        pltpu.VMEM((128, D), _f32),
        pltpu.VMEM((128, D), _f32),
        pltpu.VMEM((FCH, 128), jnp.int32),
        pltpu.VMEM((FCH, 128), jnp.int32),
        pltpu.VMEM_SHARED((NFP, D), _f32),
        pltpu.SemaphoreType.DMA,
    ],
)
def _sc_frag(fragp0_hbm, fragp1_hbm, fsrc_hbm, ftgt_hbm, ffsp_hbm,
             fa, fb, sids, tids, ffs_sp, sem):
    cid = lax.axis_index("c")
    sid = lax.axis_index("s")
    w = cid * NS + sid
    r0 = sid * FPT
    _zero_fill(fb, 128)
    pltpu.sync_copy(fb, ffs_sp.at[pl.ds(r0, FPT)])
    pltpu.sync_copy(fsrc_hbm.at[w], sids)
    pltpu.sync_copy(ftgt_hbm.at[w], tids)
    plsc.subcore_barrier()
    for j in range(FCH):
        c0 = pltpu.async_copy(fragp0_hbm.at[sids.at[j]], fa, sem)
        c1 = pltpu.async_copy(fragp1_hbm.at[sids.at[j]], fb, sem)
        c0.wait(); c1.wait()
        def rows(r, _):
            for c in range(D // 16):
                s = pl.ds(c * 16, 16)
                fa[r, s] = fa[r, s] + fb[r, s]
            return 0
        lax.fori_loop(0, 128, rows, 0)
        pltpu.sync_copy(fa, ffs_sp.at[tids.at[j]], add=True)
    plsc.subcore_barrier()
    pltpu.sync_copy(ffs_sp.at[pl.ds(r0, FPT)],
                    ffsp_hbm.at[cid, pl.ds(r0, FPT)])


def _tc_embed_body(x_ref, dinv_ref, wT_ref, b_ref, g_ref, dm_ref):
    h = jnp.dot(x_ref[...], wT_ref[...],
                preferred_element_type=_f32) + b_ref[...]
    dinv = dinv_ref[...]
    g_ref[...] = dinv * h
    dm_ref[...] = jnp.broadcast_to(dinv, (NAP, D))


_tc_embed = pl.pallas_call(
    _tc_embed_body,
    out_shape=(jax.ShapeDtypeStruct((NAP, D), _f32),
               jax.ShapeDtypeStruct((NAP, D), _f32)),
)


def _tc_mlp_body(ffsp_ref, w1T_ref, b1_ref, w2T_ref, b2_ref, out_ref):
    ffs = ffsp_ref[0] + ffsp_ref[1]
    h = jnp.maximum(jnp.dot(ffs, w1T_ref[...],
                            preferred_element_type=_f32) + b1_ref[...], 0.0)
    out_ref[...] = jnp.dot(h, w2T_ref[...],
                           preferred_element_type=_f32) + b2_ref[...]


_tc_mlp = pl.pallas_call(
    _tc_mlp_body,
    out_shape=jax.ShapeDtypeStruct((NFP, D), _f32),
)


def kernel(x_atoms, edge_index, edge_attr, frag_index, x_frags,
           atom_to_frag_ids, W_atom, b_atom, W_edge, b_edge,
           W_f1, b_f1, W_f2, b_f2):
    ei = edge_index.astype(jnp.int32)
    src, dst = ei[0], ei[1]
    npad = NW * EPW - NE
    ar = jnp.arange(npad, dtype=jnp.int32)
    dummy_atom = NA + ar % (NAP - NA)
    src_deg = jnp.concatenate([src, dummy_atom]).reshape(NW, ECH, 128)
    src_gat = jnp.concatenate([src, ar % NA]).reshape(NS, ECH2, 128)
    dst_pad = jnp.concatenate([dst, dummy_atom]).reshape(NS, ECH2, 128)

    a2f = atom_to_frag_ids.astype(jnp.int32)
    arf = jnp.arange(NAP - NA, dtype=jnp.int32)
    a2f_pad = jnp.concatenate([a2f, NF + arf % (NFP - NF)])

    fi = frag_index.astype(jnp.int32)
    fpad = NW * FCH * 128 - NFE
    arf2 = jnp.arange(fpad, dtype=jnp.int32)
    dummy_frag = NF + arf2 % (NFP - NF)
    fsrc_pad = jnp.concatenate([fi[0], dummy_frag]).reshape(NW, FCH, 128)
    ftgt_pad = jnp.concatenate([fi[1], dummy_frag]).reshape(NW, FCH, 128)

    x_pad = jnp.pad(x_atoms, ((0, NAP - NA), (0, 0)))

    degp = _sc_degree(src_deg)
    dinv_col = lax.rsqrt(degp[0] + degp[1] + 1.0).reshape(NAP, 1)
    g, dm = _tc_embed(x_pad, dinv_col, W_atom.T, b_atom.reshape(1, D))
    xnew_pad, fragp0, fragp1 = _sc_edges_pool(g, dm, a2f_pad,
                                              src_gat, dst_pad)
    ffsp = _sc_frag(fragp0, fragp1, fsrc_pad, ftgt_pad)
    xfrags = _tc_mlp(ffsp, W_f1.T, b_f1.reshape(1, 2 * D),
                     W_f2.T, b_f2.reshape(1, D))
    return xnew_pad[:NA], xfrags[:NF]

# --- scband reference (transcript-rebuilt; emitter-appended) ---
"""Pipeline reference for scband-frag-net-layer-22771916603967 (READ-ONLY COPY).

The authoritative reference and input builder live on the scoring server;
editing this copy changes nothing except your own understanding.
"""

import jax, jax.numpy as jnp
import numpy as np

N_ATOMS = 10000
N_EDGES = 320000
N_FRAGS = 2000
N_FRAG_EDGES = 8000
D = 128


def _linear_params(key, fan_in, fan_out):
    k1, k2 = jax.random.split(key)
    bound = 1.0 / np.sqrt(fan_in)
    W = jax.random.uniform(k1, (fan_out, fan_in), minval=-bound, maxval=bound, dtype=jnp.float32)
    b = jax.random.uniform(k2, (fan_out,), minval=-bound, maxval=bound, dtype=jnp.float32)
    return W, b


def setup_inputs(seed: int = 0) -> dict:
    key = jax.random.key(seed)
    ks = jax.random.split(key, 12)
    x_atoms = jax.random.normal(ks[0], (N_ATOMS, D), dtype=jnp.float32)
    edge_index = jax.random.randint(ks[1], (2, N_EDGES), 0, N_ATOMS, dtype=jnp.int64)
    edge_attr = jax.random.normal(ks[2], (N_EDGES, D), dtype=jnp.float32)
    frag_index = jax.random.randint(ks[3], (2, N_FRAG_EDGES), 0, N_FRAGS, dtype=jnp.int64)
    x_frags = jax.random.normal(ks[4], (N_FRAGS, D), dtype=jnp.float32)
    atom_to_frag_ids = jnp.sort(jax.random.randint(ks[5], (N_ATOMS,), 0, N_FRAGS, dtype=jnp.int64))
    W_atom, b_atom = _linear_params(ks[6], D, D)
    W_edge, b_edge = _linear_params(ks[7], D, D)
    W_f1, b_f1 = _linear_params(ks[8], D, 2 * D)
    W_f2, b_f2 = _linear_params(ks[9], 2 * D, D)
    return {
        "x_atoms": x_atoms, "edge_index": edge_index, "edge_attr": edge_attr,
        "frag_index": frag_index, "x_frags": x_frags, "atom_to_frag_ids": atom_to_frag_ids,
        "W_atom": W_atom, "b_atom": b_atom, "W_edge": W_edge, "b_edge": b_edge,
        "W_f1": W_f1, "b_f1": b_f1, "W_f2": W_f2, "b_f2": b_f2,
    }


def reference(x_atoms, edge_index, edge_attr, frag_index, x_frags, atom_to_frag_ids,
              W_atom, b_atom, W_edge, b_edge, W_f1, b_f1, W_f2, b_f2):
    N = x_atoms.shape[0]
    F = x_frags.shape[0]
    # add_self_loops
    loops = jnp.arange(N, dtype=edge_index.dtype)
    edge_index = jnp.concatenate([edge_index, jnp.stack([loops, loops], axis=0)], axis=1)
    self_loop_attr = jnp.zeros((N, edge_attr.shape[1]), dtype=edge_attr.dtype)
    edge_attr = jnp.concatenate([edge_attr, self_loop_attr], axis=0)
    # embeddings
    x_atoms = x_atoms @ W_atom.T + b_atom
    edge_attr = edge_attr @ W_edge.T + b_edge  # computed but unused downstream (faithful to original)
    source, target = edge_index[0], edge_index[1]
    source_features = jnp.take(x_atoms, source, axis=0)
    # degree + GCN norm
    deg = jax.ops.segment_sum(jnp.ones_like(source, dtype=x_atoms.dtype), source, num_segments=N)
    deg_inv_sqrt = jnp.power(deg, -0.5)
    deg_inv_sqrt = jnp.where(jnp.isinf(deg_inv_sqrt), 0.0, deg_inv_sqrt)
    norm = deg_inv_sqrt[source] * deg_inv_sqrt[target]
    message = source_features * norm[:, None]
    x_atoms_new = jax.ops.segment_sum(message, target, num_segments=N)
    # atom -> fragment pooling
    x_frags2 = jax.ops.segment_sum(x_atoms_new, atom_to_frag_ids, num_segments=F)
    fsource, ftarget = frag_index[0], frag_index[1]
    frag_message = jnp.take(x_frags2, fsource, axis=0)
    frag_feats_sum = jax.ops.segment_sum(frag_message, ftarget, num_segments=F)
    h = jnp.maximum(frag_feats_sum @ W_f1.T + b_f1, 0.0)
    x_frags_new = h @ W_f2.T + b_f2
    return (x_atoms_new, x_frags_new)

if __name__ == "__main__":
    import jax
    _d = setup_inputs()
    print(jax.jit(kernel)(*tuple(_d.values())))

</pallas_src>

<mosaic_0001>
#map = affine_map<(d0, d1) -> (0, 0, 0)>
#map1 = affine_map<(d0, d1) -> (0, 0)>
module attributes {stable_mosaic.version = 14 : i64} {
  func.func @_sc_degree(%arg0: i32, %arg1: i32, %arg2: memref<32x80x128xi32, #tpu.memory_space<hbm>>, %arg3: memref<2x10240xf32, #tpu.memory_space<hbm>>, %arg4: memref<80x128xi32, #tpu.memory_space<vmem>>, %arg5: memref<128xf32, #tpu.memory_space<vmem>>, %arg6: memref<640xf32, #tpu.memory_space<vmem>>, %arg7: memref<10240xf32, #tpu.memory_space<vmem_shared>>) attributes {dimension_semantics = [#tpu.dimension_semantics<core_parallel>, #tpu.dimension_semantics<subcore_parallel>], iteration_bounds = array<i64: 2, 16>, scalar_prefetch = 0 : i64, scratch_operands = 4 : i64, tpu.core_type = #tpu.core_type<sc_vector_subcore>, window_params = [{transform_indices = #map}, {transform_indices = #map1}]} {
    %mul3A = arith.constant 16 : i32
    %mul3A_0 = arith.muli %arg0, %mul3A : i32
    %add3A = arith.addi %mul3A_0, %arg1 : i32
    %broadcast_in_dim3A = arith.constant 1.000000e+00 : f32
    %broadcast_in_dim3A_1 = vector.broadcast %broadcast_in_dim3A : f32 to vector<16xf32>
    %swap3A = arith.constant 0 : index
    %swap3A_2 = tpu.vector_load %arg5[%swap3A] {strides = array<i32>} : memref<128xf32, #tpu.memory_space<vmem>>, vector<16xf32>,
    %swap3A_3 = vector.shape_cast %swap3A_2 : vector<16xf32> to vector<16xf32>
    %swap3A_4 = vector.shape_cast %broadcast_in_dim3A_1 : vector<16xf32> to vector<16xf32>
    tpu.vector_store %arg5[%swap3A], %swap3A_4 {strides = array<i32>} : memref<128xf32, #tpu.memory_space<vmem>>, vector<16xf32>,
    %broadcast_in_dim3A_5 = arith.constant 1.000000e+00 : f32
    %broadcast_in_dim3A_6 = vector.broadcast %broadcast_in_dim3A_5 : f32 to vector<16xf32>
    %swap3A_7 = arith.constant 16 : index
    %swap3A_8 = tpu.vector_load %arg5[%swap3A_7] {strides = array<i32>} : memref<128xf32, #tpu.memory_space<vmem>>, vector<16xf32>,
    %swap3A_9 = vector.shape_cast %swap3A_8 : vector<16xf32> to vector<16xf32>
    %swap3A_10 = vector.shape_cast %broadcast_in_dim3A_6 : vector<16xf32> to vector<16xf32>
    tpu.vector_store %arg5[%swap3A_7], %swap3A_10 {strides = array<i32>} : memref<128xf32, #tpu.memory_space<vmem>>, vector<16xf32>,
    %broadcast_in_dim3A_11 = arith.constant 1.000000e+00 : f32
    %broadcast_in_dim3A_12 = vector.broadcast %broadcast_in_dim3A_11 : f32 to vector<16xf32>
    %swap3A_13 = arith.constant 32 : index
    %swap3A_14 = tpu.vector_load %arg5[%swap3A_13] {strides = array<i32>} : memref<128xf32, #tpu.memory_space<vmem>>, vector<16xf32>,
    %swap3A_15 = vector.shape_cast %swap3A_14 : vector<16xf32> to vector<16xf32>
    %swap3A_16 = vector.shape_cast %broadcast_in_dim3A_12 : vector<16xf32> to vector<16xf32>
    tpu.vector_store %arg5[%swap3A_13], %swap3A_16 {strides = array<i32>} : memref<128xf32, #tpu.memory_space<vmem>>, vector<16xf32>,
    %broadcast_in_dim3A_17 = arith.constant 1.000000e+00 : f32
    %broadcast_in_dim3A_18 = vector.broadcast %broadcast_in_dim3A_17 : f32 to vector<16xf32>
    %swap3A_19 = arith.constant 48 : index
    %swap3A_20 = tpu.vector_load %arg5[%swap3A_19] {strides = array<i32>} : memref<128xf32, #tpu.memory_space<vmem>>, vector<16xf32>,
    %swap3A_21 = vector.shape_cast %swap3A_20 : vector<16xf32> to vector<16xf32>
    %swap3A_22 = vector.shape_cast %broadcast_in_dim3A_18 : vector<16xf32> to vector<16xf32>
    tpu.vector_store %arg5[%swap3A_19], %swap3A_22 {strides = array<i32>} : memref<128xf32, #tpu.memory_space<vmem>>, vector<16xf32>,
    %broadcast_in_dim3A_23 = arith.constant 1.000000e+00 : f32
    %broadcast_in_dim3A_24 = vector.broadcast %broadcast_in_dim3A_23 : f32 to vector<16xf32>
    %swap3A_25 = arith.constant 64 : index
    %swap3A_26 = tpu.vector_load %arg5[%swap3A_25] {strides = array<i32>} : memref<128xf32, #tpu.memory_space<vmem>>, vector<16xf32>,
    %swap3A_27 = vector.shape_cast %swap3A_26 : vector<16xf32> to vector<16xf32>
    %swap3A_28 = vector.shape_cast %broadcast_in_dim3A_24 : vector<16xf32> to vector<16xf32>
    tpu.vector_store %arg5[%swap3A_25], %swap3A_28 {strides = array<i32>} : memref<128xf32, #tpu.memory_space<vmem>>, vector<16xf32>,
    %broadcast_in_dim3A_29 = arith.constant 1.000000e+00 : f32
    %broadcast_in_dim3A_30 = vector.broadcast %broadcast_in_dim3A_29 : f32 to vector<16xf32>
    %swap3A_31 = arith.constant 80 : index
    %swap3A_32 = tpu.vector_load %arg5[%swap3A_31] {strides = array<i32>} : memref<128xf32, #tpu.memory_space<vmem>>, vector<16xf32>,
    %swap3A_33 = vector.shape_cast %swap3A_32 : vector<16xf32> to vector<16xf32>
    %swap3A_34 = vector.shape_cast %broadcast_in_dim3A_30 : vector<16xf32> to vector<16xf32>
    tpu.vector_store %arg5[%swap3A_31], %swap3A_34 {strides = array<i32>} : memref<128xf32, #tpu.memory_space<vmem>>, vector<16xf32>,
    %broadcast_in_dim3A_35 = arith.constant 1.000000e+00 : f32
    %broadcast_in_dim3A_36 = vector.broadcast %broadcast_in_dim3A_35 : f32 to vector<16xf32>
    %swap3A_37 = arith.constant 96 : index
    %swap3A_38 = tpu.vector_load %arg5[%swap3A_37] {strides = array<i32>} : memref<128xf32, #tpu.memory_space<vmem>>, vector<16xf32>,
    %swap3A_39 = vector.shape_cast %swap3A_38 : vector<16xf32> to vector<16xf32>
    %swap3A_40 = vector.shape_cast %broadcast_in_dim3A_36 : vector<16xf32> to vector<16xf32>
    tpu.vector_store %arg5[%swap3A_37], %swap3A_40 {strides = array<i32>} : memref<128xf32, #tpu.memory_space<vmem>>, vector<16xf32>,
    %broadcast_in_dim3A_41 = arith.constant 1.000000e+00 : f32
    %broadcast_in_dim3A_42 = vector.broadcast %broadcast_in_dim3A_41 : f32 to vector<16xf32>
    %swap3A_43 = arith.constant 112 : index
    %swap3A_44 = tpu.vector_load %arg5[%swap3A_43] {strides = array<i32>} : memref<128xf32, #tpu.memory_space<vmem>>, vector<16xf32>,
    %swap3A_45 = vector.shape_cast %swap3A_44 : vector<16xf32> to vector<16xf32>
    %swap3A_46 = vector.shape_cast %broadcast_in_dim3A_42 : vector<16xf32> to vector<16xf32>
    tpu.vector_store %arg5[%swap3A_43], %swap3A_46 {strides = array<i32>} : memref<128xf32, #tpu.memory_space<vmem>>, vector<16xf32>,
    %scan3A = arith.constant 0 : i32
    %scan3A_47 = arith.constant 0 : i32
    %scan3A_48 = arith.constant 40 : i32
    %scan3A_49 = arith.addi %scan3A_47, %scan3A_48 : i32
    %scan3A_50 = arith.constant 1 : i32
    %scan3A_51 = scf.for %scan3A_67 = %scan3A_47 to %scan3A_49 step %scan3A_50 iter_args(%scan3A_68 = %scan3A) -> (i32)  : i32 {
      %broadcast_in_dim3A_69 = arith.constant 0.000000e+00 : f32
      %broadcast_in_dim3A_70 = vector.broadcast %broadcast_in_dim3A_69 : f32 to vector<16xf32>
      %mul3A_71 = arith.constant 16 : i32
      %mul3A_72 = arith.muli %scan3A_67, %mul3A_71 : i32
      %swap3A_73 = arith.index_cast %mul3A_72 : i32 to index
      %swap3A_74 = tpu.vector_load %arg6[%swap3A_73] {strides = array<i32>} : memref<640xf32, #tpu.memory_space<vmem>>, vector<16xf32>,
      %swap3A_75 = vector.shape_cast %swap3A_74 : vector<16xf32> to vector<16xf32>
      %swap3A_76 = vector.shape_cast %broadcast_in_dim3A_70 : vector<16xf32> to vector<16xf32>
      tpu.vector_store %arg6[%swap3A_73], %swap3A_76 {strides = array<i32>} : memref<640xf32, #tpu.memory_space<vmem>>, vector<16xf32>,
      %scan3A_77 = arith.constant 0 : i32
      scf.yield %scan3A_77 : i32
    }
    %scan3A_52 = arith.constant 40 : i32
    %mul3A_53 = arith.constant 640 : i32
    %mul3A_54 = arith.muli %arg1, %mul3A_53 : i32
    "tpu.region"() ({
      %run_scoped3A = tpu.sem_alloc : memref<!tpu.dma_semaphore, #tpu.memory_space<semaphore_mem>>
      %dma_start3A = tpu.memref_slice %arg7[%mul3A_54] : memref<10240xf32, #tpu.memory_space<vmem_shared>> -> memref<640xf32, #tpu.memory_space<vmem_shared>>
      %dma_start3A_67 = tpu.memref_slice %arg7[%mul3A_54] : memref<10240xf32, #tpu.memory_space<vmem_shared>> -> memref<640xf32, #tpu.memory_space<vmem_shared>>
      tpu.enqueue_dma source(%arg6 : memref<640xf32, #tpu.memory_space<vmem>>) target(%dma_start3A_67 : memref<640xf32, #tpu.memory_space<vmem_shared>>) target_semaphore(%run_scoped3A : memref<!tpu.dma_semaphore, #tpu.memory_space<semaphore_mem>>)
      %dma_wait3A = tpu.memref_slice %arg7[%mul3A_54] : memref<10240xf32, #tpu.memory_space<vmem_shared>> -> memref<640xf32, #tpu.memory_space<vmem_shared>>
      %dma_wait3A_68 = tpu.memref_slice %arg7[%mul3A_54] : memref<10240xf32, #tpu.memory_space<vmem_shared>> -> memref<640xf32, #tpu.memory_space<vmem_shared>>
      tpu.wait_dma2 semaphore(%run_scoped3A : memref<!tpu.dma_semaphore, #tpu.memory_space<semaphore_mem>>) src(%arg6 : memref<640xf32, #tpu.memory_space<vmem>>) dst(%dma_wait3A_68 : memref<640xf32, #tpu.memory_space<vmem_shared>>)
      tpu.yield
    }) : () -> ()
    %barrier3A = arith.constant 0 : index
    tpu.barrier barrier_id(%barrier3A)
    "tpu.region"() ({
      %run_scoped3A = tpu.sem_alloc : memref<!tpu.dma_semaphore, #tpu.memory_space<semaphore_mem>>
      %dma_start3A = arith.constant 0 : i32
      %dma_start3A_67 = arith.constant 0 : i32
      %dma_start3A_68 = tpu.memref_slice %arg2[%add3A, %dma_start3A, %dma_start3A_67] : memref<32x80x128xi32, #tpu.memory_space<hbm>> -> memref<1x80x128xi32, #tpu.memory_space<hbm>>
      %dma_start3A_69 = tpu.memref_squeeze %dma_start3A_68 : memref<1x80x128xi32, #tpu.memory_space<hbm>> -> memref<80x128xi32, #tpu.memory_space<hbm>>
      %dma_start3A_70 = arith.constant 0 : i32
      %dma_start3A_71 = arith.constant 0 : i32
      %dma_start3A_72 = tpu.memref_slice %arg2[%add3A, %dma_start3A_70, %dma_start3A_71] : memref<32x80x128xi32, #tpu.memory_space<hbm>> -> memref<1x80x128xi32, #tpu.memory_space<hbm>>
      %dma_start3A_73 = tpu.memref_squeeze %dma_start3A_72 : memref<1x80x128xi32, #tpu.memory_space<hbm>> -> memref<80x128xi32, #tpu.memory_space<hbm>>
      tpu.enqueue_dma source(%dma_start3A_73 : memref<80x128xi32, #tpu.memory_space<hbm>>) target(%arg4 : memref<80x128xi32, #tpu.memory_space<vmem>>) target_semaphore(%run_scoped3A : memref<!tpu.dma_semaphore, #tpu.memory_space<semaphore_mem>>)
      %dma_wait3A = arith.constant 0 : i32
      %dma_wait3A_74 = arith.constant 0 : i32
      %dma_wait3A_75 = tpu.memref_slice %arg2[%add3A, %dma_wait3A, %dma_wait3A_74] : memref<32x80x128xi32, #tpu.memory_space<hbm>> -> memref<1x80x128xi32, #tpu.memory_space<hbm>>
      %dma_wait3A_76 = tpu.memref_squeeze %dma_wait3A_75 : memref<1x80x128xi32, #tpu.memory_space<hbm>> -> memref<80x128xi32, #tpu.memory_space<hbm>>
      %dma_wait3A_77 = arith.constant 0 : i32
      %dma_wait3A_78 = arith.constant 0 : i32
      %dma_wait3A_79 = tpu.memref_slice %arg2[%add3A, %dma_wait3A_77, %dma_wait3A_78] : memref<32x80x128xi32, #tpu.memory_space<hbm>> -> memref<1x80x128xi32, #tpu.memory_space<hbm>>
      %dma_wait3A_80 = tpu.memref_squeeze %dma_wait3A_79 : memref<1x80x128xi32, #tpu.memory_space<hbm>> -> memref<80x128xi32, #tpu.memory_space<hbm>>
      tpu.wait_dma2 semaphore(%run_scoped3A : memref<!tpu.dma_semaphore, #tpu.memory_space<semaphore_mem>>) src(%dma_wait3A_80 : memref<80x128xi32, #tpu.memory_space<hbm>>) dst(%arg4 : memref<80x128xi32, #tpu.memory_space<vmem>>)
      tpu.yield
    }) : () -> ()
    %scan3A_55 = arith.constant 0 : i32
    %scan3A_56 = arith.constant 0 : i32
    %scan3A_57 = arith.constant 80 : i32
    %scan3A_58 = arith.addi %scan3A_56, %scan3A_57 : i32
    %scan3A_59 = arith.constant 1 : i32
    %scan3A_60 = scf.for %scan3A_67 = %scan3A_56 to %scan3A_58 step %scan3A_59 iter_args(%scan3A_68 = %scan3A_55) -> (i32)  : i32 {
      "tpu.region"() ({
        %run_scoped3A = tpu.sem_alloc : memref<!tpu.dma_semaphore, #tpu.memory_space<semaphore_mem>>
        %dma_start3A = arith.constant 0 : i32
        %dma_start3A_70 = tpu.memref_slice %arg4[%scan3A_67, %dma_start3A] : memref<80x128xi32, #tpu.memory_space<vmem>> -> memref<1x128xi32, #tpu.memory_space<vmem>>
        %dma_start3A_71 = tpu.memref_squeeze %dma_start3A_70 : memref<1x128xi32, #tpu.memory_space<vmem>> -> memref<128xi32, #tpu.memory_space<vmem>>
        %dma_start3A_72 = arith.constant 0 : i32
        %dma_start3A_73 = tpu.memref_slice %arg7[%dma_start3A_72] : memref<10240xf32, #tpu.memory_space<vmem_shared>> -> memref<10240xf32, #tpu.memory_space<vmem_shared>>
        tpu.enqueue_indirect_dma source(%arg5 : memref<128xf32, #tpu.memory_space<vmem>>) target(%dma_start3A_73 : memref<10240xf32, #tpu.memory_space<vmem_shared>>) offsets(%dma_start3A_71 : memref<128xi32, #tpu.memory_space<vmem>>) semaphore(%run_scoped3A : memref<!tpu.dma_semaphore, #tpu.memory_space<semaphore_mem>>) {add = true}
        %dma_wait3A = arith.constant 0 : i32
        %dma_wait3A_74 = tpu.memref_slice %arg4[%scan3A_67, %dma_wait3A] : memref<80x128xi32, #tpu.memory_space<vmem>> -> memref<1x128xi32, #tpu.memory_space<vmem>>
        %dma_wait3A_75 = tpu.memref_squeeze %dma_wait3A_74 : memref<1x128xi32, #tpu.memory_space<vmem>> -> memref<128xi32, #tpu.memory_space<vmem>>
        %dma_wait3A_76 = arith.constant 0 : i32
        %dma_wait3A_77 = tpu.memref_slice %arg7[%dma_wait3A_76] : memref<10240xf32, #tpu.memory_space<vmem_shared>> -> memref<10240xf32, #tpu.memory_space<vmem_shared>>
        tpu.wait_indirect_dma semaphore(%run_scoped3A : memref<!tpu.dma_semaphore, #tpu.memory_space<semaphore_mem>>) src(%arg5 : memref<128xf32, #tpu.memory_space<vmem>>) dst(%dma_wait3A_77 : memref<10240xf32, #tpu.memory_space<vmem_shared>>)
        tpu.yield
      }) : () -> ()
      %scan3A_69 = arith.constant 0 : i32
      scf.yield %scan3A_69 : i32
    }
    %scan3A_61 = arith.constant 80 : i32
    %barrier3A_62 = arith.constant 0 : index
    tpu.barrier barrier_id(%barrier3A_62)
    %mul3A_63 = arith.constant 640 : i32
    %mul3A_64 = arith.muli %arg1, %mul3A_63 : i32
    %mul3A_65 = arith.constant 640 : i32
    %mul3A_66 = arith.muli %arg1, %mul3A_65 : i32
    "tpu.region"() ({
      %run_scoped3A = tpu.sem_alloc : memref<!tpu.dma_semaphore, #tpu.memory_space<semaphore_mem>>
      %dma_start3A = tpu.memref_slice %arg3[%arg0, %mul3A_66] : memref<2x10240xf32, #tpu.memory_space<hbm>> -> memref<1x640xf32, #tpu.memory_space<hbm>>
      %dma_start3A_67 = tpu.memref_squeeze %dma_start3A : memref<1x640xf32, #tpu.memory_space<hbm>> -> memref<640xf32, #tpu.memory_space<hbm>>
      %dma_start3A_68 = tpu.memref_slice %arg7[%mul3A_64] : memref<10240xf32, #tpu.memory_space<vmem_shared>> -> memref<640xf32, #tpu.memory_space<vmem_shared>>
      tpu.enqueue_dma source(%dma_start3A_68 : memref<640xf32, #tpu.memory_space<vmem_shared>>) target(%dma_start3A_67 : memref<640xf32, #tpu.memory_space<hbm>>) target_semaphore(%run_scoped3A : memref<!tpu.dma_semaphore, #tpu.memory_space<semaphore_mem>>)
      %dma_wait3A = tpu.memref_slice %arg3[%arg0, %mul3A_66] : memref<2x10240xf32, #tpu.memory_space<hbm>> -> memref<1x640xf32, #tpu.memory_space<hbm>>
      %dma_wait3A_69 = tpu.memref_squeeze %dma_wait3A : memref<1x640xf32, #tpu.memory_space<hbm>> -> memref<640xf32, #tpu.memory_space<hbm>>
      %dma_wait3A_70 = tpu.memref_slice %arg7[%mul3A_64] : memref<10240xf32, #tpu.memory_space<vmem_shared>> -> memref<640xf32, #tpu.memory_space<vmem_shared>>
      tpu.wait_dma2 semaphore(%run_scoped3A : memref<!tpu.dma_semaphore, #tpu.memory_space<semaphore_mem>>) src(%dma_wait3A_70 : memref<640xf32, #tpu.memory_space<vmem_shared>>) dst(%dma_wait3A_69 : memref<640xf32, #tpu.memory_space<hbm>>)
      tpu.yield
    }) : () -> ()
    return
  }
}

#map = affine_map<(d0, d1) -> (0, 0)>
#map1 = affine_map<(d0, d1) -> (0)>
#map2 = affine_map<(d0, d1) -> (0, 0, 0)>
module attributes {stable_mosaic.version = 14 : i64} {
  func.func @_sc_edges_pool(%arg0: i32, %arg1: i32, %arg2: memref<10240x128xf32, #tpu.memory_space<hbm>>, %arg3: memref<10240x128xf32, #tpu.memory_space<hbm>>, %arg4: memref<10240xi32, #tpu.memory_space<hbm>>, %arg5: memref<16x160x128xi32, #tpu.memory_space<hbm>>, %arg6: memref<16x160x128xi32, #tpu.memory_space<hbm>>, %arg7: memref<10240x128xf32, #tpu.memory_space<hbm>>, %arg8: memref<2048x128xf32, #tpu.memory_space<hbm>>, %arg9: memref<2048x128xf32, #tpu.memory_space<hbm>>, %arg10: memref<160x128xi32, #tpu.memory_space<vmem>>, %arg11: memref<160x128xi32, #tpu.memory_space<vmem>>, %arg12: memref<2x128x128xf32, #tpu.memory_space<vmem>>, %arg13: memref<5x64xi32, #tpu.memory_space<vmem>>, %arg14: memref<5184x128xf32, #tpu.memory_space<vmem_shared>>, %arg15: memref<!tpu.dma_semaphore, #tpu.memory_space<semaphore_mem>>, %arg16: memref<!tpu.dma_semaphore, #tpu.memory_space<semaphore_mem>>, %arg17: memref<!tpu.dma_semaphore, #tpu.memory_space<semaphore_mem>>, %arg18: memref<!tpu.dma_semaphore, #tpu.memory_space<semaphore_mem>>, %arg19: memref<!tpu.dma_semaphore, #tpu.memory_space<semaphore_mem>>) attributes {dimension_semantics = [#tpu.dimension_semantics<core_parallel>, #tpu.dimension_semantics<subcore_parallel>], iteration_bounds = array<i64: 2, 16>, scalar_prefetch = 0 : i64, scratch_operands = 10 : i64, tpu.core_type = #tpu.core_type<sc_vector_subcore>, window_params = [{transform_indices = #map}, {transform_indices = #map}, {transform_indices = #map1}, {transform_indices = #map2}, {transform_indices = #map2}, {transform_indices = #map}, {transform_indices = #map}, {transform_indices = #map}]} {
    %scan3A = arith.constant 0 : i32
    %scan3A_0 = arith.constant 0 : i32
    %scan3A_1 = arith.constant 64 : i32
    %scan3A_2 = arith.addi %scan3A_0, %scan3A_1 : i32
    %scan3A_3 = arith.constant 1 : i32
    %scan3A_4 = scf.for %scan3A_479 = %scan3A_0 to %scan3A_2 step %scan3A_3 iter_args(%scan3A_480 = %scan3A) -> (i32)  : i32 {
      %broadcast_in_dim3A = arith.constant 0.000000e+00 : f32
      %broadcast_in_dim3A_481 = vector.broadcast %broadcast_in_dim3A : f32 to vector<16xf32>
      %swap3A = arith.constant 0 : i32
      %swap3A_482 = arith.index_cast %swap3A : i32 to index
      %swap3A_483 = arith.index_cast %scan3A_479 : i32 to index
      %swap3A_484 = arith.constant 0 : index
      %swap3A_485 = tpu.vector_load %arg12[%swap3A_482, %swap3A_483, %swap3A_484] {strides = array<i32>} : memref<2x128x128xf32, #tpu.memory_space<vmem>>, vector<1x1x16xf32>,
      %swap3A_486 = vector.shape_cast %swap3A_485 : vector<1x1x16xf32> to vector<16xf32>
      %swap3A_487 = vector.shape_cast %broadcast_in_dim3A_481 : vector<16xf32> to vector<1x1x16xf32>
      tpu.vector_store %arg12[%swap3A_482, %swap3A_483, %swap3A_484], %swap3A_487 {strides = array<i32>} : memref<2x128x128xf32, #tpu.memory_space<vmem>>, vector<1x1x16xf32>,
      %broadcast_in_dim3A_488 = arith.constant 0.000000e+00 : f32
      %broadcast_in_dim3A_489 = vector.broadcast %broadcast_in_dim3A_488 : f32 to vector<16xf32>
      %swap3A_490 = arith.constant 0 : i32
      %swap3A_491 = arith.index_cast %swap3A_490 : i32 to index
      %swap3A_492 = arith.index_cast %scan3A_479 : i32 to index
      %swap3A_493 = arith.constant 16 : index
      %swap3A_494 = tpu.vector_load %arg12[%swap3A_491, %swap3A_492, %swap3A_493] {strides = array<i32>} : memref<2x128x128xf32, #tpu.memory_space<vmem>>, vector<1x1x16xf32>,
      %swap3A_495 = vector.shape_cast %swap3A_494 : vector<1x1x16xf32> to vector<16xf32>
      %swap3A_496 = vector.shape_cast %broadcast_in_dim3A_489 : vector<16xf32> to vector<1x1x16xf32>
      tpu.vector_store %arg12[%swap3A_491, %swap3A_492, %swap3A_493], %swap3A_496 {strides = array<i32>} : memref<2x128x128xf32, #tpu.memory_space<vmem>>, vector<1x1x16xf32>,
      %broadcast_in_dim3A_497 = arith.constant 0.000000e+00 : f32
      %broadcast_in_dim3A_498 = vector.broadcast %broadcast_in_dim3A_497 : f32 to vector<16xf32>
      %swap3A_499 = arith.constant 0 : i32
      %swap3A_500 = arith.index_cast %swap3A_499 : i32 to index
      %swap3A_501 = arith.index_cast %scan3A_479 : i32 to index
      %swap3A_502 = arith.constant 32 : index
      %swap3A_503 = tpu.vector_load %arg12[%swap3A_500, %swap3A_501, %swap3A_502] {strides = array<i32>} : memref<2x128x128xf32, #tpu.memory_space<vmem>>, vector<1x1x16xf32>,
      %swap3A_504 = vector.shape_cast %swap3A_503 : vector<1x1x16xf32> to vector<16xf32>
      %swap3A_505 = vector.shape_cast %broadcast_in_dim3A_498 : vector<16xf32> to vector<1x1x16xf32>
      tpu.vector_store %arg12[%swap3A_500, %swap3A_501, %swap3A_502], %swap3A_505 {strides = array<i32>} : memref<2x128x128xf32, #tpu.memory_space<vmem>>, vector<1x1x16xf32>,
      %broadcast_in_dim3A_506 = arith.constant 0.000000e+00 : f32
      %broadcast_in_dim3A_507 = vector.broadcast %broadcast_in_dim3A_506 : f32 to vector<16xf32>
      %swap3A_508 = arith.constant 0 : i32
      %swap3A_509 = arith.index_cast %swap3A_508 : i32 to index
      %swap3A_510 = arith.index_cast %scan3A_479 : i32 to index
      %swap3A_511 = arith.constant 48 : index
      %swap3A_512 = tpu.vector_load %arg12[%swap3A_509, %swap3A_510, %swap3A_511] {strides = array<i32>} : memref<2x128x128xf32, #tpu.memory_space<vmem>>, vector<1x1x16xf32>,
      %swap3A_513 = vector.shape_cast %swap3A_512 : vector<1x1x16xf32> to vector<16xf32>
      %swap3A_514 = vector.shape_cast %broadcast_in_dim3A_507 : vector<16xf32> to vector<1x1x16xf32>
      tpu.vector_store %arg12[%swap3A_509, %swap3A_510, %swap3A_511], %swap3A_514 {strides = array<i32>} : memref<2x128x128xf32, #tpu.memory_space<vmem>>, vector<1x1x16xf32>,
      %broadcast_in_dim3A_515 = arith.constant 0.000000e+00 : f32
      %broadcast_in_dim3A_516 = vector.broadcast %broadcast_in_dim3A_515 : f32 to vector<16xf32>
      %swap3A_517 = arith.constant 0 : i32
      %swap3A_518 = arith.index_cast %swap3A_517 : i32 to index
      %swap3A_519 = arith.index_cast %scan3A_479 : i32 to index
      %swap3A_520 = arith.constant 64 : index
      %swap3A_521 = tpu.vector_load %arg12[%swap3A_518, %swap3A_519, %swap3A_520] {strides = array<i32>} : memref<2x128x128xf32, #tpu.memory_space<vmem>>, vector<1x1x16xf32>,
      %swap3A_522 = vector.shape_cast %swap3A_521 : vector<1x1x16xf32> to vector<16xf32>
      %swap3A_523 = vector.shape_cast %broadcast_in_dim3A_516 : vector<16xf32> to vector<1x1x16xf32>
      tpu.vector_store %arg12[%swap3A_518, %swap3A_519, %swap3A_520], %swap3A_523 {strides = array<i32>} : memref<2x128x128xf32, #tpu.memory_space<vmem>>, vector<1x1x16xf32>,
      %broadcast_in_dim3A_524 = arith.constant 0.000000e+00 : f32
      %broadcast_in_dim3A_525 = vector.broadcast %broadcast_in_dim3A_524 : f32 to vector<16xf32>
      %swap3A_526 = arith.constant 0 : i32
      %swap3A_527 = arith.index_cast %swap3A_526 : i32 to index
      %swap3A_528 = arith.index_cast %scan3A_479 : i32 to index
      %swap3A_529 = arith.constant 80 : index
      %swap3A_530 = tpu.vector_load %arg12[%swap3A_527, %swap3A_528, %swap3A_529] {strides = array<i32>} : memref<2x128x128xf32, #tpu.memory_space<vmem>>, vector<1x1x16xf32>,
      %swap3A_531 = vector.shape_cast %swap3A_530 : vector<1x1x16xf32> to vector<16xf32>
      %swap3A_532 = vector.shape_cast %broadcast_in_dim3A_525 : vector<16xf32> to vector<1x1x16xf32>
      tpu.vector_store %arg12[%swap3A_527, %swap3A_528, %swap3A_529], %swap3A_532 {strides = array<i32>} : memref<2x128x128xf32, #tpu.memory_space<vmem>>, vector<1x1x16xf32>,
      %broadcast_in_dim3A_533 = arith.constant 0.000000e+00 : f32
      %broadcast_in_dim3A_534 = vector.broadcast %broadcast_in_dim3A_533 : f32 to vector<16xf32>
      %swap3A_535 = arith.constant 0 : i32
      %swap3A_536 = arith.index_cast %swap3A_535 : i32 to index
      %swap3A_537 = arith.index_cast %scan3A_479 : i32 to index
      %swap3A_538 = arith.constant 96 : index
      %swap3A_539 = tpu.vector_load %arg12[%swap3A_536, %swap3A_537, %swap3A_538] {strides = array<i32>} : memref<2x128x128xf32, #tpu.memory_space<vmem>>, vector<1x1x16xf32>,
      %swap3A_540 = vector.shape_cast %swap3A_539 : vector<1x1x16xf32> to vector<16xf32>
      %swap3A_541 = vector.shape_cast %broadcast_in_dim3A_534 : vector<16xf32> to vector<1x1x16xf32>
      tpu.vector_store %arg12[%swap3A_536, %swap3A_537, %swap3A_538], %swap3A_541 {strides = array<i32>} : memref<2x128x128xf32, #tpu.memory_space<vmem>>, vector<1x1x16xf32>,
      %broadcast_in_dim3A_542 = arith.constant 0.000000e+00 : f32
      %broadcast_in_dim3A_543 = vector.broadcast %broadcast_in_dim3A_542 : f32 to vector<16xf32>
      %swap3A_544 = arith.constant 0 : i32
      %swap3A_545 = arith.index_cast %swap3A_544 : i32 to index
      %swap3A_546 = arith.index_cast %scan3A_479 : i32 to index
      %swap3A_547 = arith.constant 112 : index
      %swap3A_548 = tpu.vector_load %arg12[%swap3A_545, %swap3A_546, %swap3A_547] {strides = array<i32>} : memref<2x128x128xf32, #tpu.memory_space<vmem>>, vector<1x1x16xf32>,
      %swap3A_549 = vector.shape_cast %swap3A_548 : vector<1x1x16xf32> to vector<16xf32>
      %swap3A_550 = vector.shape_cast %broadcast_in_dim3A_543 : vector<16xf32> to vector<1x1x16xf32>
      tpu.vector_store %arg12[%swap3A_545, %swap3A_546, %swap3A_547], %swap3A_550 {strides = array<i32>} : memref<2x128x128xf32, #tpu.memory_space<vmem>>, vector<1x1x16xf32>,
      %scan3A_551 = arith.constant 0 : i32
      scf.yield %scan3A_551 : i32
    }
    %scan3A_5 = arith.constant 64 : i32
    %mul3A = arith.constant 324 : i32
    %mul3A_6 = arith.muli %arg1, %mul3A : i32
    %add3A = arith.constant 0 : i32
    %add3A_7 = arith.addi %mul3A_6, %add3A : i32
    %run_scoped3A = arith.constant 0 : i32
    "tpu.region"() ({
      %run_scoped3A_479 = tpu.sem_alloc : memref<!tpu.dma_semaphore, #tpu.memory_space<semaphore_mem>>
      %dma_start3A_480 = arith.constant 0 : i32
      %dma_start3A_481 = arith.constant 0 : i32
      %dma_start3A_482 = tpu.memref_slice %arg12[%run_scoped3A, %dma_start3A_480, %dma_start3A_481] : memref<2x128x128xf32, #tpu.memory_space<vmem>> -> memref<1x64x128xf32, #tpu.memory_space<vmem>>
      %dma_start3A_483 = tpu.memref_squeeze %dma_start3A_482 : memref<1x64x128xf32, #tpu.memory_space<vmem>> -> memref<64x128xf32, #tpu.memory_space<vmem>>
      %dma_start3A_484 = arith.constant 0 : i32
      %dma_start3A_485 = tpu.memref_slice %arg14[%add3A_7, %dma_start3A_484] : memref<5184x128xf32, #tpu.memory_space<vmem_shared>> -> memref<64x128xf32, #tpu.memory_space<vmem_shared>>
      %dma_start3A_486 = arith.constant 0 : i32
      %dma_start3A_487 = tpu.memref_slice %arg14[%add3A_7, %dma_start3A_486] : memref<5184x128xf32, #tpu.memory_space<vmem_shared>> -> memref<64x128xf32, #tpu.memory_space<vmem_shared>>
      %dma_start3A_488 = arith.constant 0 : i32
      %dma_start3A_489 = arith.constant 0 : i32
      %dma_start3A_490 = tpu.memref_slice %arg12[%run_scoped3A, %dma_start3A_488, %dma_start3A_489] : memref<2x128x128xf32, #tpu.memory_space<vmem>> -> memref<1x64x128xf32, #tpu.memory_space<vmem>>
      %dma_start3A_491 = tpu.memref_squeeze %dma_start3A_490 : memref<1x64x128xf32, #tpu.memory_space<vmem>> -> memref<64x128xf32, #tpu.memory_space<vmem>>
      tpu.enqueue_dma source(%dma_start3A_491 : memref<64x128xf32, #tpu.memory_space<vmem>>) target(%dma_start3A_487 : memref<64x128xf32, #tpu.memory_space<vmem_shared>>) target_semaphore(%run_scoped3A_479 : memref<!tpu.dma_semaphore, #tpu.memory_space<semaphore_mem>>)
      %dma_wait3A_492 = arith.constant 0 : i32
      %dma_wait3A_493 = arith.constant 0 : i32
      %dma_wait3A_494 = tpu.memref_slice %arg12[%run_scoped3A, %dma_wait3A_492, %dma_wait3A_493] : memref<2x128x128xf32, #tpu.memory_space<vmem>> -> memref<1x64x128xf32, #tpu.memory_space<vmem>>
      %dma_wait3A_495 = tpu.memref_squeeze %dma_wait3A_494 : memref<1x64x128xf32, #tpu.memory_space<vmem>> -> memref<64x128xf32, #tpu.memory_space<vmem>>
      %dma_wait3A_496 = arith.constant 0 : i32
      %dma_wait3A_497 = tpu.memref_slice %arg14[%add3A_7, %dma_wait3A_496] : memref<5184x128xf32, #tpu.memory_space<vmem_shared>> -> memref<64x128xf32, #tpu.memory_space<vmem_shared>>
      %dma_wait3A_498 = arith.constant 0 : i32
      %dma_wait3A_499 = tpu.memref_slice %arg14[%add3A_7, %dma_wait3A_498] : memref<5184x128xf32, #tpu.memory_space<vmem_shared>> -> memref<64x128xf32, #tpu.memory_space<vmem_shared>>
      %dma_wait3A_500 = arith.constant 0 : i32
      %dma_wait3A_501 = arith.constant 0 : i32
      %dma_wait3A_502 = tpu.memref_slice %arg12[%run_scoped3A, %dma_wait3A_500, %dma_wait3A_501] : memref<2x128x128xf32, #tpu.memory_space<vmem>> -> memref<1x64x128xf32, #tpu.memory_space<vmem>>
      %dma_wait3A_503 = tpu.memref_squeeze %dma_wait3A_502 : memref<1x64x128xf32, #tpu.memory_space<vmem>> -> memref<64x128xf32, #tpu.memory_space<vmem>>
      tpu.wait_dma2 semaphore(%run_scoped3A_479 : memref<!tpu.dma_semaphore, #tpu.memory_space<semaphore_mem>>) src(%dma_wait3A_503 : memref<64x128xf32, #tpu.memory_space<vmem>>) dst(%dma_wait3A_499 : memref<64x128xf32, #tpu.memory_space<vmem_shared>>)
      tpu.yield
    }) : () -> ()
    %mul3A_8 = arith.constant 324 : i32
    %mul3A_9 = arith.muli %arg1, %mul3A_8 : i32
    %add3A_10 = arith.constant 64 : i32
    %add3A_11 = arith.addi %mul3A_9, %add3A_10 : i32
    %run_scoped3A_12 = arith.constant 0 : i32
    "tpu.region"() ({
      %run_scoped3A_479 = tpu.sem_alloc : memref<!tpu.dma_semaphore, #tpu.memory_space<semaphore_mem>>
      %dma_start3A_480 = arith.constant 0 : i32
      %dma_start3A_481 = arith.constant 0 : i32
      %dma_start3A_482 = tpu.memref_slice %arg12[%run_scoped3A_12, %dma_start3A_480, %dma_start3A_481] : memref<2x128x128xf32, #tpu.memory_space<vmem>> -> memref<1x64x128xf32, #tpu.memory_space<vmem>>
      %dma_start3A_483 = tpu.memref_squeeze %dma_start3A_482 : memref<1x64x128xf32, #tpu.memory_space<vmem>> -> memref<64x128xf32, #tpu.memory_space<vmem>>
      %dma_start3A_484 = arith.constant 0 : i32
      %dma_start3A_485 = tpu.memref_slice %arg14[%add3A_11, %dma_start3A_484] : memref<5184x128xf32, #tpu.memory_space<vmem_shared>> -> memref<64x128xf32, #tpu.memory_space<vmem_shared>>
      %dma_start3A_486 = arith.constant 0 : i32
      %dma_start3A_487 = tpu.memref_slice %arg14[%add3A_11, %dma_start3A_486] : memref<5184x128xf32, #tpu.memory_space<vmem_shared>> -> memref<64x128xf32, #tpu.memory_space<vmem_shared>>
      %dma_start3A_488 = arith.constant 0 : i32
      %dma_start3A_489 = arith.constant 0 : i32
      %dma_start3A_490 = tpu.memref_slice %arg12[%run_scoped3A_12, %dma_start3A_488, %dma_start3A_489] : memref<2x128x128xf32, #tpu.memory_space<vmem>> -> memref<1x64x128xf32, #tpu.memory_space<vmem>>
      %dma_start3A_491 = tpu.memref_squeeze %dma_start3A_490 : memref<1x64x128xf32, #tpu.memory_space<vmem>> -> memref<64x128xf32, #tpu.memory_space<vmem>>
      tpu.enqueue_dma source(%dma_start3A_491 : memref<64x128xf32, #tpu.memory_space<vmem>>) target(%dma_start3A_487 : memref<64x128xf32, #tpu.memory_space<vmem_shared>>) target_semaphore(%run_scoped3A_479 : memref<!tpu.dma_semaphore, #tpu.memory_space<semaphore_mem>>)
      %dma_wait3A_492 = arith.constant 0 : i32
      %dma_wait3A_493 = arith.constant 0 : i32
      %dma_wait3A_494 = tpu.memref_slice %arg12[%run_scoped3A_12, %dma_wait3A_492, %dma_wait3A_493] : memref<2x128x128xf32, #tpu.memory_space<vmem>> -> memref<1x64x128xf32, #tpu.memory_space<vmem>>
      %dma_wait3A_495 = tpu.memref_squeeze %dma_wait3A_494 : memref<1x64x128xf32, #tpu.memory_space<vmem>> -> memref<64x128xf32, #tpu.memory_space<vmem>>
      %dma_wait3A_496 = arith.constant 0 : i32
      %dma_wait3A_497 = tpu.memref_slice %arg14[%add3A_11, %dma_wait3A_496] : memref<5184x128xf32, #tpu.memory_space<vmem_shared>> -> memref<64x128xf32, #tpu.memory_space<vmem_shared>>
      %dma_wait3A_498 = arith.constant 0 : i32
      %dma_wait3A_499 = tpu.memref_slice %arg14[%add3A_11, %dma_wait3A_498] : memref<5184x128xf32, #tpu.memory_space<vmem_shared>> -> memref<64x128xf32, #tpu.memory_space<vmem_shared>>
      %dma_wait3A_500 = arith.constant 0 : i32
      %dma_wait3A_501 = arith.constant 0 : i32
      %dma_wait3A_502 = tpu.memref_slice %arg12[%run_scoped3A_12, %dma_wait3A_500, %dma_wait3A_501] : memref<2x128x128xf32, #tpu.memory_space<vmem>> -> memref<1x64x128xf32, #tpu.memory_space<vmem>>
      %dma_wait3A_503 = tpu.memref_squeeze %dma_wait3A_502 : memref<1x64x128xf32, #tpu.memory_space<vmem>> -> memref<64x128xf32, #tpu.memory_space<vmem>>
      tpu.wait_dma2 semaphore(%run_scoped3A_479 : memref<!tpu.dma_semaphore, #tpu.memory_space<semaphore_mem>>) src(%dma_wait3A_503 : memref<64x128xf32, #tpu.memory_space<vmem>>) dst(%dma_wait3A_499 : memref<64x128xf32, #tpu.memory_space<vmem_shared>>)
      tpu.yield
    }) : () -> ()
    %mul3A_13 = arith.constant 324 : i32
    %mul3A_14 = arith.muli %arg1, %mul3A_13 : i32
    %add3A_15 = arith.constant 128 : i32
    %add3A_16 = arith.addi %mul3A_14, %add3A_15 : i32
    %run_scoped3A_17 = arith.constant 0 : i32
    "tpu.region"() ({
      %run_scoped3A_479 = tpu.sem_alloc : memref<!tpu.dma_semaphore, #tpu.memory_space<semaphore_mem>>
      %dma_start3A_480 = arith.constant 0 : i32
      %dma_start3A_481 = arith.constant 0 : i32
      %dma_start3A_482 = tpu.memref_slice %arg12[%run_scoped3A_17, %dma_start3A_480, %dma_start3A_481] : memref<2x128x128xf32, #tpu.memory_space<vmem>> -> memref<1x64x128xf32, #tpu.memory_space<vmem>>
      %dma_start3A_483 = tpu.memref_squeeze %dma_start3A_482 : memref<1x64x128xf32, #tpu.memory_space<vmem>> -> memref<64x128xf32, #tpu.memory_space<vmem>>
      %dma_start3A_484 = arith.constant 0 : i32
      %dma_start3A_485 = tpu.memref_slice %arg14[%add3A_16, %dma_start3A_484] : memref<5184x128xf32, #tpu.memory_space<vmem_shared>> -> memref<64x128xf32, #tpu.memory_space<vmem_shared>>
      %dma_start3A_486 = arith.constant 0 : i32
      %dma_start3A_487 = tpu.memref_slice %arg14[%add3A_16, %dma_start3A_486] : memref<5184x128xf32, #tpu.memory_space<vmem_shared>> -> memref<64x128xf32, #tpu.memory_space<vmem_shared>>
      %dma_start3A_488 = arith.constant 0 : i32
      %dma_start3A_489 = arith.constant 0 : i32
      %dma_start3A_490 = tpu.memref_slice %arg12[%run_scoped3A_17, %dma_start3A_488, %dma_start3A_489] : memref<2x128x128xf32, #tpu.memory_space<vmem>> -> memref<1x64x128xf32, #tpu.memory_space<vmem>>
      %dma_start3A_491 = tpu.memref_squeeze %dma_start3A_490 : memref<1x64x128xf32, #tpu.memory_space<vmem>> -> memref<64x128xf32, #tpu.memory_space<vmem>>
      tpu.enqueue_dma source(%dma_start3A_491 : memref<64x128xf32, #tpu.memory_space<vmem>>) target(%dma_start3A_487 : memref<64x128xf32, #tpu.memory_space<vmem_shared>>) target_semaphore(%run_scoped3A_479 : memref<!tpu.dma_semaphore, #tpu.memory_space<semaphore_mem>>)
      %dma_wait3A_492 = arith.constant 0 : i32
      %dma_wait3A_493 = arith.constant 0 : i32
      %dma_wait3A_494 = tpu.memref_slice %arg12[%run_scoped3A_17, %dma_wait3A_492, %dma_wait3A_493] : memref<2x128x128xf32, #tpu.memory_space<vmem>> -> memref<1x64x128xf32, #tpu.memory_space<vmem>>
      %dma_wait3A_495 = tpu.memref_squeeze %dma_wait3A_494 : memref<1x64x128xf32, #tpu.memory_space<vmem>> -> memref<64x128xf32, #tpu.memory_space<vmem>>
      %dma_wait3A_496 = arith.constant 0 : i32
      %dma_wait3A_497 = tpu.memref_slice %arg14[%add3A_16, %dma_wait3A_496] : memref<5184x128xf32, #tpu.memory_space<vmem_shared>> -> memref<64x128xf32, #tpu.memory_space<vmem_shared>>
      %dma_wait3A_498 = arith.constant 0 : i32
      %dma_wait3A_499 = tpu.memref_slice %arg14[%add3A_16, %dma_wait3A_498] : memref<5184x128xf32, #tpu.memory_space<vmem_shared>> -> memref<64x128xf32, #tpu.memory_space<vmem_shared>>
      %dma_wait3A_500 = arith.constant 0 : i32
      %dma_wait3A_501 = arith.constant 0 : i32
      %dma_wait3A_502 = tpu.memref_slice %arg12[%run_scoped3A_17, %dma_wait3A_500, %dma_wait3A_501] : memref<2x128x128xf32, #tpu.memory_space<vmem>> -> memref<1x64x128xf32, #tpu.memory_space<vmem>>
      %dma_wait3A_503 = tpu.memref_squeeze %dma_wait3A_502 : memref<1x64x128xf32, #tpu.memory_space<vmem>> -> memref<64x128xf32, #tpu.memory_space<vmem>>
      tpu.wait_dma2 semaphore(%run_scoped3A_479 : memref<!tpu.dma_semaphore, #tpu.memory_space<semaphore_mem>>) src(%dma_wait3A_503 : memref<64x128xf32, #tpu.memory_space<vmem>>) dst(%dma_wait3A_499 : memref<64x128xf32, #tpu.memory_space<vmem_shared>>)
      tpu.yield
    }) : () -> ()
    %mul3A_18 = arith.constant 324 : i32
    %mul3A_19 = arith.muli %arg1, %mul3A_18 : i32
    %add3A_20 = arith.constant 192 : i32
    %add3A_21 = arith.addi %mul3A_19, %add3A_20 : i32
    %run_scoped3A_22 = arith.constant 0 : i32
    "tpu.region"() ({
      %run_scoped3A_479 = tpu.sem_alloc : memref<!tpu.dma_semaphore, #tpu.memory_space<semaphore_mem>>
      %dma_start3A_480 = arith.constant 0 : i32
      %dma_start3A_481 = arith.constant 0 : i32
      %dma_start3A_482 = tpu.memref_slice %arg12[%run_scoped3A_22, %dma_start3A_480, %dma_start3A_481] : memref<2x128x128xf32, #tpu.memory_space<vmem>> -> memref<1x64x128xf32, #tpu.memory_space<vmem>>
      %dma_start3A_483 = tpu.memref_squeeze %dma_start3A_482 : memref<1x64x128xf32, #tpu.memory_space<vmem>> -> memref<64x128xf32, #tpu.memory_space<vmem>>
      %dma_start3A_484 = arith.constant 0 : i32
      %dma_start3A_485 = tpu.memref_slice %arg14[%add3A_21, %dma_start3A_484] : memref<5184x128xf32, #tpu.memory_space<vmem_shared>> -> memref<64x128xf32, #tpu.memory_space<vmem_shared>>
      %dma_start3A_486 = arith.constant 0 : i32
      %dma_start3A_487 = tpu.memref_slice %arg14[%add3A_21, %dma_start3A_486] : memref<5184x128xf32, #tpu.memory_space<vmem_shared>> -> memref<64x128xf32, #tpu.memory_space<vmem_shared>>
      %dma_start3A_488 = arith.constant 0 : i32
      %dma_start3A_489 = arith.constant 0 : i32
      %dma_start3A_490 = tpu.memref_slice %arg12[%run_scoped3A_22, %dma_start3A_488, %dma_start3A_489] : memref<2x128x128xf32, #tpu.memory_space<vmem>> -> memref<1x64x128xf32, #tpu.memory_space<vmem>>
      %dma_start3A_491 = tpu.memref_squeeze %dma_start3A_490 : memref<1x64x128xf32, #tpu.memory_space<vmem>> -> memref<64x128xf32, #tpu.memory_space<vmem>>
      tpu.enqueue_dma source(%dma_start3A_491 : memref<64x128xf32, #tpu.memory_space<vmem>>) target(%dma_start3A_487 : memref<64x128xf32, #tpu.memory_space<vmem_shared>>) target_semaphore(%run_scoped3A_479 : memref<!tpu.dma_semaphore, #tpu.memory_space<semaphore_mem>>)
      %dma_wait3A_492 = arith.constant 0 : i32
      %dma_wait3A_493 = arith.constant 0 : i32
      %dma_wait3A_494 = tpu.memref_slice %arg12[%run_scoped3A_22, %dma_wait3A_492, %dma_wait3A_493] : memref<2x128x128xf32, #tpu.memory_space<vmem>> -> memref<1x64x128xf32, #tpu.memory_space<vmem>>
      %dma_wait3A_495 = tpu.memref_squeeze %dma_wait3A_494 : memref<1x64x128xf32, #tpu.memory_space<vmem>> -> memref<64x128xf32, #tpu.memory_space<vmem>>
      %dma_wait3A_496 = arith.constant 0 : i32
      %dma_wait3A_497 = tpu.memref_slice %arg14[%add3A_21, %dma_wait3A_496] : memref<5184x128xf32, #tpu.memory_space<vmem_shared>> -> memref<64x128xf32, #tpu.memory_space<vmem_shared>>
      %dma_wait3A_498 = arith.constant 0 : i32
      %dma_wait3A_499 = tpu.memref_slice %arg14[%add3A_21, %dma_wait3A_498] : memref<5184x128xf32, #tpu.memory_space<vmem_shared>> -> memref<64x128xf32, #tpu.memory_space<vmem_shared>>
      %dma_wait3A_500 = arith.constant 0 : i32
      %dma_wait3A_501 = arith.constant 0 : i32
      %dma_wait3A_502 = tpu.memref_slice %arg12[%run_scoped3A_22, %dma_wait3A_500, %dma_wait3A_501] : memref<2x128x128xf32, #tpu.memory_space<vmem>> -> memref<1x64x128xf32, #tpu.memory_space<vmem>>
      %dma_wait3A_503 = tpu.memref_squeeze %dma_wait3A_502 : memref<1x64x128xf32, #tpu.memory_space<vmem>> -> memref<64x128xf32, #tpu.memory_space<vmem>>
      tpu.wait_dma2 semaphore(%run_scoped3A_479 : memref<!tpu.dma_semaphore, #tpu.memory_space<semaphore_mem>>) src(%dma_wait3A_503 : memref<64x128xf32, #tpu.memory_space<vmem>>) dst(%dma_wait3A_499 : memref<64x128xf32, #tpu.memory_space<vmem_shared>>)
      tpu.yield
    }) : () -> ()
    %mul3A_23 = arith.constant 324 : i32
    %mul3A_24 = arith.muli %arg1, %mul3A_23 : i32
    %add3A_25 = arith.constant 256 : i32
    %add3A_26 = arith.addi %mul3A_24, %add3A_25 : i32
    %run_scoped3A_27 = arith.constant 0 : i32
    "tpu.region"() ({
      %run_scoped3A_479 = tpu.sem_alloc : memref<!tpu.dma_semaphore, #tpu.memory_space<semaphore_mem>>
      %dma_start3A_480 = arith.constant 0 : i32
      %dma_start3A_481 = arith.constant 0 : i32
      %dma_start3A_482 = tpu.memref_slice %arg12[%run_scoped3A_27, %dma_start3A_480, %dma_start3A_481] : memref<2x128x128xf32, #tpu.memory_space<vmem>> -> memref<1x64x128xf32, #tpu.memory_space<vmem>>
      %dma_start3A_483 = tpu.memref_squeeze %dma_start3A_482 : memref<1x64x128xf32, #tpu.memory_space<vmem>> -> memref<64x128xf32, #tpu.memory_space<vmem>>
      %dma_start3A_484 = arith.constant 0 : i32
      %dma_start3A_485 = tpu.memref_slice %arg14[%add3A_26, %dma_start3A_484] : memref<5184x128xf32, #tpu.memory_space<vmem_shared>> -> memref<64x128xf32, #tpu.memory_space<vmem_shared>>
      %dma_start3A_486 = arith.constant 0 : i32
      %dma_start3A_487 = tpu.memref_slice %arg14[%add3A_26, %dma_start3A_486] : memref<5184x128xf32, #tpu.memory_space<vmem_shared>> -> memref<64x128xf32, #tpu.memory_space<vmem_shared>>
      %dma_start3A_488 = arith.constant 0 : i32
      %dma_start3A_489 = arith.constant 0 : i32
      %dma_start3A_490 = tpu.memref_slice %arg12[%run_scoped3A_27, %dma_start3A_488, %dma_start3A_489] : memref<2x128x128xf32, #tpu.memory_space<vmem>> -> memref<1x64x128xf32, #tpu.memory_space<vmem>>
      %dma_start3A_491 = tpu.memref_squeeze %dma_start3A_490 : memref<1x64x128xf32, #tpu.memory_space<vmem>> -> memref<64x128xf32, #tpu.memory_space<vmem>>
      tpu.enqueue_dma source(%dma_start3A_491 : memref<64x128xf32, #tpu.memory_space<vmem>>) target(%dma_start3A_487 : memref<64x128xf32, #tpu.memory_space<vmem_shared>>) target_semaphore(%run_scoped3A_479 : memref<!tpu.dma_semaphore, #tpu.memory_space<semaphore_mem>>)
      %dma_wait3A_492 = arith.constant 0 : i32
      %dma_wait3A_493 = arith.constant 0 : i32
      %dma_wait3A_494 = tpu.memref_slice %arg12[%run_scoped3A_27, %dma_wait3A_492, %dma_wait3A_493] : memref<2x128x128xf32, #tpu.memory_space<vmem>> -> memref<1x64x128xf32, #tpu.memory_space<vmem>>
      %dma_wait3A_495 = tpu.memref_squeeze %dma_wait3A_494 : memref<1x64x128xf32, #tpu.memory_space<vmem>> -> memref<64x128xf32, #tpu.memory_space<vmem>>
      %dma_wait3A_496 = arith.constant 0 : i32
      %dma_wait3A_497 = tpu.memref_slice %arg14[%add3A_26, %dma_wait3A_496] : memref<5184x128xf32, #tpu.memory_space<vmem_shared>> -> memref<64x128xf32, #tpu.memory_space<vmem_shared>>
      %dma_wait3A_498 = arith.constant 0 : i32
      %dma_wait3A_499 = tpu.memref_slice %arg14[%add3A_26, %dma_wait3A_498] : memref<5184x128xf32, #tpu.memory_space<vmem_shared>> -> memref<64x128xf32, #tpu.memory_space<vmem_shared>>
      %dma_wait3A_500 = arith.constant 0 : i32
      %dma_wait3A_501 = arith.constant 0 : i32
      %dma_wait3A_502 = tpu.memref_slice %arg12[%run_scoped3A_27, %dma_wait3A_500, %dma_wait3A_501] : memref<2x128x128xf32, #tpu.memory_space<vmem>> -> memref<1x64x128xf32, #tpu.memory_space<vmem>>
      %dma_wait3A_503 = tpu.memref_squeeze %dma_wait3A_502 : memref<1x64x128xf32, #tpu.memory_space<vmem>> -> memref<64x128xf32, #tpu.memory_space<vmem>>
      tpu.wait_dma2 semaphore(%run_scoped3A_479 : memref<!tpu.dma_semaphore, #tpu.memory_space<semaphore_mem>>) src(%dma_wait3A_503 : memref<64x128xf32, #tpu.memory_space<vmem>>) dst(%dma_wait3A_499 : memref<64x128xf32, #tpu.memory_space<vmem_shared>>)
      tpu.yield
    }) : () -> ()
    %mul3A_28 = arith.constant 324 : i32
    %mul3A_29 = arith.muli %arg1, %mul3A_28 : i32
    %add3A_30 = arith.constant 320 : i32
    %add3A_31 = arith.addi %mul3A_29, %add3A_30 : i32
    %run_scoped3A_32 = arith.constant 0 : i32
    "tpu.region"() ({
      %run_scoped3A_479 = tpu.sem_alloc : memref<!tpu.dma_semaphore, #tpu.memory_space<semaphore_mem>>
      %dma_start3A_480 = arith.constant 0 : i32
      %dma_start3A_481 = arith.constant 0 : i32
      %dma_start3A_482 = tpu.memref_slice %arg12[%run_scoped3A_32, %dma_start3A_480, %dma_start3A_481] : memref<2x128x128xf32, #tpu.memory_space<vmem>> -> memref<1x4x128xf32, #tpu.memory_space<vmem>>
      %dma_start3A_483 = tpu.memref_squeeze %dma_start3A_482 : memref<1x4x128xf32, #tpu.memory_space<vmem>> -> memref<4x128xf32, #tpu.memory_space<vmem>>
      %dma_start3A_484 = arith.constant 0 : i32
      %dma_start3A_485 = tpu.memref_slice %arg14[%add3A_31, %dma_start3A_484] : memref<5184x128xf32, #tpu.memory_space<vmem_shared>> -> memref<4x128xf32, #tpu.memory_space<vmem_shared>>
      %dma_start3A_486 = arith.constant 0 : i32
      %dma_start3A_487 = tpu.memref_slice %arg14[%add3A_31, %dma_start3A_486] : memref<5184x128xf32, #tpu.memory_space<vmem_shared>> -> memref<4x128xf32, #tpu.memory_space<vmem_shared>>
      %dma_start3A_488 = arith.constant 0 : i32
      %dma_start3A_489 = arith.constant 0 : i32
      %dma_start3A_490 = tpu.memref_slice %arg12[%run_scoped3A_32, %dma_start3A_488, %dma_start3A_489] : memref<2x128x128xf32, #tpu.memory_space<vmem>> -> memref<1x4x128xf32, #tpu.memory_space<vmem>>
      %dma_start3A_491 = tpu.memref_squeeze %dma_start3A_490 : memref<1x4x128xf32, #tpu.memory_space<vmem>> -> memref<4x128xf32, #tpu.memory_space<vmem>>
      tpu.enqueue_dma source(%dma_start3A_491 : memref<4x128xf32, #tpu.memory_space<vmem>>) target(%dma_start3A_487 : memref<4x128xf32, #tpu.memory_space<vmem_shared>>) target_semaphore(%run_scoped3A_479 : memref<!tpu.dma_semaphore, #tpu.memory_space<semaphore_mem>>)
      %dma_wait3A_492 = arith.constant 0 : i32
      %dma_wait3A_493 = arith.constant 0 : i32
      %dma_wait3A_494 = tpu.memref_slice %arg12[%run_scoped3A_32, %dma_wait3A_492, %dma_wait3A_493] : memref<2x128x128xf32, #tpu.memory_space<vmem>> -> memref<1x4x128xf32, #tpu.memory_space<vmem>>
      %dma_wait3A_495 = tpu.memref_squeeze %dma_wait3A_494 : memref<1x4x128xf32, #tpu.memory_space<vmem>> -> memref<4x128xf32, #tpu.memory_space<vmem>>
      %dma_wait3A_496 = arith.constant 0 : i32
      %dma_wait3A_497 = tpu.memref_slice %arg14[%add3A_31, %dma_wait3A_496] : memref<5184x128xf32, #tpu.memory_space<vmem_shared>> -> memref<4x128xf32, #tpu.memory_space<vmem_shared>>
      %dma_wait3A_498 = arith.constant 0 : i32
      %dma_wait3A_499 = tpu.memref_slice %arg14[%add3A_31, %dma_wait3A_498] : memref<5184x128xf32, #tpu.memory_space<vmem_shared>> -> memref<4x128xf32, #tpu.memory_space<vmem_shared>>
      %dma_wait3A_500 = arith.constant 0 : i32
      %dma_wait3A_501 = arith.constant 0 : i32
      %dma_wait3A_502 = tpu.memref_slice %arg12[%run_scoped3A_32, %dma_wait3A_500, %dma_wait3A_501] : memref<2x128x128xf32, #tpu.memory_space<vmem>> -> memref<1x4x128xf32, #tpu.memory_space<vmem>>
      %dma_wait3A_503 = tpu.memref_squeeze %dma_wait3A_502 : memref<1x4x128xf32, #tpu.memory_space<vmem>> -> memref<4x128xf32, #tpu.memory_space<vmem>>
      tpu.wait_dma2 semaphore(%run_scoped3A_479 : memref<!tpu.dma_semaphore, #tpu.memory_space<semaphore_mem>>) src(%dma_wait3A_503 : memref<4x128xf32, #tpu.memory_space<vmem>>) dst(%dma_wait3A_499 : memref<4x128xf32, #tpu.memory_space<vmem_shared>>)
      tpu.yield
    }) : () -> ()
    "tpu.region"() ({
      %run_scoped3A_479 = tpu.sem_alloc : memref<!tpu.dma_semaphore, #tpu.memory_space<semaphore_mem>>
      %dma_start3A_480 = arith.constant 0 : i32
      %dma_start3A_481 = arith.constant 0 : i32
      %dma_start3A_482 = tpu.memref_slice %arg5[%arg1, %dma_start3A_480, %dma_start3A_481] : memref<16x160x128xi32, #tpu.memory_space<hbm>> -> memref<1x160x128xi32, #tpu.memory_space<hbm>>
      %dma_start3A_483 = tpu.memref_squeeze %dma_start3A_482 : memref<1x160x128xi32, #tpu.memory_space<hbm>> -> memref<160x128xi32, #tpu.memory_space<hbm>>
      %dma_start3A_484 = arith.constant 0 : i32
      %dma_start3A_485 = arith.constant 0 : i32
      %dma_start3A_486 = tpu.memref_slice %arg5[%arg1, %dma_start3A_484, %dma_start3A_485] : memref<16x160x128xi32, #tpu.memory_space<hbm>> -> memref<1x160x128xi32, #tpu.memory_space<hbm>>
      %dma_start3A_487 = tpu.memref_squeeze %dma_start3A_486 : memref<1x160x128xi32, #tpu.memory_space<hbm>> -> memref<160x128xi32, #tpu.memory_space<hbm>>
      tpu.enqueue_dma source(%dma_start3A_487 : memref<160x128xi32, #tpu.memory_space<hbm>>) target(%arg10 : memref<160x128xi32, #tpu.memory_space<vmem>>) target_semaphore(%run_scoped3A_479 : memref<!tpu.dma_semaphore, #tpu.memory_space<semaphore_mem>>)
      %dma_wait3A_488 = arith.constant 0 : i32
      %dma_wait3A_489 = arith.constant 0 : i32
      %dma_wait3A_490 = tpu.memref_slice %arg5[%arg1, %dma_wait3A_488, %dma_wait3A_489] : memref<16x160x128xi32, #tpu.memory_space<hbm>> -> memref<1x160x128xi32, #tpu.memory_space<hbm>>
      %dma_wait3A_491 = tpu.memref_squeeze %dma_wait3A_490 : memref<1x160x128xi32, #tpu.memory_space<hbm>> -> memref<160x128xi32, #tpu.memory_space<hbm>>
      %dma_wait3A_492 = arith.constant 0 : i32
      %dma_wait3A_493 = arith.constant 0 : i32
      %dma_wait3A_494 = tpu.memref_slice %arg5[%arg1, %dma_wait3A_492, %dma_wait3A_493] : memref<16x160x128xi32, #tpu.memory_space<hbm>> -> memref<1x160x128xi32, #tpu.memory_space<hbm>>
      %dma_wait3A_495 = tpu.memref_squeeze %dma_wait3A_494 : memref<1x160x128xi32, #tpu.memory_space<hbm>> -> memref<160x128xi32, #tpu.memory_space<hbm>>
      tpu.wait_dma2 semaphore(%run_scoped3A_479 : memref<!tpu.dma_semaphore, #tpu.memory_space<semaphore_mem>>) src(%dma_wait3A_495 : memref<160x128xi32, #tpu.memory_space<hbm>>) dst(%arg10 : memref<160x128xi32, #tpu.memory_space<vmem>>)
      tpu.yield
    }) : () -> ()
    "tpu.region"() ({
      %run_scoped3A_479 = tpu.sem_alloc : memref<!tpu.dma_semaphore, #tpu.memory_space<semaphore_mem>>
      %dma_start3A_480 = arith.constant 0 : i32
      %dma_start3A_481 = arith.constant 0 : i32
      %dma_start3A_482 = tpu.memref_slice %arg6[%arg1, %dma_start3A_480, %dma_start3A_481] : memref<16x160x128xi32, #tpu.memory_space<hbm>> -> memref<1x160x128xi32, #tpu.memory_space<hbm>>
      %dma_start3A_483 = tpu.memref_squeeze %dma_start3A_482 : memref<1x160x128xi32, #tpu.memory_space<hbm>> -> memref<160x128xi32, #tpu.memory_space<hbm>>
      %dma_start3A_484 = arith.constant 0 : i32
      %dma_start3A_485 = arith.constant 0 : i32
      %dma_start3A_486 = tpu.memref_slice %arg6[%arg1, %dma_start3A_484, %dma_start3A_485] : memref<16x160x128xi32, #tpu.memory_space<hbm>> -> memref<1x160x128xi32, #tpu.memory_space<hbm>>
      %dma_start3A_487 = tpu.memref_squeeze %dma_start3A_486 : memref<1x160x128xi32, #tpu.memory_space<hbm>> -> memref<160x128xi32, #tpu.memory_space<hbm>>
      tpu.enqueue_dma source(%dma_start3A_487 : memref<160x128xi32, #tpu.memory_space<hbm>>) target(%arg11 : memref<160x128xi32, #tpu.memory_space<vmem>>) target_semaphore(%run_scoped3A_479 : memref<!tpu.dma_semaphore, #tpu.memory_space<semaphore_mem>>)
      %dma_wait3A_488 = arith.constant 0 : i32
      %dma_wait3A_489 = arith.constant 0 : i32
      %dma_wait3A_490 = tpu.memref_slice %arg6[%arg1, %dma_wait3A_488, %dma_wait3A_489] : memref<16x160x128xi32, #tpu.memory_space<hbm>> -> memref<1x160x128xi32, #tpu.memory_space<hbm>>
      %dma_wait3A_491 = tpu.memref_squeeze %dma_wait3A_490 : memref<1x160x128xi32, #tpu.memory_space<hbm>> -> memref<160x128xi32, #tpu.memory_space<hbm>>
      %dma_wait3A_492 = arith.constant 0 : i32
      %dma_wait3A_493 = arith.constant 0 : i32
      %dma_wait3A_494 = tpu.memref_slice %arg6[%arg1, %dma_wait3A_492, %dma_wait3A_493] : memref<16x160x128xi32, #tpu.memory_space<hbm>> -> memref<1x160x128xi32, #tpu.memory_space<hbm>>
      %dma_wait3A_495 = tpu.memref_squeeze %dma_wait3A_494 : memref<1x160x128xi32, #tpu.memory_space<hbm>> -> memref<160x128xi32, #tpu.memory_space<hbm>>
      tpu.wait_dma2 semaphore(%run_scoped3A_479 : memref<!tpu.dma_semaphore, #tpu.memory_space<semaphore_mem>>) src(%dma_wait3A_495 : memref<160x128xi32, #tpu.memory_space<hbm>>) dst(%arg11 : memref<160x128xi32, #tpu.memory_space<vmem>>)
      tpu.yield
    }) : () -> ()
    %mul3A_33 = arith.constant 5120 : i32
    %mul3A_34 = arith.muli %arg0, %mul3A_33 : i32
    %mul3A_35 = arith.constant 320 : i32
    %mul3A_36 = arith.muli %arg1, %mul3A_35 : i32
    %add3A_37 = arith.addi %mul3A_34, %mul3A_36 : i32
    %add3A_38 = arith.constant 0 : i32
    %add3A_39 = arith.addi %add3A_37, %add3A_38 : i32
    %run_scoped3A_40 = arith.constant 0 : i32
    "tpu.region"() ({
      %run_scoped3A_479 = tpu.sem_alloc : memref<!tpu.dma_semaphore, #tpu.memory_space<semaphore_mem>>
      %dma_start3A_480 = arith.constant 0 : i32
      %dma_start3A_481 = tpu.memref_slice %arg13[%run_scoped3A_40, %dma_start3A_480] : memref<5x64xi32, #tpu.memory_space<vmem>> -> memref<1x64xi32, #tpu.memory_space<vmem>>
      %dma_start3A_482 = tpu.memref_squeeze %dma_start3A_481 : memref<1x64xi32, #tpu.memory_space<vmem>> -> memref<64xi32, #tpu.memory_space<vmem>>
      %dma_start3A_483 = tpu.memref_slice %arg4[%add3A_39] : memref<10240xi32, #tpu.memory_space<hbm>> -> memref<64xi32, #tpu.memory_space<hbm>>
      %dma_start3A_484 = arith.constant 0 : i32
      %dma_start3A_485 = tpu.memref_slice %arg13[%run_scoped3A_40, %dma_start3A_484] : memref<5x64xi32, #tpu.memory_space<vmem>> -> memref<1x64xi32, #tpu.memory_space<vmem>>
      %dma_start3A_486 = tpu.memref_squeeze %dma_start3A_485 : memref<1x64xi32, #tpu.memory_space<vmem>> -> memref<64xi32, #tpu.memory_space<vmem>>
      %dma_start3A_487 = tpu.memref_slice %arg4[%add3A_39] : memref<10240xi32, #tpu.memory_space<hbm>> -> memref<64xi32, #tpu.memory_space<hbm>>
      tpu.enqueue_dma source(%dma_start3A_487 : memref<64xi32, #tpu.memory_space<hbm>>) target(%dma_start3A_486 : memref<64xi32, #tpu.memory_space<vmem>>) target_semaphore(%run_scoped3A_479 : memref<!tpu.dma_semaphore, #tpu.memory_space<semaphore_mem>>)
      %dma_wait3A_488 = arith.constant 0 : i32
      %dma_wait3A_489 = tpu.memref_slice %arg13[%run_scoped3A_40, %dma_wait3A_488] : memref<5x64xi32, #tpu.memory_space<vmem>> -> memref<1x64xi32, #tpu.memory_space<vmem>>
      %dma_wait3A_490 = tpu.memref_squeeze %dma_wait3A_489 : memref<1x64xi32, #tpu.memory_space<vmem>> -> memref<64xi32, #tpu.memory_space<vmem>>
      %dma_wait3A_491 = tpu.memref_slice %arg4[%add3A_39] : memref<10240xi32, #tpu.memory_space<hbm>> -> memref<64xi32, #tpu.memory_space<hbm>>
      %dma_wait3A_492 = arith.constant 0 : i32
      %dma_wait3A_493 = tpu.memref_slice %arg13[%run_scoped3A_40, %dma_wait3A_492] : memref<5x64xi32, #tpu.memory_space<vmem>> -> memref<1x64xi32, #tpu.memory_space<vmem>>
      %dma_wait3A_494 = tpu.memref_squeeze %dma_wait3A_493 : memref<1x64xi32, #tpu.memory_space<vmem>> -> memref<64xi32, #tpu.memory_space<vmem>>
      %dma_wait3A_495 = tpu.memref_slice %arg4[%add3A_39] : memref<10240xi32, #tpu.memory_space<hbm>> -> memref<64xi32, #tpu.memory_space<hbm>>
      tpu.wait_dma2 semaphore(%run_scoped3A_479 : memref<!tpu.dma_semaphore, #tpu.memory_space<semaphore_mem>>) src(%dma_wait3A_495 : memref<64xi32, #tpu.memory_space<hbm>>) dst(%dma_wait3A_494 : memref<64xi32, #tpu.memory_space<vmem>>)
      tpu.yield
    }) : () -> ()
    %add3A_41 = arith.constant 64 : i32
    %add3A_42 = arith.addi %add3A_37, %add3A_41 : i32
    %run_scoped3A_43 = arith.constant 1 : i32
    "tpu.region"() ({
      %run_scoped3A_479 = tpu.sem_alloc : memref<!tpu.dma_semaphore, #tpu.memory_space<semaphore_mem>>
      %dma_start3A_480 = arith.constant 0 : i32
      %dma_start3A_481 = tpu.memref_slice %arg13[%run_scoped3A_43, %dma_start3A_480] : memref<5x64xi32, #tpu.memory_space<vmem>> -> memref<1x64xi32, #tpu.memory_space<vmem>>
      %dma_start3A_482 = tpu.memref_squeeze %dma_start3A_481 : memref<1x64xi32, #tpu.memory_space<vmem>> -> memref<64xi32, #tpu.memory_space<vmem>>
      %dma_start3A_483 = tpu.memref_slice %arg4[%add3A_42] : memref<10240xi32, #tpu.memory_space<hbm>> -> memref<64xi32, #tpu.memory_space<hbm>>
      %dma_start3A_484 = arith.constant 0 : i32
      %dma_start3A_485 = tpu.memref_slice %arg13[%run_scoped3A_43, %dma_start3A_484] : memref<5x64xi32, #tpu.memory_space<vmem>> -> memref<1x64xi32, #tpu.memory_space<vmem>>
      %dma_start3A_486 = tpu.memref_squeeze %dma_start3A_485 : memref<1x64xi32, #tpu.memory_space<vmem>> -> memref<64xi32, #tpu.memory_space<vmem>>
      %dma_start3A_487 = tpu.memref_slice %arg4[%add3A_42] : memref<10240xi32, #tpu.memory_space<hbm>> -> memref<64xi32, #tpu.memory_space<hbm>>
      tpu.enqueue_dma source(%dma_start3A_487 : memref<64xi32, #tpu.memory_space<hbm>>) target(%dma_start3A_486 : memref<64xi32, #tpu.memory_space<vmem>>) target_semaphore(%run_scoped3A_479 : memref<!tpu.dma_semaphore, #tpu.memory_space<semaphore_mem>>)
      %dma_wait3A_488 = arith.constant 0 : i32
      %dma_wait3A_489 = tpu.memref_slice %arg13[%run_scoped3A_43, %dma_wait3A_488] : memref<5x64xi32, #tpu.memory_space<vmem>> -> memref<1x64xi32, #tpu.memory_space<vmem>>
      %dma_wait3A_490 = tpu.memref_squeeze %dma_wait3A_489 : memref<1x64xi32, #tpu.memory_space<vmem>> -> memref<64xi32, #tpu.memory_space<vmem>>
      %dma_wait3A_491 = tpu.memref_slice %arg4[%add3A_42] : memref<10240xi32, #tpu.memory_space<hbm>> -> memref<64xi32, #tpu.memory_space<hbm>>
      %dma_wait3A_492 = arith.constant 0 : i32
      %dma_wait3A_493 = tpu.memref_slice %arg13[%run_scoped3A_43, %dma_wait3A_492] : memref<5x64xi32, #tpu.memory_space<vmem>> -> memref<1x64xi32, #tpu.memory_space<vmem>>
      %dma_wait3A_494 = tpu.memref_squeeze %dma_wait3A_493 : memref<1x64xi32, #tpu.memory_space<vmem>> -> memref<64xi32, #tpu.memory_space<vmem>>
      %dma_wait3A_495 = tpu.memref_slice %arg4[%add3A_42] : memref<10240xi32, #tpu.memory_space<hbm>> -> memref<64xi32, #tpu.memory_space<hbm>>
      tpu.wait_dma2 semaphore(%run_scoped3A_479 : memref<!tpu.dma_semaphore, #tpu.memory_space<semaphore_mem>>) src(%dma_wait3A_495 : memref<64xi32, #tpu.memory_space<hbm>>) dst(%dma_wait3A_494 : memref<64xi32, #tpu.memory_space<vmem>>)
      tpu.yield
    }) : () -> ()
    %add3A_44 = arith.constant 128 : i32
    %add3A_45 = arith.addi %add3A_37, %add3A_44 : i32
    %run_scoped3A_46 = arith.constant 2 : i32
    "tpu.region"() ({
      %run_scoped3A_479 = tpu.sem_alloc : memref<!tpu.dma_semaphore, #tpu.memory_space<semaphore_mem>>
      %dma_start3A_480 = arith.constant 0 : i32
      %dma_start3A_481 = tpu.memref_slice %arg13[%run_scoped3A_46, %dma_start3A_480] : memref<5x64xi32, #tpu.memory_space<vmem>> -> memref<1x64xi32, #tpu.memory_space<vmem>>
      %dma_start3A_482 = tpu.memref_squeeze %dma_start3A_481 : memref<1x64xi32, #tpu.memory_space<vmem>> -> memref<64xi32, #tpu.memory_space<vmem>>
      %dma_start3A_483 = tpu.memref_slice %arg4[%add3A_45] : memref<10240xi32, #tpu.memory_space<hbm>> -> memref<64xi32, #tpu.memory_space<hbm>>
      %dma_start3A_484 = arith.constant 0 : i32
      %dma_start3A_485 = tpu.memref_slice %arg13[%run_scoped3A_46, %dma_start3A_484] : memref<5x64xi32, #tpu.memory_space<vmem>> -> memref<1x64xi32, #tpu.memory_space<vmem>>
      %dma_start3A_486 = tpu.memref_squeeze %dma_start3A_485 : memref<1x64xi32, #tpu.memory_space<vmem>> -> memref<64xi32, #tpu.memory_space<vmem>>
      %dma_start3A_487 = tpu.memref_slice %arg4[%add3A_45] : memref<10240xi32, #tpu.memory_space<hbm>> -> memref<64xi32, #tpu.memory_space<hbm>>
      tpu.enqueue_dma source(%dma_start3A_487 : memref<64xi32, #tpu.memory_space<hbm>>) target(%dma_start3A_486 : memref<64xi32, #tpu.memory_space<vmem>>) target_semaphore(%run_scoped3A_479 : memref<!tpu.dma_semaphore, #tpu.memory_space<semaphore_mem>>)
      %dma_wait3A_488 = arith.constant 0 : i32
      %dma_wait3A_489 = tpu.memref_slice %arg13[%run_scoped3A_46, %dma_wait3A_488] : memref<5x64xi32, #tpu.memory_space<vmem>> -> memref<1x64xi32, #tpu.memory_space<vmem>>
      %dma_wait3A_490 = tpu.memref_squeeze %dma_wait3A_489 : memref<1x64xi32, #tpu.memory_space<vmem>> -> memref<64xi32, #tpu.memory_space<vmem>>
      %dma_wait3A_491 = tpu.memref_slice %arg4[%add3A_45] : memref<10240xi32, #tpu.memory_space<hbm>> -> memref<64xi32, #tpu.memory_space<hbm>>
      %dma_wait3A_492 = arith.constant 0 : i32
      %dma_wait3A_493 = tpu.memref_slice %arg13[%run_scoped3A_46, %dma_wait3A_492] : memref<5x64xi32, #tpu.memory_space<vmem>> -> memref<1x64xi32, #tpu.memory_space<vmem>>
      %dma_wait3A_494 = tpu.memref_squeeze %dma_wait3A_493 : memref<1x64xi32, #tpu.memory_space<vmem>> -> memref<64xi32, #tpu.memory_space<vmem>>
      %dma_wait3A_495 = tpu.memref_slice %arg4[%add3A_45] : memref<10240xi32, #tpu.memory_space<hbm>> -> memref<64xi32, #tpu.memory_space<hbm>>
      tpu.wait_dma2 semaphore(%run_scoped3A_479 : memref<!tpu.dma_semaphore, #tpu.memory_space<semaphore_mem>>) src(%dma_wait3A_495 : memref<64xi32, #tpu.memory_space<hbm>>) dst(%dma_wait3A_494 : memref<64xi32, #tpu.memory_space<vmem>>)
      tpu.yield
    }) : () -> ()
    %add3A_47 = arith.constant 192 : i32
    %add3A_48 = arith.addi %add3A_37, %add3A_47 : i32
    %run_scoped3A_49 = arith.constant 3 : i32
    "tpu.region"() ({
      %run_scoped3A_479 = tpu.sem_alloc : memref<!tpu.dma_semaphore, #tpu.memory_space<semaphore_mem>>
      %dma_start3A_480 = arith.constant 0 : i32
      %dma_start3A_481 = tpu.memref_slice %arg13[%run_scoped3A_49, %dma_start3A_480] : memref<5x64xi32, #tpu.memory_space<vmem>> -> memref<1x64xi32, #tpu.memory_space<vmem>>
      %dma_start3A_482 = tpu.memref_squeeze %dma_start3A_481 : memref<1x64xi32, #tpu.memory_space<vmem>> -> memref<64xi32, #tpu.memory_space<vmem>>
      %dma_start3A_483 = tpu.memref_slice %arg4[%add3A_48] : memref<10240xi32, #tpu.memory_space<hbm>> -> memref<64xi32, #tpu.memory_space<hbm>>
      %dma_start3A_484 = arith.constant 0 : i32
      %dma_start3A_485 = tpu.memref_slice %arg13[%run_scoped3A_49, %dma_start3A_484] : memref<5x64xi32, #tpu.memory_space<vmem>> -> memref<1x64xi32, #tpu.memory_space<vmem>>
      %dma_start3A_486 = tpu.memref_squeeze %dma_start3A_485 : memref<1x64xi32, #tpu.memory_space<vmem>> -> memref<64xi32, #tpu.memory_space<vmem>>
      %dma_start3A_487 = tpu.memref_slice %arg4[%add3A_48] : memref<10240xi32, #tpu.memory_space<hbm>> -> memref<64xi32, #tpu.memory_space<hbm>>
      tpu.enqueue_dma source(%dma_start3A_487 : memref<64xi32, #tpu.memory_space<hbm>>) target(%dma_start3A_486 : memref<64xi32, #tpu.memory_space<vmem>>) target_semaphore(%run_scoped3A_479 : memref<!tpu.dma_semaphore, #tpu.memory_space<semaphore_mem>>)
      %dma_wait3A_488 = arith.constant 0 : i32
      %dma_wait3A_489 = tpu.memref_slice %arg13[%run_scoped3A_49, %dma_wait3A_488] : memref<5x64xi32, #tpu.memory_space<vmem>> -> memref<1x64xi32, #tpu.memory_space<vmem>>
      %dma_wait3A_490 = tpu.memref_squeeze %dma_wait3A_489 : memref<1x64xi32, #tpu.memory_space<vmem>> -> memref<64xi32, #tpu.memory_space<vmem>>
      %dma_wait3A_491 = tpu.memref_slice %arg4[%add3A_48] : memref<10240xi32, #tpu.memory_space<hbm>> -> memref<64xi32, #tpu.memory_space<hbm>>
      %dma_wait3A_492 = arith.constant 0 : i32
      %dma_wait3A_493 = tpu.memref_slice %arg13[%run_scoped3A_49, %dma_wait3A_492] : memref<5x64xi32, #tpu.memory_space<vmem>> -> memref<1x64xi32, #tpu.memory_space<vmem>>
      %dma_wait3A_494 = tpu.memref_squeeze %dma_wait3A_493 : memref<1x64xi32, #tpu.memory_space<vmem>> -> memref<64xi32, #tpu.memory_space<vmem>>
      %dma_wait3A_495 = tpu.memref_slice %arg4[%add3A_48] : memref<10240xi32, #tpu.memory_space<hbm>> -> memref<64xi32, #tpu.memory_space<hbm>>
      tpu.wait_dma2 semaphore(%run_scoped3A_479 : memref<!tpu.dma_semaphore, #tpu.memory_space<semaphore_mem>>) src(%dma_wait3A_495 : memref<64xi32, #tpu.memory_space<hbm>>) dst(%dma_wait3A_494 : memref<64xi32, #tpu.memory_space<vmem>>)
      tpu.yield
    }) : () -> ()
    %add3A_50 = arith.constant 256 : i32
    %add3A_51 = arith.addi %add3A_37, %add3A_50 : i32
    %run_scoped3A_52 = arith.constant 4 : i32
    "tpu.region"() ({
      %run_scoped3A_479 = tpu.sem_alloc : memref<!tpu.dma_semaphore, #tpu.memory_space<semaphore_mem>>
      %dma_start3A_480 = arith.constant 0 : i32
      %dma_start3A_481 = tpu.memref_slice %arg13[%run_scoped3A_52, %dma_start3A_480] : memref<5x64xi32, #tpu.memory_space<vmem>> -> memref<1x64xi32, #tpu.memory_space<vmem>>
      %dma_start3A_482 = tpu.memref_squeeze %dma_start3A_481 : memref<1x64xi32, #tpu.memory_space<vmem>> -> memref<64xi32, #tpu.memory_space<vmem>>
      %dma_start3A_483 = tpu.memref_slice %arg4[%add3A_51] : memref<10240xi32, #tpu.memory_space<hbm>> -> memref<64xi32, #tpu.memory_space<hbm>>
      %dma_start3A_484 = arith.constant 0 : i32
      %dma_start3A_485 = tpu.memref_slice %arg13[%run_scoped3A_52, %dma_start3A_484] : memref<5x64xi32, #tpu.memory_space<vmem>> -> memref<1x64xi32, #tpu.memory_space<vmem>>
      %dma_start3A_486 = tpu.memref_squeeze %dma_start3A_485 : memref<1x64xi32, #tpu.memory_space<vmem>> -> memref<64xi32, #tpu.memory_space<vmem>>
      %dma_start3A_487 = tpu.memref_slice %arg4[%add3A_51] : memref<10240xi32, #tpu.memory_space<hbm>> -> memref<64xi32, #tpu.memory_space<hbm>>
      tpu.enqueue_dma source(%dma_start3A_487 : memref<64xi32, #tpu.memory_space<hbm>>) target(%dma_start3A_486 : memref<64xi32, #tpu.memory_space<vmem>>) target_semaphore(%run_scoped3A_479 : memref<!tpu.dma_semaphore, #tpu.memory_space<semaphore_mem>>)
      %dma_wait3A_488 = arith.constant 0 : i32
      %dma_wait3A_489 = tpu.memref_slice %arg13[%run_scoped3A_52, %dma_wait3A_488] : memref<5x64xi32, #tpu.memory_space<vmem>> -> memref<1x64xi32, #tpu.memory_space<vmem>>
      %dma_wait3A_490 = tpu.memref_squeeze %dma_wait3A_489 : memref<1x64xi32, #tpu.memory_space<vmem>> -> memref<64xi32, #tpu.memory_space<vmem>>
      %dma_wait3A_491 = tpu.memref_slice %arg4[%add3A_51] : memref<10240xi32, #tpu.memory_space<hbm>> -> memref<64xi32, #tpu.memory_space<hbm>>
      %dma_wait3A_492 = arith.constant 0 : i32
      %dma_wait3A_493 = tpu.memref_slice %arg13[%run_scoped3A_52, %dma_wait3A_492] : memref<5x64xi32, #tpu.memory_space<vmem>> -> memref<1x64xi32, #tpu.memory_space<vmem>>
      %dma_wait3A_494 = tpu.memref_squeeze %dma_wait3A_493 : memref<1x64xi32, #tpu.memory_space<vmem>> -> memref<64xi32, #tpu.memory_space<vmem>>
      %dma_wait3A_495 = tpu.memref_slice %arg4[%add3A_51] : memref<10240xi32, #tpu.memory_space<hbm>> -> memref<64xi32, #tpu.memory_space<hbm>>
      tpu.wait_dma2 semaphore(%run_scoped3A_479 : memref<!tpu.dma_semaphore, #tpu.memory_space<semaphore_mem>>) src(%dma_wait3A_495 : memref<64xi32, #tpu.memory_space<hbm>>) dst(%dma_wait3A_494 : memref<64xi32, #tpu.memory_space<vmem>>)
      tpu.yield
    }) : () -> ()
    %mul3A_53 = arith.constant 5120 : i32
    %mul3A_54 = arith.muli %arg0, %mul3A_53 : i32
    %scan3A_55 = arith.constant 0 : i32
    %scan3A_56 = arith.constant 0 : i32
    %scan3A_57 = arith.constant 160 : i32
    %scan3A_58 = arith.addi %scan3A_56, %scan3A_57 : i32
    %scan3A_59 = arith.constant 1 : i32
    %scan3A_60 = scf.for %scan3A_479 = %scan3A_56 to %scan3A_58 step %scan3A_59 iter_args(%scan3A_480 = %scan3A_55) -> (i32)  : i32 {
      %get3A = arith.index_cast %scan3A_479 : i32 to index
      %get3A_481 = arith.constant 0 : index
      %get3A_482 = tpu.vector_load %arg11[%get3A, %get3A_481] {strides = array<i32>} : memref<160x128xi32, #tpu.memory_space<vmem>>, vector<1x16xi32>,
      %get3A_483 = vector.shape_cast %get3A_482 : vector<1x16xi32> to vector<16xi32>
      %sub3A = vector.broadcast %mul3A_54 : i32 to vector<16xi32>
      %sub3A_484 = arith.subi %get3A_483, %sub3A : vector<16xi32>
      %ge3A = arith.constant 0 : i32
      %ge3A_485 = vector.broadcast %ge3A : i32 to vector<16xi32>
      %ge3A_486 = arith.cmpi sge, %sub3A_484, %ge3A_485 : vector<16xi32>
      %lt3A = arith.constant 5120 : i32
      %lt3A_487 = vector.broadcast %lt3A : i32 to vector<16xi32>
      %lt3A_488 = arith.cmpi slt, %sub3A_484, %lt3A_487 : vector<16xi32>
      %and3A = arith.andi %ge3A_486, %lt3A_488 : vector<16xi1>
      %and3A_489 = arith.constant 63 : i32
      %and3A_490 = vector.broadcast %and3A_489 : i32 to vector<16xi32>
      %and3A_491 = arith.andi %get3A_483, %and3A_490 : vector<16xi32>
      %add3A_492 = arith.constant 5120 : i32
      %add3A_493 = vector.broadcast %add3A_492 : i32 to vector<16xi32>
      %add3A_494 = arith.addi %add3A_493, %and3A_491 : vector<16xi32>
      %select_n3A = arith.select %and3A, %sub3A_484, %add3A_494 : vector<16xi1>, vector<16xi32>
      %swap3A = arith.index_cast %scan3A_479 : i32 to index
      %swap3A_495 = arith.constant 0 : index
      %swap3A_496 = tpu.vector_load %arg11[%swap3A, %swap3A_495] {strides = array<i32>} : memref<160x128xi32, #tpu.memory_space<vmem>>, vector<1x16xi32>,
      %swap3A_497 = vector.shape_cast %swap3A_496 : vector<1x16xi32> to vector<16xi32>
      %swap3A_498 = vector.shape_cast %select_n3A : vector<16xi32> to vector<1x16xi32>
      tpu.vector_store %arg11[%swap3A, %swap3A_495], %swap3A_498 {strides = array<i32>} : memref<160x128xi32, #tpu.memory_space<vmem>>, vector<1x16xi32>,
      %get3A_499 = arith.index_cast %scan3A_479 : i32 to index
      %get3A_500 = arith.constant 16 : index
      %get3A_501 = tpu.vector_load %arg11[%get3A_499, %get3A_500] {strides = array<i32>} : memref<160x128xi32, #tpu.memory_space<vmem>>, vector<1x16xi32>,
      %get3A_502 = vector.shape_cast %get3A_501 : vector<1x16xi32> to vector<16xi32>
      %sub3A_503 = vector.broadcast %mul3A_54 : i32 to vector<16xi32>
      %sub3A_504 = arith.subi %get3A_502, %sub3A_503 : vector<16xi32>
      %ge3A_505 = arith.constant 0 : i32
      %ge3A_506 = vector.broadcast %ge3A_505 : i32 to vector<16xi32>
      %ge3A_507 = arith.cmpi sge, %sub3A_504, %ge3A_506 : vector<16xi32>
      %lt3A_508 = arith.constant 5120 : i32
      %lt3A_509 = vector.broadcast %lt3A_508 : i32 to vector<16xi32>
      %lt3A_510 = arith.cmpi slt, %sub3A_504, %lt3A_509 : vector<16xi32>
      %and3A_511 = arith.andi %ge3A_507, %lt3A_510 : vector<16xi1>
      %and3A_512 = arith.constant 63 : i32
      %and3A_513 = vector.broadcast %and3A_512 : i32 to vector<16xi32>
      %and3A_514 = arith.andi %get3A_502, %and3A_513 : vector<16xi32>
      %add3A_515 = arith.constant 5120 : i32
      %add3A_516 = vector.broadcast %add3A_515 : i32 to vector<16xi32>
      %add3A_517 = arith.addi %add3A_516, %and3A_514 : vector<16xi32>
      %select_n3A_518 = arith.select %and3A_511, %sub3A_504, %add3A_517 : vector<16xi1>, vector<16xi32>
      %swap3A_519 = arith.index_cast %scan3A_479 : i32 to index
      %swap3A_520 = arith.constant 16 : index
      %swap3A_521 = tpu.vector_load %arg11[%swap3A_519, %swap3A_520] {strides = array<i32>} : memref<160x128xi32, #tpu.memory_space<vmem>>, vector<1x16xi32>,
      %swap3A_522 = vector.shape_cast %swap3A_521 : vector<1x16xi32> to vector<16xi32>
      %swap3A_523 = vector.shape_cast %select_n3A_518 : vector<16xi32> to vector<1x16xi32>
      tpu.vector_store %arg11[%swap3A_519, %swap3A_520], %swap3A_523 {strides = array<i32>} : memref<160x128xi32, #tpu.memory_space<vmem>>, vector<1x16xi32>,
      %get3A_524 = arith.index_cast %scan3A_479 : i32 to index
      %get3A_525 = arith.constant 32 : index
      %get3A_526 = tpu.vector_load %arg11[%get3A_524, %get3A_525] {strides = array<i32>} : memref<160x128xi32, #tpu.memory_space<vmem>>, vector<1x16xi32>,
      %get3A_527 = vector.shape_cast %get3A_526 : vector<1x16xi32> to vector<16xi32>
      %sub3A_528 = vector.broadcast %mul3A_54 : i32 to vector<16xi32>
      %sub3A_529 = arith.subi %get3A_527, %sub3A_528 : vector<16xi32>
      %ge3A_530 = arith.constant 0 : i32
      %ge3A_531 = vector.broadcast %ge3A_530 : i32 to vector<16xi32>
      %ge3A_532 = arith.cmpi sge, %sub3A_529, %ge3A_531 : vector<16xi32>
      %lt3A_533 = arith.constant 5120 : i32
      %lt3A_534 = vector.broadcast %lt3A_533 : i32 to vector<16xi32>
      %lt3A_535 = arith.cmpi slt, %sub3A_529, %lt3A_534 : vector<16xi32>
      %and3A_536 = arith.andi %ge3A_532, %lt3A_535 : vector<16xi1>
      %and3A_537 = arith.constant 63 : i32
      %and3A_538 = vector.broadcast %and3A_537 : i32 to vector<16xi32>
      %and3A_539 = arith.andi %get3A_527, %and3A_538 : vector<16xi32>
      %add3A_540 = arith.constant 5120 : i32
      %add3A_541 = vector.broadcast %add3A_540 : i32 to vector<16xi32>
      %add3A_542 = arith.addi %add3A_541, %and3A_539 : vector<16xi32>
      %select_n3A_543 = arith.select %and3A_536, %sub3A_529, %add3A_542 : vector<16xi1>, vector<16xi32>
      %swap3A_544 = arith.index_cast %scan3A_479 : i32 to index
      %swap3A_545 = arith.constant 32 : index
      %swap3A_546 = tpu.vector_load %arg11[%swap3A_544, %swap3A_545] {strides = array<i32>} : memref<160x128xi32, #tpu.memory_space<vmem>>, vector<1x16xi32>,
      %swap3A_547 = vector.shape_cast %swap3A_546 : vector<1x16xi32> to vector<16xi32>
      %swap3A_548 = vector.shape_cast %select_n3A_543 : vector<16xi32> to vector<1x16xi32>
      tpu.vector_store %arg11[%swap3A_544, %swap3A_545], %swap3A_548 {strides = array<i32>} : memref<160x128xi32, #tpu.memory_space<vmem>>, vector<1x16xi32>,
      %get3A_549 = arith.index_cast %scan3A_479 : i32 to index
      %get3A_550 = arith.constant 48 : index
      %get3A_551 = tpu.vector_load %arg11[%get3A_549, %get3A_550] {strides = array<i32>} : memref<160x128xi32, #tpu.memory_space<vmem>>, vector<1x16xi32>,
      %get3A_552 = vector.shape_cast %get3A_551 : vector<1x16xi32> to vector<16xi32>
      %sub3A_553 = vector.broadcast %mul3A_54 : i32 to vector<16xi32>
      %sub3A_554 = arith.subi %get3A_552, %sub3A_553 : vector<16xi32>
      %ge3A_555 = arith.constant 0 : i32
      %ge3A_556 = vector.broadcast %ge3A_555 : i32 to vector<16xi32>
      %ge3A_557 = arith.cmpi sge, %sub3A_554, %ge3A_556 : vector<16xi32>
      %lt3A_558 = arith.constant 5120 : i32
      %lt3A_559 = vector.broadcast %lt3A_558 : i32 to vector<16xi32>
      %lt3A_560 = arith.cmpi slt, %sub3A_554, %lt3A_559 : vector<16xi32>
      %and3A_561 = arith.andi %ge3A_557, %lt3A_560 : vector<16xi1>
      %and3A_562 = arith.constant 63 : i32
      %and3A_563 = vector.broadcast %and3A_562 : i32 to vector<16xi32>
      %and3A_564 = arith.andi %get3A_552, %and3A_563 : vector<16xi32>
      %add3A_565 = arith.constant 5120 : i32
      %add3A_566 = vector.broadcast %add3A_565 : i32 to vector<16xi32>
      %add3A_567 = arith.addi %add3A_566, %and3A_564 : vector<16xi32>
      %select_n3A_568 = arith.select %and3A_561, %sub3A_554, %add3A_567 : vector<16xi1>, vector<16xi32>
      %swap3A_569 = arith.index_cast %scan3A_479 : i32 to index
      %swap3A_570 = arith.constant 48 : index
      %swap3A_571 = tpu.vector_load %arg11[%swap3A_569, %swap3A_570] {strides = array<i32>} : memref<160x128xi32, #tpu.memory_space<vmem>>, vector<1x16xi32>,
      %swap3A_572 = vector.shape_cast %swap3A_571 : vector<1x16xi32> to vector<16xi32>
      %swap3A_573 = vector.shape_cast %select_n3A_568 : vector<16xi32> to vector<1x16xi32>
      tpu.vector_store %arg11[%swap3A_569, %swap3A_570], %swap3A_573 {strides = array<i32>} : memref<160x128xi32, #tpu.memory_space<vmem>>, vector<1x16xi32>,
      %get3A_574 = arith.index_cast %scan3A_479 : i32 to index
      %get3A_575 = arith.constant 64 : index
      %get3A_576 = tpu.vector_load %arg11[%get3A_574, %get3A_575] {strides = array<i32>} : memref<160x128xi32, #tpu.memory_space<vmem>>, vector<1x16xi32>,
      %get3A_577 = vector.shape_cast %get3A_576 : vector<1x16xi32> to vector<16xi32>
      %sub3A_578 = vector.broadcast %mul3A_54 : i32 to vector<16xi32>
      %sub3A_579 = arith.subi %get3A_577, %sub3A_578 : vector<16xi32>
      %ge3A_580 = arith.constant 0 : i32
      %ge3A_581 = vector.broadcast %ge3A_580 : i32 to vector<16xi32>
      %ge3A_582 = arith.cmpi sge, %sub3A_579, %ge3A_581 : vector<16xi32>
      %lt3A_583 = arith.constant 5120 : i32
      %lt3A_584 = vector.broadcast %lt3A_583 : i32 to vector<16xi32>
      %lt3A_585 = arith.cmpi slt, %sub3A_579, %lt3A_584 : vector<16xi32>
      %and3A_586 = arith.andi %ge3A_582, %lt3A_585 : vector<16xi1>
      %and3A_587 = arith.constant 63 : i32
      %and3A_588 = vector.broadcast %and3A_587 : i32 to vector<16xi32>
      %and3A_589 = arith.andi %get3A_577, %and3A_588 : vector<16xi32>
      %add3A_590 = arith.constant 5120 : i32
      %add3A_591 = vector.broadcast %add3A_590 : i32 to vector<16xi32>
      %add3A_592 = arith.addi %add3A_591, %and3A_589 : vector<16xi32>
      %select_n3A_593 = arith.select %and3A_586, %sub3A_579, %add3A_592 : vector<16xi1>, vector<16xi32>
      %swap3A_594 = arith.index_cast %scan3A_479 : i32 to index
      %swap3A_595 = arith.constant 64 : index
      %swap3A_596 = tpu.vector_load %arg11[%swap3A_594, %swap3A_595] {strides = array<i32>} : memref<160x128xi32, #tpu.memory_space<vmem>>, vector<1x16xi32>,
      %swap3A_597 = vector.shape_cast %swap3A_596 : vector<1x16xi32> to vector<16xi32>
      %swap3A_598 = vector.shape_cast %select_n3A_593 : vector<16xi32> to vector<1x16xi32>
      tpu.vector_store %arg11[%swap3A_594, %swap3A_595], %swap3A_598 {strides = array<i32>} : memref<160x128xi32, #tpu.memory_space<vmem>>, vector<1x16xi32>,
      %get3A_599 = arith.index_cast %scan3A_479 : i32 to index
      %get3A_600 = arith.constant 80 : index
      %get3A_601 = tpu.vector_load %arg11[%get3A_599, %get3A_600] {strides = array<i32>} : memref<160x128xi32, #tpu.memory_space<vmem>>, vector<1x16xi32>,
      %get3A_602 = vector.shape_cast %get3A_601 : vector<1x16xi32> to vector<16xi32>
      %sub3A_603 = vector.broadcast %mul3A_54 : i32 to vector<16xi32>
      %sub3A_604 = arith.subi %get3A_602, %sub3A_603 : vector<16xi32>
      %ge3A_605 = arith.constant 0 : i32
      %ge3A_606 = vector.broadcast %ge3A_605 : i32 to vector<16xi32>
      %ge3A_607 = arith.cmpi sge, %sub3A_604, %ge3A_606 : vector<16xi32>
      %lt3A_608 = arith.constant 5120 : i32
      %lt3A_609 = vector.broadcast %lt3A_608 : i32 to vector<16xi32>
      %lt3A_610 = arith.cmpi slt, %sub3A_604, %lt3A_609 : vector<16xi32>
      %and3A_611 = arith.andi %ge3A_607, %lt3A_610 : vector<16xi1>
      %and3A_612 = arith.constant 63 : i32
      %and3A_613 = vector.broadcast %and3A_612 : i32 to vector<16xi32>
      %and3A_614 = arith.andi %get3A_602, %and3A_613 : vector<16xi32>
      %add3A_615 = arith.constant 5120 : i32
      %add3A_616 = vector.broadcast %add3A_615 : i32 to vector<16xi32>
      %add3A_617 = arith.addi %add3A_616, %and3A_614 : vector<16xi32>
      %select_n3A_618 = arith.select %and3A_611, %sub3A_604, %add3A_617 : vector<16xi1>, vector<16xi32>
      %swap3A_619 = arith.index_cast %scan3A_479 : i32 to index
      %swap3A_620 = arith.constant 80 : index
      %swap3A_621 = tpu.vector_load %arg11[%swap3A_619, %swap3A_620] {strides = array<i32>} : memref<160x128xi32, #tpu.memory_space<vmem>>, vector<1x16xi32>,
      %swap3A_622 = vector.shape_cast %swap3A_621 : vector<1x16xi32> to vector<16xi32>
      %swap3A_623 = vector.shape_cast %select_n3A_618 : vector<16xi32> to vector<1x16xi32>
      tpu.vector_store %arg11[%swap3A_619, %swap3A_620], %swap3A_623 {strides = array<i32>} : memref<160x128xi32, #tpu.memory_space<vmem>>, vector<1x16xi32>,
      %get3A_624 = arith.index_cast %scan3A_479 : i32 to index
      %get3A_625 = arith.constant 96 : index
      %get3A_626 = tpu.vector_load %arg11[%get3A_624, %get3A_625] {strides = array<i32>} : memref<160x128xi32, #tpu.memory_space<vmem>>, vector<1x16xi32>,
      %get3A_627 = vector.shape_cast %get3A_626 : vector<1x16xi32> to vector<16xi32>
      %sub3A_628 = vector.broadcast %mul3A_54 : i32 to vector<16xi32>
      %sub3A_629 = arith.subi %get3A_627, %sub3A_628 : vector<16xi32>
      %ge3A_630 = arith.constant 0 : i32
      %ge3A_631 = vector.broadcast %ge3A_630 : i32 to vector<16xi32>
      %ge3A_632 = arith.cmpi sge, %sub3A_629, %ge3A_631 : vector<16xi32>
      %lt3A_633 = arith.constant 5120 : i32
      %lt3A_634 = vector.broadcast %lt3A_633 : i32 to vector<16xi32>
      %lt3A_635 = arith.cmpi slt, %sub3A_629, %lt3A_634 : vector<16xi32>
      %and3A_636 = arith.andi %ge3A_632, %lt3A_635 : vector<16xi1>
      %and3A_637 = arith.constant 63 : i32
      %and3A_638 = vector.broadcast %and3A_637 : i32 to vector<16xi32>
      %and3A_639 = arith.andi %get3A_627, %and3A_638 : vector<16xi32>
      %add3A_640 = arith.constant 5120 : i32
      %add3A_641 = vector.broadcast %add3A_640 : i32 to vector<16xi32>
      %add3A_642 = arith.addi %add3A_641, %and3A_639 : vector<16xi32>
      %select_n3A_643 = arith.select %and3A_636, %sub3A_629, %add3A_642 : vector<16xi1>, vector<16xi32>
      %swap3A_644 = arith.index_cast %scan3A_479 : i32 to index
      %swap3A_645 = arith.constant 96 : index
      %swap3A_646 = tpu.vector_load %arg11[%swap3A_644, %swap3A_645] {strides = array<i32>} : memref<160x128xi32, #tpu.memory_space<vmem>>, vector<1x16xi32>,
      %swap3A_647 = vector.shape_cast %swap3A_646 : vector<1x16xi32> to vector<16xi32>
      %swap3A_648 = vector.shape_cast %select_n3A_643 : vector<16xi32> to vector<1x16xi32>
      tpu.vector_store %arg11[%swap3A_644, %swap3A_645], %swap3A_648 {strides = array<i32>} : memref<160x128xi32, #tpu.memory_space<vmem>>, vector<1x16xi32>,
      %get3A_649 = arith.index_cast %scan3A_479 : i32 to index
      %get3A_650 = arith.constant 112 : index
      %get3A_651 = tpu.vector_load %arg11[%get3A_649, %get3A_650] {strides = array<i32>} : memref<160x128xi32, #tpu.memory_space<vmem>>, vector<1x16xi32>,
      %get3A_652 = vector.shape_cast %get3A_651 : vector<1x16xi32> to vector<16xi32>
      %sub3A_653 = vector.broadcast %mul3A_54 : i32 to vector<16xi32>
      %sub3A_654 = arith.subi %get3A_652, %sub3A_653 : vector<16xi32>
      %ge3A_655 = arith.constant 0 : i32
      %ge3A_656 = vector.broadcast %ge3A_655 : i32 to vector<16xi32>
      %ge3A_657 = arith.cmpi sge, %sub3A_654, %ge3A_656 : vector<16xi32>
      %lt3A_658 = arith.constant 5120 : i32
      %lt3A_659 = vector.broadcast %lt3A_658 : i32 to vector<16xi32>
      %lt3A_660 = arith.cmpi slt, %sub3A_654, %lt3A_659 : vector<16xi32>
      %and3A_661 = arith.andi %ge3A_657, %lt3A_660 : vector<16xi1>
      %and3A_662 = arith.constant 63 : i32
      %and3A_663 = vector.broadcast %and3A_662 : i32 to vector<16xi32>
      %and3A_664 = arith.andi %get3A_652, %and3A_663 : vector<16xi32>
      %add3A_665 = arith.constant 5120 : i32
      %add3A_666 = vector.broadcast %add3A_665 : i32 to vector<16xi32>
      %add3A_667 = arith.addi %add3A_666, %and3A_664 : vector<16xi32>
      %select_n3A_668 = arith.select %and3A_661, %sub3A_654, %add3A_667 : vector<16xi1>, vector<16xi32>
      %swap3A_669 = arith.index_cast %scan3A_479 : i32 to index
      %swap3A_670 = arith.constant 112 : index
      %swap3A_671 = tpu.vector_load %arg11[%swap3A_669, %swap3A_670] {strides = array<i32>} : memref<160x128xi32, #tpu.memory_space<vmem>>, vector<1x16xi32>,
      %swap3A_672 = vector.shape_cast %swap3A_671 : vector<1x16xi32> to vector<16xi32>
      %swap3A_673 = vector.shape_cast %select_n3A_668 : vector<16xi32> to vector<1x16xi32>
      tpu.vector_store %arg11[%swap3A_669, %swap3A_670], %swap3A_673 {strides = array<i32>} : memref<160x128xi32, #tpu.memory_space<vmem>>, vector<1x16xi32>,
      %scan3A_674 = arith.constant 0 : i32
      scf.yield %scan3A_674 : i32
    }
    %scan3A_61 = arith.constant 160 : i32
    %barrier3A = arith.constant 0 : index
    tpu.barrier barrier_id(%barrier3A)
    %scan3A_62 = arith.constant 0 : i32
    %scan3A_63 = arith.constant 0 : i32
    %scan3A_64 = arith.constant 80 : i32
    %scan3A_65 = arith.addi %scan3A_63, %scan3A_64 : i32
    %scan3A_66 = arith.constant 1 : i32
    %scan3A_67 = scf.for %scan3A_479 = %scan3A_63 to %scan3A_65 step %scan3A_66 iter_args(%scan3A_480 = %scan3A_62) -> (i32)  : i32 {
      %mul3A_481 = arith.constant 2 : i32
      %mul3A_482 = arith.muli %mul3A_481, %scan3A_479 : i32
      %mul3A_483 = arith.constant 2 : i32
      %mul3A_484 = arith.muli %mul3A_483, %scan3A_479 : i32
      %add3A_485 = arith.constant 1 : i32
      %add3A_486 = arith.addi %mul3A_484, %add3A_485 : i32
      %gt3A = arith.constant 0 : i32
      %gt3A_487 = arith.cmpi sgt, %scan3A_479, %gt3A : i32
      %convert_element_type3A_488 = arith.extui %gt3A_487 : i1 to i32
      %cond3A_489 = arith.constant 0 : i32
      %cond3A_490 = arith.cmpi ne, %convert_element_type3A_488, %cond3A_489 : i32
      scf.if %cond3A_490 {
        %dma_wait3A_563 = arith.constant 0 : i32
        %dma_wait3A_564 = arith.constant 0 : i32
        %dma_wait3A_565 = arith.constant 0 : i32
        %dma_wait3A_566 = tpu.memref_slice %arg12[%dma_wait3A_563, %dma_wait3A_564, %dma_wait3A_565] : memref<2x128x128xf32, #tpu.memory_space<vmem>> -> memref<1x128x128xf32, #tpu.memory_space<vmem>>
        %dma_wait3A_567 = tpu.memref_squeeze %dma_wait3A_566 : memref<1x128x128xf32, #tpu.memory_space<vmem>> -> memref<128x128xf32, #tpu.memory_space<vmem>>
        %dma_wait3A_568 = arith.constant 0 : i32
        %dma_wait3A_569 = tpu.memref_slice %arg11[%mul3A_482, %dma_wait3A_568] : memref<160x128xi32, #tpu.memory_space<vmem>> -> memref<1x128xi32, #tpu.memory_space<vmem>>
        %dma_wait3A_570 = tpu.memref_squeeze %dma_wait3A_569 : memref<1x128xi32, #tpu.memory_space<vmem>> -> memref<128xi32, #tpu.memory_space<vmem>>
        %dma_wait3A_571 = arith.constant 0 : i32
        %dma_wait3A_572 = arith.constant 0 : i32
        %dma_wait3A_573 = tpu.memref_slice %arg14[%dma_wait3A_571, %dma_wait3A_572] : memref<5184x128xf32, #tpu.memory_space<vmem_shared>> -> memref<5184x128xf32, #tpu.memory_space<vmem_shared>>
        tpu.wait_indirect_dma semaphore(%arg17 : memref<!tpu.dma_semaphore, #tpu.memory_space<semaphore_mem>>) src(%dma_wait3A_567 : memref<128x128xf32, #tpu.memory_space<vmem>>) dst(%dma_wait3A_573 : memref<5184x128xf32, #tpu.memory_space<vmem_shared>>)
      } else {
      }
      %dma_start3A_491 = arith.constant 0 : i32
      %dma_start3A_492 = arith.constant 0 : i32
      %dma_start3A_493 = arith.constant 0 : i32
      %dma_start3A_494 = tpu.memref_slice %arg12[%dma_start3A_491, %dma_start3A_492, %dma_start3A_493] : memref<2x128x128xf32, #tpu.memory_space<vmem>> -> memref<1x128x128xf32, #tpu.memory_space<vmem>>
      %dma_start3A_495 = tpu.memref_squeeze %dma_start3A_494 : memref<1x128x128xf32, #tpu.memory_space<vmem>> -> memref<128x128xf32, #tpu.memory_space<vmem>>
      %dma_start3A_496 = arith.constant 0 : i32
      %dma_start3A_497 = tpu.memref_slice %arg10[%mul3A_482, %dma_start3A_496] : memref<160x128xi32, #tpu.memory_space<vmem>> -> memref<1x128xi32, #tpu.memory_space<vmem>>
      %dma_start3A_498 = tpu.memref_squeeze %dma_start3A_497 : memref<1x128xi32, #tpu.memory_space<vmem>> -> memref<128xi32, #tpu.memory_space<vmem>>
      %dma_start3A_499 = arith.constant 0 : i32
      %dma_start3A_500 = arith.constant 0 : i32
      %dma_start3A_501 = tpu.memref_slice %arg2[%dma_start3A_499, %dma_start3A_500] : memref<10240x128xf32, #tpu.memory_space<hbm>> -> memref<10240x128xf32, #tpu.memory_space<hbm>>
      tpu.enqueue_indirect_dma source(%dma_start3A_501 : memref<10240x128xf32, #tpu.memory_space<hbm>>) target(%dma_start3A_495 : memref<128x128xf32, #tpu.memory_space<vmem>>) offsets(%dma_start3A_498 : memref<128xi32, #tpu.memory_space<vmem>>) semaphore(%arg15 : memref<!tpu.dma_semaphore, #tpu.memory_space<semaphore_mem>>)
      %gt3A_502 = arith.constant 0 : i32
      %gt3A_503 = arith.cmpi sgt, %scan3A_479, %gt3A_502 : i32
      %convert_element_type3A_504 = arith.extui %gt3A_503 : i1 to i32
      %cond3A_505 = arith.constant 0 : i32
      %cond3A_506 = arith.cmpi ne, %convert_element_type3A_504, %cond3A_505 : i32
      scf.if %cond3A_506 {
        %dma_wait3A_563 = arith.constant 1 : i32
        %dma_wait3A_564 = arith.constant 0 : i32
        %dma_wait3A_565 = arith.constant 0 : i32
        %dma_wait3A_566 = tpu.memref_slice %arg12[%dma_wait3A_563, %dma_wait3A_564, %dma_wait3A_565] : memref<2x128x128xf32, #tpu.memory_space<vmem>> -> memref<1x128x128xf32, #tpu.memory_space<vmem>>
        %dma_wait3A_567 = tpu.memref_squeeze %dma_wait3A_566 : memref<1x128x128xf32, #tpu.memory_space<vmem>> -> memref<128x128xf32, #tpu.memory_space<vmem>>
        %dma_wait3A_568 = arith.constant 0 : i32
        %dma_wait3A_569 = tpu.memref_slice %arg11[%add3A_486, %dma_wait3A_568] : memref<160x128xi32, #tpu.memory_space<vmem>> -> memref<1x128xi32, #tpu.memory_space<vmem>>
        %dma_wait3A_570 = tpu.memref_squeeze %dma_wait3A_569 : memref<1x128xi32, #tpu.memory_space<vmem>> -> memref<128xi32, #tpu.memory_space<vmem>>
        %dma_wait3A_571 = arith.constant 0 : i32
        %dma_wait3A_572 = arith.constant 0 : i32
        %dma_wait3A_573 = tpu.memref_slice %arg14[%dma_wait3A_571, %dma_wait3A_572] : memref<5184x128xf32, #tpu.memory_space<vmem_shared>> -> memref<5184x128xf32, #tpu.memory_space<vmem_shared>>
        tpu.wait_indirect_dma semaphore(%arg18 : memref<!tpu.dma_semaphore, #tpu.memory_space<semaphore_mem>>) src(%dma_wait3A_567 : memref<128x128xf32, #tpu.memory_space<vmem>>) dst(%dma_wait3A_573 : memref<5184x128xf32, #tpu.memory_space<vmem_shared>>)
      } else {
      }
      %dma_start3A_507 = arith.constant 1 : i32
      %dma_start3A_508 = arith.constant 0 : i32
      %dma_start3A_509 = arith.constant 0 : i32
      %dma_start3A_510 = tpu.memref_slice %arg12[%dma_start3A_507, %dma_start3A_508, %dma_start3A_509] : memref<2x128x128xf32, #tpu.memory_space<vmem>> -> memref<1x128x128xf32, #tpu.memory_space<vmem>>
      %dma_start3A_511 = tpu.memref_squeeze %dma_start3A_510 : memref<1x128x128xf32, #tpu.memory_space<vmem>> -> memref<128x128xf32, #tpu.memory_space<vmem>>
      %dma_start3A_512 = arith.constant 0 : i32
      %dma_start3A_513 = tpu.memref_slice %arg10[%add3A_486, %dma_start3A_512] : memref<160x128xi32, #tpu.memory_space<vmem>> -> memref<1x128xi32, #tpu.memory_space<vmem>>
      %dma_start3A_514 = tpu.memref_squeeze %dma_start3A_513 : memref<1x128xi32, #tpu.memory_space<vmem>> -> memref<128xi32, #tpu.memory_space<vmem>>
      %dma_start3A_515 = arith.constant 0 : i32
      %dma_start3A_516 = arith.constant 0 : i32
      %dma_start3A_517 = tpu.memref_slice %arg2[%dma_start3A_515, %dma_start3A_516] : memref<10240x128xf32, #tpu.memory_space<hbm>> -> memref<10240x128xf32, #tpu.memory_space<hbm>>
      tpu.enqueue_indirect_dma source(%dma_start3A_517 : memref<10240x128xf32, #tpu.memory_space<hbm>>) target(%dma_start3A_511 : memref<128x128xf32, #tpu.memory_space<vmem>>) offsets(%dma_start3A_514 : memref<128xi32, #tpu.memory_space<vmem>>) semaphore(%arg16 : memref<!tpu.dma_semaphore, #tpu.memory_space<semaphore_mem>>)
      %dma_wait3A_518 = arith.constant 0 : i32
      %dma_wait3A_519 = arith.constant 0 : i32
      %dma_wait3A_520 = arith.constant 0 : i32
      %dma_wait3A_521 = tpu.memref_slice %arg12[%dma_wait3A_518, %dma_wait3A_519, %dma_wait3A_520] : memref<2x128x128xf32, #tpu.memory_space<vmem>> -> memref<1x128x128xf32, #tpu.memory_space<vmem>>
      %dma_wait3A_522 = tpu.memref_squeeze %dma_wait3A_521 : memref<1x128x128xf32, #tpu.memory_space<vmem>> -> memref<128x128xf32, #tpu.memory_space<vmem>>
      %dma_wait3A_523 = arith.constant 0 : i32
      %dma_wait3A_524 = tpu.memref_slice %arg10[%mul3A_482, %dma_wait3A_523] : memref<160x128xi32, #tpu.memory_space<vmem>> -> memref<1x128xi32, #tpu.memory_space<vmem>>
      %dma_wait3A_525 = tpu.memref_squeeze %dma_wait3A_524 : memref<1x128xi32, #tpu.memory_space<vmem>> -> memref<128xi32, #tpu.memory_space<vmem>>
      %dma_wait3A_526 = arith.constant 0 : i32
      %dma_wait3A_527 = arith.constant 0 : i32
      %dma_wait3A_528 = tpu.memref_slice %arg2[%dma_wait3A_526, %dma_wait3A_527] : memref<10240x128xf32, #tpu.memory_space<hbm>> -> memref<10240x128xf32, #tpu.memory_space<hbm>>
      tpu.wait_indirect_dma semaphore(%arg15 : memref<!tpu.dma_semaphore, #tpu.memory_space<semaphore_mem>>) src(%dma_wait3A_528 : memref<10240x128xf32, #tpu.memory_space<hbm>>) dst(%dma_wait3A_522 : memref<128x128xf32, #tpu.memory_space<vmem>>)
      %dma_start3A_529 = arith.constant 0 : i32
      %dma_start3A_530 = arith.constant 0 : i32
      %dma_start3A_531 = arith.constant 0 : i32
      %dma_start3A_532 = tpu.memref_slice %arg12[%dma_start3A_529, %dma_start3A_530, %dma_start3A_531] : memref<2x128x128xf32, #tpu.memory_space<vmem>> -> memref<1x128x128xf32, #tpu.memory_space<vmem>>
      %dma_start3A_533 = tpu.memref_squeeze %dma_start3A_532 : memref<1x128x128xf32, #tpu.memory_space<vmem>> -> memref<128x128xf32, #tpu.memory_space<vmem>>
      %dma_start3A_534 = arith.constant 0 : i32
      %dma_start3A_535 = tpu.memref_slice %arg11[%mul3A_482, %dma_start3A_534] : memref<160x128xi32, #tpu.memory_space<vmem>> -> memref<1x128xi32, #tpu.memory_space<vmem>>
      %dma_start3A_536 = tpu.memref_squeeze %dma_start3A_535 : memref<1x128xi32, #tpu.memory_space<vmem>> -> memref<128xi32, #tpu.memory_space<vmem>>
      %dma_start3A_537 = arith.constant 0 : i32
      %dma_start3A_538 = arith.constant 0 : i32
      %dma_start3A_539 = tpu.memref_slice %arg14[%dma_start3A_537, %dma_start3A_538] : memref<5184x128xf32, #tpu.memory_space<vmem_shared>> -> memref<5184x128xf32, #tpu.memory_space<vmem_shared>>
      tpu.enqueue_indirect_dma source(%dma_start3A_533 : memref<128x128xf32, #tpu.memory_space<vmem>>) target(%dma_start3A_539 : memref<5184x128xf32, #tpu.memory_space<vmem_shared>>) offsets(%dma_start3A_536 : memref<128xi32, #tpu.memory_space<vmem>>) semaphore(%arg17 : memref<!tpu.dma_semaphore, #tpu.memory_space<semaphore_mem>>) {add = true}
      %dma_wait3A_540 = arith.constant 1 : i32
      %dma_wait3A_541 = arith.constant 0 : i32
      %dma_wait3A_542 = arith.constant 0 : i32
      %dma_wait3A_543 = tpu.memref_slice %arg12[%dma_wait3A_540, %dma_wait3A_541, %dma_wait3A_542] : memref<2x128x128xf32, #tpu.memory_space<vmem>> -> memref<1x128x128xf32, #tpu.memory_space<vmem>>
      %dma_wait3A_544 = tpu.memref_squeeze %dma_wait3A_543 : memref<1x128x128xf32, #tpu.memory_space<vmem>> -> memref<128x128xf32, #tpu.memory_space<vmem>>
      %dma_wait3A_545 = arith.constant 0 : i32
      %dma_wait3A_546 = tpu.memref_slice %arg10[%add3A_486, %dma_wait3A_545] : memref<160x128xi32, #tpu.memory_space<vmem>> -> memref<1x128xi32, #tpu.memory_space<vmem>>
      %dma_wait3A_547 = tpu.memref_squeeze %dma_wait3A_546 : memref<1x128xi32, #tpu.memory_space<vmem>> -> memref<128xi32, #tpu.memory_space<vmem>>
      %dma_wait3A_548 = arith.constant 0 : i32
      %dma_wait3A_549 = arith.constant 0 : i32
      %dma_wait3A_550 = tpu.memref_slice %arg2[%dma_wait3A_548, %dma_wait3A_549] : memref<10240x128xf32, #tpu.memory_space<hbm>> -> memref<10240x128xf32, #tpu.memory_space<hbm>>
      tpu.wait_indirect_dma semaphore(%arg16 : memref<!tpu.dma_semaphore, #tpu.memory_space<semaphore_mem>>) src(%dma_wait3A_550 : memref<10240x128xf32, #tpu.memory_space<hbm>>) dst(%dma_wait3A_544 : memref<128x128xf32, #tpu.memory_space<vmem>>)
      %dma_start3A_551 = arith.constant 1 : i32
      %dma_start3A_552 = arith.constant 0 : i32
      %dma_start3A_553 = arith.constant 0 : i32
      %dma_start3A_554 = tpu.memref_slice %arg12[%dma_start3A_551, %dma_start3A_552, %dma_start3A_553] : memref<2x128x128xf32, #tpu.memory_space<vmem>> -> memref<1x128x128xf32, #tpu.memory_space<vmem>>
      %dma_start3A_555 = tpu.memref_squeeze %dma_start3A_554 : memref<1x128x128xf32, #tpu.memory_space<vmem>> -> memref<128x128xf32, #tpu.memory_space<vmem>>
      %dma_start3A_556 = arith.constant 0 : i32
      %dma_start3A_557 = tpu.memref_slice %arg11[%add3A_486, %dma_start3A_556] : memref<160x128xi32, #tpu.memory_space<vmem>> -> memref<1x128xi32, #tpu.memory_space<vmem>>
      %dma_start3A_558 = tpu.memref_squeeze %dma_start3A_557 : memref<1x128xi32, #tpu.memory_space<vmem>> -> memref<128xi32, #tpu.memory_space<vmem>>
      %dma_start3A_559 = arith.constant 0 : i32
      %dma_start3A_560 = arith.constant 0 : i32
      %dma_start3A_561 = tpu.memref_slice %arg14[%dma_start3A_559, %dma_start3A_560] : memref<5184x128xf32, #tpu.memory_space<vmem_shared>> -> memref<5184x128xf32, #tpu.memory_space<vmem_shared>>
      tpu.enqueue_indirect_dma source(%dma_start3A_555 : memref<128x128xf32, #tpu.memory_space<vmem>>) target(%dma_start3A_561 : memref<5184x128xf32, #tpu.memory_space<vmem_shared>>) offsets(%dma_start3A_558 : memref<128xi32, #tpu.memory_space<vmem>>) semaphore(%arg18 : memref<!tpu.dma_semaphore, #tpu.memory_space<semaphore_mem>>) {add = true}
      %scan3A_562 = arith.constant 0 : i32
      scf.yield %scan3A_562 : i32
    }
    %scan3A_68 = arith.constant 80 : i32
    %dma_wait3A = arith.constant 0 : i32
    %dma_wait3A_69 = arith.constant 0 : i32
    %dma_wait3A_70 = arith.constant 0 : i32
    %dma_wait3A_71 = arith.constant 0 : i32
    %dma_wait3A_72 = tpu.memref_slice %arg12[%dma_wait3A, %dma_wait3A_70, %dma_wait3A_71] : memref<2x128x128xf32, #tpu.memory_space<vmem>> -> memref<1x128x128xf32, #tpu.memory_space<vmem>>
    %dma_wait3A_73 = tpu.memref_squeeze %dma_wait3A_72 : memref<1x128x128xf32, #tpu.memory_space<vmem>> -> memref<128x128xf32, #tpu.memory_space<vmem>>
    %dma_wait3A_74 = arith.constant 0 : i32
    %dma_wait3A_75 = tpu.memref_slice %arg11[%dma_wait3A_69, %dma_wait3A_74] : memref<160x128xi32, #tpu.memory_space<vmem>> -> memref<1x128xi32, #tpu.memory_space<vmem>>
    %dma_wait3A_76 = tpu.memref_squeeze %dma_wait3A_75 : memref<1x128xi32, #tpu.memory_space<vmem>> -> memref<128xi32, #tpu.memory_space<vmem>>
    %dma_wait3A_77 = arith.constant 0 : i32
    %dma_wait3A_78 = arith.constant 0 : i32
    %dma_wait3A_79 = tpu.memref_slice %arg14[%dma_wait3A_77, %dma_wait3A_78] : memref<5184x128xf32, #tpu.memory_space<vmem_shared>> -> memref<5184x128xf32, #tpu.memory_space<vmem_shared>>
    tpu.wait_indirect_dma semaphore(%arg17 : memref<!tpu.dma_semaphore, #tpu.memory_space<semaphore_mem>>) src(%dma_wait3A_73 : memref<128x128xf32, #tpu.memory_space<vmem>>) dst(%dma_wait3A_79 : memref<5184x128xf32, #tpu.memory_space<vmem_shared>>)
    %dma_wait3A_80 = arith.constant 1 : i32
    %dma_wait3A_81 = arith.constant 1 : i32
    %dma_wait3A_82 = arith.constant 0 : i32
    %dma_wait3A_83 = arith.constant 0 : i32
    %dma_wait3A_84 = tpu.memref_slice %arg12[%dma_wait3A_80, %dma_wait3A_82, %dma_wait3A_83] : memref<2x128x128xf32, #tpu.memory_space<vmem>> -> memref<1x128x128xf32, #tpu.memory_space<vmem>>
    %dma_wait3A_85 = tpu.memref_squeeze %dma_wait3A_84 : memref<1x128x128xf32, #tpu.memory_space<vmem>> -> memref<128x128xf32, #tpu.memory_space<vmem>>
    %dma_wait3A_86 = arith.constant 0 : i32
    %dma_wait3A_87 = tpu.memref_slice %arg11[%dma_wait3A_81, %dma_wait3A_86] : memref<160x128xi32, #tpu.memory_space<vmem>> -> memref<1x128xi32, #tpu.memory_space<vmem>>
    %dma_wait3A_88 = tpu.memref_squeeze %dma_wait3A_87 : memref<1x128xi32, #tpu.memory_space<vmem>> -> memref<128xi32, #tpu.memory_space<vmem>>
    %dma_wait3A_89 = arith.constant 0 : i32
    %dma_wait3A_90 = arith.constant 0 : i32
    %dma_wait3A_91 = tpu.memref_slice %arg14[%dma_wait3A_89, %dma_wait3A_90] : memref<5184x128xf32, #tpu.memory_space<vmem_shared>> -> memref<5184x128xf32, #tpu.memory_space<vmem_shared>>
    tpu.wait_indirect_dma semaphore(%arg18 : memref<!tpu.dma_semaphore, #tpu.memory_space<semaphore_mem>>) src(%dma_wait3A_85 : memref<128x128xf32, #tpu.memory_space<vmem>>) dst(%dma_wait3A_91 : memref<5184x128xf32, #tpu.memory_space<vmem_shared>>)
    %barrier3A_92 = arith.constant 0 : index
    tpu.barrier barrier_id(%barrier3A_92)
    %mul3A_93 = arith.constant 320 : i32
    %mul3A_94 = arith.muli %arg1, %mul3A_93 : i32
    %add3A_95 = arith.constant 0 : i32
    %add3A_96 = arith.addi %mul3A_94, %add3A_95 : i32
    %add3A_97 = arith.constant 0 : i32
    %add3A_98 = arith.addi %add3A_37, %add3A_97 : i32
    %dma_start3A = arith.constant 1 : i32
    %dma_start3A_99 = arith.constant 0 : i32
    %dma_start3A_100 = arith.constant 0 : i32
    %dma_start3A_101 = tpu.memref_slice %arg12[%dma_start3A, %dma_start3A_99, %dma_start3A_100] : memref<2x128x128xf32, #tpu.memory_space<vmem>> -> memref<1x64x128xf32, #tpu.memory_space<vmem>>
    %dma_start3A_102 = tpu.memref_squeeze %dma_start3A_101 : memref<1x64x128xf32, #tpu.memory_space<vmem>> -> memref<64x128xf32, #tpu.memory_space<vmem>>
    %dma_start3A_103 = arith.constant 0 : i32
    %dma_start3A_104 = tpu.memref_slice %arg2[%add3A_98, %dma_start3A_103] : memref<10240x128xf32, #tpu.memory_space<hbm>> -> memref<64x128xf32, #tpu.memory_space<hbm>>
    %dma_start3A_105 = arith.constant 0 : i32
    %dma_start3A_106 = arith.constant 0 : i32
    %dma_start3A_107 = tpu.memref_slice %arg12[%dma_start3A, %dma_start3A_105, %dma_start3A_106] : memref<2x128x128xf32, #tpu.memory_space<vmem>> -> memref<1x64x128xf32, #tpu.memory_space<vmem>>
    %dma_start3A_108 = tpu.memref_squeeze %dma_start3A_107 : memref<1x64x128xf32, #tpu.memory_space<vmem>> -> memref<64x128xf32, #tpu.memory_space<vmem>>
    %dma_start3A_109 = arith.constant 0 : i32
    %dma_start3A_110 = tpu.memref_slice %arg2[%add3A_98, %dma_start3A_109] : memref<10240x128xf32, #tpu.memory_space<hbm>> -> memref<64x128xf32, #tpu.memory_space<hbm>>
    tpu.enqueue_dma source(%dma_start3A_110 : memref<64x128xf32, #tpu.memory_space<hbm>>) target(%dma_start3A_108 : memref<64x128xf32, #tpu.memory_space<vmem>>) target_semaphore(%arg19 : memref<!tpu.dma_semaphore, #tpu.memory_space<semaphore_mem>>)
    %dma_start3A_111 = arith.constant 0 : i32
    %dma_start3A_112 = arith.constant 64 : i32
    %dma_start3A_113 = arith.constant 0 : i32
    %dma_start3A_114 = tpu.memref_slice %arg12[%dma_start3A_111, %dma_start3A_112, %dma_start3A_113] : memref<2x128x128xf32, #tpu.memory_space<vmem>> -> memref<1x64x128xf32, #tpu.memory_space<vmem>>
    %dma_start3A_115 = tpu.memref_squeeze %dma_start3A_114 : memref<1x64x128xf32, #tpu.memory_space<vmem>> -> memref<64x128xf32, #tpu.memory_space<vmem>>
    %dma_start3A_116 = arith.constant 0 : i32
    %dma_start3A_117 = tpu.memref_slice %arg3[%add3A_98, %dma_start3A_116] : memref<10240x128xf32, #tpu.memory_space<hbm>> -> memref<64x128xf32, #tpu.memory_space<hbm>>
    %dma_start3A_118 = arith.constant 64 : i32
    %dma_start3A_119 = arith.constant 0 : i32
    %dma_start3A_120 = tpu.memref_slice %arg12[%dma_start3A_111, %dma_start3A_118, %dma_start3A_119] : memref<2x128x128xf32, #tpu.memory_space<vmem>> -> memref<1x64x128xf32, #tpu.memory_space<vmem>>
    %dma_start3A_121 = tpu.memref_squeeze %dma_start3A_120 : memref<1x64x128xf32, #tpu.memory_space<vmem>> -> memref<64x128xf32, #tpu.memory_space<vmem>>
    %dma_start3A_122 = arith.constant 0 : i32
    %dma_start3A_123 = tpu.memref_slice %arg3[%add3A_98, %dma_start3A_122] : memref<10240x128xf32, #tpu.memory_space<hbm>> -> memref<64x128xf32, #tpu.memory_space<hbm>>
    tpu.enqueue_dma source(%dma_start3A_123 : memref<64x128xf32, #tpu.memory_space<hbm>>) target(%dma_start3A_121 : memref<64x128xf32, #tpu.memory_space<vmem>>) target_semaphore(%arg19 : memref<!tpu.dma_semaphore, #tpu.memory_space<semaphore_mem>>)
    %run_scoped3A_124 = arith.constant 0 : i32
    "tpu.region"() ({
      %run_scoped3A_479 = tpu.sem_alloc : memref<!tpu.dma_semaphore, #tpu.memory_space<semaphore_mem>>
      %dma_start3A_480 = arith.constant 0 : i32
      %dma_start3A_481 = arith.constant 0 : i32
      %dma_start3A_482 = tpu.memref_slice %arg12[%run_scoped3A_124, %dma_start3A_480, %dma_start3A_481] : memref<2x128x128xf32, #tpu.memory_space<vmem>> -> memref<1x64x128xf32, #tpu.memory_space<vmem>>
      %dma_start3A_483 = tpu.memref_squeeze %dma_start3A_482 : memref<1x64x128xf32, #tpu.memory_space<vmem>> -> memref<64x128xf32, #tpu.memory_space<vmem>>
      %dma_start3A_484 = arith.constant 0 : i32
      %dma_start3A_485 = tpu.memref_slice %arg14[%add3A_96, %dma_start3A_484] : memref<5184x128xf32, #tpu.memory_space<vmem_shared>> -> memref<64x128xf32, #tpu.memory_space<vmem_shared>>
      %dma_start3A_486 = arith.constant 0 : i32
      %dma_start3A_487 = arith.constant 0 : i32
      %dma_start3A_488 = tpu.memref_slice %arg12[%run_scoped3A_124, %dma_start3A_486, %dma_start3A_487] : memref<2x128x128xf32, #tpu.memory_space<vmem>> -> memref<1x64x128xf32, #tpu.memory_space<vmem>>
      %dma_start3A_489 = tpu.memref_squeeze %dma_start3A_488 : memref<1x64x128xf32, #tpu.memory_space<vmem>> -> memref<64x128xf32, #tpu.memory_space<vmem>>
      %dma_start3A_490 = arith.constant 0 : i32
      %dma_start3A_491 = tpu.memref_slice %arg14[%add3A_96, %dma_start3A_490] : memref<5184x128xf32, #tpu.memory_space<vmem_shared>> -> memref<64x128xf32, #tpu.memory_space<vmem_shared>>
      tpu.enqueue_dma source(%dma_start3A_491 : memref<64x128xf32, #tpu.memory_space<vmem_shared>>) target(%dma_start3A_489 : memref<64x128xf32, #tpu.memory_space<vmem>>) target_semaphore(%run_scoped3A_479 : memref<!tpu.dma_semaphore, #tpu.memory_space<semaphore_mem>>)
      %dma_wait3A_492 = arith.constant 0 : i32
      %dma_wait3A_493 = arith.constant 0 : i32
      %dma_wait3A_494 = tpu.memref_slice %arg12[%run_scoped3A_124, %dma_wait3A_492, %dma_wait3A_493] : memref<2x128x128xf32, #tpu.memory_space<vmem>> -> memref<1x64x128xf32, #tpu.memory_space<vmem>>
      %dma_wait3A_495 = tpu.memref_squeeze %dma_wait3A_494 : memref<1x64x128xf32, #tpu.memory_space<vmem>> -> memref<64x128xf32, #tpu.memory_space<vmem>>
      %dma_wait3A_496 = arith.constant 0 : i32
      %dma_wait3A_497 = tpu.memref_slice %arg14[%add3A_96, %dma_wait3A_496] : memref<5184x128xf32, #tpu.memory_space<vmem_shared>> -> memref<64x128xf32, #tpu.memory_space<vmem_shared>>
      %dma_wait3A_498 = arith.constant 0 : i32
      %dma_wait3A_499 = arith.constant 0 : i32
      %dma_wait3A_500 = tpu.memref_slice %arg12[%run_scoped3A_124, %dma_wait3A_498, %dma_wait3A_499] : memref<2x128x128xf32, #tpu.memory_space<vmem>> -> memref<1x64x128xf32, #tpu.memory_space<vmem>>
      %dma_wait3A_501 = tpu.memref_squeeze %dma_wait3A_500 : memref<1x64x128xf32, #tpu.memory_space<vmem>> -> memref<64x128xf32, #tpu.memory_space<vmem>>
      %dma_wait3A_502 = arith.constant 0 : i32
      %dma_wait3A_503 = tpu.memref_slice %arg14[%add3A_96, %dma_wait3A_502] : memref<5184x128xf32, #tpu.memory_space<vmem_shared>> -> memref<64x128xf32, #tpu.memory_space<vmem_shared>>
      tpu.wait_dma2 semaphore(%run_scoped3A_479 : memref<!tpu.dma_semaphore, #tpu.memory_space<semaphore_mem>>) src(%dma_wait3A_503 : memref<64x128xf32, #tpu.memory_space<vmem_shared>>) dst(%dma_wait3A_501 : memref<64x128xf32, #tpu.memory_space<vmem>>)
      tpu.yield
    }) : () -> ()
    %dma_wait3A_125 = arith.constant 1 : i32
    %dma_wait3A_126 = arith.constant 0 : i32
    %dma_wait3A_127 = arith.constant 0 : i32
    %dma_wait3A_128 = tpu.memref_slice %arg12[%dma_wait3A_125, %dma_wait3A_126, %dma_wait3A_127] : memref<2x128x128xf32, #tpu.memory_space<vmem>> -> memref<1x64x128xf32, #tpu.memory_space<vmem>>
    %dma_wait3A_129 = tpu.memref_squeeze %dma_wait3A_128 : memref<1x64x128xf32, #tpu.memory_space<vmem>> -> memref<64x128xf32, #tpu.memory_space<vmem>>
    %dma_wait3A_130 = arith.constant 0 : i32
    %dma_wait3A_131 = tpu.memref_slice %arg2[%add3A_98, %dma_wait3A_130] : memref<10240x128xf32, #tpu.memory_space<hbm>> -> memref<64x128xf32, #tpu.memory_space<hbm>>
    %dma_wait3A_132 = arith.constant 0 : i32
    %dma_wait3A_133 = arith.constant 0 : i32
    %dma_wait3A_134 = tpu.memref_slice %arg12[%dma_wait3A_125, %dma_wait3A_132, %dma_wait3A_133] : memref<2x128x128xf32, #tpu.memory_space<vmem>> -> memref<1x64x128xf32, #tpu.memory_space<vmem>>
    %dma_wait3A_135 = tpu.memref_squeeze %dma_wait3A_134 : memref<1x64x128xf32, #tpu.memory_space<vmem>> -> memref<64x128xf32, #tpu.memory_space<vmem>>
    %dma_wait3A_136 = arith.constant 0 : i32
    %dma_wait3A_137 = tpu.memref_slice %arg2[%add3A_98, %dma_wait3A_136] : memref<10240x128xf32, #tpu.memory_space<hbm>> -> memref<64x128xf32, #tpu.memory_space<hbm>>
    tpu.wait_dma2 semaphore(%arg19 : memref<!tpu.dma_semaphore, #tpu.memory_space<semaphore_mem>>) src(%dma_wait3A_137 : memref<64x128xf32, #tpu.memory_space<hbm>>) dst(%dma_wait3A_135 : memref<64x128xf32, #tpu.memory_space<vmem>>)
    %dma_wait3A_138 = arith.constant 0 : i32
    %dma_wait3A_139 = arith.constant 64 : i32
    %dma_wait3A_140 = arith.constant 0 : i32
    %dma_wait3A_141 = tpu.memref_slice %arg12[%dma_wait3A_138, %dma_wait3A_139, %dma_wait3A_140] : memref<2x128x128xf32, #tpu.memory_space<vmem>> -> memref<1x64x128xf32, #tpu.memory_space<vmem>>
    %dma_wait3A_142 = tpu.memref_squeeze %dma_wait3A_141 : memref<1x64x128xf32, #tpu.memory_space<vmem>> -> memref<64x128xf32, #tpu.memory_space<vmem>>
    %dma_wait3A_143 = arith.constant 0 : i32
    %dma_wait3A_144 = tpu.memref_slice %arg3[%add3A_98, %dma_wait3A_143] : memref<10240x128xf32, #tpu.memory_space<hbm>> -> memref<64x128xf32, #tpu.memory_space<hbm>>
    %dma_wait3A_145 = arith.constant 64 : i32
    %dma_wait3A_146 = arith.constant 0 : i32
    %dma_wait3A_147 = tpu.memref_slice %arg12[%dma_wait3A_138, %dma_wait3A_145, %dma_wait3A_146] : memref<2x128x128xf32, #tpu.memory_space<vmem>> -> memref<1x64x128xf32, #tpu.memory_space<vmem>>
    %dma_wait3A_148 = tpu.memref_squeeze %dma_wait3A_147 : memref<1x64x128xf32, #tpu.memory_space<vmem>> -> memref<64x128xf32, #tpu.memory_space<vmem>>
    %dma_wait3A_149 = arith.constant 0 : i32
    %dma_wait3A_150 = tpu.memref_slice %arg3[%add3A_98, %dma_wait3A_149] : memref<10240x128xf32, #tpu.memory_space<hbm>> -> memref<64x128xf32, #tpu.memory_space<hbm>>
    tpu.wait_dma2 semaphore(%arg19 : memref<!tpu.dma_semaphore, #tpu.memory_space<semaphore_mem>>) src(%dma_wait3A_150 : memref<64x128xf32, #tpu.memory_space<hbm>>) dst(%dma_wait3A_148 : memref<64x128xf32, #tpu.memory_space<vmem>>)
    %scan3A_151 = arith.constant 0 : i32
    %scan3A_152 = arith.constant 0 : i32
    %scan3A_153 = arith.constant 64 : i32
    %scan3A_154 = arith.addi %scan3A_152, %scan3A_153 : i32
    %scan3A_155 = arith.constant 1 : i32
    %scan3A_156 = scf.for %scan3A_479 = %scan3A_152 to %scan3A_154 step %scan3A_155 iter_args(%scan3A_480 = %scan3A_151) -> (i32)  : i32 {
      %get3A = arith.constant 0 : i32
      %get3A_481 = arith.index_cast %get3A : i32 to index
      %get3A_482 = arith.index_cast %scan3A_479 : i32 to index
      %get3A_483 = arith.constant 0 : index
      %get3A_484 = tpu.vector_load %arg12[%get3A_481, %get3A_482, %get3A_483] {strides = array<i32>} : memref<2x128x128xf32, #tpu.memory_space<vmem>>, vector<1x1x16xf32>,
      %get3A_485 = vector.shape_cast %get3A_484 : vector<1x1x16xf32> to vector<16xf32>
      %get3A_486 = arith.constant 1 : i32
      %get3A_487 = arith.index_cast %get3A_486 : i32 to index
      %get3A_488 = arith.index_cast %scan3A_479 : i32 to index
      %get3A_489 = arith.constant 0 : index
      %get3A_490 = tpu.vector_load %arg12[%get3A_487, %get3A_488, %get3A_489] {strides = array<i32>} : memref<2x128x128xf32, #tpu.memory_space<vmem>>, vector<1x1x16xf32>,
      %get3A_491 = vector.shape_cast %get3A_490 : vector<1x1x16xf32> to vector<16xf32>
      %add3A_492 = arith.addf %get3A_485, %get3A_491 : vector<16xf32>
      %add3A_493 = arith.constant 64 : i32
      %add3A_494 = arith.addi %add3A_493, %scan3A_479 : i32
      %get3A_495 = arith.constant 0 : i32
      %get3A_496 = arith.index_cast %get3A_495 : i32 to index
      %get3A_497 = arith.index_cast %add3A_494 : i32 to index
      %get3A_498 = arith.constant 0 : index
      %get3A_499 = tpu.vector_load %arg12[%get3A_496, %get3A_497, %get3A_498] {strides = array<i32>} : memref<2x128x128xf32, #tpu.memory_space<vmem>>, vector<1x1x16xf32>,
      %get3A_500 = vector.shape_cast %get3A_499 : vector<1x1x16xf32> to vector<16xf32>
      %mul3A_501 = arith.mulf %add3A_492, %get3A_500 : vector<16xf32>
      %add3A_502 = arith.constant 64 : i32
      %add3A_503 = arith.addi %add3A_502, %scan3A_479 : i32
      %swap3A = arith.constant 1 : i32
      %swap3A_504 = arith.index_cast %swap3A : i32 to index
      %swap3A_505 = arith.index_cast %add3A_503 : i32 to index
      %swap3A_506 = arith.constant 0 : index
      %swap3A_507 = tpu.vector_load %arg12[%swap3A_504, %swap3A_505, %swap3A_506] {strides = array<i32>} : memref<2x128x128xf32, #tpu.memory_space<vmem>>, vector<1x1x16xf32>,
      %swap3A_508 = vector.shape_cast %swap3A_507 : vector<1x1x16xf32> to vector<16xf32>
      %swap3A_509 = vector.shape_cast %mul3A_501 : vector<16xf32> to vector<1x1x16xf32>
      tpu.vector_store %arg12[%swap3A_504, %swap3A_505, %swap3A_506], %swap3A_509 {strides = array<i32>} : memref<2x128x128xf32, #tpu.memory_space<vmem>>, vector<1x1x16xf32>,
      %get3A_510 = arith.constant 0 : i32
      %get3A_511 = arith.index_cast %get3A_510 : i32 to index
      %get3A_512 = arith.index_cast %scan3A_479 : i32 to index
      %get3A_513 = arith.constant 16 : index
      %get3A_514 = tpu.vector_load %arg12[%get3A_511, %get3A_512, %get3A_513] {strides = array<i32>} : memref<2x128x128xf32, #tpu.memory_space<vmem>>, vector<1x1x16xf32>,
      %get3A_515 = vector.shape_cast %get3A_514 : vector<1x1x16xf32> to vector<16xf32>
      %get3A_516 = arith.constant 1 : i32
      %get3A_517 = arith.index_cast %get3A_516 : i32 to index
      %get3A_518 = arith.index_cast %scan3A_479 : i32 to index
      %get3A_519 = arith.constant 16 : index
      %get3A_520 = tpu.vector_load %arg12[%get3A_517, %get3A_518, %get3A_519] {strides = array<i32>} : memref<2x128x128xf32, #tpu.memory_space<vmem>>, vector<1x1x16xf32>,
      %get3A_521 = vector.shape_cast %get3A_520 : vector<1x1x16xf32> to vector<16xf32>
      %add3A_522 = arith.addf %get3A_515, %get3A_521 : vector<16xf32>
      %add3A_523 = arith.constant 64 : i32
      %add3A_524 = arith.addi %add3A_523, %scan3A_479 : i32
      %get3A_525 = arith.constant 0 : i32
      %get3A_526 = arith.index_cast %get3A_525 : i32 to index
      %get3A_527 = arith.index_cast %add3A_524 : i32 to index
      %get3A_528 = arith.constant 16 : index
      %get3A_529 = tpu.vector_load %arg12[%get3A_526, %get3A_527, %get3A_528] {strides = array<i32>} : memref<2x128x128xf32, #tpu.memory_space<vmem>>, vector<1x1x16xf32>,
      %get3A_530 = vector.shape_cast %get3A_529 : vector<1x1x16xf32> to vector<16xf32>
      %mul3A_531 = arith.mulf %add3A_522, %get3A_530 : vector<16xf32>
      %add3A_532 = arith.constant 64 : i32
      %add3A_533 = arith.addi %add3A_532, %scan3A_479 : i32
      %swap3A_534 = arith.constant 1 : i32
      %swap3A_535 = arith.index_cast %swap3A_534 : i32 to index
      %swap3A_536 = arith.index_cast %add3A_533 : i32 to index
      %swap3A_537 = arith.constant 16 : index
      %swap3A_538 = tpu.vector_load %arg12[%swap3A_535, %swap3A_536, %swap3A_537] {strides = array<i32>} : memref<2x128x128xf32, #tpu.memory_space<vmem>>, vector<1x1x16xf32>,
      %swap3A_539 = vector.shape_cast %swap3A_538 : vector<1x1x16xf32> to vector<16xf32>
      %swap3A_540 = vector.shape_cast %mul3A_531 : vector<16xf32> to vector<1x1x16xf32>
      tpu.vector_store %arg12[%swap3A_535, %swap3A_536, %swap3A_537], %swap3A_540 {strides = array<i32>} : memref<2x128x128xf32, #tpu.memory_space<vmem>>, vector<1x1x16xf32>,
      %get3A_541 = arith.constant 0 : i32
      %get3A_542 = arith.index_cast %get3A_541 : i32 to index
      %get3A_543 = arith.index_cast %scan3A_479 : i32 to index
      %get3A_544 = arith.constant 32 : index
      %get3A_545 = tpu.vector_load %arg12[%get3A_542, %get3A_543, %get3A_544] {strides = array<i32>} : memref<2x128x128xf32, #tpu.memory_space<vmem>>, vector<1x1x16xf32>,
      %get3A_546 = vector.shape_cast %get3A_545 : vector<1x1x16xf32> to vector<16xf32>
      %get3A_547 = arith.constant 1 : i32
      %get3A_548 = arith.index_cast %get3A_547 : i32 to index
      %get3A_549 = arith.index_cast %scan3A_479 : i32 to index
      %get3A_550 = arith.constant 32 : index
      %get3A_551 = tpu.vector_load %arg12[%get3A_548, %get3A_549, %get3A_550] {strides = array<i32>} : memref<2x128x128xf32, #tpu.memory_space<vmem>>, vector<1x1x16xf32>,
      %get3A_552 = vector.shape_cast %get3A_551 : vector<1x1x16xf32> to vector<16xf32>
      %add3A_553 = arith.addf %get3A_546, %get3A_552 : vector<16xf32>
      %add3A_554 = arith.constant 64 : i32
      %add3A_555 = arith.addi %add3A_554, %scan3A_479 : i32
      %get3A_556 = arith.constant 0 : i32
      %get3A_557 = arith.index_cast %get3A_556 : i32 to index
      %get3A_558 = arith.index_cast %add3A_555 : i32 to index
      %get3A_559 = arith.constant 32 : index
      %get3A_560 = tpu.vector_load %arg12[%get3A_557, %get3A_558, %get3A_559] {strides = array<i32>} : memref<2x128x128xf32, #tpu.memory_space<vmem>>, vector<1x1x16xf32>,
      %get3A_561 = vector.shape_cast %get3A_560 : vector<1x1x16xf32> to vector<16xf32>
      %mul3A_562 = arith.mulf %add3A_553, %get3A_561 : vector<16xf32>
      %add3A_563 = arith.constant 64 : i32
      %add3A_564 = arith.addi %add3A_563, %scan3A_479 : i32
      %swap3A_565 = arith.constant 1 : i32
      %swap3A_566 = arith.index_cast %swap3A_565 : i32 to index
      %swap3A_567 = arith.index_cast %add3A_564 : i32 to index
      %swap3A_568 = arith.constant 32 : index
      %swap3A_569 = tpu.vector_load %arg12[%swap3A_566, %swap3A_567, %swap3A_568] {strides = array<i32>} : memref<2x128x128xf32, #tpu.memory_space<vmem>>, vector<1x1x16xf32>,
      %swap3A_570 = vector.shape_cast %swap3A_569 : vector<1x1x16xf32> to vector<16xf32>
      %swap3A_571 = vector.shape_cast %mul3A_562 : vector<16xf32> to vector<1x1x16xf32>
      tpu.vector_store %arg12[%swap3A_566, %swap3A_567, %swap3A_568], %swap3A_571 {strides = array<i32>} : memref<2x128x128xf32, #tpu.memory_space<vmem>>, vector<1x1x16xf32>,
      %get3A_572 = arith.constant 0 : i32
      %get3A_573 = arith.index_cast %get3A_572 : i32 to index
      %get3A_574 = arith.index_cast %scan3A_479 : i32 to index
      %get3A_575 = arith.constant 48 : index
      %get3A_576 = tpu.vector_load %arg12[%get3A_573, %get3A_574, %get3A_575] {strides = array<i32>} : memref<2x128x128xf32, #tpu.memory_space<vmem>>, vector<1x1x16xf32>,
      %get3A_577 = vector.shape_cast %get3A_576 : vector<1x1x16xf32> to vector<16xf32>
      %get3A_578 = arith.constant 1 : i32
      %get3A_579 = arith.index_cast %get3A_578 : i32 to index
      %get3A_580 = arith.index_cast %scan3A_479 : i32 to index
      %get3A_581 = arith.constant 48 : index
      %get3A_582 = tpu.vector_load %arg12[%get3A_579, %get3A_580, %get3A_581] {strides = array<i32>} : memref<2x128x128xf32, #tpu.memory_space<vmem>>, vector<1x1x16xf32>,
      %get3A_583 = vector.shape_cast %get3A_582 : vector<1x1x16xf32> to vector<16xf32>
      %add3A_584 = arith.addf %get3A_577, %get3A_583 : vector<16xf32>
      %add3A_585 = arith.constant 64 : i32
      %add3A_586 = arith.addi %add3A_585, %scan3A_479 : i32
      %get3A_587 = arith.constant 0 : i32
      %get3A_588 = arith.index_cast %get3A_587 : i32 to index
      %get3A_589 = arith.index_cast %add3A_586 : i32 to index
      %get3A_590 = arith.constant 48 : index
      %get3A_591 = tpu.vector_load %arg12[%get3A_588, %get3A_589, %get3A_590] {strides = array<i32>} : memref<2x128x128xf32, #tpu.memory_space<vmem>>, vector<1x1x16xf32>,
      %get3A_592 = vector.shape_cast %get3A_591 : vector<1x1x16xf32> to vector<16xf32>
      %mul3A_593 = arith.mulf %add3A_584, %get3A_592 : vector<16xf32>
      %add3A_594 = arith.constant 64 : i32
      %add3A_595 = arith.addi %add3A_594, %scan3A_479 : i32
      %swap3A_596 = arith.constant 1 : i32
      %swap3A_597 = arith.index_cast %swap3A_596 : i32 to index
      %swap3A_598 = arith.index_cast %add3A_595 : i32 to index
      %swap3A_599 = arith.constant 48 : index
      %swap3A_600 = tpu.vector_load %arg12[%swap3A_597, %swap3A_598, %swap3A_599] {strides = array<i32>} : memref<2x128x128xf32, #tpu.memory_space<vmem>>, vector<1x1x16xf32>,
      %swap3A_601 = vector.shape_cast %swap3A_600 : vector<1x1x16xf32> to vector<16xf32>
      %swap3A_602 = vector.shape_cast %mul3A_593 : vector<16xf32> to vector<1x1x16xf32>
      tpu.vector_store %arg12[%swap3A_597, %swap3A_598, %swap3A_599], %swap3A_602 {strides = array<i32>} : memref<2x128x128xf32, #tpu.memory_space<vmem>>, vector<1x1x16xf32>,
      %get3A_603 = arith.constant 0 : i32
      %get3A_604 = arith.index_cast %get3A_603 : i32 to index
      %get3A_605 = arith.index_cast %scan3A_479 : i32 to index
      %get3A_606 = arith.constant 64 : index
      %get3A_607 = tpu.vector_load %arg12[%get3A_604, %get3A_605, %get3A_606] {strides = array<i32>} : memref<2x128x128xf32, #tpu.memory_space<vmem>>, vector<1x1x16xf32>,
      %get3A_608 = vector.shape_cast %get3A_607 : vector<1x1x16xf32> to vector<16xf32>
      %get3A_609 = arith.constant 1 : i32
      %get3A_610 = arith.index_cast %get3A_609 : i32 to index
      %get3A_611 = arith.index_cast %scan3A_479 : i32 to index
      %get3A_612 = arith.constant 64 : index
      %get3A_613 = tpu.vector_load %arg12[%get3A_610, %get3A_611, %get3A_612] {strides = array<i32>} : memref<2x128x128xf32, #tpu.memory_space<vmem>>, vector<1x1x16xf32>,
      %get3A_614 = vector.shape_cast %get3A_613 : vector<1x1x16xf32> to vector<16xf32>
      %add3A_615 = arith.addf %get3A_608, %get3A_614 : vector<16xf32>
      %add3A_616 = arith.constant 64 : i32
      %add3A_617 = arith.addi %add3A_616, %scan3A_479 : i32
      %get3A_618 = arith.constant 0 : i32
      %get3A_619 = arith.index_cast %get3A_618 : i32 to index
      %get3A_620 = arith.index_cast %add3A_617 : i32 to index
      %get3A_621 = arith.constant 64 : index
      %get3A_622 = tpu.vector_load %arg12[%get3A_619, %get3A_620, %get3A_621] {strides = array<i32>} : memref<2x128x128xf32, #tpu.memory_space<vmem>>, vector<1x1x16xf32>,
      %get3A_623 = vector.shape_cast %get3A_622 : vector<1x1x16xf32> to vector<16xf32>
      %mul3A_624 = arith.mulf %add3A_615, %get3A_623 : vector<16xf32>
      %add3A_625 = arith.constant 64 : i32
      %add3A_626 = arith.addi %add3A_625, %scan3A_479 : i32
      %swap3A_627 = arith.constant 1 : i32
      %swap3A_628 = arith.index_cast %swap3A_627 : i32 to index
      %swap3A_629 = arith.index_cast %add3A_626 : i32 to index
      %swap3A_630 = arith.constant 64 : index
      %swap3A_631 = tpu.vector_load %arg12[%swap3A_628, %swap3A_629, %swap3A_630] {strides = array<i32>} : memref<2x128x128xf32, #tpu.memory_space<vmem>>, vector<1x1x16xf32>,
      %swap3A_632 = vector.shape_cast %swap3A_631 : vector<1x1x16xf32> to vector<16xf32>
      %swap3A_633 = vector.shape_cast %mul3A_624 : vector<16xf32> to vector<1x1x16xf32>
      tpu.vector_store %arg12[%swap3A_628, %swap3A_629, %swap3A_630], %swap3A_633 {strides = array<i32>} : memref<2x128x128xf32, #tpu.memory_space<vmem>>, vector<1x1x16xf32>,
      %get3A_634 = arith.constant 0 : i32
      %get3A_635 = arith.index_cast %get3A_634 : i32 to index
      %get3A_636 = arith.index_cast %scan3A_479 : i32 to index
      %get3A_637 = arith.constant 80 : index
      %get3A_638 = tpu.vector_load %arg12[%get3A_635, %get3A_636, %get3A_637] {strides = array<i32>} : memref<2x128x128xf32, #tpu.memory_space<vmem>>, vector<1x1x16xf32>,
      %get3A_639 = vector.shape_cast %get3A_638 : vector<1x1x16xf32> to vector<16xf32>
      %get3A_640 = arith.constant 1 : i32
      %get3A_641 = arith.index_cast %get3A_640 : i32 to index
      %get3A_642 = arith.index_cast %scan3A_479 : i32 to index
      %get3A_643 = arith.constant 80 : index
      %get3A_644 = tpu.vector_load %arg12[%get3A_641, %get3A_642, %get3A_643] {strides = array<i32>} : memref<2x128x128xf32, #tpu.memory_space<vmem>>, vector<1x1x16xf32>,
      %get3A_645 = vector.shape_cast %get3A_644 : vector<1x1x16xf32> to vector<16xf32>
      %add3A_646 = arith.addf %get3A_639, %get3A_645 : vector<16xf32>
      %add3A_647 = arith.constant 64 : i32
      %add3A_648 = arith.addi %add3A_647, %scan3A_479 : i32
      %get3A_649 = arith.constant 0 : i32
      %get3A_650 = arith.index_cast %get3A_649 : i32 to index
      %get3A_651 = arith.index_cast %add3A_648 : i32 to index
      %get3A_652 = arith.constant 80 : index
      %get3A_653 = tpu.vector_load %arg12[%get3A_650, %get3A_651, %get3A_652] {strides = array<i32>} : memref<2x128x128xf32, #tpu.memory_space<vmem>>, vector<1x1x16xf32>,
      %get3A_654 = vector.shape_cast %get3A_653 : vector<1x1x16xf32> to vector<16xf32>
      %mul3A_655 = arith.mulf %add3A_646, %get3A_654 : vector<16xf32>
      %add3A_656 = arith.constant 64 : i32
      %add3A_657 = arith.addi %add3A_656, %scan3A_479 : i32
      %swap3A_658 = arith.constant 1 : i32
      %swap3A_659 = arith.index_cast %swap3A_658 : i32 to index
      %swap3A_660 = arith.index_cast %add3A_657 : i32 to index
      %swap3A_661 = arith.constant 80 : index
      %swap3A_662 = tpu.vector_load %arg12[%swap3A_659, %swap3A_660, %swap3A_661] {strides = array<i32>} : memref<2x128x128xf32, #tpu.memory_space<vmem>>, vector<1x1x16xf32>,
      %swap3A_663 = vector.shape_cast %swap3A_662 : vector<1x1x16xf32> to vector<16xf32>
      %swap3A_664 = vector.shape_cast %mul3A_655 : vector<16xf32> to vector<1x1x16xf32>
      tpu.vector_store %arg12[%swap3A_659, %swap3A_660, %swap3A_661], %swap3A_664 {strides = array<i32>} : memref<2x128x128xf32, #tpu.memory_space<vmem>>, vector<1x1x16xf32>,
      %get3A_665 = arith.constant 0 : i32
      %get3A_666 = arith.index_cast %get3A_665 : i32 to index
      %get3A_667 = arith.index_cast %scan3A_479 : i32 to index
      %get3A_668 = arith.constant 96 : index
      %get3A_669 = tpu.vector_load %arg12[%get3A_666, %get3A_667, %get3A_668] {strides = array<i32>} : memref<2x128x128xf32, #tpu.memory_space<vmem>>, vector<1x1x16xf32>,
      %get3A_670 = vector.shape_cast %get3A_669 : vector<1x1x16xf32> to vector<16xf32>
      %get3A_671 = arith.constant 1 : i32
      %get3A_672 = arith.index_cast %get3A_671 : i32 to index
      %get3A_673 = arith.index_cast %scan3A_479 : i32 to index
      %get3A_674 = arith.constant 96 : index
      %get3A_675 = tpu.vector_load %arg12[%get3A_672, %get3A_673, %get3A_674] {strides = array<i32>} : memref<2x128x128xf32, #tpu.memory_space<vmem>>, vector<1x1x16xf32>,
      %get3A_676 = vector.shape_cast %get3A_675 : vector<1x1x16xf32> to vector<16xf32>
      %add3A_677 = arith.addf %get3A_670, %get3A_676 : vector<16xf32>
      %add3A_678 = arith.constant 64 : i32
      %add3A_679 = arith.addi %add3A_678, %scan3A_479 : i32
      %get3A_680 = arith.constant 0 : i32
      %get3A_681 = arith.index_cast %get3A_680 : i32 to index
      %get3A_682 = arith.index_cast %add3A_679 : i32 to index
      %get3A_683 = arith.constant 96 : index
      %get3A_684 = tpu.vector_load %arg12[%get3A_681, %get3A_682, %get3A_683] {strides = array<i32>} : memref<2x128x128xf32, #tpu.memory_space<vmem>>, vector<1x1x16xf32>,
      %get3A_685 = vector.shape_cast %get3A_684 : vector<1x1x16xf32> to vector<16xf32>
      %mul3A_686 = arith.mulf %add3A_677, %get3A_685 : vector<16xf32>
      %add3A_687 = arith.constant 64 : i32
      %add3A_688 = arith.addi %add3A_687, %scan3A_479 : i32
      %swap3A_689 = arith.constant 1 : i32
      %swap3A_690 = arith.index_cast %swap3A_689 : i32 to index
      %swap3A_691 = arith.index_cast %add3A_688 : i32 to index
      %swap3A_692 = arith.constant 96 : index
      %swap3A_693 = tpu.vector_load %arg12[%swap3A_690, %swap3A_691, %swap3A_692] {strides = array<i32>} : memref<2x128x128xf32, #tpu.memory_space<vmem>>, vector<1x1x16xf32>,
      %swap3A_694 = vector.shape_cast %swap3A_693 : vector<1x1x16xf32> to vector<16xf32>
      %swap3A_695 = vector.shape_cast %mul3A_686 : vector<16xf32> to vector<1x1x16xf32>
      tpu.vector_store %arg12[%swap3A_690, %swap3A_691, %swap3A_692], %swap3A_695 {strides = array<i32>} : memref<2x128x128xf32, #tpu.memory_space<vmem>>, vector<1x1x16xf32>,
      %get3A_696 = arith.constant 0 : i32
      %get3A_697 = arith.index_cast %get3A_696 : i32 to index
      %get3A_698 = arith.index_cast %scan3A_479 : i32 to index
      %get3A_699 = arith.constant 112 : index
      %get3A_700 = tpu.vector_load %arg12[%get3A_697, %get3A_698, %get3A_699] {strides = array<i32>} : memref<2x128x128xf32, #tpu.memory_space<vmem>>, vector<1x1x16xf32>,
      %get3A_701 = vector.shape_cast %get3A_700 : vector<1x1x16xf32> to vector<16xf32>
      %get3A_702 = arith.constant 1 : i32
      %get3A_703 = arith.index_cast %get3A_702 : i32 to index
      %get3A_704 = arith.index_cast %scan3A_479 : i32 to index
      %get3A_705 = arith.constant 112 : index
      %get3A_706 = tpu.vector_load %arg12[%get3A_703, %get3A_704, %get3A_705] {strides = array<i32>} : memref<2x128x128xf32, #tpu.memory_space<vmem>>, vector<1x1x16xf32>,
      %get3A_707 = vector.shape_cast %get3A_706 : vector<1x1x16xf32> to vector<16xf32>
      %add3A_708 = arith.addf %get3A_701, %get3A_707 : vector<16xf32>
      %add3A_709 = arith.constant 64 : i32
      %add3A_710 = arith.addi %add3A_709, %scan3A_479 : i32
      %get3A_711 = arith.constant 0 : i32
      %get3A_712 = arith.index_cast %get3A_711 : i32 to index
      %get3A_713 = arith.index_cast %add3A_710 : i32 to index
      %get3A_714 = arith.constant 112 : index
      %get3A_715 = tpu.vector_load %arg12[%get3A_712, %get3A_713, %get3A_714] {strides = array<i32>} : memref<2x128x128xf32, #tpu.memory_space<vmem>>, vector<1x1x16xf32>,
      %get3A_716 = vector.shape_cast %get3A_715 : vector<1x1x16xf32> to vector<16xf32>
      %mul3A_717 = arith.mulf %add3A_708, %get3A_716 : vector<16xf32>
      %add3A_718 = arith.constant 64 : i32
      %add3A_719 = arith.addi %add3A_718, %scan3A_479 : i32
      %swap3A_720 = arith.constant 1 : i32
      %swap3A_721 = arith.index_cast %swap3A_720 : i32 to index
      %swap3A_722 = arith.index_cast %add3A_719 : i32 to index
      %swap3A_723 = arith.constant 112 : index
      %swap3A_724 = tpu.vector_load %arg12[%swap3A_721, %swap3A_722, %swap3A_723] {strides = array<i32>} : memref<2x128x128xf32, #tpu.memory_space<vmem>>, vector<1x1x16xf32>,
      %swap3A_725 = vector.shape_cast %swap3A_724 : vector<1x1x16xf32> to vector<16xf32>
      %swap3A_726 = vector.shape_cast %mul3A_717 : vector<16xf32> to vector<1x1x16xf32>
      tpu.vector_store %arg12[%swap3A_721, %swap3A_722, %swap3A_723], %swap3A_726 {strides = array<i32>} : memref<2x128x128xf32, #tpu.memory_space<vmem>>, vector<1x1x16xf32>,
      %scan3A_727 = arith.constant 0 : i32
      scf.yield %scan3A_727 : i32
    }
    %scan3A_157 = arith.constant 64 : i32
    %run_scoped3A_158 = arith.constant 1 : i32
    "tpu.region"() ({
      %run_scoped3A_479 = tpu.sem_alloc : memref<!tpu.dma_semaphore, #tpu.memory_space<semaphore_mem>>
      %dma_start3A_480 = arith.constant 64 : i32
      %dma_start3A_481 = arith.constant 0 : i32
      %dma_start3A_482 = tpu.memref_slice %arg12[%run_scoped3A_158, %dma_start3A_480, %dma_start3A_481] : memref<2x128x128xf32, #tpu.memory_space<vmem>> -> memref<1x64x128xf32, #tpu.memory_space<vmem>>
      %dma_start3A_483 = tpu.memref_squeeze %dma_start3A_482 : memref<1x64x128xf32, #tpu.memory_space<vmem>> -> memref<64x128xf32, #tpu.memory_space<vmem>>
      %dma_start3A_484 = arith.constant 0 : i32
      %dma_start3A_485 = tpu.memref_slice %arg7[%add3A_98, %dma_start3A_484] : memref<10240x128xf32, #tpu.memory_space<hbm>> -> memref<64x128xf32, #tpu.memory_space<hbm>>
      %dma_start3A_486 = arith.constant 0 : i32
      %dma_start3A_487 = tpu.memref_slice %arg7[%add3A_98, %dma_start3A_486] : memref<10240x128xf32, #tpu.memory_space<hbm>> -> memref<64x128xf32, #tpu.memory_space<hbm>>
      %dma_start3A_488 = arith.constant 64 : i32
      %dma_start3A_489 = arith.constant 0 : i32
      %dma_start3A_490 = tpu.memref_slice %arg12[%run_scoped3A_158, %dma_start3A_488, %dma_start3A_489] : memref<2x128x128xf32, #tpu.memory_space<vmem>> -> memref<1x64x128xf32, #tpu.memory_space<vmem>>
      %dma_start3A_491 = tpu.memref_squeeze %dma_start3A_490 : memref<1x64x128xf32, #tpu.memory_space<vmem>> -> memref<64x128xf32, #tpu.memory_space<vmem>>
      tpu.enqueue_dma source(%dma_start3A_491 : memref<64x128xf32, #tpu.memory_space<vmem>>) target(%dma_start3A_487 : memref<64x128xf32, #tpu.memory_space<hbm>>) target_semaphore(%run_scoped3A_479 : memref<!tpu.dma_semaphore, #tpu.memory_space<semaphore_mem>>)
      %dma_wait3A_492 = arith.constant 64 : i32
      %dma_wait3A_493 = arith.constant 0 : i32
      %dma_wait3A_494 = tpu.memref_slice %arg12[%run_scoped3A_158, %dma_wait3A_492, %dma_wait3A_493] : memref<2x128x128xf32, #tpu.memory_space<vmem>> -> memref<1x64x128xf32, #tpu.memory_space<vmem>>
      %dma_wait3A_495 = tpu.memref_squeeze %dma_wait3A_494 : memref<1x64x128xf32, #tpu.memory_space<vmem>> -> memref<64x128xf32, #tpu.memory_space<vmem>>
      %dma_wait3A_496 = arith.constant 0 : i32
      %dma_wait3A_497 = tpu.memref_slice %arg7[%add3A_98, %dma_wait3A_496] : memref<10240x128xf32, #tpu.memory_space<hbm>> -> memref<64x128xf32, #tpu.memory_space<hbm>>
      %dma_wait3A_498 = arith.constant 0 : i32
      %dma_wait3A_499 = tpu.memref_slice %arg7[%add3A_98, %dma_wait3A_498] : memref<10240x128xf32, #tpu.memory_space<hbm>> -> memref<64x128xf32, #tpu.memory_space<hbm>>
      %dma_wait3A_500 = arith.constant 64 : i32
      %dma_wait3A_501 = arith.constant 0 : i32
      %dma_wait3A_502 = tpu.memref_slice %arg12[%run_scoped3A_158, %dma_wait3A_500, %dma_wait3A_501] : memref<2x128x128xf32, #tpu.memory_space<vmem>> -> memref<1x64x128xf32, #tpu.memory_space<vmem>>
      %dma_wait3A_503 = tpu.memref_squeeze %dma_wait3A_502 : memref<1x64x128xf32, #tpu.memory_space<vmem>> -> memref<64x128xf32, #tpu.memory_space<vmem>>
      tpu.wait_dma2 semaphore(%run_scoped3A_479 : memref<!tpu.dma_semaphore, #tpu.memory_space<semaphore_mem>>) src(%dma_wait3A_503 : memref<64x128xf32, #tpu.memory_space<vmem>>) dst(%dma_wait3A_499 : memref<64x128xf32, #tpu.memory_space<hbm>>)
      tpu.yield
    }) : () -> ()
    %mul3A_159 = arith.constant 320 : i32
    %mul3A_160 = arith.muli %arg1, %mul3A_159 : i32
    %add3A_161 = arith.constant 64 : i32
    %add3A_162 = arith.addi %mul3A_160, %add3A_161 : i32
    %add3A_163 = arith.constant 64 : i32
    %add3A_164 = arith.addi %add3A_37, %add3A_163 : i32
    %dma_start3A_165 = arith.constant 1 : i32
    %dma_start3A_166 = arith.constant 0 : i32
    %dma_start3A_167 = arith.constant 0 : i32
    %dma_start3A_168 = tpu.memref_slice %arg12[%dma_start3A_165, %dma_start3A_166, %dma_start3A_167] : memref<2x128x128xf32, #tpu.memory_space<vmem>> -> memref<1x64x128xf32, #tpu.memory_space<vmem>>
    %dma_start3A_169 = tpu.memref_squeeze %dma_start3A_168 : memref<1x64x128xf32, #tpu.memory_space<vmem>> -> memref<64x128xf32, #tpu.memory_space<vmem>>
    %dma_start3A_170 = arith.constant 0 : i32
    %dma_start3A_171 = tpu.memref_slice %arg2[%add3A_164, %dma_start3A_170] : memref<10240x128xf32, #tpu.memory_space<hbm>> -> memref<64x128xf32, #tpu.memory_space<hbm>>
    %dma_start3A_172 = arith.constant 0 : i32
    %dma_start3A_173 = arith.constant 0 : i32
    %dma_start3A_174 = tpu.memref_slice %arg12[%dma_start3A_165, %dma_start3A_172, %dma_start3A_173] : memref<2x128x128xf32, #tpu.memory_space<vmem>> -> memref<1x64x128xf32, #tpu.memory_space<vmem>>
    %dma_start3A_175 = tpu.memref_squeeze %dma_start3A_174 : memref<1x64x128xf32, #tpu.memory_space<vmem>> -> memref<64x128xf32, #tpu.memory_space<vmem>>
    %dma_start3A_176 = arith.constant 0 : i32
    %dma_start3A_177 = tpu.memref_slice %arg2[%add3A_164, %dma_start3A_176] : memref<10240x128xf32, #tpu.memory_space<hbm>> -> memref<64x128xf32, #tpu.memory_space<hbm>>
    tpu.enqueue_dma source(%dma_start3A_177 : memref<64x128xf32, #tpu.memory_space<hbm>>) target(%dma_start3A_175 : memref<64x128xf32, #tpu.memory_space<vmem>>) target_semaphore(%arg19 : memref<!tpu.dma_semaphore, #tpu.memory_space<semaphore_mem>>)
    %dma_start3A_178 = arith.constant 0 : i32
    %dma_start3A_179 = arith.constant 64 : i32
    %dma_start3A_180 = arith.constant 0 : i32
    %dma_start3A_181 = tpu.memref_slice %arg12[%dma_start3A_178, %dma_start3A_179, %dma_start3A_180] : memref<2x128x128xf32, #tpu.memory_space<vmem>> -> memref<1x64x128xf32, #tpu.memory_space<vmem>>
    %dma_start3A_182 = tpu.memref_squeeze %dma_start3A_181 : memref<1x64x128xf32, #tpu.memory_space<vmem>> -> memref<64x128xf32, #tpu.memory_space<vmem>>
    %dma_start3A_183 = arith.constant 0 : i32
    %dma_start3A_184 = tpu.memref_slice %arg3[%add3A_164, %dma_start3A_183] : memref<10240x128xf32, #tpu.memory_space<hbm>> -> memref<64x128xf32, #tpu.memory_space<hbm>>
    %dma_start3A_185 = arith.constant 64 : i32
    %dma_start3A_186 = arith.constant 0 : i32
    %dma_start3A_187 = tpu.memref_slice %arg12[%dma_start3A_178, %dma_start3A_185, %dma_start3A_186] : memref<2x128x128xf32, #tpu.memory_space<vmem>> -> memref<1x64x128xf32, #tpu.memory_space<vmem>>
    %dma_start3A_188 = tpu.memref_squeeze %dma_start3A_187 : memref<1x64x128xf32, #tpu.memory_space<vmem>> -> memref<64x128xf32, #tpu.memory_space<vmem>>
    %dma_start3A_189 = arith.constant 0 : i32
    %dma_start3A_190 = tpu.memref_slice %arg3[%add3A_164, %dma_start3A_189] : memref<10240x128xf32, #tpu.memory_space<hbm>> -> memref<64x128xf32, #tpu.memory_space<hbm>>
    tpu.enqueue_dma source(%dma_start3A_190 : memref<64x128xf32, #tpu.memory_space<hbm>>) target(%dma_start3A_188 : memref<64x128xf32, #tpu.memory_space<vmem>>) target_semaphore(%arg19 : memref<!tpu.dma_semaphore, #tpu.memory_space<semaphore_mem>>)
    %run_scoped3A_191 = arith.constant 0 : i32
    "tpu.region"() ({
      %run_scoped3A_479 = tpu.sem_alloc : memref<!tpu.dma_semaphore, #tpu.memory_space<semaphore_mem>>
      %dma_start3A_480 = arith.constant 0 : i32
      %dma_start3A_481 = arith.constant 0 : i32
      %dma_start3A_482 = tpu.memref_slice %arg12[%run_scoped3A_191, %dma_start3A_480, %dma_start3A_481] : memref<2x128x128xf32, #tpu.memory_space<vmem>> -> memref<1x64x128xf32, #tpu.memory_space<vmem>>
      %dma_start3A_483 = tpu.memref_squeeze %dma_start3A_482 : memref<1x64x128xf32, #tpu.memory_space<vmem>> -> memref<64x128xf32, #tpu.memory_space<vmem>>
      %dma_start3A_484 = arith.constant 0 : i32
      %dma_start3A_485 = tpu.memref_slice %arg14[%add3A_162, %dma_start3A_484] : memref<5184x128xf32, #tpu.memory_space<vmem_shared>> -> memref<64x128xf32, #tpu.memory_space<vmem_shared>>
      %dma_start3A_486 = arith.constant 0 : i32
      %dma_start3A_487 = arith.constant 0 : i32
      %dma_start3A_488 = tpu.memref_slice %arg12[%run_scoped3A_191, %dma_start3A_486, %dma_start3A_487] : memref<2x128x128xf32, #tpu.memory_space<vmem>> -> memref<1x64x128xf32, #tpu.memory_space<vmem>>
      %dma_start3A_489 = tpu.memref_squeeze %dma_start3A_488 : memref<1x64x128xf32, #tpu.memory_space<vmem>> -> memref<64x128xf32, #tpu.memory_space<vmem>>
      %dma_start3A_490 = arith.constant 0 : i32
      %dma_start3A_491 = tpu.memref_slice %arg14[%add3A_162, %dma_start3A_490] : memref<5184x128xf32, #tpu.memory_space<vmem_shared>> -> memref<64x128xf32, #tpu.memory_space<vmem_shared>>
      tpu.enqueue_dma source(%dma_start3A_491 : memref<64x128xf32, #tpu.memory_space<vmem_shared>>) target(%dma_start3A_489 : memref<64x128xf32, #tpu.memory_space<vmem>>) target_semaphore(%run_scoped3A_479 : memref<!tpu.dma_semaphore, #tpu.memory_space<semaphore_mem>>)
      %dma_wait3A_492 = arith.constant 0 : i32
      %dma_wait3A_493 = arith.constant 0 : i32
      %dma_wait3A_494 = tpu.memref_slice %arg12[%run_scoped3A_191, %dma_wait3A_492, %dma_wait3A_493] : memref<2x128x128xf32, #tpu.memory_space<vmem>> -> memref<1x64x128xf32, #tpu.memory_space<vmem>>
      %dma_wait3A_495 = tpu.memref_squeeze %dma_wait3A_494 : memref<1x64x128xf32, #tpu.memory_space<vmem>> -> memref<64x128xf32, #tpu.memory_space<vmem>>
      %dma_wait3A_496 = arith.constant 0 : i32
      %dma_wait3A_497 = tpu.memref_slice %arg14[%add3A_162, %dma_wait3A_496] : memref<5184x128xf32, #tpu.memory_space<vmem_shared>> -> memref<64x128xf32, #tpu.memory_space<vmem_shared>>
      %dma_wait3A_498 = arith.constant 0 : i32
      %dma_wait3A_499 = arith.constant 0 : i32
      %dma_wait3A_500 = tpu.memref_slice %arg12[%run_scoped3A_191, %dma_wait3A_498, %dma_wait3A_499] : memref<2x128x128xf32, #tpu.memory_space<vmem>> -> memref<1x64x128xf32, #tpu.memory_space<vmem>>
      %dma_wait3A_501 = tpu.memref_squeeze %dma_wait3A_500 : memref<1x64x128xf32, #tpu.memory_space<vmem>> -> memref<64x128xf32, #tpu.memory_space<vmem>>
      %dma_wait3A_502 = arith.constant 0 : i32
      %dma_wait3A_503 = tpu.memref_slice %arg14[%add3A_162, %dma_wait3A_502] : memref<5184x128xf32, #tpu.memory_space<vmem_shared>> -> memref<64x128xf32, #tpu.memory_space<vmem_shared>>
      tpu.wait_dma2 semaphore(%run_scoped3A_479 : memref<!tpu.dma_semaphore, #tpu.memory_space<semaphore_mem>>) src(%dma_wait3A_503 : memref<64x128xf32, #tpu.memory_space<vmem_shared>>) dst(%dma_wait3A_501 : memref<64x128xf32, #tpu.memory_space<vmem>>)
      tpu.yield
    }) : () -> ()
    %dma_wait3A_192 = arith.constant 1 : i32
    %dma_wait3A_193 = arith.constant 0 : i32
    %dma_wait3A_194 = arith.constant 0 : i32
    %dma_wait3A_195 = tpu.memref_slice %arg12[%dma_wait3A_192, %dma_wait3A_193, %dma_wait3A_194] : memref<2x128x128xf32, #tpu.memory_space<vmem>> -> memref<1x64x128xf32, #tpu.memory_space<vmem>>
    %dma_wait3A_196 = tpu.memref_squeeze %dma_wait3A_195 : memref<1x64x128xf32, #tpu.memory_space<vmem>> -> memref<64x128xf32, #tpu.memory_space<vmem>>
    %dma_wait3A_197 = arith.constant 0 : i32
    %dma_wait3A_198 = tpu.memref_slice %arg2[%add3A_164, %dma_wait3A_197] : memref<10240x128xf32, #tpu.memory_space<hbm>> -> memref<64x128xf32, #tpu.memory_space<hbm>>
    %dma_wait3A_199 = arith.constant 0 : i32
    %dma_wait3A_200 = arith.constant 0 : i32
    %dma_wait3A_201 = tpu.memref_slice %arg12[%dma_wait3A_192, %dma_wait3A_199, %dma_wait3A_200] : memref<2x128x128xf32, #tpu.memory_space<vmem>> -> memref<1x64x128xf32, #tpu.memory_space<vmem>>
    %dma_wait3A_202 = tpu.memref_squeeze %dma_wait3A_201 : memref<1x64x128xf32, #tpu.memory_space<vmem>> -> memref<64x128xf32, #tpu.memory_space<vmem>>
    %dma_wait3A_203 = arith.constant 0 : i32
    %dma_wait3A_204 = tpu.memref_slice %arg2[%add3A_164, %dma_wait3A_203] : memref<10240x128xf32, #tpu.memory_space<hbm>> -> memref<64x128xf32, #tpu.memory_space<hbm>>
    tpu.wait_dma2 semaphore(%arg19 : memref<!tpu.dma_semaphore, #tpu.memory_space<semaphore_mem>>) src(%dma_wait3A_204 : memref<64x128xf32, #tpu.memory_space<hbm>>) dst(%dma_wait3A_202 : memref<64x128xf32, #tpu.memory_space<vmem>>)
    %dma_wait3A_205 = arith.constant 0 : i32
    %dma_wait3A_206 = arith.constant 64 : i32
    %dma_wait3A_207 = arith.constant 0 : i32
    %dma_wait3A_208 = tpu.memref_slice %arg12[%dma_wait3A_205, %dma_wait3A_206, %dma_wait3A_207] : memref<2x128x128xf32, #tpu.memory_space<vmem>> -> memref<1x64x128xf32, #tpu.memory_space<vmem>>
    %dma_wait3A_209 = tpu.memref_squeeze %dma_wait3A_208 : memref<1x64x128xf32, #tpu.memory_space<vmem>> -> memref<64x128xf32, #tpu.memory_space<vmem>>
    %dma_wait3A_210 = arith.constant 0 : i32
    %dma_wait3A_211 = tpu.memref_slice %arg3[%add3A_164, %dma_wait3A_210] : memref<10240x128xf32, #tpu.memory_space<hbm>> -> memref<64x128xf32, #tpu.memory_space<hbm>>
    %dma_wait3A_212 = arith.constant 64 : i32
    %dma_wait3A_213 = arith.constant 0 : i32
    %dma_wait3A_214 = tpu.memref_slice %arg12[%dma_wait3A_205, %dma_wait3A_212, %dma_wait3A_213] : memref<2x128x128xf32, #tpu.memory_space<vmem>> -> memref<1x64x128xf32, #tpu.memory_space<vmem>>
    %dma_wait3A_215 = tpu.memref_squeeze %dma_wait3A_214 : memref<1x64x128xf32, #tpu.memory_space<vmem>> -> memref<64x128xf32, #tpu.memory_space<vmem>>
    %dma_wait3A_216 = arith.constant 0 : i32
    %dma_wait3A_217 = tpu.memref_slice %arg3[%add3A_164, %dma_wait3A_216] : memref<10240x128xf32, #tpu.memory_space<hbm>> -> memref<64x128xf32, #tpu.memory_space<hbm>>
    tpu.wait_dma2 semaphore(%arg19 : memref<!tpu.dma_semaphore, #tpu.memory_space<semaphore_mem>>) src(%dma_wait3A_217 : memref<64x128xf32, #tpu.memory_space<hbm>>) dst(%dma_wait3A_215 : memref<64x128xf32, #tpu.memory_space<vmem>>)
    %scan3A_218 = arith.constant 0 : i32
    %scan3A_219 = arith.constant 0 : i32
    %scan3A_220 = arith.constant 64 : i32
    %scan3A_221 = arith.addi %scan3A_219, %scan3A_220 : i32
    %scan3A_222 = arith.constant 1 : i32
    %scan3A_223 = scf.for %scan3A_479 = %scan3A_219 to %scan3A_221 step %scan3A_222 iter_args(%scan3A_480 = %scan3A_218) -> (i32)  : i32 {
      %get3A = arith.constant 0 : i32
      %get3A_481 = arith.index_cast %get3A : i32 to index
      %get3A_482 = arith.index_cast %scan3A_479 : i32 to index
      %get3A_483 = arith.constant 0 : index
      %get3A_484 = tpu.vector_load %arg12[%get3A_481, %get3A_482, %get3A_483] {strides = array<i32>} : memref<2x128x128xf32, #tpu.memory_space<vmem>>, vector<1x1x16xf32>,
      %get3A_485 = vector.shape_cast %get3A_484 : vector<1x1x16xf32> to vector<16xf32>
      %get3A_486 = arith.constant 1 : i32
      %get3A_487 = arith.index_cast %get3A_486 : i32 to index
      %get3A_488 = arith.index_cast %scan3A_479 : i32 to index
      %get3A_489 = arith.constant 0 : index
      %get3A_490 = tpu.vector_load %arg12[%get3A_487, %get3A_488, %get3A_489] {strides = array<i32>} : memref<2x128x128xf32, #tpu.memory_space<vmem>>, vector<1x1x16xf32>,
      %get3A_491 = vector.shape_cast %get3A_490 : vector<1x1x16xf32> to vector<16xf32>
      %add3A_492 = arith.addf %get3A_485, %get3A_491 : vector<16xf32>
      %add3A_493 = arith.constant 64 : i32
      %add3A_494 = arith.addi %add3A_493, %scan3A_479 : i32
      %get3A_495 = arith.constant 0 : i32
      %get3A_496 = arith.index_cast %get3A_495 : i32 to index
      %get3A_497 = arith.index_cast %add3A_494 : i32 to index
      %get3A_498 = arith.constant 0 : index
      %get3A_499 = tpu.vector_load %arg12[%get3A_496, %get3A_497, %get3A_498] {strides = array<i32>} : memref<2x128x128xf32, #tpu.memory_space<vmem>>, vector<1x1x16xf32>,
      %get3A_500 = vector.shape_cast %get3A_499 : vector<1x1x16xf32> to vector<16xf32>
      %mul3A_501 = arith.mulf %add3A_492, %get3A_500 : vector<16xf32>
      %add3A_502 = arith.constant 64 : i32
      %add3A_503 = arith.addi %add3A_502, %scan3A_479 : i32
      %swap3A = arith.constant 1 : i32
      %swap3A_504 = arith.index_cast %swap3A : i32 to index
      %swap3A_505 = arith.index_cast %add3A_503 : i32 to index
      %swap3A_506 = arith.constant 0 : index
      %swap3A_507 = tpu.vector_load %arg12[%swap3A_504, %swap3A_505, %swap3A_506] {strides = array<i32>} : memref<2x128x128xf32, #tpu.memory_space<vmem>>, vector<1x1x16xf32>,
      %swap3A_508 = vector.shape_cast %swap3A_507 : vector<1x1x16xf32> to vector<16xf32>
      %swap3A_509 = vector.shape_cast %mul3A_501 : vector<16xf32> to vector<1x1x16xf32>
      tpu.vector_store %arg12[%swap3A_504, %swap3A_505, %swap3A_506], %swap3A_509 {strides = array<i32>} : memref<2x128x128xf32, #tpu.memory_space<vmem>>, vector<1x1x16xf32>,
      %get3A_510 = arith.constant 0 : i32
      %get3A_511 = arith.index_cast %get3A_510 : i32 to index
      %get3A_512 = arith.index_cast %scan3A_479 : i32 to index
      %get3A_513 = arith.constant 16 : index
      %get3A_514 = tpu.vector_load %arg12[%get3A_511, %get3A_512, %get3A_513] {strides = array<i32>} : memref<2x128x128xf32, #tpu.memory_space<vmem>>, vector<1x1x16xf32>,
      %get3A_515 = vector.shape_cast %get3A_514 : vector<1x1x16xf32> to vector<16xf32>
      %get3A_516 = arith.constant 1 : i32
      %get3A_517 = arith.index_cast %get3A_516 : i32 to index
      %get3A_518 = arith.index_cast %scan3A_479 : i32 to index
      %get3A_519 = arith.constant 16 : index
      %get3A_520 = tpu.vector_load %arg12[%get3A_517, %get3A_518, %get3A_519] {strides = array<i32>} : memref<2x128x128xf32, #tpu.memory_space<vmem>>, vector<1x1x16xf32>,
      %get3A_521 = vector.shape_cast %get3A_520 : vector<1x1x16xf32> to vector<16xf32>
      %add3A_522 = arith.addf %get3A_515, %get3A_521 : vector<16xf32>
      %add3A_523 = arith.constant 64 : i32
      %add3A_524 = arith.addi %add3A_523, %scan3A_479 : i32
      %get3A_525 = arith.constant 0 : i32
      %get3A_526 = arith.index_cast %get3A_525 : i32 to index
      %get3A_527 = arith.index_cast %add3A_524 : i32 to index
      %get3A_528 = arith.constant 16 : index
      %get3A_529 = tpu.vector_load %arg12[%get3A_526, %get3A_527, %get3A_528] {strides = array<i32>} : memref<2x128x128xf32, #tpu.memory_space<vmem>>, vector<1x1x16xf32>,
      %get3A_530 = vector.shape_cast %get3A_529 : vector<1x1x16xf32> to vector<16xf32>
      %mul3A_531 = arith.mulf %add3A_522, %get3A_530 : vector<16xf32>
      %add3A_532 = arith.constant 64 : i32
      %add3A_533 = arith.addi %add3A_532, %scan3A_479 : i32
      %swap3A_534 = arith.constant 1 : i32
      %swap3A_535 = arith.index_cast %swap3A_534 : i32 to index
      %swap3A_536 = arith.index_cast %add3A_533 : i32 to index
      %swap3A_537 = arith.constant 16 : index
      %swap3A_538 = tpu.vector_load %arg12[%swap3A_535, %swap3A_536, %swap3A_537] {strides = array<i32>} : memref<2x128x128xf32, #tpu.memory_space<vmem>>, vector<1x1x16xf32>,
      %swap3A_539 = vector.shape_cast %swap3A_538 : vector<1x1x16xf32> to vector<16xf32>
      %swap3A_540 = vector.shape_cast %mul3A_531 : vector<16xf32> to vector<1x1x16xf32>
      tpu.vector_store %arg12[%swap3A_535, %swap3A_536, %swap3A_537], %swap3A_540 {strides = array<i32>} : memref<2x128x128xf32, #tpu.memory_space<vmem>>, vector<1x1x16xf32>,
      %get3A_541 = arith.constant 0 : i32
      %get3A_542 = arith.index_cast %get3A_541 : i32 to index
      %get3A_543 = arith.index_cast %scan3A_479 : i32 to index
      %get3A_544 = arith.constant 32 : index
      %get3A_545 = tpu.vector_load %arg12[%get3A_542, %get3A_543, %get3A_544] {strides = array<i32>} : memref<2x128x128xf32, #tpu.memory_space<vmem>>, vector<1x1x16xf32>,
      %get3A_546 = vector.shape_cast %get3A_545 : vector<1x1x16xf32> to vector<16xf32>
      %get3A_547 = arith.constant 1 : i32
      %get3A_548 = arith.index_cast %get3A_547 : i32 to index
      %get3A_549 = arith.index_cast %scan3A_479 : i32 to index
      %get3A_550 = arith.constant 32 : index
      %get3A_551 = tpu.vector_load %arg12[%get3A_548, %get3A_549, %get3A_550] {strides = array<i32>} : memref<2x128x128xf32, #tpu.memory_space<vmem>>, vector<1x1x16xf32>,
      %get3A_552 = vector.shape_cast %get3A_551 : vector<1x1x16xf32> to vector<16xf32>
      %add3A_553 = arith.addf %get3A_546, %get3A_552 : vector<16xf32>
      %add3A_554 = arith.constant 64 : i32
      %add3A_555 = arith.addi %add3A_554, %scan3A_479 : i32
      %get3A_556 = arith.constant 0 : i32
      %get3A_557 = arith.index_cast %get3A_556 : i32 to index
      %get3A_558 = arith.index_cast %add3A_555 : i32 to index
      %get3A_559 = arith.constant 32 : index
      %get3A_560 = tpu.vector_load %arg12[%get3A_557, %get3A_558, %get3A_559] {strides = array<i32>} : memref<2x128x128xf32, #tpu.memory_space<vmem>>, vector<1x1x16xf32>,
      %get3A_561 = vector.shape_cast %get3A_560 : vector<1x1x16xf32> to vector<16xf32>
      %mul3A_562 = arith.mulf %add3A_553, %get3A_561 : vector<16xf32>
      %add3A_563 = arith.constant 64 : i32
      %add3A_564 = arith.addi %add3A_563, %scan3A_479 : i32
      %swap3A_565 = arith.constant 1 : i32
      %swap3A_566 = arith.index_cast %swap3A_565 : i32 to index
      %swap3A_567 = arith.index_cast %add3A_564 : i32 to index
      %swap3A_568 = arith.constant 32 : index
      %swap3A_569 = tpu.vector_load %arg12[%swap3A_566, %swap3A_567, %swap3A_568] {strides = array<i32>} : memref<2x128x128xf32, #tpu.memory_space<vmem>>, vector<1x1x16xf32>,
      %swap3A_570 = vector.shape_cast %swap3A_569 : vector<1x1x16xf32> to vector<16xf32>
      %swap3A_571 = vector.shape_cast %mul3A_562 : vector<16xf32> to vector<1x1x16xf32>
      tpu.vector_store %arg12[%swap3A_566, %swap3A_567, %swap3A_568], %swap3A_571 {strides = array<i32>} : memref<2x128x128xf32, #tpu.memory_space<vmem>>, vector<1x1x16xf32>,
      %get3A_572 = arith.constant 0 : i32
      %get3A_573 = arith.index_cast %get3A_572 : i32 to index
      %get3A_574 = arith.index_cast %scan3A_479 : i32 to index
      %get3A_575 = arith.constant 48 : index
      %get3A_576 = tpu.vector_load %arg12[%get3A_573, %get3A_574, %get3A_575] {strides = array<i32>} : memref<2x128x128xf32, #tpu.memory_space<vmem>>, vector<1x1x16xf32>,
      %get3A_577 = vector.shape_cast %get3A_576 : vector<1x1x16xf32> to vector<16xf32>
      %get3A_578 = arith.constant 1 : i32
      %get3A_579 = arith.index_cast %get3A_578 : i32 to index
      %get3A_580 = arith.index_cast %scan3A_479 : i32 to index
      %get3A_581 = arith.constant 48 : index
      %get3A_582 = tpu.vector_load %arg12[%get3A_579, %get3A_580, %get3A_581] {strides = array<i32>} : memref<2x128x128xf32, #tpu.memory_space<vmem>>, vector<1x1x16xf32>,
      %get3A_583 = vector.shape_cast %get3A_582 : vector<1x1x16xf32> to vector<16xf32>
      %add3A_584 = arith.addf %get3A_577, %get3A_583 : vector<16xf32>
      %add3A_585 = arith.constant 64 : i32
      %add3A_586 = arith.addi %add3A_585, %scan3A_479 : i32
      %get3A_587 = arith.constant 0 : i32
      %get3A_588 = arith.index_cast %get3A_587 : i32 to index
      %get3A_589 = arith.index_cast %add3A_586 : i32 to index
      %get3A_590 = arith.constant 48 : index
      %get3A_591 = tpu.vector_load %arg12[%get3A_588, %get3A_589, %get3A_590] {strides = array<i32>} : memref<2x128x128xf32, #tpu.memory_space<vmem>>, vector<1x1x16xf32>,
      %get3A_592 = vector.shape_cast %get3A_591 : vector<1x1x16xf32> to vector<16xf32>
      %mul3A_593 = arith.mulf %add3A_584, %get3A_592 : vector<16xf32>
      %add3A_594 = arith.constant 64 : i32
      %add3A_595 = arith.addi %add3A_594, %scan3A_479 : i32
      %swap3A_596 = arith.constant 1 : i32
      %swap3A_597 = arith.index_cast %swap3A_596 : i32 to index
      %swap3A_598 = arith.index_cast %add3A_595 : i32 to index
      %swap3A_599 = arith.constant 48 : index
      %swap3A_600 = tpu.vector_load %arg12[%swap3A_597, %swap3A_598, %swap3A_599] {strides = array<i32>} : memref<2x128x128xf32, #tpu.memory_space<vmem>>, vector<1x1x16xf32>,
      %swap3A_601 = vector.shape_cast %swap3A_600 : vector<1x1x16xf32> to vector<16xf32>
      %swap3A_602 = vector.shape_cast %mul3A_593 : vector<16xf32> to vector<1x1x16xf32>
      tpu.vector_store %arg12[%swap3A_597, %swap3A_598, %swap3A_599], %swap3A_602 {strides = array<i32>} : memref<2x128x128xf32, #tpu.memory_space<vmem>>, vector<1x1x16xf32>,
      %get3A_603 = arith.constant 0 : i32
      %get3A_604 = arith.index_cast %get3A_603 : i32 to index
      %get3A_605 = arith.index_cast %scan3A_479 : i32 to index
      %get3A_606 = arith.constant 64 : index
      %get3A_607 = tpu.vector_load %arg12[%get3A_604, %get3A_605, %get3A_606] {strides = array<i32>} : memref<2x128x128xf32, #tpu.memory_space<vmem>>, vector<1x1x16xf32>,
      %get3A_608 = vector.shape_cast %get3A_607 : vector<1x1x16xf32> to vector<16xf32>
      %get3A_609 = arith.constant 1 : i32
      %get3A_610 = arith.index_cast %get3A_609 : i32 to index
      %get3A_611 = arith.index_cast %scan3A_479 : i32 to index
      %get3A_612 = arith.constant 64 : index
      %get3A_613 = tpu.vector_load %arg12[%get3A_610, %get3A_611, %get3A_612] {strides = array<i32>} : memref<2x128x128xf32, #tpu.memory_space<vmem>>, vector<1x1x16xf32>,
      %get3A_614 = vector.shape_cast %get3A_613 : vector<1x1x16xf32> to vector<16xf32>
      %add3A_615 = arith.addf %get3A_608, %get3A_614 : vector<16xf32>
      %add3A_616 = arith.constant 64 : i32
      %add3A_617 = arith.addi %add3A_616, %scan3A_479 : i32
      %get3A_618 = arith.constant 0 : i32
      %get3A_619 = arith.index_cast %get3A_618 : i32 to index
      %get3A_620 = arith.index_cast %add3A_617 : i32 to index
      %get3A_621 = arith.constant 64 : index
      %get3A_622 = tpu.vector_load %arg12[%get3A_619, %get3A_620, %get3A_621] {strides = array<i32>} : memref<2x128x128xf32, #tpu.memory_space<vmem>>, vector<1x1x16xf32>,
      %get3A_623 = vector.shape_cast %get3A_622 : vector<1x1x16xf32> to vector<16xf32>
      %mul3A_624 = arith.mulf %add3A_615, %get3A_623 : vector<16xf32>
      %add3A_625 = arith.constant 64 : i32
      %add3A_626 = arith.addi %add3A_625, %scan3A_479 : i32
      %swap3A_627 = arith.constant 1 : i32
      %swap3A_628 = arith.index_cast %swap3A_627 : i32 to index
      %swap3A_629 = arith.index_cast %add3A_626 : i32 to index
      %swap3A_630 = arith.constant 64 : index
      %swap3A_631 = tpu.vector_load %arg12[%swap3A_628, %swap3A_629, %swap3A_630] {strides = array<i32>} : memref<2x128x128xf32, #tpu.memory_space<vmem>>, vector<1x1x16xf32>,
      %swap3A_632 = vector.shape_cast %swap3A_631 : vector<1x1x16xf32> to vector<16xf32>
      %swap3A_633 = vector.shape_cast %mul3A_624 : vector<16xf32> to vector<1x1x16xf32>
      tpu.vector_store %arg12[%swap3A_628, %swap3A_629, %swap3A_630], %swap3A_633 {strides = array<i32>} : memref<2x128x128xf32, #tpu.memory_space<vmem>>, vector<1x1x16xf32>,
      %get3A_634 = arith.constant 0 : i32
      %get3A_635 = arith.index_cast %get3A_634 : i32 to index
      %get3A_636 = arith.index_cast %scan3A_479 : i32 to index
      %get3A_637 = arith.constant 80 : index
      %get3A_638 = tpu.vector_load %arg12[%get3A_635, %get3A_636, %get3A_637] {strides = array<i32>} : memref<2x128x128xf32, #tpu.memory_space<vmem>>, vector<1x1x16xf32>,
      %get3A_639 = vector.shape_cast %get3A_638 : vector<1x1x16xf32> to vector<16xf32>
      %get3A_640 = arith.constant 1 : i32
      %get3A_641 = arith.index_cast %get3A_640 : i32 to index
      %get3A_642 = arith.index_cast %scan3A_479 : i32 to index
      %get3A_643 = arith.constant 80 : index
      %get3A_644 = tpu.vector_load %arg12[%get3A_641, %get3A_642, %get3A_643] {strides = array<i32>} : memref<2x128x128xf32, #tpu.memory_space<vmem>>, vector<1x1x16xf32>,
      %get3A_645 = vector.shape_cast %get3A_644 : vector<1x1x16xf32> to vector<16xf32>
      %add3A_646 = arith.addf %get3A_639, %get3A_645 : vector<16xf32>
      %add3A_647 = arith.constant 64 : i32
      %add3A_648 = arith.addi %add3A_647, %scan3A_479 : i32
      %get3A_649 = arith.constant 0 : i32
      %get3A_650 = arith.index_cast %get3A_649 : i32 to index
      %get3A_651 = arith.index_cast %add3A_648 : i32 to index
      %get3A_652 = arith.constant 80 : index
      %get3A_653 = tpu.vector_load %arg12[%get3A_650, %get3A_651, %get3A_652] {strides = array<i32>} : memref<2x128x128xf32, #tpu.memory_space<vmem>>, vector<1x1x16xf32>,
      %get3A_654 = vector.shape_cast %get3A_653 : vector<1x1x16xf32> to vector<16xf32>
      %mul3A_655 = arith.mulf %add3A_646, %get3A_654 : vector<16xf32>
      %add3A_656 = arith.constant 64 : i32
      %add3A_657 = arith.addi %add3A_656, %scan3A_479 : i32
      %swap3A_658 = arith.constant 1 : i32
      %swap3A_659 = arith.index_cast %swap3A_658 : i32 to index
      %swap3A_660 = arith.index_cast %add3A_657 : i32 to index
      %swap3A_661 = arith.constant 80 : index
      %swap3A_662 = tpu.vector_load %arg12[%swap3A_659, %swap3A_660, %swap3A_661] {strides = array<i32>} : memref<2x128x128xf32, #tpu.memory_space<vmem>>, vector<1x1x16xf32>,
      %swap3A_663 = vector.shape_cast %swap3A_662 : vector<1x1x16xf32> to vector<16xf32>
      %swap3A_664 = vector.shape_cast %mul3A_655 : vector<16xf32> to vector<1x1x16xf32>
      tpu.vector_store %arg12[%swap3A_659, %swap3A_660, %swap3A_661], %swap3A_664 {strides = array<i32>} : memref<2x128x128xf32, #tpu.memory_space<vmem>>, vector<1x1x16xf32>,
      %get3A_665 = arith.constant 0 : i32
      %get3A_666 = arith.index_cast %get3A_665 : i32 to index
      %get3A_667 = arith.index_cast %scan3A_479 : i32 to index
      %get3A_668 = arith.constant 96 : index
      %get3A_669 = tpu.vector_load %arg12[%get3A_666, %get3A_667, %get3A_668] {strides = array<i32>} : memref<2x128x128xf32, #tpu.memory_space<vmem>>, vector<1x1x16xf32>,
      %get3A_670 = vector.shape_cast %get3A_669 : vector<1x1x16xf32> to vector<16xf32>
      %get3A_671 = arith.constant 1 : i32
      %get3A_672 = arith.index_cast %get3A_671 : i32 to index
      %get3A_673 = arith.index_cast %scan3A_479 : i32 to index
      %get3A_674 = arith.constant 96 : index
      %get3A_675 = tpu.vector_load %arg12[%get3A_672, %get3A_673, %get3A_674] {strides = array<i32>} : memref<2x128x128xf32, #tpu.memory_space<vmem>>, vector<1x1x16xf32>,
      %get3A_676 = vector.shape_cast %get3A_675 : vector<1x1x16xf32> to vector<16xf32>
      %add3A_677 = arith.addf %get3A_670, %get3A_676 : vector<16xf32>
      %add3A_678 = arith.constant 64 : i32
      %add3A_679 = arith.addi %add3A_678, %scan3A_479 : i32
      %get3A_680 = arith.constant 0 : i32
      %get3A_681 = arith.index_cast %get3A_680 : i32 to index
      %get3A_682 = arith.index_cast %add3A_679 : i32 to index
      %get3A_683 = arith.constant 96 : index
      %get3A_684 = tpu.vector_load %arg12[%get3A_681, %get3A_682, %get3A_683] {strides = array<i32>} : memref<2x128x128xf32, #tpu.memory_space<vmem>>, vector<1x1x16xf32>,
      %get3A_685 = vector.shape_cast %get3A_684 : vector<1x1x16xf32> to vector<16xf32>
      %mul3A_686 = arith.mulf %add3A_677, %get3A_685 : vector<16xf32>
      %add3A_687 = arith.constant 64 : i32
      %add3A_688 = arith.addi %add3A_687, %scan3A_479 : i32
      %swap3A_689 = arith.constant 1 : i32
      %swap3A_690 = arith.index_cast %swap3A_689 : i32 to index
      %swap3A_691 = arith.index_cast %add3A_688 : i32 to index
      %swap3A_692 = arith.constant 96 : index
      %swap3A_693 = tpu.vector_load %arg12[%swap3A_690, %swap3A_691, %swap3A_692] {strides = array<i32>} : memref<2x128x128xf32, #tpu.memory_space<vmem>>, vector<1x1x16xf32>,
      %swap3A_694 = vector.shape_cast %swap3A_693 : vector<1x1x16xf32> to vector<16xf32>
      %swap3A_695 = vector.shape_cast %mul3A_686 : vector<16xf32> to vector<1x1x16xf32>
      tpu.vector_store %arg12[%swap3A_690, %swap3A_691, %swap3A_692], %swap3A_695 {strides = array<i32>} : memref<2x128x128xf32, #tpu.memory_space<vmem>>, vector<1x1x16xf32>,
      %get3A_696 = arith.constant 0 : i32
      %get3A_697 = arith.index_cast %get3A_696 : i32 to index
      %get3A_698 = arith.index_cast %scan3A_479 : i32 to index
      %get3A_699 = arith.constant 112 : index
      %get3A_700 = tpu.vector_load %arg12[%get3A_697, %get3A_698, %get3A_699] {strides = array<i32>} : memref<2x128x128xf32, #tpu.memory_space<vmem>>, vector<1x1x16xf32>,
      %get3A_701 = vector.shape_cast %get3A_700 : vector<1x1x16xf32> to vector<16xf32>
      %get3A_702 = arith.constant 1 : i32
      %get3A_703 = arith.index_cast %get3A_702 : i32 to index
      %get3A_704 = arith.index_cast %scan3A_479 : i32 to index
      %get3A_705 = arith.constant 112 : index
      %get3A_706 = tpu.vector_load %arg12[%get3A_703, %get3A_704, %get3A_705] {strides = array<i32>} : memref<2x128x128xf32, #tpu.memory_space<vmem>>, vector<1x1x16xf32>,
      %get3A_707 = vector.shape_cast %get3A_706 : vector<1x1x16xf32> to vector<16xf32>
      %add3A_708 = arith.addf %get3A_701, %get3A_707 : vector<16xf32>
      %add3A_709 = arith.constant 64 : i32
      %add3A_710 = arith.addi %add3A_709, %scan3A_479 : i32
      %get3A_711 = arith.constant 0 : i32
      %get3A_712 = arith.index_cast %get3A_711 : i32 to index
      %get3A_713 = arith.index_cast %add3A_710 : i32 to index
      %get3A_714 = arith.constant 112 : index
      %get3A_715 = tpu.vector_load %arg12[%get3A_712, %get3A_713, %get3A_714] {strides = array<i32>} : memref<2x128x128xf32, #tpu.memory_space<vmem>>, vector<1x1x16xf32>,
      %get3A_716 = vector.shape_cast %get3A_715 : vector<1x1x16xf32> to vector<16xf32>
      %mul3A_717 = arith.mulf %add3A_708, %get3A_716 : vector<16xf32>
      %add3A_718 = arith.constant 64 : i32
      %add3A_719 = arith.addi %add3A_718, %scan3A_479 : i32
      %swap3A_720 = arith.constant 1 : i32
      %swap3A_721 = arith.index_cast %swap3A_720 : i32 to index
      %swap3A_722 = arith.index_cast %add3A_719 : i32 to index
      %swap3A_723 = arith.constant 112 : index
      %swap3A_724 = tpu.vector_load %arg12[%swap3A_721, %swap3A_722, %swap3A_723] {strides = array<i32>} : memref<2x128x128xf32, #tpu.memory_space<vmem>>, vector<1x1x16xf32>,
      %swap3A_725 = vector.shape_cast %swap3A_724 : vector<1x1x16xf32> to vector<16xf32>
      %swap3A_726 = vector.shape_cast %mul3A_717 : vector<16xf32> to vector<1x1x16xf32>
      tpu.vector_store %arg12[%swap3A_721, %swap3A_722, %swap3A_723], %swap3A_726 {strides = array<i32>} : memref<2x128x128xf32, #tpu.memory_space<vmem>>, vector<1x1x16xf32>,
      %scan3A_727 = arith.constant 0 : i32
      scf.yield %scan3A_727 : i32
    }
    %scan3A_224 = arith.constant 64 : i32
    %run_scoped3A_225 = arith.constant 1 : i32
    "tpu.region"() ({
      %run_scoped3A_479 = tpu.sem_alloc : memref<!tpu.dma_semaphore, #tpu.memory_space<semaphore_mem>>
      %dma_start3A_480 = arith.constant 64 : i32
      %dma_start3A_481 = arith.constant 0 : i32
      %dma_start3A_482 = tpu.memref_slice %arg12[%run_scoped3A_225, %dma_start3A_480, %dma_start3A_481] : memref<2x128x128xf32, #tpu.memory_space<vmem>> -> memref<1x64x128xf32, #tpu.memory_space<vmem>>
      %dma_start3A_483 = tpu.memref_squeeze %dma_start3A_482 : memref<1x64x128xf32, #tpu.memory_space<vmem>> -> memref<64x128xf32, #tpu.memory_space<vmem>>
      %dma_start3A_484 = arith.constant 0 : i32
      %dma_start3A_485 = tpu.memref_slice %arg7[%add3A_164, %dma_start3A_484] : memref<10240x128xf32, #tpu.memory_space<hbm>> -> memref<64x128xf32, #tpu.memory_space<hbm>>
      %dma_start3A_486 = arith.constant 0 : i32
      %dma_start3A_487 = tpu.memref_slice %arg7[%add3A_164, %dma_start3A_486] : memref<10240x128xf32, #tpu.memory_space<hbm>> -> memref<64x128xf32, #tpu.memory_space<hbm>>
      %dma_start3A_488 = arith.constant 64 : i32
      %dma_start3A_489 = arith.constant 0 : i32
      %dma_start3A_490 = tpu.memref_slice %arg12[%run_scoped3A_225, %dma_start3A_488, %dma_start3A_489] : memref<2x128x128xf32, #tpu.memory_space<vmem>> -> memref<1x64x128xf32, #tpu.memory_space<vmem>>
      %dma_start3A_491 = tpu.memref_squeeze %dma_start3A_490 : memref<1x64x128xf32, #tpu.memory_space<vmem>> -> memref<64x128xf32, #tpu.memory_space<vmem>>
      tpu.enqueue_dma source(%dma_start3A_491 : memref<64x128xf32, #tpu.memory_space<vmem>>) target(%dma_start3A_487 : memref<64x128xf32, #tpu.memory_space<hbm>>) target_semaphore(%run_scoped3A_479 : memref<!tpu.dma_semaphore, #tpu.memory_space<semaphore_mem>>)
      %dma_wait3A_492 = arith.constant 64 : i32
      %dma_wait3A_493 = arith.constant 0 : i32
      %dma_wait3A_494 = tpu.memref_slice %arg12[%run_scoped3A_225, %dma_wait3A_492, %dma_wait3A_493] : memref<2x128x128xf32, #tpu.memory_space<vmem>> -> memref<1x64x128xf32, #tpu.memory_space<vmem>>
      %dma_wait3A_495 = tpu.memref_squeeze %dma_wait3A_494 : memref<1x64x128xf32, #tpu.memory_space<vmem>> -> memref<64x128xf32, #tpu.memory_space<vmem>>
      %dma_wait3A_496 = arith.constant 0 : i32
      %dma_wait3A_497 = tpu.memref_slice %arg7[%add3A_164, %dma_wait3A_496] : memref<10240x128xf32, #tpu.memory_space<hbm>> -> memref<64x128xf32, #tpu.memory_space<hbm>>
      %dma_wait3A_498 = arith.constant 0 : i32
      %dma_wait3A_499 = tpu.memref_slice %arg7[%add3A_164, %dma_wait3A_498] : memref<10240x128xf32, #tpu.memory_space<hbm>> -> memref<64x128xf32, #tpu.memory_space<hbm>>
      %dma_wait3A_500 = arith.constant 64 : i32
      %dma_wait3A_501 = arith.constant 0 : i32
      %dma_wait3A_502 = tpu.memref_slice %arg12[%run_scoped3A_225, %dma_wait3A_500, %dma_wait3A_501] : memref<2x128x128xf32, #tpu.memory_space<vmem>> -> memref<1x64x128xf32, #tpu.memory_space<vmem>>
      %dma_wait3A_503 = tpu.memref_squeeze %dma_wait3A_502 : memref<1x64x128xf32, #tpu.memory_space<vmem>> -> memref<64x128xf32, #tpu.memory_space<vmem>>
      tpu.wait_dma2 semaphore(%run_scoped3A_479 : memref<!tpu.dma_semaphore, #tpu.memory_space<semaphore_mem>>) src(%dma_wait3A_503 : memref<64x128xf32, #tpu.memory_space<vmem>>) dst(%dma_wait3A_499 : memref<64x128xf32, #tpu.memory_space<hbm>>)
      tpu.yield
    }) : () -> ()
    %mul3A_226 = arith.constant 320 : i32
    %mul3A_227 = arith.muli %arg1, %mul3A_226 : i32
    %add3A_228 = arith.constant 128 : i32
    %add3A_229 = arith.addi %mul3A_227, %add3A_228 : i32
    %add3A_230 = arith.constant 128 : i32
    %add3A_231 = arith.addi %add3A_37, %add3A_230 : i32
    %dma_start3A_232 = arith.constant 1 : i32
    %dma_start3A_233 = arith.constant 0 : i32
    %dma_start3A_234 = arith.constant 0 : i32
    %dma_start3A_235 = tpu.memref_slice %arg12[%dma_start3A_232, %dma_start3A_233, %dma_start3A_234] : memref<2x128x128xf32, #tpu.memory_space<vmem>> -> memref<1x64x128xf32, #tpu.memory_space<vmem>>
    %dma_start3A_236 = tpu.memref_squeeze %dma_start3A_235 : memref<1x64x128xf32, #tpu.memory_space<vmem>> -> memref<64x128xf32, #tpu.memory_space<vmem>>
    %dma_start3A_237 = arith.constant 0 : i32
    %dma_start3A_238 = tpu.memref_slice %arg2[%add3A_231, %dma_start3A_237] : memref<10240x128xf32, #tpu.memory_space<hbm>> -> memref<64x128xf32, #tpu.memory_space<hbm>>
    %dma_start3A_239 = arith.constant 0 : i32
    %dma_start3A_240 = arith.constant 0 : i32
    %dma_start3A_241 = tpu.memref_slice %arg12[%dma_start3A_232, %dma_start3A_239, %dma_start3A_240] : memref<2x128x128xf32, #tpu.memory_space<vmem>> -> memref<1x64x128xf32, #tpu.memory_space<vmem>>
    %dma_start3A_242 = tpu.memref_squeeze %dma_start3A_241 : memref<1x64x128xf32, #tpu.memory_space<vmem>> -> memref<64x128xf32, #tpu.memory_space<vmem>>
    %dma_start3A_243 = arith.constant 0 : i32
    %dma_start3A_244 = tpu.memref_slice %arg2[%add3A_231, %dma_start3A_243] : memref<10240x128xf32, #tpu.memory_space<hbm>> -> memref<64x128xf32, #tpu.memory_space<hbm>>
    tpu.enqueue_dma source(%dma_start3A_244 : memref<64x128xf32, #tpu.memory_space<hbm>>) target(%dma_start3A_242 : memref<64x128xf32, #tpu.memory_space<vmem>>) target_semaphore(%arg19 : memref<!tpu.dma_semaphore, #tpu.memory_space<semaphore_mem>>)
    %dma_start3A_245 = arith.constant 0 : i32
    %dma_start3A_246 = arith.constant 64 : i32
    %dma_start3A_247 = arith.constant 0 : i32
    %dma_start3A_248 = tpu.memref_slice %arg12[%dma_start3A_245, %dma_start3A_246, %dma_start3A_247] : memref<2x128x128xf32, #tpu.memory_space<vmem>> -> memref<1x64x128xf32, #tpu.memory_space<vmem>>
    %dma_start3A_249 = tpu.memref_squeeze %dma_start3A_248 : memref<1x64x128xf32, #tpu.memory_space<vmem>> -> memref<64x128xf32, #tpu.memory_space<vmem>>
    %dma_start3A_250 = arith.constant 0 : i32
    %dma_start3A_251 = tpu.memref_slice %arg3[%add3A_231, %dma_start3A_250] : memref<10240x128xf32, #tpu.memory_space<hbm>> -> memref<64x128xf32, #tpu.memory_space<hbm>>
    %dma_start3A_252 = arith.constant 64 : i32
    %dma_start3A_253 = arith.constant 0 : i32
    %dma_start3A_254 = tpu.memref_slice %arg12[%dma_start3A_245, %dma_start3A_252, %dma_start3A_253] : memref<2x128x128xf32, #tpu.memory_space<vmem>> -> memref<1x64x128xf32, #tpu.memory_space<vmem>>
    %dma_start3A_255 = tpu.memref_squeeze %dma_start3A_254 : memref<1x64x128xf32, #tpu.memory_space<vmem>> -> memref<64x128xf32, #tpu.memory_space<vmem>>
    %dma_start3A_256 = arith.constant 0 : i32
    %dma_start3A_257 = tpu.memref_slice %arg3[%add3A_231, %dma_start3A_256] : memref<10240x128xf32, #tpu.memory_space<hbm>> -> memref<64x128xf32, #tpu.memory_space<hbm>>
    tpu.enqueue_dma source(%dma_start3A_257 : memref<64x128xf32, #tpu.memory_space<hbm>>) target(%dma_start3A_255 : memref<64x128xf32, #tpu.memory_space<vmem>>) target_semaphore(%arg19 : memref<!tpu.dma_semaphore, #tpu.memory_space<semaphore_mem>>)
    %run_scoped3A_258 = arith.constant 0 : i32
    "tpu.region"() ({
      %run_scoped3A_479 = tpu.sem_alloc : memref<!tpu.dma_semaphore, #tpu.memory_space<semaphore_mem>>
      %dma_start3A_480 = arith.constant 0 : i32
      %dma_start3A_481 = arith.constant 0 : i32
      %dma_start3A_482 = tpu.memref_slice %arg12[%run_scoped3A_258, %dma_start3A_480, %dma_start3A_481] : memref<2x128x128xf32, #tpu.memory_space<vmem>> -> memref<1x64x128xf32, #tpu.memory_space<vmem>>
      %dma_start3A_483 = tpu.memref_squeeze %dma_start3A_482 : memref<1x64x128xf32, #tpu.memory_space<vmem>> -> memref<64x128xf32, #tpu.memory_space<vmem>>
      %dma_start3A_484 = arith.constant 0 : i32
      %dma_start3A_485 = tpu.memref_slice %arg14[%add3A_229, %dma_start3A_484] : memref<5184x128xf32, #tpu.memory_space<vmem_shared>> -> memref<64x128xf32, #tpu.memory_space<vmem_shared>>
      %dma_start3A_486 = arith.constant 0 : i32
      %dma_start3A_487 = arith.constant 0 : i32
      %dma_start3A_488 = tpu.memref_slice %arg12[%run_scoped3A_258, %dma_start3A_486, %dma_start3A_487] : memref<2x128x128xf32, #tpu.memory_space<vmem>> -> memref<1x64x128xf32, #tpu.memory_space<vmem>>
      %dma_start3A_489 = tpu.memref_squeeze %dma_start3A_488 : memref<1x64x128xf32, #tpu.memory_space<vmem>> -> memref<64x128xf32, #tpu.memory_space<vmem>>
      %dma_start3A_490 = arith.constant 0 : i32
      %dma_start3A_491 = tpu.memref_slice %arg14[%add3A_229, %dma_start3A_490] : memref<5184x128xf32, #tpu.memory_space<vmem_shared>> -> memref<64x128xf32, #tpu.memory_space<vmem_shared>>
      tpu.enqueue_dma source(%dma_start3A_491 : memref<64x128xf32, #tpu.memory_space<vmem_shared>>) target(%dma_start3A_489 : memref<64x128xf32, #tpu.memory_space<vmem>>) target_semaphore(%run_scoped3A_479 : memref<!tpu.dma_semaphore, #tpu.memory_space<semaphore_mem>>)
      %dma_wait3A_492 = arith.constant 0 : i32
      %dma_wait3A_493 = arith.constant 0 : i32
      %dma_wait3A_494 = tpu.memref_slice %arg12[%run_scoped3A_258, %dma_wait3A_492, %dma_wait3A_493] : memref<2x128x128xf32, #tpu.memory_space<vmem>> -> memref<1x64x128xf32, #tpu.memory_space<vmem>>
      %dma_wait3A_495 = tpu.memref_squeeze %dma_wait3A_494 : memref<1x64x128xf32, #tpu.memory_space<vmem>> -> memref<64x128xf32, #tpu.memory_space<vmem>>
      %dma_wait3A_496 = arith.constant 0 : i32
      %dma_wait3A_497 = tpu.memref_slice %arg14[%add3A_229, %dma_wait3A_496] : memref<5184x128xf32, #tpu.memory_space<vmem_shared>> -> memref<64x128xf32, #tpu.memory_space<vmem_shared>>
      %dma_wait3A_498 = arith.constant 0 : i32
      %dma_wait3A_499 = arith.constant 0 : i32
      %dma_wait3A_500 = tpu.memref_slice %arg12[%run_scoped3A_258, %dma_wait3A_498, %dma_wait3A_499] : memref<2x128x128xf32, #tpu.memory_space<vmem>> -> memref<1x64x128xf32, #tpu.memory_space<vmem>>
      %dma_wait3A_501 = tpu.memref_squeeze %dma_wait3A_500 : memref<1x64x128xf32, #tpu.memory_space<vmem>> -> memref<64x128xf32, #tpu.memory_space<vmem>>
      %dma_wait3A_502 = arith.constant 0 : i32
      %dma_wait3A_503 = tpu.memref_slice %arg14[%add3A_229, %dma_wait3A_502] : memref<5184x128xf32, #tpu.memory_space<vmem_shared>> -> memref<64x128xf32, #tpu.memory_space<vmem_shared>>
      tpu.wait_dma2 semaphore(%run_scoped3A_479 : memref<!tpu.dma_semaphore, #tpu.memory_space<semaphore_mem>>) src(%dma_wait3A_503 : memref<64x128xf32, #tpu.memory_space<vmem_shared>>) dst(%dma_wait3A_501 : memref<64x128xf32, #tpu.memory_space<vmem>>)
      tpu.yield
    }) : () -> ()
    %dma_wait3A_259 = arith.constant 1 : i32
    %dma_wait3A_260 = arith.constant 0 : i32
    %dma_wait3A_261 = arith.constant 0 : i32
    %dma_wait3A_262 = tpu.memref_slice %arg12[%dma_wait3A_259, %dma_wait3A_260, %dma_wait3A_261] : memref<2x128x128xf32, #tpu.memory_space<vmem>> -> memref<1x64x128xf32, #tpu.memory_space<vmem>>
    %dma_wait3A_263 = tpu.memref_squeeze %dma_wait3A_262 : memref<1x64x128xf32, #tpu.memory_space<vmem>> -> memref<64x128xf32, #tpu.memory_space<vmem>>
    %dma_wait3A_264 = arith.constant 0 : i32
    %dma_wait3A_265 = tpu.memref_slice %arg2[%add3A_231, %dma_wait3A_264] : memref<10240x128xf32, #tpu.memory_space<hbm>> -> memref<64x128xf32, #tpu.memory_space<hbm>>
    %dma_wait3A_266 = arith.constant 0 : i32
    %dma_wait3A_267 = arith.constant 0 : i32
    %dma_wait3A_268 = tpu.memref_slice %arg12[%dma_wait3A_259, %dma_wait3A_266, %dma_wait3A_267] : memref<2x128x128xf32, #tpu.memory_space<vmem>> -> memref<1x64x128xf32, #tpu.memory_space<vmem>>
    %dma_wait3A_269 = tpu.memref_squeeze %dma_wait3A_268 : memref<1x64x128xf32, #tpu.memory_space<vmem>> -> memref<64x128xf32, #tpu.memory_space<vmem>>
    %dma_wait3A_270 = arith.constant 0 : i32
    %dma_wait3A_271 = tpu.memref_slice %arg2[%add3A_231, %dma_wait3A_270] : memref<10240x128xf32, #tpu.memory_space<hbm>> -> memref<64x128xf32, #tpu.memory_space<hbm>>
    tpu.wait_dma2 semaphore(%arg19 : memref<!tpu.dma_semaphore, #tpu.memory_space<semaphore_mem>>) src(%dma_wait3A_271 : memref<64x128xf32, #tpu.memory_space<hbm>>) dst(%dma_wait3A_269 : memref<64x128xf32, #tpu.memory_space<vmem>>)
    %dma_wait3A_272 = arith.constant 0 : i32
    %dma_wait3A_273 = arith.constant 64 : i32
    %dma_wait3A_274 = arith.constant 0 : i32
    %dma_wait3A_275 = tpu.memref_slice %arg12[%dma_wait3A_272, %dma_wait3A_273, %dma_wait3A_274] : memref<2x128x128xf32, #tpu.memory_space<vmem>> -> memref<1x64x128xf32, #tpu.memory_space<vmem>>
    %dma_wait3A_276 = tpu.memref_squeeze %dma_wait3A_275 : memref<1x64x128xf32, #tpu.memory_space<vmem>> -> memref<64x128xf32, #tpu.memory_space<vmem>>
    %dma_wait3A_277 = arith.constant 0 : i32
    %dma_wait3A_278 = tpu.memref_slice %arg3[%add3A_231, %dma_wait3A_277] : memref<10240x128xf32, #tpu.memory_space<hbm>> -> memref<64x128xf32, #tpu.memory_space<hbm>>
    %dma_wait3A_279 = arith.constant 64 : i32
    %dma_wait3A_280 = arith.constant 0 : i32
    %dma_wait3A_281 = tpu.memref_slice %arg12[%dma_wait3A_272, %dma_wait3A_279, %dma_wait3A_280] : memref<2x128x128xf32, #tpu.memory_space<vmem>> -> memref<1x64x128xf32, #tpu.memory_space<vmem>>
    %dma_wait3A_282 = tpu.memref_squeeze %dma_wait3A_281 : memref<1x64x128xf32, #tpu.memory_space<vmem>> -> memref<64x128xf32, #tpu.memory_space<vmem>>
    %dma_wait3A_283 = arith.constant 0 : i32
    %dma_wait3A_284 = tpu.memref_slice %arg3[%add3A_231, %dma_wait3A_283] : memref<10240x128xf32, #tpu.memory_space<hbm>> -> memref<64x128xf32, #tpu.memory_space<hbm>>
    tpu.wait_dma2 semaphore(%arg19 : memref<!tpu.dma_semaphore, #tpu.memory_space<semaphore_mem>>) src(%dma_wait3A_284 : memref<64x128xf32, #tpu.memory_space<hbm>>) dst(%dma_wait3A_282 : memref<64x128xf32, #tpu.memory_space<vmem>>)
    %scan3A_285 = arith.constant 0 : i32
    %scan3A_286 = arith.constant 0 : i32
    %scan3A_287 = arith.constant 64 : i32
    %scan3A_288 = arith.addi %scan3A_286, %scan3A_287 : i32
    %scan3A_289 = arith.constant 1 : i32
    %scan3A_290 = scf.for %scan3A_479 = %scan3A_286 to %scan3A_288 step %scan3A_289 iter_args(%scan3A_480 = %scan3A_285) -> (i32)  : i32 {
      %get3A = arith.constant 0 : i32
      %get3A_481 = arith.index_cast %get3A : i32 to index
      %get3A_482 = arith.index_cast %scan3A_479 : i32 to index
      %get3A_483 = arith.constant 0 : index
      %get3A_484 = tpu.vector_load %arg12[%get3A_481, %get3A_482, %get3A_483] {strides = array<i32>} : memref<2x128x128xf32, #tpu.memory_space<vmem>>, vector<1x1x16xf32>,
      %get3A_485 = vector.shape_cast %get3A_484 : vector<1x1x16xf32> to vector<16xf32>
      %get3A_486 = arith.constant 1 : i32
      %get3A_487 = arith.index_cast %get3A_486 : i32 to index
      %get3A_488 = arith.index_cast %scan3A_479 : i32 to index
      %get3A_489 = arith.constant 0 : index
      %get3A_490 = tpu.vector_load %arg12[%get3A_487, %get3A_488, %get3A_489] {strides = array<i32>} : memref<2x128x128xf32, #tpu.memory_space<vmem>>, vector<1x1x16xf32>,
      %get3A_491 = vector.shape_cast %get3A_490 : vector<1x1x16xf32> to vector<16xf32>
      %add3A_492 = arith.addf %get3A_485, %get3A_491 : vector<16xf32>
      %add3A_493 = arith.constant 64 : i32
      %add3A_494 = arith.addi %add3A_493, %scan3A_479 : i32
      %get3A_495 = arith.constant 0 : i32
      %get3A_496 = arith.index_cast %get3A_495 : i32 to index
      %get3A_497 = arith.index_cast %add3A_494 : i32 to index
      %get3A_498 = arith.constant 0 : index
      %get3A_499 = tpu.vector_load %arg12[%get3A_496, %get3A_497, %get3A_498] {strides = array<i32>} : memref<2x128x128xf32, #tpu.memory_space<vmem>>, vector<1x1x16xf32>,
      %get3A_500 = vector.shape_cast %get3A_499 : vector<1x1x16xf32> to vector<16xf32>
      %mul3A_501 = arith.mulf %add3A_492, %get3A_500 : vector<16xf32>
      %add3A_502 = arith.constant 64 : i32
      %add3A_503 = arith.addi %add3A_502, %scan3A_479 : i32
      %swap3A = arith.constant 1 : i32
      %swap3A_504 = arith.index_cast %swap3A : i32 to index
      %swap3A_505 = arith.index_cast %add3A_503 : i32 to index
      %swap3A_506 = arith.constant 0 : index
      %swap3A_507 = tpu.vector_load %arg12[%swap3A_504, %swap3A_505, %swap3A_506] {strides = array<i32>} : memref<2x128x128xf32, #tpu.memory_space<vmem>>, vector<1x1x16xf32>,
      %swap3A_508 = vector.shape_cast %swap3A_507 : vector<1x1x16xf32> to vector<16xf32>
      %swap3A_509 = vector.shape_cast %mul3A_501 : vector<16xf32> to vector<1x1x16xf32>
      tpu.vector_store %arg12[%swap3A_504, %swap3A_505, %swap3A_506], %swap3A_509 {strides = array<i32>} : memref<2x128x128xf32, #tpu.memory_space<vmem>>, vector<1x1x16xf32>,
      %get3A_510 = arith.constant 0 : i32
      %get3A_511 = arith.index_cast %get3A_510 : i32 to index
      %get3A_512 = arith.index_cast %scan3A_479 : i32 to index
      %get3A_513 = arith.constant 16 : index
      %get3A_514 = tpu.vector_load %arg12[%get3A_511, %get3A_512, %get3A_513] {strides = array<i32>} : memref<2x128x128xf32, #tpu.memory_space<vmem>>, vector<1x1x16xf32>,
      %get3A_515 = vector.shape_cast %get3A_514 : vector<1x1x16xf32> to vector<16xf32>
      %get3A_516 = arith.constant 1 : i32
      %get3A_517 = arith.index_cast %get3A_516 : i32 to index
      %get3A_518 = arith.index_cast %scan3A_479 : i32 to index
      %get3A_519 = arith.constant 16 : index
      %get3A_520 = tpu.vector_load %arg12[%get3A_517, %get3A_518, %get3A_519] {strides = array<i32>} : memref<2x128x128xf32, #tpu.memory_space<vmem>>, vector<1x1x16xf32>,
      %get3A_521 = vector.shape_cast %get3A_520 : vector<1x1x16xf32> to vector<16xf32>
      %add3A_522 = arith.addf %get3A_515, %get3A_521 : vector<16xf32>
      %add3A_523 = arith.constant 64 : i32
      %add3A_524 = arith.addi %add3A_523, %scan3A_479 : i32
      %get3A_525 = arith.constant 0 : i32
      %get3A_526 = arith.index_cast %get3A_525 : i32 to index
      %get3A_527 = arith.index_cast %add3A_524 : i32 to index
      %get3A_528 = arith.constant 16 : index
      %get3A_529 = tpu.vector_load %arg12[%get3A_526, %get3A_527, %get3A_528] {strides = array<i32>} : memref<2x128x128xf32, #tpu.memory_space<vmem>>, vector<1x1x16xf32>,
      %get3A_530 = vector.shape_cast %get3A_529 : vector<1x1x16xf32> to vector<16xf32>
      %mul3A_531 = arith.mulf %add3A_522, %get3A_530 : vector<16xf32>
      %add3A_532 = arith.constant 64 : i32
      %add3A_533 = arith.addi %add3A_532, %scan3A_479 : i32
      %swap3A_534 = arith.constant 1 : i32
      %swap3A_535 = arith.index_cast %swap3A_534 : i32 to index
      %swap3A_536 = arith.index_cast %add3A_533 : i32 to index
      %swap3A_537 = arith.constant 16 : index
      %swap3A_538 = tpu.vector_load %arg12[%swap3A_535, %swap3A_536, %swap3A_537] {strides = array<i32>} : memref<2x128x128xf32, #tpu.memory_space<vmem>>, vector<1x1x16xf32>,
      %swap3A_539 = vector.shape_cast %swap3A_538 : vector<1x1x16xf32> to vector<16xf32>
      %swap3A_540 = vector.shape_cast %mul3A_531 : vector<16xf32> to vector<1x1x16xf32>
      tpu.vector_store %arg12[%swap3A_535, %swap3A_536, %swap3A_537], %swap3A_540 {strides = array<i32>} : memref<2x128x128xf32, #tpu.memory_space<vmem>>, vector<1x1x16xf32>,
      %get3A_541 = arith.constant 0 : i32
      %get3A_542 = arith.index_cast %get3A_541 : i32 to index
      %get3A_543 = arith.index_cast %scan3A_479 : i32 to index
      %get3A_544 = arith.constant 32 : index
      %get3A_545 = tpu.vector_load %arg12[%get3A_542, %get3A_543, %get3A_544] {strides = array<i32>} : memref<2x128x128xf32, #tpu.memory_space<vmem>>, vector<1x1x16xf32>,
      %get3A_546 = vector.shape_cast %get3A_545 : vector<1x1x16xf32> to vector<16xf32>
      %get3A_547 = arith.constant 1 : i32
      %get3A_548 = arith.index_cast %get3A_547 : i32 to index
      %get3A_549 = arith.index_cast %scan3A_479 : i32 to index
      %get3A_550 = arith.constant 32 : index
      %get3A_551 = tpu.vector_load %arg12[%get3A_548, %get3A_549, %get3A_550] {strides = array<i32>} : memref<2x128x128xf32, #tpu.memory_space<vmem>>, vector<1x1x16xf32>,
      %get3A_552 = vector.shape_cast %get3A_551 : vector<1x1x16xf32> to vector<16xf32>
      %add3A_553 = arith.addf %get3A_546, %get3A_552 : vector<16xf32>
      %add3A_554 = arith.constant 64 : i32
      %add3A_555 = arith.addi %add3A_554, %scan3A_479 : i32
      %get3A_556 = arith.constant 0 : i32
      %get3A_557 = arith.index_cast %get3A_556 : i32 to index
      %get3A_558 = arith.index_cast %add3A_555 : i32 to index
      %get3A_559 = arith.constant 32 : index
      %get3A_560 = tpu.vector_load %arg12[%get3A_557, %get3A_558, %get3A_559] {strides = array<i32>} : memref<2x128x128xf32, #tpu.memory_space<vmem>>, vector<1x1x16xf32>,
      %get3A_561 = vector.shape_cast %get3A_560 : vector<1x1x16xf32> to vector<16xf32>
      %mul3A_562 = arith.mulf %add3A_553, %get3A_561 : vector<16xf32>
      %add3A_563 = arith.constant 64 : i32
      %add3A_564 = arith.addi %add3A_563, %scan3A_479 : i32
      %swap3A_565 = arith.constant 1 : i32
      %swap3A_566 = arith.index_cast %swap3A_565 : i32 to index
      %swap3A_567 = arith.index_cast %add3A_564 : i32 to index
      %swap3A_568 = arith.constant 32 : index
      %swap3A_569 = tpu.vector_load %arg12[%swap3A_566, %swap3A_567, %swap3A_568] {strides = array<i32>} : memref<2x128x128xf32, #tpu.memory_space<vmem>>, vector<1x1x16xf32>,
      %swap3A_570 = vector.shape_cast %swap3A_569 : vector<1x1x16xf32> to vector<16xf32>
      %swap3A_571 = vector.shape_cast %mul3A_562 : vector<16xf32> to vector<1x1x16xf32>
      tpu.vector_store %arg12[%swap3A_566, %swap3A_567, %swap3A_568], %swap3A_571 {strides = array<i32>} : memref<2x128x128xf32, #tpu.memory_space<vmem>>, vector<1x1x16xf32>,
      %get3A_572 = arith.constant 0 : i32
      %get3A_573 = arith.index_cast %get3A_572 : i32 to index
      %get3A_574 = arith.index_cast %scan3A_479 : i32 to index
      %get3A_575 = arith.constant 48 : index
      %get3A_576 = tpu.vector_load %arg12[%get3A_573, %get3A_574, %get3A_575] {strides = array<i32>} : memref<2x128x128xf32, #tpu.memory_space<vmem>>, vector<1x1x16xf32>,
      %get3A_577 = vector.shape_cast %get3A_576 : vector<1x1x16xf32> to vector<16xf32>
      %get3A_578 = arith.constant 1 : i32
      %get3A_579 = arith.index_cast %get3A_578 : i32 to index
      %get3A_580 = arith.index_cast %scan3A_479 : i32 to index
      %get3A_581 = arith.constant 48 : index
      %get3A_582 = tpu.vector_load %arg12[%get3A_579, %get3A_580, %get3A_581] {strides = array<i32>} : memref<2x128x128xf32, #tpu.memory_space<vmem>>, vector<1x1x16xf32>,
      %get3A_583 = vector.shape_cast %get3A_582 : vector<1x1x16xf32> to vector<16xf32>
      %add3A_584 = arith.addf %get3A_577, %get3A_583 : vector<16xf32>
      %add3A_585 = arith.constant 64 : i32
      %add3A_586 = arith.addi %add3A_585, %scan3A_479 : i32
      %get3A_587 = arith.constant 0 : i32
      %get3A_588 = arith.index_cast %get3A_587 : i32 to index
      %get3A_589 = arith.index_cast %add3A_586 : i32 to index
      %get3A_590 = arith.constant 48 : index
      %get3A_591 = tpu.vector_load %arg12[%get3A_588, %get3A_589, %get3A_590] {strides = array<i32>} : memref<2x128x128xf32, #tpu.memory_space<vmem>>, vector<1x1x16xf32>,
      %get3A_592 = vector.shape_cast %get3A_591 : vector<1x1x16xf32> to vector<16xf32>
      %mul3A_593 = arith.mulf %add3A_584, %get3A_592 : vector<16xf32>
      %add3A_594 = arith.constant 64 : i32
      %add3A_595 = arith.addi %add3A_594, %scan3A_479 : i32
      %swap3A_596 = arith.constant 1 : i32
      %swap3A_597 = arith.index_cast %swap3A_596 : i32 to index
      %swap3A_598 = arith.index_cast %add3A_595 : i32 to index
      %swap3A_599 = arith.constant 48 : index
      %swap3A_600 = tpu.vector_load %arg12[%swap3A_597, %swap3A_598, %swap3A_599] {strides = array<i32>} : memref<2x128x128xf32, #tpu.memory_space<vmem>>, vector<1x1x16xf32>,
      %swap3A_601 = vector.shape_cast %swap3A_600 : vector<1x1x16xf32> to vector<16xf32>
      %swap3A_602 = vector.shape_cast %mul3A_593 : vector<16xf32> to vector<1x1x16xf32>
      tpu.vector_store %arg12[%swap3A_597, %swap3A_598, %swap3A_599], %swap3A_602 {strides = array<i32>} : memref<2x128x128xf32, #tpu.memory_space<vmem>>, vector<1x1x16xf32>,
      %get3A_603 = arith.constant 0 : i32
      %get3A_604 = arith.index_cast %get3A_603 : i32 to index
      %get3A_605 = arith.index_cast %scan3A_479 : i32 to index
      %get3A_606 = arith.constant 64 : index
      %get3A_607 = tpu.vector_load %arg12[%get3A_604, %get3A_605, %get3A_606] {strides = array<i32>} : memref<2x128x128xf32, #tpu.memory_space<vmem>>, vector<1x1x16xf32>,
      %get3A_608 = vector.shape_cast %get3A_607 : vector<1x1x16xf32> to vector<16xf32>
      %get3A_609 = arith.constant 1 : i32
      %get3A_610 = arith.index_cast %get3A_609 : i32 to index
      %get3A_611 = arith.index_cast %scan3A_479 : i32 to index
      %get3A_612 = arith.constant 64 : index
      %get3A_613 = tpu.vector_load %arg12[%get3A_610, %get3A_611, %get3A_612] {strides = array<i32>} : memref<2x128x128xf32, #tpu.memory_space<vmem>>, vector<1x1x16xf32>,
      %get3A_614 = vector.shape_cast %get3A_613 : vector<1x1x16xf32> to vector<16xf32>
      %add3A_615 = arith.addf %get3A_608, %get3A_614 : vector<16xf32>
      %add3A_616 = arith.constant 64 : i32
      %add3A_617 = arith.addi %add3A_616, %scan3A_479 : i32
      %get3A_618 = arith.constant 0 : i32
      %get3A_619 = arith.index_cast %get3A_618 : i32 to index
      %get3A_620 = arith.index_cast %add3A_617 : i32 to index
      %get3A_621 = arith.constant 64 : index
      %get3A_622 = tpu.vector_load %arg12[%get3A_619, %get3A_620, %get3A_621] {strides = array<i32>} : memref<2x128x128xf32, #tpu.memory_space<vmem>>, vector<1x1x16xf32>,
      %get3A_623 = vector.shape_cast %get3A_622 : vector<1x1x16xf32> to vector<16xf32>
      %mul3A_624 = arith.mulf %add3A_615, %get3A_623 : vector<16xf32>
      %add3A_625 = arith.constant 64 : i32
      %add3A_626 = arith.addi %add3A_625, %scan3A_479 : i32
      %swap3A_627 = arith.constant 1 : i32
      %swap3A_628 = arith.index_cast %swap3A_627 : i32 to index
      %swap3A_629 = arith.index_cast %add3A_626 : i32 to index
      %swap3A_630 = arith.constant 64 : index
      %swap3A_631 = tpu.vector_load %arg12[%swap3A_628, %swap3A_629, %swap3A_630] {strides = array<i32>} : memref<2x128x128xf32, #tpu.memory_space<vmem>>, vector<1x1x16xf32>,
      %swap3A_632 = vector.shape_cast %swap3A_631 : vector<1x1x16xf32> to vector<16xf32>
      %swap3A_633 = vector.shape_cast %mul3A_624 : vector<16xf32> to vector<1x1x16xf32>
      tpu.vector_store %arg12[%swap3A_628, %swap3A_629, %swap3A_630], %swap3A_633 {strides = array<i32>} : memref<2x128x128xf32, #tpu.memory_space<vmem>>, vector<1x1x16xf32>,
      %get3A_634 = arith.constant 0 : i32
      %get3A_635 = arith.index_cast %get3A_634 : i32 to index
      %get3A_636 = arith.index_cast %scan3A_479 : i32 to index
      %get3A_637 = arith.constant 80 : index
      %get3A_638 = tpu.vector_load %arg12[%get3A_635, %get3A_636, %get3A_637] {strides = array<i32>} : memref<2x128x128xf32, #tpu.memory_space<vmem>>, vector<1x1x16xf32>,
      %get3A_639 = vector.shape_cast %get3A_638 : vector<1x1x16xf32> to vector<16xf32>
      %get3A_640 = arith.constant 1 : i32
      %get3A_641 = arith.index_cast %get3A_640 : i32 to index
      %get3A_642 = arith.index_cast %scan3A_479 : i32 to index
      %get3A_643 = arith.constant 80 : index
      %get3A_644 = tpu.vector_load %arg12[%get3A_641, %get3A_642, %get3A_643] {strides = array<i32>} : memref<2x128x128xf32, #tpu.memory_space<vmem>>, vector<1x1x16xf32>,
      %get3A_645 = vector.shape_cast %get3A_644 : vector<1x1x16xf32> to vector<16xf32>
      %add3A_646 = arith.addf %get3A_639, %get3A_645 : vector<16xf32>
      %add3A_647 = arith.constant 64 : i32
      %add3A_648 = arith.addi %add3A_647, %scan3A_479 : i32
      %get3A_649 = arith.constant 0 : i32
      %get3A_650 = arith.index_cast %get3A_649 : i32 to index
      %get3A_651 = arith.index_cast %add3A_648 : i32 to index
      %get3A_652 = arith.constant 80 : index
      %get3A_653 = tpu.vector_load %arg12[%get3A_650, %get3A_651, %get3A_652] {strides = array<i32>} : memref<2x128x128xf32, #tpu.memory_space<vmem>>, vector<1x1x16xf32>,
      %get3A_654 = vector.shape_cast %get3A_653 : vector<1x1x16xf32> to vector<16xf32>
      %mul3A_655 = arith.mulf %add3A_646, %get3A_654 : vector<16xf32>
      %add3A_656 = arith.constant 64 : i32
      %add3A_657 = arith.addi %add3A_656, %scan3A_479 : i32
      %swap3A_658 = arith.constant 1 : i32
      %swap3A_659 = arith.index_cast %swap3A_658 : i32 to index
      %swap3A_660 = arith.index_cast %add3A_657 : i32 to index
      %swap3A_661 = arith.constant 80 : index
      %swap3A_662 = tpu.vector_load %arg12[%swap3A_659, %swap3A_660, %swap3A_661] {strides = array<i32>} : memref<2x128x128xf32, #tpu.memory_space<vmem>>, vector<1x1x16xf32>,
      %swap3A_663 = vector.shape_cast %swap3A_662 : vector<1x1x16xf32> to vector<16xf32>
      %swap3A_664 = vector.shape_cast %mul3A_655 : vector<16xf32> to vector<1x1x16xf32>
      tpu.vector_store %arg12[%swap3A_659, %swap3A_660, %swap3A_661], %swap3A_664 {strides = array<i32>} : memref<2x128x128xf32, #tpu.memory_space<vmem>>, vector<1x1x16xf32>,
      %get3A_665 = arith.constant 0 : i32
      %get3A_666 = arith.index_cast %get3A_665 : i32 to index
      %get3A_667 = arith.index_cast %scan3A_479 : i32 to index
      %get3A_668 = arith.constant 96 : index
      %get3A_669 = tpu.vector_load %arg12[%get3A_666, %get3A_667, %get3A_668] {strides = array<i32>} : memref<2x128x128xf32, #tpu.memory_space<vmem>>, vector<1x1x16xf32>,
      %get3A_670 = vector.shape_cast %get3A_669 : vector<1x1x16xf32> to vector<16xf32>
      %get3A_671 = arith.constant 1 : i32
      %get3A_672 = arith.index_cast %get3A_671 : i32 to index
      %get3A_673 = arith.index_cast %scan3A_479 : i32 to index
      %get3A_674 = arith.constant 96 : index
      %get3A_675 = tpu.vector_load %arg12[%get3A_672, %get3A_673, %get3A_674] {strides = array<i32>} : memref<2x128x128xf32, #tpu.memory_space<vmem>>, vector<1x1x16xf32>,
      %get3A_676 = vector.shape_cast %get3A_675 : vector<1x1x16xf32> to vector<16xf32>
      %add3A_677 = arith.addf %get3A_670, %get3A_676 : vector<16xf32>
      %add3A_678 = arith.constant 64 : i32
      %add3A_679 = arith.addi %add3A_678, %scan3A_479 : i32
      %get3A_680 = arith.constant 0 : i32
      %get3A_681 = arith.index_cast %get3A_680 : i32 to index
      %get3A_682 = arith.index_cast %add3A_679 : i32 to index
      %get3A_683 = arith.constant 96 : index
      %get3A_684 = tpu.vector_load %arg12[%get3A_681, %get3A_682, %get3A_683] {strides = array<i32>} : memref<2x128x128xf32, #tpu.memory_space<vmem>>, vector<1x1x16xf32>,
      %get3A_685 = vector.shape_cast %get3A_684 : vector<1x1x16xf32> to vector<16xf32>
      %mul3A_686 = arith.mulf %add3A_677, %get3A_685 : vector<16xf32>
      %add3A_687 = arith.constant 64 : i32
      %add3A_688 = arith.addi %add3A_687, %scan3A_479 : i32
      %swap3A_689 = arith.constant 1 : i32
      %swap3A_690 = arith.index_cast %swap3A_689 : i32 to index
      %swap3A_691 = arith.index_cast %add3A_688 : i32 to index
      %swap3A_692 = arith.constant 96 : index
      %swap3A_693 = tpu.vector_load %arg12[%swap3A_690, %swap3A_691, %swap3A_692] {strides = array<i32>} : memref<2x128x128xf32, #tpu.memory_space<vmem>>, vector<1x1x16xf32>,
      %swap3A_694 = vector.shape_cast %swap3A_693 : vector<1x1x16xf32> to vector<16xf32>
      %swap3A_695 = vector.shape_cast %mul3A_686 : vector<16xf32> to vector<1x1x16xf32>
      tpu.vector_store %arg12[%swap3A_690, %swap3A_691, %swap3A_692], %swap3A_695 {strides = array<i32>} : memref<2x128x128xf32, #tpu.memory_space<vmem>>, vector<1x1x16xf32>,
      %get3A_696 = arith.constant 0 : i32
      %get3A_697 = arith.index_cast %get3A_696 : i32 to index
      %get3A_698 = arith.index_cast %scan3A_479 : i32 to index
      %get3A_699 = arith.constant 112 : index
      %get3A_700 = tpu.vector_load %arg12[%get3A_697, %get3A_698, %get3A_699] {strides = array<i32>} : memref<2x128x128xf32, #tpu.memory_space<vmem>>, vector<1x1x16xf32>,
      %get3A_701 = vector.shape_cast %get3A_700 : vector<1x1x16xf32> to vector<16xf32>
      %get3A_702 = arith.constant 1 : i32
      %get3A_703 = arith.index_cast %get3A_702 : i32 to index
      %get3A_704 = arith.index_cast %scan3A_479 : i32 to index
      %get3A_705 = arith.constant 112 : index
      %get3A_706 = tpu.vector_load %arg12[%get3A_703, %get3A_704, %get3A_705] {strides = array<i32>} : memref<2x128x128xf32, #tpu.memory_space<vmem>>, vector<1x1x16xf32>,
      %get3A_707 = vector.shape_cast %get3A_706 : vector<1x1x16xf32> to vector<16xf32>
      %add3A_708 = arith.addf %get3A_701, %get3A_707 : vector<16xf32>
      %add3A_709 = arith.constant 64 : i32
      %add3A_710 = arith.addi %add3A_709, %scan3A_479 : i32
      %get3A_711 = arith.constant 0 : i32
      %get3A_712 = arith.index_cast %get3A_711 : i32 to index
      %get3A_713 = arith.index_cast %add3A_710 : i32 to index
      %get3A_714 = arith.constant 112 : index
      %get3A_715 = tpu.vector_load %arg12[%get3A_712, %get3A_713, %get3A_714] {strides = array<i32>} : memref<2x128x128xf32, #tpu.memory_space<vmem>>, vector<1x1x16xf32>,
      %get3A_716 = vector.shape_cast %get3A_715 : vector<1x1x16xf32> to vector<16xf32>
      %mul3A_717 = arith.mulf %add3A_708, %get3A_716 : vector<16xf32>
      %add3A_718 = arith.constant 64 : i32
      %add3A_719 = arith.addi %add3A_718, %scan3A_479 : i32
      %swap3A_720 = arith.constant 1 : i32
      %swap3A_721 = arith.index_cast %swap3A_720 : i32 to index
      %swap3A_722 = arith.index_cast %add3A_719 : i32 to index
      %swap3A_723 = arith.constant 112 : index
      %swap3A_724 = tpu.vector_load %arg12[%swap3A_721, %swap3A_722, %swap3A_723] {strides = array<i32>} : memref<2x128x128xf32, #tpu.memory_space<vmem>>, vector<1x1x16xf32>,
      %swap3A_725 = vector.shape_cast %swap3A_724 : vector<1x1x16xf32> to vector<16xf32>
      %swap3A_726 = vector.shape_cast %mul3A_717 : vector<16xf32> to vector<1x1x16xf32>
      tpu.vector_store %arg12[%swap3A_721, %swap3A_722, %swap3A_723], %swap3A_726 {strides = array<i32>} : memref<2x128x128xf32, #tpu.memory_space<vmem>>, vector<1x1x16xf32>,
      %scan3A_727 = arith.constant 0 : i32
      scf.yield %scan3A_727 : i32
    }
    %scan3A_291 = arith.constant 64 : i32
    %run_scoped3A_292 = arith.constant 1 : i32
    "tpu.region"() ({
      %run_scoped3A_479 = tpu.sem_alloc : memref<!tpu.dma_semaphore, #tpu.memory_space<semaphore_mem>>
      %dma_start3A_480 = arith.constant 64 : i32
      %dma_start3A_481 = arith.constant 0 : i32
      %dma_start3A_482 = tpu.memref_slice %arg12[%run_scoped3A_292, %dma_start3A_480, %dma_start3A_481] : memref<2x128x128xf32, #tpu.memory_space<vmem>> -> memref<1x64x128xf32, #tpu.memory_space<vmem>>
      %dma_start3A_483 = tpu.memref_squeeze %dma_start3A_482 : memref<1x64x128xf32, #tpu.memory_space<vmem>> -> memref<64x128xf32, #tpu.memory_space<vmem>>
      %dma_start3A_484 = arith.constant 0 : i32
      %dma_start3A_485 = tpu.memref_slice %arg7[%add3A_231, %dma_start3A_484] : memref<10240x128xf32, #tpu.memory_space<hbm>> -> memref<64x128xf32, #tpu.memory_space<hbm>>
      %dma_start3A_486 = arith.constant 0 : i32
      %dma_start3A_487 = tpu.memref_slice %arg7[%add3A_231, %dma_start3A_486] : memref<10240x128xf32, #tpu.memory_space<hbm>> -> memref<64x128xf32, #tpu.memory_space<hbm>>
      %dma_start3A_488 = arith.constant 64 : i32
      %dma_start3A_489 = arith.constant 0 : i32
      %dma_start3A_490 = tpu.memref_slice %arg12[%run_scoped3A_292, %dma_start3A_488, %dma_start3A_489] : memref<2x128x128xf32, #tpu.memory_space<vmem>> -> memref<1x64x128xf32, #tpu.memory_space<vmem>>
      %dma_start3A_491 = tpu.memref_squeeze %dma_start3A_490 : memref<1x64x128xf32, #tpu.memory_space<vmem>> -> memref<64x128xf32, #tpu.memory_space<vmem>>
      tpu.enqueue_dma source(%dma_start3A_491 : memref<64x128xf32, #tpu.memory_space<vmem>>) target(%dma_start3A_487 : memref<64x128xf32, #tpu.memory_space<hbm>>) target_semaphore(%run_scoped3A_479 : memref<!tpu.dma_semaphore, #tpu.memory_space<semaphore_mem>>)
      %dma_wait3A_492 = arith.constant 64 : i32
      %dma_wait3A_493 = arith.constant 0 : i32
      %dma_wait3A_494 = tpu.memref_slice %arg12[%run_scoped3A_292, %dma_wait3A_492, %dma_wait3A_493] : memref<2x128x128xf32, #tpu.memory_space<vmem>> -> memref<1x64x128xf32, #tpu.memory_space<vmem>>
      %dma_wait3A_495 = tpu.memref_squeeze %dma_wait3A_494 : memref<1x64x128xf32, #tpu.memory_space<vmem>> -> memref<64x128xf32, #tpu.memory_space<vmem>>
      %dma_wait3A_496 = arith.constant 0 : i32
      %dma_wait3A_497 = tpu.memref_slice %arg7[%add3A_231, %dma_wait3A_496] : memref<10240x128xf32, #tpu.memory_space<hbm>> -> memref<64x128xf32, #tpu.memory_space<hbm>>
      %dma_wait3A_498 = arith.constant 0 : i32
      %dma_wait3A_499 = tpu.memref_slice %arg7[%add3A_231, %dma_wait3A_498] : memref<10240x128xf32, #tpu.memory_space<hbm>> -> memref<64x128xf32, #tpu.memory_space<hbm>>
      %dma_wait3A_500 = arith.constant 64 : i32
      %dma_wait3A_501 = arith.constant 0 : i32
      %dma_wait3A_502 = tpu.memref_slice %arg12[%run_scoped3A_292, %dma_wait3A_500, %dma_wait3A_501] : memref<2x128x128xf32, #tpu.memory_space<vmem>> -> memref<1x64x128xf32, #tpu.memory_space<vmem>>
      %dma_wait3A_503 = tpu.memref_squeeze %dma_wait3A_502 : memref<1x64x128xf32, #tpu.memory_space<vmem>> -> memref<64x128xf32, #tpu.memory_space<vmem>>
      tpu.wait_dma2 semaphore(%run_scoped3A_479 : memref<!tpu.dma_semaphore, #tpu.memory_space<semaphore_mem>>) src(%dma_wait3A_503 : memref<64x128xf32, #tpu.memory_space<vmem>>) dst(%dma_wait3A_499 : memref<64x128xf32, #tpu.memory_space<hbm>>)
      tpu.yield
    }) : () -> ()
    %mul3A_293 = arith.constant 320 : i32
    %mul3A_294 = arith.muli %arg1, %mul3A_293 : i32
    %add3A_295 = arith.constant 192 : i32
    %add3A_296 = arith.addi %mul3A_294, %add3A_295 : i32
    %add3A_297 = arith.constant 192 : i32
    %add3A_298 = arith.addi %add3A_37, %add3A_297 : i32
    %dma_start3A_299 = arith.constant 1 : i32
    %dma_start3A_300 = arith.constant 0 : i32
    %dma_start3A_301 = arith.constant 0 : i32
    %dma_start3A_302 = tpu.memref_slice %arg12[%dma_start3A_299, %dma_start3A_300, %dma_start3A_301] : memref<2x128x128xf32, #tpu.memory_space<vmem>> -> memref<1x64x128xf32, #tpu.memory_space<vmem>>
    %dma_start3A_303 = tpu.memref_squeeze %dma_start3A_302 : memref<1x64x128xf32, #tpu.memory_space<vmem>> -> memref<64x128xf32, #tpu.memory_space<vmem>>
    %dma_start3A_304 = arith.constant 0 : i32
    %dma_start3A_305 = tpu.memref_slice %arg2[%add3A_298, %dma_start3A_304] : memref<10240x128xf32, #tpu.memory_space<hbm>> -> memref<64x128xf32, #tpu.memory_space<hbm>>
    %dma_start3A_306 = arith.constant 0 : i32
    %dma_start3A_307 = arith.constant 0 : i32
    %dma_start3A_308 = tpu.memref_slice %arg12[%dma_start3A_299, %dma_start3A_306, %dma_start3A_307] : memref<2x128x128xf32, #tpu.memory_space<vmem>> -> memref<1x64x128xf32, #tpu.memory_space<vmem>>
    %dma_start3A_309 = tpu.memref_squeeze %dma_start3A_308 : memref<1x64x128xf32, #tpu.memory_space<vmem>> -> memref<64x128xf32, #tpu.memory_space<vmem>>
    %dma_start3A_310 = arith.constant 0 : i32
    %dma_start3A_311 = tpu.memref_slice %arg2[%add3A_298, %dma_start3A_310] : memref<10240x128xf32, #tpu.memory_space<hbm>> -> memref<64x128xf32, #tpu.memory_space<hbm>>
    tpu.enqueue_dma source(%dma_start3A_311 : memref<64x128xf32, #tpu.memory_space<hbm>>) target(%dma_start3A_309 : memref<64x128xf32, #tpu.memory_space<vmem>>) target_semaphore(%arg19 : memref<!tpu.dma_semaphore, #tpu.memory_space<semaphore_mem>>)
    %dma_start3A_312 = arith.constant 0 : i32
    %dma_start3A_313 = arith.constant 64 : i32
    %dma_start3A_314 = arith.constant 0 : i32
    %dma_start3A_315 = tpu.memref_slice %arg12[%dma_start3A_312, %dma_start3A_313, %dma_start3A_314] : memref<2x128x128xf32, #tpu.memory_space<vmem>> -> memref<1x64x128xf32, #tpu.memory_space<vmem>>
    %dma_start3A_316 = tpu.memref_squeeze %dma_start3A_315 : memref<1x64x128xf32, #tpu.memory_space<vmem>> -> memref<64x128xf32, #tpu.memory_space<vmem>>
    %dma_start3A_317 = arith.constant 0 : i32
    %dma_start3A_318 = tpu.memref_slice %arg3[%add3A_298, %dma_start3A_317] : memref<10240x128xf32, #tpu.memory_space<hbm>> -> memref<64x128xf32, #tpu.memory_space<hbm>>
    %dma_start3A_319 = arith.constant 64 : i32
    %dma_start3A_320 = arith.constant 0 : i32
    %dma_start3A_321 = tpu.memref_slice %arg12[%dma_start3A_312, %dma_start3A_319, %dma_start3A_320] : memref<2x128x128xf32, #tpu.memory_space<vmem>> -> memref<1x64x128xf32, #tpu.memory_space<vmem>>
    %dma_start3A_322 = tpu.memref_squeeze %dma_start3A_321 : memref<1x64x128xf32, #tpu.memory_space<vmem>> -> memref<64x128xf32, #tpu.memory_space<vmem>>
    %dma_start3A_323 = arith.constant 0 : i32
    %dma_start3A_324 = tpu.memref_slice %arg3[%add3A_298, %dma_start3A_323] : memref<10240x128xf32, #tpu.memory_space<hbm>> -> memref<64x128xf32, #tpu.memory_space<hbm>>
    tpu.enqueue_dma source(%dma_start3A_324 : memref<64x128xf32, #tpu.memory_space<hbm>>) target(%dma_start3A_322 : memref<64x128xf32, #tpu.memory_space<vmem>>) target_semaphore(%arg19 : memref<!tpu.dma_semaphore, #tpu.memory_space<semaphore_mem>>)
    %run_scoped3A_325 = arith.constant 0 : i32
    "tpu.region"() ({
      %run_scoped3A_479 = tpu.sem_alloc : memref<!tpu.dma_semaphore, #tpu.memory_space<semaphore_mem>>
      %dma_start3A_480 = arith.constant 0 : i32
      %dma_start3A_481 = arith.constant 0 : i32
      %dma_start3A_482 = tpu.memref_slice %arg12[%run_scoped3A_325, %dma_start3A_480, %dma_start3A_481] : memref<2x128x128xf32, #tpu.memory_space<vmem>> -> memref<1x64x128xf32, #tpu.memory_space<vmem>>
      %dma_start3A_483 = tpu.memref_squeeze %dma_start3A_482 : memref<1x64x128xf32, #tpu.memory_space<vmem>> -> memref<64x128xf32, #tpu.memory_space<vmem>>
      %dma_start3A_484 = arith.constant 0 : i32
      %dma_start3A_485 = tpu.memref_slice %arg14[%add3A_296, %dma_start3A_484] : memref<5184x128xf32, #tpu.memory_space<vmem_shared>> -> memref<64x128xf32, #tpu.memory_space<vmem_shared>>
      %dma_start3A_486 = arith.constant 0 : i32
      %dma_start3A_487 = arith.constant 0 : i32
      %dma_start3A_488 = tpu.memref_slice %arg12[%run_scoped3A_325, %dma_start3A_486, %dma_start3A_487] : memref<2x128x128xf32, #tpu.memory_space<vmem>> -> memref<1x64x128xf32, #tpu.memory_space<vmem>>
      %dma_start3A_489 = tpu.memref_squeeze %dma_start3A_488 : memref<1x64x128xf32, #tpu.memory_space<vmem>> -> memref<64x128xf32, #tpu.memory_space<vmem>>
      %dma_start3A_490 = arith.constant 0 : i32
      %dma_start3A_491 = tpu.memref_slice %arg14[%add3A_296, %dma_start3A_490] : memref<5184x128xf32, #tpu.memory_space<vmem_shared>> -> memref<64x128xf32, #tpu.memory_space<vmem_shared>>
      tpu.enqueue_dma source(%dma_start3A_491 : memref<64x128xf32, #tpu.memory_space<vmem_shared>>) target(%dma_start3A_489 : memref<64x128xf32, #tpu.memory_space<vmem>>) target_semaphore(%run_scoped3A_479 : memref<!tpu.dma_semaphore, #tpu.memory_space<semaphore_mem>>)
      %dma_wait3A_492 = arith.constant 0 : i32
      %dma_wait3A_493 = arith.constant 0 : i32
      %dma_wait3A_494 = tpu.memref_slice %arg12[%run_scoped3A_325, %dma_wait3A_492, %dma_wait3A_493] : memref<2x128x128xf32, #tpu.memory_space<vmem>> -> memref<1x64x128xf32, #tpu.memory_space<vmem>>
      %dma_wait3A_495 = tpu.memref_squeeze %dma_wait3A_494 : memref<1x64x128xf32, #tpu.memory_space<vmem>> -> memref<64x128xf32, #tpu.memory_space<vmem>>
      %dma_wait3A_496 = arith.constant 0 : i32
      %dma_wait3A_497 = tpu.memref_slice %arg14[%add3A_296, %dma_wait3A_496] : memref<5184x128xf32, #tpu.memory_space<vmem_shared>> -> memref<64x128xf32, #tpu.memory_space<vmem_shared>>
      %dma_wait3A_498 = arith.constant 0 : i32
      %dma_wait3A_499 = arith.constant 0 : i32
      %dma_wait3A_500 = tpu.memref_slice %arg12[%run_scoped3A_325, %dma_wait3A_498, %dma_wait3A_499] : memref<2x128x128xf32, #tpu.memory_space<vmem>> -> memref<1x64x128xf32, #tpu.memory_space<vmem>>
      %dma_wait3A_501 = tpu.memref_squeeze %dma_wait3A_500 : memref<1x64x128xf32, #tpu.memory_space<vmem>> -> memref<64x128xf32, #tpu.memory_space<vmem>>
      %dma_wait3A_502 = arith.constant 0 : i32
      %dma_wait3A_503 = tpu.memref_slice %arg14[%add3A_296, %dma_wait3A_502] : memref<5184x128xf32, #tpu.memory_space<vmem_shared>> -> memref<64x128xf32, #tpu.memory_space<vmem_shared>>
      tpu.wait_dma2 semaphore(%run_scoped3A_479 : memref<!tpu.dma_semaphore, #tpu.memory_space<semaphore_mem>>) src(%dma_wait3A_503 : memref<64x128xf32, #tpu.memory_space<vmem_shared>>) dst(%dma_wait3A_501 : memref<64x128xf32, #tpu.memory_space<vmem>>)
      tpu.yield
    }) : () -> ()
    %dma_wait3A_326 = arith.constant 1 : i32
    %dma_wait3A_327 = arith.constant 0 : i32
    %dma_wait3A_328 = arith.constant 0 : i32
    %dma_wait3A_329 = tpu.memref_slice %arg12[%dma_wait3A_326, %dma_wait3A_327, %dma_wait3A_328] : memref<2x128x128xf32, #tpu.memory_space<vmem>> -> memref<1x64x128xf32, #tpu.memory_space<vmem>>
    %dma_wait3A_330 = tpu.memref_squeeze %dma_wait3A_329 : memref<1x64x128xf32, #tpu.memory_space<vmem>> -> memref<64x128xf32, #tpu.memory_space<vmem>>
    %dma_wait3A_331 = arith.constant 0 : i32
    %dma_wait3A_332 = tpu.memref_slice %arg2[%add3A_298, %dma_wait3A_331] : memref<10240x128xf32, #tpu.memory_space<hbm>> -> memref<64x128xf32, #tpu.memory_space<hbm>>
    %dma_wait3A_333 = arith.constant 0 : i32
    %dma_wait3A_334 = arith.constant 0 : i32
    %dma_wait3A_335 = tpu.memref_slice %arg12[%dma_wait3A_326, %dma_wait3A_333, %dma_wait3A_334] : memref<2x128x128xf32, #tpu.memory_space<vmem>> -> memref<1x64x128xf32, #tpu.memory_space<vmem>>
    %dma_wait3A_336 = tpu.memref_squeeze %dma_wait3A_335 : memref<1x64x128xf32, #tpu.memory_space<vmem>> -> memref<64x128xf32, #tpu.memory_space<vmem>>
    %dma_wait3A_337 = arith.constant 0 : i32
    %dma_wait3A_338 = tpu.memref_slice %arg2[%add3A_298, %dma_wait3A_337] : memref<10240x128xf32, #tpu.memory_space<hbm>> -> memref<64x128xf32, #tpu.memory_space<hbm>>
    tpu.wait_dma2 semaphore(%arg19 : memref<!tpu.dma_semaphore, #tpu.memory_space<semaphore_mem>>) src(%dma_wait3A_338 : memref<64x128xf32, #tpu.memory_space<hbm>>) dst(%dma_wait3A_336 : memref<64x128xf32, #tpu.memory_space<vmem>>)
    %dma_wait3A_339 = arith.constant 0 : i32
    %dma_wait3A_340 = arith.constant 64 : i32
    %dma_wait3A_341 = arith.constant 0 : i32
    %dma_wait3A_342 = tpu.memref_slice %arg12[%dma_wait3A_339, %dma_wait3A_340, %dma_wait3A_341] : memref<2x128x128xf32, #tpu.memory_space<vmem>> -> memref<1x64x128xf32, #tpu.memory_space<vmem>>
    %dma_wait3A_343 = tpu.memref_squeeze %dma_wait3A_342 : memref<1x64x128xf32, #tpu.memory_space<vmem>> -> memref<64x128xf32, #tpu.memory_space<vmem>>
    %dma_wait3A_344 = arith.constant 0 : i32
    %dma_wait3A_345 = tpu.memref_slice %arg3[%add3A_298, %dma_wait3A_344] : memref<10240x128xf32, #tpu.memory_space<hbm>> -> memref<64x128xf32, #tpu.memory_space<hbm>>
    %dma_wait3A_346 = arith.constant 64 : i32
    %dma_wait3A_347 = arith.constant 0 : i32
    %dma_wait3A_348 = tpu.memref_slice %arg12[%dma_wait3A_339, %dma_wait3A_346, %dma_wait3A_347] : memref<2x128x128xf32, #tpu.memory_space<vmem>> -> memref<1x64x128xf32, #tpu.memory_space<vmem>>
    %dma_wait3A_349 = tpu.memref_squeeze %dma_wait3A_348 : memref<1x64x128xf32, #tpu.memory_space<vmem>> -> memref<64x128xf32, #tpu.memory_space<vmem>>
    %dma_wait3A_350 = arith.constant 0 : i32
    %dma_wait3A_351 = tpu.memref_slice %arg3[%add3A_298, %dma_wait3A_350] : memref<10240x128xf32, #tpu.memory_space<hbm>> -> memref<64x128xf32, #tpu.memory_space<hbm>>
    tpu.wait_dma2 semaphore(%arg19 : memref<!tpu.dma_semaphore, #tpu.memory_space<semaphore_mem>>) src(%dma_wait3A_351 : memref<64x128xf32, #tpu.memory_space<hbm>>) dst(%dma_wait3A_349 : memref<64x128xf32, #tpu.memory_space<vmem>>)
    %scan3A_352 = arith.constant 0 : i32
    %scan3A_353 = arith.constant 0 : i32
    %scan3A_354 = arith.constant 64 : i32
    %scan3A_355 = arith.addi %scan3A_353, %scan3A_354 : i32
    %scan3A_356 = arith.constant 1 : i32
    %scan3A_357 = scf.for %scan3A_479 = %scan3A_353 to %scan3A_355 step %scan3A_356 iter_args(%scan3A_480 = %scan3A_352) -> (i32)  : i32 {
      %get3A = arith.constant 0 : i32
      %get3A_481 = arith.index_cast %get3A : i32 to index
      %get3A_482 = arith.index_cast %scan3A_479 : i32 to index
      %get3A_483 = arith.constant 0 : index
      %get3A_484 = tpu.vector_load %arg12[%get3A_481, %get3A_482, %get3A_483] {strides = array<i32>} : memref<2x128x128xf32, #tpu.memory_space<vmem>>, vector<1x1x16xf32>,
      %get3A_485 = vector.shape_cast %get3A_484 : vector<1x1x16xf32> to vector<16xf32>
      %get3A_486 = arith.constant 1 : i32
      %get3A_487 = arith.index_cast %get3A_486 : i32 to index
      %get3A_488 = arith.index_cast %scan3A_479 : i32 to index
      %get3A_489 = arith.constant 0 : index
      %get3A_490 = tpu.vector_load %arg12[%get3A_487, %get3A_488, %get3A_489] {strides = array<i32>} : memref<2x128x128xf32, #tpu.memory_space<vmem>>, vector<1x1x16xf32>,
      %get3A_491 = vector.shape_cast %get3A_490 : vector<1x1x16xf32> to vector<16xf32>
      %add3A_492 = arith.addf %get3A_485, %get3A_491 : vector<16xf32>
      %add3A_493 = arith.constant 64 : i32
      %add3A_494 = arith.addi %add3A_493, %scan3A_479 : i32
      %get3A_495 = arith.constant 0 : i32
      %get3A_496 = arith.index_cast %get3A_495 : i32 to index
      %get3A_497 = arith.index_cast %add3A_494 : i32 to index
      %get3A_498 = arith.constant 0 : index
      %get3A_499 = tpu.vector_load %arg12[%get3A_496, %get3A_497, %get3A_498] {strides = array<i32>} : memref<2x128x128xf32, #tpu.memory_space<vmem>>, vector<1x1x16xf32>,
      %get3A_500 = vector.shape_cast %get3A_499 : vector<1x1x16xf32> to vector<16xf32>
      %mul3A_501 = arith.mulf %add3A_492, %get3A_500 : vector<16xf32>
      %add3A_502 = arith.constant 64 : i32
      %add3A_503 = arith.addi %add3A_502, %scan3A_479 : i32
      %swap3A = arith.constant 1 : i32
      %swap3A_504 = arith.index_cast %swap3A : i32 to index
      %swap3A_505 = arith.index_cast %add3A_503 : i32 to index
      %swap3A_506 = arith.constant 0 : index
      %swap3A_507 = tpu.vector_load %arg12[%swap3A_504, %swap3A_505, %swap3A_506] {strides = array<i32>} : memref<2x128x128xf32, #tpu.memory_space<vmem>>, vector<1x1x16xf32>,
      %swap3A_508 = vector.shape_cast %swap3A_507 : vector<1x1x16xf32> to vector<16xf32>
      %swap3A_509 = vector.shape_cast %mul3A_501 : vector<16xf32> to vector<1x1x16xf32>
      tpu.vector_store %arg12[%swap3A_504, %swap3A_505, %swap3A_506], %swap3A_509 {strides = array<i32>} : memref<2x128x128xf32, #tpu.memory_space<vmem>>, vector<1x1x16xf32>,
      %get3A_510 = arith.constant 0 : i32
      %get3A_511 = arith.index_cast %get3A_510 : i32 to index
      %get3A_512 = arith.index_cast %scan3A_479 : i32 to index
      %get3A_513 = arith.constant 16 : index
      %get3A_514 = tpu.vector_load %arg12[%get3A_511, %get3A_512, %get3A_513] {strides = array<i32>} : memref<2x128x128xf32, #tpu.memory_space<vmem>>, vector<1x1x16xf32>,
      %get3A_515 = vector.shape_cast %get3A_514 : vector<1x1x16xf32> to vector<16xf32>
      %get3A_516 = arith.constant 1 : i32
      %get3A_517 = arith.index_cast %get3A_516 : i32 to index
      %get3A_518 = arith.index_cast %scan3A_479 : i32 to index
      %get3A_519 = arith.constant 16 : index
      %get3A_520 = tpu.vector_load %arg12[%get3A_517, %get3A_518, %get3A_519] {strides = array<i32>} : memref<2x128x128xf32, #tpu.memory_space<vmem>>, vector<1x1x16xf32>,
      %get3A_521 = vector.shape_cast %get3A_520 : vector<1x1x16xf32> to vector<16xf32>
      %add3A_522 = arith.addf %get3A_515, %get3A_521 : vector<16xf32>
      %add3A_523 = arith.constant 64 : i32
      %add3A_524 = arith.addi %add3A_523, %scan3A_479 : i32
      %get3A_525 = arith.constant 0 : i32
      %get3A_526 = arith.index_cast %get3A_525 : i32 to index
      %get3A_527 = arith.index_cast %add3A_524 : i32 to index
      %get3A_528 = arith.constant 16 : index
      %get3A_529 = tpu.vector_load %arg12[%get3A_526, %get3A_527, %get3A_528] {strides = array<i32>} : memref<2x128x128xf32, #tpu.memory_space<vmem>>, vector<1x1x16xf32>,
      %get3A_530 = vector.shape_cast %get3A_529 : vector<1x1x16xf32> to vector<16xf32>
      %mul3A_531 = arith.mulf %add3A_522, %get3A_530 : vector<16xf32>
      %add3A_532 = arith.constant 64 : i32
      %add3A_533 = arith.addi %add3A_532, %scan3A_479 : i32
      %swap3A_534 = arith.constant 1 : i32
      %swap3A_535 = arith.index_cast %swap3A_534 : i32 to index
      %swap3A_536 = arith.index_cast %add3A_533 : i32 to index
      %swap3A_537 = arith.constant 16 : index
      %swap3A_538 = tpu.vector_load %arg12[%swap3A_535, %swap3A_536, %swap3A_537] {strides = array<i32>} : memref<2x128x128xf32, #tpu.memory_space<vmem>>, vector<1x1x16xf32>,
      %swap3A_539 = vector.shape_cast %swap3A_538 : vector<1x1x16xf32> to vector<16xf32>
      %swap3A_540 = vector.shape_cast %mul3A_531 : vector<16xf32> to vector<1x1x16xf32>
      tpu.vector_store %arg12[%swap3A_535, %swap3A_536, %swap3A_537], %swap3A_540 {strides = array<i32>} : memref<2x128x128xf32, #tpu.memory_space<vmem>>, vector<1x1x16xf32>,
      %get3A_541 = arith.constant 0 : i32
      %get3A_542 = arith.index_cast %get3A_541 : i32 to index
      %get3A_543 = arith.index_cast %scan3A_479 : i32 to index
      %get3A_544 = arith.constant 32 : index
      %get3A_545 = tpu.vector_load %arg12[%get3A_542, %get3A_543, %get3A_544] {strides = array<i32>} : memref<2x128x128xf32, #tpu.memory_space<vmem>>, vector<1x1x16xf32>,
      %get3A_546 = vector.shape_cast %get3A_545 : vector<1x1x16xf32> to vector<16xf32>
      %get3A_547 = arith.constant 1 : i32
      %get3A_548 = arith.index_cast %get3A_547 : i32 to index
      %get3A_549 = arith.index_cast %scan3A_479 : i32 to index
      %get3A_550 = arith.constant 32 : index
      %get3A_551 = tpu.vector_load %arg12[%get3A_548, %get3A_549, %get3A_550] {strides = array<i32>} : memref<2x128x128xf32, #tpu.memory_space<vmem>>, vector<1x1x16xf32>,
      %get3A_552 = vector.shape_cast %get3A_551 : vector<1x1x16xf32> to vector<16xf32>
      %add3A_553 = arith.addf %get3A_546, %get3A_552 : vector<16xf32>
      %add3A_554 = arith.constant 64 : i32
      %add3A_555 = arith.addi %add3A_554, %scan3A_479 : i32
      %get3A_556 = arith.constant 0 : i32
      %get3A_557 = arith.index_cast %get3A_556 : i32 to index
      %get3A_558 = arith.index_cast %add3A_555 : i32 to index
      %get3A_559 = arith.constant 32 : index
      %get3A_560 = tpu.vector_load %arg12[%get3A_557, %get3A_558, %get3A_559] {strides = array<i32>} : memref<2x128x128xf32, #tpu.memory_space<vmem>>, vector<1x1x16xf32>,
      %get3A_561 = vector.shape_cast %get3A_560 : vector<1x1x16xf32> to vector<16xf32>
      %mul3A_562 = arith.mulf %add3A_553, %get3A_561 : vector<16xf32>
      %add3A_563 = arith.constant 64 : i32
      %add3A_564 = arith.addi %add3A_563, %scan3A_479 : i32
      %swap3A_565 = arith.constant 1 : i32
      %swap3A_566 = arith.index_cast %swap3A_565 : i32 to index
      %swap3A_567 = arith.index_cast %add3A_564 : i32 to index
      %swap3A_568 = arith.constant 32 : index
      %swap3A_569 = tpu.vector_load %arg12[%swap3A_566, %swap3A_567, %swap3A_568] {strides = array<i32>} : memref<2x128x128xf32, #tpu.memory_space<vmem>>, vector<1x1x16xf32>,
      %swap3A_570 = vector.shape_cast %swap3A_569 : vector<1x1x16xf32> to vector<16xf32>
      %swap3A_571 = vector.shape_cast %mul3A_562 : vector<16xf32> to vector<1x1x16xf32>
      tpu.vector_store %arg12[%swap3A_566, %swap3A_567, %swap3A_568], %swap3A_571 {strides = array<i32>} : memref<2x128x128xf32, #tpu.memory_space<vmem>>, vector<1x1x16xf32>,
      %get3A_572 = arith.constant 0 : i32
      %get3A_573 = arith.index_cast %get3A_572 : i32 to index
      %get3A_574 = arith.index_cast %scan3A_479 : i32 to index
      %get3A_575 = arith.constant 48 : index
      %get3A_576 = tpu.vector_load %arg12[%get3A_573, %get3A_574, %get3A_575] {strides = array<i32>} : memref<2x128x128xf32, #tpu.memory_space<vmem>>, vector<1x1x16xf32>,
      %get3A_577 = vector.shape_cast %get3A_576 : vector<1x1x16xf32> to vector<16xf32>
      %get3A_578 = arith.constant 1 : i32
      %get3A_579 = arith.index_cast %get3A_578 : i32 to index
      %get3A_580 = arith.index_cast %scan3A_479 : i32 to index
      %get3A_581 = arith.constant 48 : index
      %get3A_582 = tpu.vector_load %arg12[%get3A_579, %get3A_580, %get3A_581] {strides = array<i32>} : memref<2x128x128xf32, #tpu.memory_space<vmem>>, vector<1x1x16xf32>,
      %get3A_583 = vector.shape_cast %get3A_582 : vector<1x1x16xf32> to vector<16xf32>
      %add3A_584 = arith.addf %get3A_577, %get3A_583 : vector<16xf32>
      %add3A_585 = arith.constant 64 : i32
      %add3A_586 = arith.addi %add3A_585, %scan3A_479 : i32
      %get3A_587 = arith.constant 0 : i32
      %get3A_588 = arith.index_cast %get3A_587 : i32 to index
      %get3A_589 = arith.index_cast %add3A_586 : i32 to index
      %get3A_590 = arith.constant 48 : index
      %get3A_591 = tpu.vector_load %arg12[%get3A_588, %get3A_589, %get3A_590] {strides = array<i32>} : memref<2x128x128xf32, #tpu.memory_space<vmem>>, vector<1x1x16xf32>,
      %get3A_592 = vector.shape_cast %get3A_591 : vector<1x1x16xf32> to vector<16xf32>
      %mul3A_593 = arith.mulf %add3A_584, %get3A_592 : vector<16xf32>
      %add3A_594 = arith.constant 64 : i32
      %add3A_595 = arith.addi %add3A_594, %scan3A_479 : i32
      %swap3A_596 = arith.constant 1 : i32
      %swap3A_597 = arith.index_cast %swap3A_596 : i32 to index
      %swap3A_598 = arith.index_cast %add3A_595 : i32 to index
      %swap3A_599 = arith.constant 48 : index
      %swap3A_600 = tpu.vector_load %arg12[%swap3A_597, %swap3A_598, %swap3A_599] {strides = array<i32>} : memref<2x128x128xf32, #tpu.memory_space<vmem>>, vector<1x1x16xf32>,
      %swap3A_601 = vector.shape_cast %swap3A_600 : vector<1x1x16xf32> to vector<16xf32>
      %swap3A_602 = vector.shape_cast %mul3A_593 : vector<16xf32> to vector<1x1x16xf32>
      tpu.vector_store %arg12[%swap3A_597, %swap3A_598, %swap3A_599], %swap3A_602 {strides = array<i32>} : memref<2x128x128xf32, #tpu.memory_space<vmem>>, vector<1x1x16xf32>,
      %get3A_603 = arith.constant 0 : i32
      %get3A_604 = arith.index_cast %get3A_603 : i32 to index
      %get3A_605 = arith.index_cast %scan3A_479 : i32 to index
      %get3A_606 = arith.constant 64 : index
      %get3A_607 = tpu.vector_load %arg12[%get3A_604, %get3A_605, %get3A_606] {strides = array<i32>} : memref<2x128x128xf32, #tpu.memory_space<vmem>>, vector<1x1x16xf32>,
      %get3A_608 = vector.shape_cast %get3A_607 : vector<1x1x16xf32> to vector<16xf32>
      %get3A_609 = arith.constant 1 : i32
      %get3A_610 = arith.index_cast %get3A_609 : i32 to index
      %get3A_611 = arith.index_cast %scan3A_479 : i32 to index
      %get3A_612 = arith.constant 64 : index
      %get3A_613 = tpu.vector_load %arg12[%get3A_610, %get3A_611, %get3A_612] {strides = array<i32>} : memref<2x128x128xf32, #tpu.memory_space<vmem>>, vector<1x1x16xf32>,
      %get3A_614 = vector.shape_cast %get3A_613 : vector<1x1x16xf32> to vector<16xf32>
      %add3A_615 = arith.addf %get3A_608, %get3A_614 : vector<16xf32>
      %add3A_616 = arith.constant 64 : i32
      %add3A_617 = arith.addi %add3A_616, %scan3A_479 : i32
      %get3A_618 = arith.constant 0 : i32
      %get3A_619 = arith.index_cast %get3A_618 : i32 to index
      %get3A_620 = arith.index_cast %add3A_617 : i32 to index
      %get3A_621 = arith.constant 64 : index
      %get3A_622 = tpu.vector_load %arg12[%get3A_619, %get3A_620, %get3A_621] {strides = array<i32>} : memref<2x128x128xf32, #tpu.memory_space<vmem>>, vector<1x1x16xf32>,
      %get3A_623 = vector.shape_cast %get3A_622 : vector<1x1x16xf32> to vector<16xf32>
      %mul3A_624 = arith.mulf %add3A_615, %get3A_623 : vector<16xf32>
      %add3A_625 = arith.constant 64 : i32
      %add3A_626 = arith.addi %add3A_625, %scan3A_479 : i32
      %swap3A_627 = arith.constant 1 : i32
      %swap3A_628 = arith.index_cast %swap3A_627 : i32 to index
      %swap3A_629 = arith.index_cast %add3A_626 : i32 to index
      %swap3A_630 = arith.constant 64 : index
      %swap3A_631 = tpu.vector_load %arg12[%swap3A_628, %swap3A_629, %swap3A_630] {strides = array<i32>} : memref<2x128x128xf32, #tpu.memory_space<vmem>>, vector<1x1x16xf32>,
      %swap3A_632 = vector.shape_cast %swap3A_631 : vector<1x1x16xf32> to vector<16xf32>
      %swap3A_633 = vector.shape_cast %mul3A_624 : vector<16xf32> to vector<1x1x16xf32>
      tpu.vector_store %arg12[%swap3A_628, %swap3A_629, %swap3A_630], %swap3A_633 {strides = array<i32>} : memref<2x128x128xf32, #tpu.memory_space<vmem>>, vector<1x1x16xf32>,
      %get3A_634 = arith.constant 0 : i32
      %get3A_635 = arith.index_cast %get3A_634 : i32 to index
      %get3A_636 = arith.index_cast %scan3A_479 : i32 to index
      %get3A_637 = arith.constant 80 : index
      %get3A_638 = tpu.vector_load %arg12[%get3A_635, %get3A_636, %get3A_637] {strides = array<i32>} : memref<2x128x128xf32, #tpu.memory_space<vmem>>, vector<1x1x16xf32>,
      %get3A_639 = vector.shape_cast %get3A_638 : vector<1x1x16xf32> to vector<16xf32>
      %get3A_640 = arith.constant 1 : i32
      %get3A_641 = arith.index_cast %get3A_640 : i32 to index
      %get3A_642 = arith.index_cast %scan3A_479 : i32 to index
      %get3A_643 = arith.constant 80 : index
      %get3A_644 = tpu.vector_load %arg12[%get3A_641, %get3A_642, %get3A_643] {strides = array<i32>} : memref<2x128x128xf32, #tpu.memory_space<vmem>>, vector<1x1x16xf32>,
      %get3A_645 = vector.shape_cast %get3A_644 : vector<1x1x16xf32> to vector<16xf32>
      %add3A_646 = arith.addf %get3A_639, %get3A_645 : vector<16xf32>
      %add3A_647 = arith.constant 64 : i32
      %add3A_648 = arith.addi %add3A_647, %scan3A_479 : i32
      %get3A_649 = arith.constant 0 : i32
      %get3A_650 = arith.index_cast %get3A_649 : i32 to index
      %get3A_651 = arith.index_cast %add3A_648 : i32 to index
      %get3A_652 = arith.constant 80 : index
      %get3A_653 = tpu.vector_load %arg12[%get3A_650, %get3A_651, %get3A_652] {strides = array<i32>} : memref<2x128x128xf32, #tpu.memory_space<vmem>>, vector<1x1x16xf32>,
      %get3A_654 = vector.shape_cast %get3A_653 : vector<1x1x16xf32> to vector<16xf32>
      %mul3A_655 = arith.mulf %add3A_646, %get3A_654 : vector<16xf32>
      %add3A_656 = arith.constant 64 : i32
      %add3A_657 = arith.addi %add3A_656, %scan3A_479 : i32
      %swap3A_658 = arith.constant 1 : i32
      %swap3A_659 = arith.index_cast %swap3A_658 : i32 to index
      %swap3A_660 = arith.index_cast %add3A_657 : i32 to index
      %swap3A_661 = arith.constant 80 : index
      %swap3A_662 = tpu.vector_load %arg12[%swap3A_659, %swap3A_660, %swap3A_661] {strides = array<i32>} : memref<2x128x128xf32, #tpu.memory_space<vmem>>, vector<1x1x16xf32>,
      %swap3A_663 = vector.shape_cast %swap3A_662 : vector<1x1x16xf32> to vector<16xf32>
      %swap3A_664 = vector.shape_cast %mul3A_655 : vector<16xf32> to vector<1x1x16xf32>
      tpu.vector_store %arg12[%swap3A_659, %swap3A_660, %swap3A_661], %swap3A_664 {strides = array<i32>} : memref<2x128x128xf32, #tpu.memory_space<vmem>>, vector<1x1x16xf32>,
      %get3A_665 = arith.constant 0 : i32
      %get3A_666 = arith.index_cast %get3A_665 : i32 to index
      %get3A_667 = arith.index_cast %scan3A_479 : i32 to index
      %get3A_668 = arith.constant 96 : index
      %get3A_669 = tpu.vector_load %arg12[%get3A_666, %get3A_667, %get3A_668] {strides = array<i32>} : memref<2x128x128xf32, #tpu.memory_space<vmem>>, vector<1x1x16xf32>,
      %get3A_670 = vector.shape_cast %get3A_669 : vector<1x1x16xf32> to vector<16xf32>
      %get3A_671 = arith.constant 1 : i32
      %get3A_672 = arith.index_cast %get3A_671 : i32 to index
      %get3A_673 = arith.index_cast %scan3A_479 : i32 to index
      %get3A_674 = arith.constant 96 : index
      %get3A_675 = tpu.vector_load %arg12[%get3A_672, %get3A_673, %get3A_674] {strides = array<i32>} : memref<2x128x128xf32, #tpu.memory_space<vmem>>, vector<1x1x16xf32>,
      %get3A_676 = vector.shape_cast %get3A_675 : vector<1x1x16xf32> to vector<16xf32>
      %add3A_677 = arith.addf %get3A_670, %get3A_676 : vector<16xf32>
      %add3A_678 = arith.constant 64 : i32
      %add3A_679 = arith.addi %add3A_678, %scan3A_479 : i32
      %get3A_680 = arith.constant 0 : i32
      %get3A_681 = arith.index_cast %get3A_680 : i32 to index
      %get3A_682 = arith.index_cast %add3A_679 : i32 to index
      %get3A_683 = arith.constant 96 : index
      %get3A_684 = tpu.vector_load %arg12[%get3A_681, %get3A_682, %get3A_683] {strides = array<i32>} : memref<2x128x128xf32, #tpu.memory_space<vmem>>, vector<1x1x16xf32>,
      %get3A_685 = vector.shape_cast %get3A_684 : vector<1x1x16xf32> to vector<16xf32>
      %mul3A_686 = arith.mulf %add3A_677, %get3A_685 : vector<16xf32>
      %add3A_687 = arith.constant 64 : i32
      %add3A_688 = arith.addi %add3A_687, %scan3A_479 : i32
      %swap3A_689 = arith.constant 1 : i32
      %swap3A_690 = arith.index_cast %swap3A_689 : i32 to index
      %swap3A_691 = arith.index_cast %add3A_688 : i32 to index
      %swap3A_692 = arith.constant 96 : index
      %swap3A_693 = tpu.vector_load %arg12[%swap3A_690, %swap3A_691, %swap3A_692] {strides = array<i32>} : memref<2x128x128xf32, #tpu.memory_space<vmem>>, vector<1x1x16xf32>,
      %swap3A_694 = vector.shape_cast %swap3A_693 : vector<1x1x16xf32> to vector<16xf32>
      %swap3A_695 = vector.shape_cast %mul3A_686 : vector<16xf32> to vector<1x1x16xf32>
      tpu.vector_store %arg12[%swap3A_690, %swap3A_691, %swap3A_692], %swap3A_695 {strides = array<i32>} : memref<2x128x128xf32, #tpu.memory_space<vmem>>, vector<1x1x16xf32>,
      %get3A_696 = arith.constant 0 : i32
      %get3A_697 = arith.index_cast %get3A_696 : i32 to index
      %get3A_698 = arith.index_cast %scan3A_479 : i32 to index
      %get3A_699 = arith.constant 112 : index
      %get3A_700 = tpu.vector_load %arg12[%get3A_697, %get3A_698, %get3A_699] {strides = array<i32>} : memref<2x128x128xf32, #tpu.memory_space<vmem>>, vector<1x1x16xf32>,
      %get3A_701 = vector.shape_cast %get3A_700 : vector<1x1x16xf32> to vector<16xf32>
      %get3A_702 = arith.constant 1 : i32
      %get3A_703 = arith.index_cast %get3A_702 : i32 to index
      %get3A_704 = arith.index_cast %scan3A_479 : i32 to index
      %get3A_705 = arith.constant 112 : index
      %get3A_706 = tpu.vector_load %arg12[%get3A_703, %get3A_704, %get3A_705] {strides = array<i32>} : memref<2x128x128xf32, #tpu.memory_space<vmem>>, vector<1x1x16xf32>,
      %get3A_707 = vector.shape_cast %get3A_706 : vector<1x1x16xf32> to vector<16xf32>
      %add3A_708 = arith.addf %get3A_701, %get3A_707 : vector<16xf32>
      %add3A_709 = arith.constant 64 : i32
      %add3A_710 = arith.addi %add3A_709, %scan3A_479 : i32
      %get3A_711 = arith.constant 0 : i32
      %get3A_712 = arith.index_cast %get3A_711 : i32 to index
      %get3A_713 = arith.index_cast %add3A_710 : i32 to index
      %get3A_714 = arith.constant 112 : index
      %get3A_715 = tpu.vector_load %arg12[%get3A_712, %get3A_713, %get3A_714] {strides = array<i32>} : memref<2x128x128xf32, #tpu.memory_space<vmem>>, vector<1x1x16xf32>,
      %get3A_716 = vector.shape_cast %get3A_715 : vector<1x1x16xf32> to vector<16xf32>
      %mul3A_717 = arith.mulf %add3A_708, %get3A_716 : vector<16xf32>
      %add3A_718 = arith.constant 64 : i32
      %add3A_719 = arith.addi %add3A_718, %scan3A_479 : i32
      %swap3A_720 = arith.constant 1 : i32
      %swap3A_721 = arith.index_cast %swap3A_720 : i32 to index
      %swap3A_722 = arith.index_cast %add3A_719 : i32 to index
      %swap3A_723 = arith.constant 112 : index
      %swap3A_724 = tpu.vector_load %arg12[%swap3A_721, %swap3A_722, %swap3A_723] {strides = array<i32>} : memref<2x128x128xf32, #tpu.memory_space<vmem>>, vector<1x1x16xf32>,
      %swap3A_725 = vector.shape_cast %swap3A_724 : vector<1x1x16xf32> to vector<16xf32>
      %swap3A_726 = vector.shape_cast %mul3A_717 : vector<16xf32> to vector<1x1x16xf32>
      tpu.vector_store %arg12[%swap3A_721, %swap3A_722, %swap3A_723], %swap3A_726 {strides = array<i32>} : memref<2x128x128xf32, #tpu.memory_space<vmem>>, vector<1x1x16xf32>,
      %scan3A_727 = arith.constant 0 : i32
      scf.yield %scan3A_727 : i32
    }
    %scan3A_358 = arith.constant 64 : i32
    %run_scoped3A_359 = arith.constant 1 : i32
    "tpu.region"() ({
      %run_scoped3A_479 = tpu.sem_alloc : memref<!tpu.dma_semaphore, #tpu.memory_space<semaphore_mem>>
      %dma_start3A_480 = arith.constant 64 : i32
      %dma_start3A_481 = arith.constant 0 : i32
      %dma_start3A_482 = tpu.memref_slice %arg12[%run_scoped3A_359, %dma_start3A_480, %dma_start3A_481] : memref<2x128x128xf32, #tpu.memory_space<vmem>> -> memref<1x64x128xf32, #tpu.memory_space<vmem>>
      %dma_start3A_483 = tpu.memref_squeeze %dma_start3A_482 : memref<1x64x128xf32, #tpu.memory_space<vmem>> -> memref<64x128xf32, #tpu.memory_space<vmem>>
      %dma_start3A_484 = arith.constant 0 : i32
      %dma_start3A_485 = tpu.memref_slice %arg7[%add3A_298, %dma_start3A_484] : memref<10240x128xf32, #tpu.memory_space<hbm>> -> memref<64x128xf32, #tpu.memory_space<hbm>>
      %dma_start3A_486 = arith.constant 0 : i32
      %dma_start3A_487 = tpu.memref_slice %arg7[%add3A_298, %dma_start3A_486] : memref<10240x128xf32, #tpu.memory_space<hbm>> -> memref<64x128xf32, #tpu.memory_space<hbm>>
      %dma_start3A_488 = arith.constant 64 : i32
      %dma_start3A_489 = arith.constant 0 : i32
      %dma_start3A_490 = tpu.memref_slice %arg12[%run_scoped3A_359, %dma_start3A_488, %dma_start3A_489] : memref<2x128x128xf32, #tpu.memory_space<vmem>> -> memref<1x64x128xf32, #tpu.memory_space<vmem>>
      %dma_start3A_491 = tpu.memref_squeeze %dma_start3A_490 : memref<1x64x128xf32, #tpu.memory_space<vmem>> -> memref<64x128xf32, #tpu.memory_space<vmem>>
      tpu.enqueue_dma source(%dma_start3A_491 : memref<64x128xf32, #tpu.memory_space<vmem>>) target(%dma_start3A_487 : memref<64x128xf32, #tpu.memory_space<hbm>>) target_semaphore(%run_scoped3A_479 : memref<!tpu.dma_semaphore, #tpu.memory_space<semaphore_mem>>)
      %dma_wait3A_492 = arith.constant 64 : i32
      %dma_wait3A_493 = arith.constant 0 : i32
      %dma_wait3A_494 = tpu.memref_slice %arg12[%run_scoped3A_359, %dma_wait3A_492, %dma_wait3A_493] : memref<2x128x128xf32, #tpu.memory_space<vmem>> -> memref<1x64x128xf32, #tpu.memory_space<vmem>>
      %dma_wait3A_495 = tpu.memref_squeeze %dma_wait3A_494 : memref<1x64x128xf32, #tpu.memory_space<vmem>> -> memref<64x128xf32, #tpu.memory_space<vmem>>
      %dma_wait3A_496 = arith.constant 0 : i32
      %dma_wait3A_497 = tpu.memref_slice %arg7[%add3A_298, %dma_wait3A_496] : memref<10240x128xf32, #tpu.memory_space<hbm>> -> memref<64x128xf32, #tpu.memory_space<hbm>>
      %dma_wait3A_498 = arith.constant 0 : i32
      %dma_wait3A_499 = tpu.memref_slice %arg7[%add3A_298, %dma_wait3A_498] : memref<10240x128xf32, #tpu.memory_space<hbm>> -> memref<64x128xf32, #tpu.memory_space<hbm>>
      %dma_wait3A_500 = arith.constant 64 : i32
      %dma_wait3A_501 = arith.constant 0 : i32
      %dma_wait3A_502 = tpu.memref_slice %arg12[%run_scoped3A_359, %dma_wait3A_500, %dma_wait3A_501] : memref<2x128x128xf32, #tpu.memory_space<vmem>> -> memref<1x64x128xf32, #tpu.memory_space<vmem>>
      %dma_wait3A_503 = tpu.memref_squeeze %dma_wait3A_502 : memref<1x64x128xf32, #tpu.memory_space<vmem>> -> memref<64x128xf32, #tpu.memory_space<vmem>>
      tpu.wait_dma2 semaphore(%run_scoped3A_479 : memref<!tpu.dma_semaphore, #tpu.memory_space<semaphore_mem>>) src(%dma_wait3A_503 : memref<64x128xf32, #tpu.memory_space<vmem>>) dst(%dma_wait3A_499 : memref<64x128xf32, #tpu.memory_space<hbm>>)
      tpu.yield
    }) : () -> ()
    %mul3A_360 = arith.constant 320 : i32
    %mul3A_361 = arith.muli %arg1, %mul3A_360 : i32
    %add3A_362 = arith.constant 256 : i32
    %add3A_363 = arith.addi %mul3A_361, %add3A_362 : i32
    %add3A_364 = arith.constant 256 : i32
    %add3A_365 = arith.addi %add3A_37, %add3A_364 : i32
    %dma_start3A_366 = arith.constant 1 : i32
    %dma_start3A_367 = arith.constant 0 : i32
    %dma_start3A_368 = arith.constant 0 : i32
    %dma_start3A_369 = tpu.memref_slice %arg12[%dma_start3A_366, %dma_start3A_367, %dma_start3A_368] : memref<2x128x128xf32, #tpu.memory_space<vmem>> -> memref<1x64x128xf32, #tpu.memory_space<vmem>>
    %dma_start3A_370 = tpu.memref_squeeze %dma_start3A_369 : memref<1x64x128xf32, #tpu.memory_space<vmem>> -> memref<64x128xf32, #tpu.memory_space<vmem>>
    %dma_start3A_371 = arith.constant 0 : i32
    %dma_start3A_372 = tpu.memref_slice %arg2[%add3A_365, %dma_start3A_371] : memref<10240x128xf32, #tpu.memory_space<hbm>> -> memref<64x128xf32, #tpu.memory_space<hbm>>
    %dma_start3A_373 = arith.constant 0 : i32
    %dma_start3A_374 = arith.constant 0 : i32
    %dma_start3A_375 = tpu.memref_slice %arg12[%dma_start3A_366, %dma_start3A_373, %dma_start3A_374] : memref<2x128x128xf32, #tpu.memory_space<vmem>> -> memref<1x64x128xf32, #tpu.memory_space<vmem>>
    %dma_start3A_376 = tpu.memref_squeeze %dma_start3A_375 : memref<1x64x128xf32, #tpu.memory_space<vmem>> -> memref<64x128xf32, #tpu.memory_space<vmem>>
    %dma_start3A_377 = arith.constant 0 : i32
    %dma_start3A_378 = tpu.memref_slice %arg2[%add3A_365, %dma_start3A_377] : memref<10240x128xf32, #tpu.memory_space<hbm>> -> memref<64x128xf32, #tpu.memory_space<hbm>>
    tpu.enqueue_dma source(%dma_start3A_378 : memref<64x128xf32, #tpu.memory_space<hbm>>) target(%dma_start3A_376 : memref<64x128xf32, #tpu.memory_space<vmem>>) target_semaphore(%arg19 : memref<!tpu.dma_semaphore, #tpu.memory_space<semaphore_mem>>)
    %dma_start3A_379 = arith.constant 0 : i32
    %dma_start3A_380 = arith.constant 64 : i32
    %dma_start3A_381 = arith.constant 0 : i32
    %dma_start3A_382 = tpu.memref_slice %arg12[%dma_start3A_379, %dma_start3A_380, %dma_start3A_381] : memref<2x128x128xf32, #tpu.memory_space<vmem>> -> memref<1x64x128xf32, #tpu.memory_space<vmem>>
    %dma_start3A_383 = tpu.memref_squeeze %dma_start3A_382 : memref<1x64x128xf32, #tpu.memory_space<vmem>> -> memref<64x128xf32, #tpu.memory_space<vmem>>
    %dma_start3A_384 = arith.constant 0 : i32
    %dma_start3A_385 = tpu.memref_slice %arg3[%add3A_365, %dma_start3A_384] : memref<10240x128xf32, #tpu.memory_space<hbm>> -> memref<64x128xf32, #tpu.memory_space<hbm>>
    %dma_start3A_386 = arith.constant 64 : i32
    %dma_start3A_387 = arith.constant 0 : i32
    %dma_start3A_388 = tpu.memref_slice %arg12[%dma_start3A_379, %dma_start3A_386, %dma_start3A_387] : memref<2x128x128xf32, #tpu.memory_space<vmem>> -> memref<1x64x128xf32, #tpu.memory_space<vmem>>
    %dma_start3A_389 = tpu.memref_squeeze %dma_start3A_388 : memref<1x64x128xf32, #tpu.memory_space<vmem>> -> memref<64x128xf32, #tpu.memory_space<vmem>>
    %dma_start3A_390 = arith.constant 0 : i32
    %dma_start3A_391 = tpu.memref_slice %arg3[%add3A_365, %dma_start3A_390] : memref<10240x128xf32, #tpu.memory_space<hbm>> -> memref<64x128xf32, #tpu.memory_space<hbm>>
    tpu.enqueue_dma source(%dma_start3A_391 : memref<64x128xf32, #tpu.memory_space<hbm>>) target(%dma_start3A_389 : memref<64x128xf32, #tpu.memory_space<vmem>>) target_semaphore(%arg19 : memref<!tpu.dma_semaphore, #tpu.memory_space<semaphore_mem>>)
    %run_scoped3A_392 = arith.constant 0 : i32
    "tpu.region"() ({
      %run_scoped3A_479 = tpu.sem_alloc : memref<!tpu.dma_semaphore, #tpu.memory_space<semaphore_mem>>
      %dma_start3A_480 = arith.constant 0 : i32
      %dma_start3A_481 = arith.constant 0 : i32
      %dma_start3A_482 = tpu.memref_slice %arg12[%run_scoped3A_392, %dma_start3A_480, %dma_start3A_481] : memref<2x128x128xf32, #tpu.memory_space<vmem>> -> memref<1x64x128xf32, #tpu.memory_space<vmem>>
      %dma_start3A_483 = tpu.memref_squeeze %dma_start3A_482 : memref<1x64x128xf32, #tpu.memory_space<vmem>> -> memref<64x128xf32, #tpu.memory_space<vmem>>
      %dma_start3A_484 = arith.constant 0 : i32
      %dma_start3A_485 = tpu.memref_slice %arg14[%add3A_363, %dma_start3A_484] : memref<5184x128xf32, #tpu.memory_space<vmem_shared>> -> memref<64x128xf32, #tpu.memory_space<vmem_shared>>
      %dma_start3A_486 = arith.constant 0 : i32
      %dma_start3A_487 = arith.constant 0 : i32
      %dma_start3A_488 = tpu.memref_slice %arg12[%run_scoped3A_392, %dma_start3A_486, %dma_start3A_487] : memref<2x128x128xf32, #tpu.memory_space<vmem>> -> memref<1x64x128xf32, #tpu.memory_space<vmem>>
      %dma_start3A_489 = tpu.memref_squeeze %dma_start3A_488 : memref<1x64x128xf32, #tpu.memory_space<vmem>> -> memref<64x128xf32, #tpu.memory_space<vmem>>
      %dma_start3A_490 = arith.constant 0 : i32
      %dma_start3A_491 = tpu.memref_slice %arg14[%add3A_363, %dma_start3A_490] : memref<5184x128xf32, #tpu.memory_space<vmem_shared>> -> memref<64x128xf32, #tpu.memory_space<vmem_shared>>
      tpu.enqueue_dma source(%dma_start3A_491 : memref<64x128xf32, #tpu.memory_space<vmem_shared>>) target(%dma_start3A_489 : memref<64x128xf32, #tpu.memory_space<vmem>>) target_semaphore(%run_scoped3A_479 : memref<!tpu.dma_semaphore, #tpu.memory_space<semaphore_mem>>)
      %dma_wait3A_492 = arith.constant 0 : i32
      %dma_wait3A_493 = arith.constant 0 : i32
      %dma_wait3A_494 = tpu.memref_slice %arg12[%run_scoped3A_392, %dma_wait3A_492, %dma_wait3A_493] : memref<2x128x128xf32, #tpu.memory_space<vmem>> -> memref<1x64x128xf32, #tpu.memory_space<vmem>>
      %dma_wait3A_495 = tpu.memref_squeeze %dma_wait3A_494 : memref<1x64x128xf32, #tpu.memory_space<vmem>> -> memref<64x128xf32, #tpu.memory_space<vmem>>
      %dma_wait3A_496 = arith.constant 0 : i32
      %dma_wait3A_497 = tpu.memref_slice %arg14[%add3A_363, %dma_wait3A_496] : memref<5184x128xf32, #tpu.memory_space<vmem_shared>> -> memref<64x128xf32, #tpu.memory_space<vmem_shared>>
      %dma_wait3A_498 = arith.constant 0 : i32
      %dma_wait3A_499 = arith.constant 0 : i32
      %dma_wait3A_500 = tpu.memref_slice %arg12[%run_scoped3A_392, %dma_wait3A_498, %dma_wait3A_499] : memref<2x128x128xf32, #tpu.memory_space<vmem>> -> memref<1x64x128xf32, #tpu.memory_space<vmem>>
      %dma_wait3A_501 = tpu.memref_squeeze %dma_wait3A_500 : memref<1x64x128xf32, #tpu.memory_space<vmem>> -> memref<64x128xf32, #tpu.memory_space<vmem>>
      %dma_wait3A_502 = arith.constant 0 : i32
      %dma_wait3A_503 = tpu.memref_slice %arg14[%add3A_363, %dma_wait3A_502] : memref<5184x128xf32, #tpu.memory_space<vmem_shared>> -> memref<64x128xf32, #tpu.memory_space<vmem_shared>>
      tpu.wait_dma2 semaphore(%run_scoped3A_479 : memref<!tpu.dma_semaphore, #tpu.memory_space<semaphore_mem>>) src(%dma_wait3A_503 : memref<64x128xf32, #tpu.memory_space<vmem_shared>>) dst(%dma_wait3A_501 : memref<64x128xf32, #tpu.memory_space<vmem>>)
      tpu.yield
    }) : () -> ()
    %dma_wait3A_393 = arith.constant 1 : i32
    %dma_wait3A_394 = arith.constant 0 : i32
    %dma_wait3A_395 = arith.constant 0 : i32
    %dma_wait3A_396 = tpu.memref_slice %arg12[%dma_wait3A_393, %dma_wait3A_394, %dma_wait3A_395] : memref<2x128x128xf32, #tpu.memory_space<vmem>> -> memref<1x64x128xf32, #tpu.memory_space<vmem>>
    %dma_wait3A_397 = tpu.memref_squeeze %dma_wait3A_396 : memref<1x64x128xf32, #tpu.memory_space<vmem>> -> memref<64x128xf32, #tpu.memory_space<vmem>>
    %dma_wait3A_398 = arith.constant 0 : i32
    %dma_wait3A_399 = tpu.memref_slice %arg2[%add3A_365, %dma_wait3A_398] : memref<10240x128xf32, #tpu.memory_space<hbm>> -> memref<64x128xf32, #tpu.memory_space<hbm>>
    %dma_wait3A_400 = arith.constant 0 : i32
    %dma_wait3A_401 = arith.constant 0 : i32
    %dma_wait3A_402 = tpu.memref_slice %arg12[%dma_wait3A_393, %dma_wait3A_400, %dma_wait3A_401] : memref<2x128x128xf32, #tpu.memory_space<vmem>> -> memref<1x64x128xf32, #tpu.memory_space<vmem>>
    %dma_wait3A_403 = tpu.memref_squeeze %dma_wait3A_402 : memref<1x64x128xf32, #tpu.memory_space<vmem>> -> memref<64x128xf32, #tpu.memory_space<vmem>>
    %dma_wait3A_404 = arith.constant 0 : i32
    %dma_wait3A_405 = tpu.memref_slice %arg2[%add3A_365, %dma_wait3A_404] : memref<10240x128xf32, #tpu.memory_space<hbm>> -> memref<64x128xf32, #tpu.memory_space<hbm>>
    tpu.wait_dma2 semaphore(%arg19 : memref<!tpu.dma_semaphore, #tpu.memory_space<semaphore_mem>>) src(%dma_wait3A_405 : memref<64x128xf32, #tpu.memory_space<hbm>>) dst(%dma_wait3A_403 : memref<64x128xf32, #tpu.memory_space<vmem>>)
    %dma_wait3A_406 = arith.constant 0 : i32
    %dma_wait3A_407 = arith.constant 64 : i32
    %dma_wait3A_408 = arith.constant 0 : i32
    %dma_wait3A_409 = tpu.memref_slice %arg12[%dma_wait3A_406, %dma_wait3A_407, %dma_wait3A_408] : memref<2x128x128xf32, #tpu.memory_space<vmem>> -> memref<1x64x128xf32, #tpu.memory_space<vmem>>
    %dma_wait3A_410 = tpu.memref_squeeze %dma_wait3A_409 : memref<1x64x128xf32, #tpu.memory_space<vmem>> -> memref<64x128xf32, #tpu.memory_space<vmem>>
    %dma_wait3A_411 = arith.constant 0 : i32
    %dma_wait3A_412 = tpu.memref_slice %arg3[%add3A_365, %dma_wait3A_411] : memref<10240x128xf32, #tpu.memory_space<hbm>> -> memref<64x128xf32, #tpu.memory_space<hbm>>
    %dma_wait3A_413 = arith.constant 64 : i32
    %dma_wait3A_414 = arith.constant 0 : i32
    %dma_wait3A_415 = tpu.memref_slice %arg12[%dma_wait3A_406, %dma_wait3A_413, %dma_wait3A_414] : memref<2x128x128xf32, #tpu.memory_space<vmem>> -> memref<1x64x128xf32, #tpu.memory_space<vmem>>
    %dma_wait3A_416 = tpu.memref_squeeze %dma_wait3A_415 : memref<1x64x128xf32, #tpu.memory_space<vmem>> -> memref<64x128xf32, #tpu.memory_space<vmem>>
    %dma_wait3A_417 = arith.constant 0 : i32
    %dma_wait3A_418 = tpu.memref_slice %arg3[%add3A_365, %dma_wait3A_417] : memref<10240x128xf32, #tpu.memory_space<hbm>> -> memref<64x128xf32, #tpu.memory_space<hbm>>
    tpu.wait_dma2 semaphore(%arg19 : memref<!tpu.dma_semaphore, #tpu.memory_space<semaphore_mem>>) src(%dma_wait3A_418 : memref<64x128xf32, #tpu.memory_space<hbm>>) dst(%dma_wait3A_416 : memref<64x128xf32, #tpu.memory_space<vmem>>)
    %scan3A_419 = arith.constant 0 : i32
    %scan3A_420 = arith.constant 0 : i32
    %scan3A_421 = arith.constant 64 : i32
    %scan3A_422 = arith.addi %scan3A_420, %scan3A_421 : i32
    %scan3A_423 = arith.constant 1 : i32
    %scan3A_424 = scf.for %scan3A_479 = %scan3A_420 to %scan3A_422 step %scan3A_423 iter_args(%scan3A_480 = %scan3A_419) -> (i32)  : i32 {
      %get3A = arith.constant 0 : i32
      %get3A_481 = arith.index_cast %get3A : i32 to index
      %get3A_482 = arith.index_cast %scan3A_479 : i32 to index
      %get3A_483 = arith.constant 0 : index
      %get3A_484 = tpu.vector_load %arg12[%get3A_481, %get3A_482, %get3A_483] {strides = array<i32>} : memref<2x128x128xf32, #tpu.memory_space<vmem>>, vector<1x1x16xf32>,
      %get3A_485 = vector.shape_cast %get3A_484 : vector<1x1x16xf32> to vector<16xf32>
      %get3A_486 = arith.constant 1 : i32
      %get3A_487 = arith.index_cast %get3A_486 : i32 to index
      %get3A_488 = arith.index_cast %scan3A_479 : i32 to index
      %get3A_489 = arith.constant 0 : index
      %get3A_490 = tpu.vector_load %arg12[%get3A_487, %get3A_488, %get3A_489] {strides = array<i32>} : memref<2x128x128xf32, #tpu.memory_space<vmem>>, vector<1x1x16xf32>,
      %get3A_491 = vector.shape_cast %get3A_490 : vector<1x1x16xf32> to vector<16xf32>
      %add3A_492 = arith.addf %get3A_485, %get3A_491 : vector<16xf32>
      %add3A_493 = arith.constant 64 : i32
      %add3A_494 = arith.addi %add3A_493, %scan3A_479 : i32
      %get3A_495 = arith.constant 0 : i32
      %get3A_496 = arith.index_cast %get3A_495 : i32 to index
      %get3A_497 = arith.index_cast %add3A_494 : i32 to index
      %get3A_498 = arith.constant 0 : index
      %get3A_499 = tpu.vector_load %arg12[%get3A_496, %get3A_497, %get3A_498] {strides = array<i32>} : memref<2x128x128xf32, #tpu.memory_space<vmem>>, vector<1x1x16xf32>,
      %get3A_500 = vector.shape_cast %get3A_499 : vector<1x1x16xf32> to vector<16xf32>
      %mul3A_501 = arith.mulf %add3A_492, %get3A_500 : vector<16xf32>
      %add3A_502 = arith.constant 64 : i32
      %add3A_503 = arith.addi %add3A_502, %scan3A_479 : i32
      %swap3A = arith.constant 1 : i32
      %swap3A_504 = arith.index_cast %swap3A : i32 to index
      %swap3A_505 = arith.index_cast %add3A_503 : i32 to index
      %swap3A_506 = arith.constant 0 : index
      %swap3A_507 = tpu.vector_load %arg12[%swap3A_504, %swap3A_505, %swap3A_506] {strides = array<i32>} : memref<2x128x128xf32, #tpu.memory_space<vmem>>, vector<1x1x16xf32>,
      %swap3A_508 = vector.shape_cast %swap3A_507 : vector<1x1x16xf32> to vector<16xf32>
      %swap3A_509 = vector.shape_cast %mul3A_501 : vector<16xf32> to vector<1x1x16xf32>
      tpu.vector_store %arg12[%swap3A_504, %swap3A_505, %swap3A_506], %swap3A_509 {strides = array<i32>} : memref<2x128x128xf32, #tpu.memory_space<vmem>>, vector<1x1x16xf32>,
      %get3A_510 = arith.constant 0 : i32
      %get3A_511 = arith.index_cast %get3A_510 : i32 to index
      %get3A_512 = arith.index_cast %scan3A_479 : i32 to index
      %get3A_513 = arith.constant 16 : index
      %get3A_514 = tpu.vector_load %arg12[%get3A_511, %get3A_512, %get3A_513] {strides = array<i32>} : memref<2x128x128xf32, #tpu.memory_space<vmem>>, vector<1x1x16xf32>,
      %get3A_515 = vector.shape_cast %get3A_514 : vector<1x1x16xf32> to vector<16xf32>
      %get3A_516 = arith.constant 1 : i32
      %get3A_517 = arith.index_cast %get3A_516 : i32 to index
      %get3A_518 = arith.index_cast %scan3A_479 : i32 to index
      %get3A_519 = arith.constant 16 : index
      %get3A_520 = tpu.vector_load %arg12[%get3A_517, %get3A_518, %get3A_519] {strides = array<i32>} : memref<2x128x128xf32, #tpu.memory_space<vmem>>, vector<1x1x16xf32>,
      %get3A_521 = vector.shape_cast %get3A_520 : vector<1x1x16xf32> to vector<16xf32>
      %add3A_522 = arith.addf %get3A_515, %get3A_521 : vector<16xf32>
      %add3A_523 = arith.constant 64 : i32
      %add3A_524 = arith.addi %add3A_523, %scan3A_479 : i32
      %get3A_525 = arith.constant 0 : i32
      %get3A_526 = arith.index_cast %get3A_525 : i32 to index
      %get3A_527 = arith.index_cast %add3A_524 : i32 to index
      %get3A_528 = arith.constant 16 : index
      %get3A_529 = tpu.vector_load %arg12[%get3A_526, %get3A_527, %get3A_528] {strides = array<i32>} : memref<2x128x128xf32, #tpu.memory_space<vmem>>, vector<1x1x16xf32>,
      %get3A_530 = vector.shape_cast %get3A_529 : vector<1x1x16xf32> to vector<16xf32>
      %mul3A_531 = arith.mulf %add3A_522, %get3A_530 : vector<16xf32>
      %add3A_532 = arith.constant 64 : i32
      %add3A_533 = arith.addi %add3A_532, %scan3A_479 : i32
      %swap3A_534 = arith.constant 1 : i32
      %swap3A_535 = arith.index_cast %swap3A_534 : i32 to index
      %swap3A_536 = arith.index_cast %add3A_533 : i32 to index
      %swap3A_537 = arith.constant 16 : index
      %swap3A_538 = tpu.vector_load %arg12[%swap3A_535, %swap3A_536, %swap3A_537] {strides = array<i32>} : memref<2x128x128xf32, #tpu.memory_space<vmem>>, vector<1x1x16xf32>,
      %swap3A_539 = vector.shape_cast %swap3A_538 : vector<1x1x16xf32> to vector<16xf32>
      %swap3A_540 = vector.shape_cast %mul3A_531 : vector<16xf32> to vector<1x1x16xf32>
      tpu.vector_store %arg12[%swap3A_535, %swap3A_536, %swap3A_537], %swap3A_540 {strides = array<i32>} : memref<2x128x128xf32, #tpu.memory_space<vmem>>, vector<1x1x16xf32>,
      %get3A_541 = arith.constant 0 : i32
      %get3A_542 = arith.index_cast %get3A_541 : i32 to index
      %get3A_543 = arith.index_cast %scan3A_479 : i32 to index
      %get3A_544 = arith.constant 32 : index
      %get3A_545 = tpu.vector_load %arg12[%get3A_542, %get3A_543, %get3A_544] {strides = array<i32>} : memref<2x128x128xf32, #tpu.memory_space<vmem>>, vector<1x1x16xf32>,
      %get3A_546 = vector.shape_cast %get3A_545 : vector<1x1x16xf32> to vector<16xf32>
      %get3A_547 = arith.constant 1 : i32
      %get3A_548 = arith.index_cast %get3A_547 : i32 to index
      %get3A_549 = arith.index_cast %scan3A_479 : i32 to index
      %get3A_550 = arith.constant 32 : index
      %get3A_551 = tpu.vector_load %arg12[%get3A_548, %get3A_549, %get3A_550] {strides = array<i32>} : memref<2x128x128xf32, #tpu.memory_space<vmem>>, vector<1x1x16xf32>,
      %get3A_552 = vector.shape_cast %get3A_551 : vector<1x1x16xf32> to vector<16xf32>
      %add3A_553 = arith.addf %get3A_546, %get3A_552 : vector<16xf32>
      %add3A_554 = arith.constant 64 : i32
      %add3A_555 = arith.addi %add3A_554, %scan3A_479 : i32
      %get3A_556 = arith.constant 0 : i32
      %get3A_557 = arith.index_cast %get3A_556 : i32 to index
      %get3A_558 = arith.index_cast %add3A_555 : i32 to index
      %get3A_559 = arith.constant 32 : index
      %get3A_560 = tpu.vector_load %arg12[%get3A_557, %get3A_558, %get3A_559] {strides = array<i32>} : memref<2x128x128xf32, #tpu.memory_space<vmem>>, vector<1x1x16xf32>,
      %get3A_561 = vector.shape_cast %get3A_560 : vector<1x1x16xf32> to vector<16xf32>
      %mul3A_562 = arith.mulf %add3A_553, %get3A_561 : vector<16xf32>
      %add3A_563 = arith.constant 64 : i32
      %add3A_564 = arith.addi %add3A_563, %scan3A_479 : i32
      %swap3A_565 = arith.constant 1 : i32
      %swap3A_566 = arith.index_cast %swap3A_565 : i32 to index
      %swap3A_567 = arith.index_cast %add3A_564 : i32 to index
      %swap3A_568 = arith.constant 32 : index
      %swap3A_569 = tpu.vector_load %arg12[%swap3A_566, %swap3A_567, %swap3A_568] {strides = array<i32>} : memref<2x128x128xf32, #tpu.memory_space<vmem>>, vector<1x1x16xf32>,
      %swap3A_570 = vector.shape_cast %swap3A_569 : vector<1x1x16xf32> to vector<16xf32>
      %swap3A_571 = vector.shape_cast %mul3A_562 : vector<16xf32> to vector<1x1x16xf32>
      tpu.vector_store %arg12[%swap3A_566, %swap3A_567, %swap3A_568], %swap3A_571 {strides = array<i32>} : memref<2x128x128xf32, #tpu.memory_space<vmem>>, vector<1x1x16xf32>,
      %get3A_572 = arith.constant 0 : i32
      %get3A_573 = arith.index_cast %get3A_572 : i32 to index
      %get3A_574 = arith.index_cast %scan3A_479 : i32 to index
      %get3A_575 = arith.constant 48 : index
      %get3A_576 = tpu.vector_load %arg12[%get3A_573, %get3A_574, %get3A_575] {strides = array<i32>} : memref<2x128x128xf32, #tpu.memory_space<vmem>>, vector<1x1x16xf32>,
      %get3A_577 = vector.shape_cast %get3A_576 : vector<1x1x16xf32> to vector<16xf32>
      %get3A_578 = arith.constant 1 : i32
      %get3A_579 = arith.index_cast %get3A_578 : i32 to index
      %get3A_580 = arith.index_cast %scan3A_479 : i32 to index
      %get3A_581 = arith.constant 48 : index
      %get3A_582 = tpu.vector_load %arg12[%get3A_579, %get3A_580, %get3A_581] {strides = array<i32>} : memref<2x128x128xf32, #tpu.memory_space<vmem>>, vector<1x1x16xf32>,
      %get3A_583 = vector.shape_cast %get3A_582 : vector<1x1x16xf32> to vector<16xf32>
      %add3A_584 = arith.addf %get3A_577, %get3A_583 : vector<16xf32>
      %add3A_585 = arith.constant 64 : i32
      %add3A_586 = arith.addi %add3A_585, %scan3A_479 : i32
      %get3A_587 = arith.constant 0 : i32
      %get3A_588 = arith.index_cast %get3A_587 : i32 to index
      %get3A_589 = arith.index_cast %add3A_586 : i32 to index
      %get3A_590 = arith.constant 48 : index
      %get3A_591 = tpu.vector_load %arg12[%get3A_588, %get3A_589, %get3A_590] {strides = array<i32>} : memref<2x128x128xf32, #tpu.memory_space<vmem>>, vector<1x1x16xf32>,
      %get3A_592 = vector.shape_cast %get3A_591 : vector<1x1x16xf32> to vector<16xf32>
      %mul3A_593 = arith.mulf %add3A_584, %get3A_592 : vector<16xf32>
      %add3A_594 = arith.constant 64 : i32
      %add3A_595 = arith.addi %add3A_594, %scan3A_479 : i32
      %swap3A_596 = arith.constant 1 : i32
      %swap3A_597 = arith.index_cast %swap3A_596 : i32 to index
      %swap3A_598 = arith.index_cast %add3A_595 : i32 to index
      %swap3A_599 = arith.constant 48 : index
      %swap3A_600 = tpu.vector_load %arg12[%swap3A_597, %swap3A_598, %swap3A_599] {strides = array<i32>} : memref<2x128x128xf32, #tpu.memory_space<vmem>>, vector<1x1x16xf32>,
      %swap3A_601 = vector.shape_cast %swap3A_600 : vector<1x1x16xf32> to vector<16xf32>
      %swap3A_602 = vector.shape_cast %mul3A_593 : vector<16xf32> to vector<1x1x16xf32>
      tpu.vector_store %arg12[%swap3A_597, %swap3A_598, %swap3A_599], %swap3A_602 {strides = array<i32>} : memref<2x128x128xf32, #tpu.memory_space<vmem>>, vector<1x1x16xf32>,
      %get3A_603 = arith.constant 0 : i32
      %get3A_604 = arith.index_cast %get3A_603 : i32 to index
      %get3A_605 = arith.index_cast %scan3A_479 : i32 to index
      %get3A_606 = arith.constant 64 : index
      %get3A_607 = tpu.vector_load %arg12[%get3A_604, %get3A_605, %get3A_606] {strides = array<i32>} : memref<2x128x128xf32, #tpu.memory_space<vmem>>, vector<1x1x16xf32>,
      %get3A_608 = vector.shape_cast %get3A_607 : vector<1x1x16xf32> to vector<16xf32>
      %get3A_609 = arith.constant 1 : i32
      %get3A_610 = arith.index_cast %get3A_609 : i32 to index
      %get3A_611 = arith.index_cast %scan3A_479 : i32 to index
      %get3A_612 = arith.constant 64 : index
      %get3A_613 = tpu.vector_load %arg12[%get3A_610, %get3A_611, %get3A_612] {strides = array<i32>} : memref<2x128x128xf32, #tpu.memory_space<vmem>>, vector<1x1x16xf32>,
      %get3A_614 = vector.shape_cast %get3A_613 : vector<1x1x16xf32> to vector<16xf32>
      %add3A_615 = arith.addf %get3A_608, %get3A_614 : vector<16xf32>
      %add3A_616 = arith.constant 64 : i32
      %add3A_617 = arith.addi %add3A_616, %scan3A_479 : i32
      %get3A_618 = arith.constant 0 : i32
      %get3A_619 = arith.index_cast %get3A_618 : i32 to index
      %get3A_620 = arith.index_cast %add3A_617 : i32 to index
      %get3A_621 = arith.constant 64 : index
      %get3A_622 = tpu.vector_load %arg12[%get3A_619, %get3A_620, %get3A_621] {strides = array<i32>} : memref<2x128x128xf32, #tpu.memory_space<vmem>>, vector<1x1x16xf32>,
      %get3A_623 = vector.shape_cast %get3A_622 : vector<1x1x16xf32> to vector<16xf32>
      %mul3A_624 = arith.mulf %add3A_615, %get3A_623 : vector<16xf32>
      %add3A_625 = arith.constant 64 : i32
      %add3A_626 = arith.addi %add3A_625, %scan3A_479 : i32
      %swap3A_627 = arith.constant 1 : i32
      %swap3A_628 = arith.index_cast %swap3A_627 : i32 to index
      %swap3A_629 = arith.index_cast %add3A_626 : i32 to index
      %swap3A_630 = arith.constant 64 : index
      %swap3A_631 = tpu.vector_load %arg12[%swap3A_628, %swap3A_629, %swap3A_630] {strides = array<i32>} : memref<2x128x128xf32, #tpu.memory_space<vmem>>, vector<1x1x16xf32>,
      %swap3A_632 = vector.shape_cast %swap3A_631 : vector<1x1x16xf32> to vector<16xf32>
      %swap3A_633 = vector.shape_cast %mul3A_624 : vector<16xf32> to vector<1x1x16xf32>
      tpu.vector_store %arg12[%swap3A_628, %swap3A_629, %swap3A_630], %swap3A_633 {strides = array<i32>} : memref<2x128x128xf32, #tpu.memory_space<vmem>>, vector<1x1x16xf32>,
      %get3A_634 = arith.constant 0 : i32
      %get3A_635 = arith.index_cast %get3A_634 : i32 to index
      %get3A_636 = arith.index_cast %scan3A_479 : i32 to index
      %get3A_637 = arith.constant 80 : index
      %get3A_638 = tpu.vector_load %arg12[%get3A_635, %get3A_636, %get3A_637] {strides = array<i32>} : memref<2x128x128xf32, #tpu.memory_space<vmem>>, vector<1x1x16xf32>,
      %get3A_639 = vector.shape_cast %get3A_638 : vector<1x1x16xf32> to vector<16xf32>
      %get3A_640 = arith.constant 1 : i32
      %get3A_641 = arith.index_cast %get3A_640 : i32 to index
      %get3A_642 = arith.index_cast %scan3A_479 : i32 to index
      %get3A_643 = arith.constant 80 : index
      %get3A_644 = tpu.vector_load %arg12[%get3A_641, %get3A_642, %get3A_643] {strides = array<i32>} : memref<2x128x128xf32, #tpu.memory_space<vmem>>, vector<1x1x16xf32>,
      %get3A_645 = vector.shape_cast %get3A_644 : vector<1x1x16xf32> to vector<16xf32>
      %add3A_646 = arith.addf %get3A_639, %get3A_645 : vector<16xf32>
      %add3A_647 = arith.constant 64 : i32
      %add3A_648 = arith.addi %add3A_647, %scan3A_479 : i32
      %get3A_649 = arith.constant 0 : i32
      %get3A_650 = arith.index_cast %get3A_649 : i32 to index
      %get3A_651 = arith.index_cast %add3A_648 : i32 to index
      %get3A_652 = arith.constant 80 : index
      %get3A_653 = tpu.vector_load %arg12[%get3A_650, %get3A_651, %get3A_652] {strides = array<i32>} : memref<2x128x128xf32, #tpu.memory_space<vmem>>, vector<1x1x16xf32>,
      %get3A_654 = vector.shape_cast %get3A_653 : vector<1x1x16xf32> to vector<16xf32>
      %mul3A_655 = arith.mulf %add3A_646, %get3A_654 : vector<16xf32>
      %add3A_656 = arith.constant 64 : i32
      %add3A_657 = arith.addi %add3A_656, %scan3A_479 : i32
      %swap3A_658 = arith.constant 1 : i32
      %swap3A_659 = arith.index_cast %swap3A_658 : i32 to index
      %swap3A_660 = arith.index_cast %add3A_657 : i32 to index
      %swap3A_661 = arith.constant 80 : index
      %swap3A_662 = tpu.vector_load %arg12[%swap3A_659, %swap3A_660, %swap3A_661] {strides = array<i32>} : memref<2x128x128xf32, #tpu.memory_space<vmem>>, vector<1x1x16xf32>,
      %swap3A_663 = vector.shape_cast %swap3A_662 : vector<1x1x16xf32> to vector<16xf32>
      %swap3A_664 = vector.shape_cast %mul3A_655 : vector<16xf32> to vector<1x1x16xf32>
      tpu.vector_store %arg12[%swap3A_659, %swap3A_660, %swap3A_661], %swap3A_664 {strides = array<i32>} : memref<2x128x128xf32, #tpu.memory_space<vmem>>, vector<1x1x16xf32>,
      %get3A_665 = arith.constant 0 : i32
      %get3A_666 = arith.index_cast %get3A_665 : i32 to index
      %get3A_667 = arith.index_cast %scan3A_479 : i32 to index
      %get3A_668 = arith.constant 96 : index
      %get3A_669 = tpu.vector_load %arg12[%get3A_666, %get3A_667, %get3A_668] {strides = array<i32>} : memref<2x128x128xf32, #tpu.memory_space<vmem>>, vector<1x1x16xf32>,
      %get3A_670 = vector.shape_cast %get3A_669 : vector<1x1x16xf32> to vector<16xf32>
      %get3A_671 = arith.constant 1 : i32
      %get3A_672 = arith.index_cast %get3A_671 : i32 to index
      %get3A_673 = arith.index_cast %scan3A_479 : i32 to index
      %get3A_674 = arith.constant 96 : index
      %get3A_675 = tpu.vector_load %arg12[%get3A_672, %get3A_673, %get3A_674] {strides = array<i32>} : memref<2x128x128xf32, #tpu.memory_space<vmem>>, vector<1x1x16xf32>,
      %get3A_676 = vector.shape_cast %get3A_675 : vector<1x1x16xf32> to vector<16xf32>
      %add3A_677 = arith.addf %get3A_670, %get3A_676 : vector<16xf32>
      %add3A_678 = arith.constant 64 : i32
      %add3A_679 = arith.addi %add3A_678, %scan3A_479 : i32
      %get3A_680 = arith.constant 0 : i32
      %get3A_681 = arith.index_cast %get3A_680 : i32 to index
      %get3A_682 = arith.index_cast %add3A_679 : i32 to index
      %get3A_683 = arith.constant 96 : index
      %get3A_684 = tpu.vector_load %arg12[%get3A_681, %get3A_682, %get3A_683] {strides = array<i32>} : memref<2x128x128xf32, #tpu.memory_space<vmem>>, vector<1x1x16xf32>,
      %get3A_685 = vector.shape_cast %get3A_684 : vector<1x1x16xf32> to vector<16xf32>
      %mul3A_686 = arith.mulf %add3A_677, %get3A_685 : vector<16xf32>
      %add3A_687 = arith.constant 64 : i32
      %add3A_688 = arith.addi %add3A_687, %scan3A_479 : i32
      %swap3A_689 = arith.constant 1 : i32
      %swap3A_690 = arith.index_cast %swap3A_689 : i32 to index
      %swap3A_691 = arith.index_cast %add3A_688 : i32 to index
      %swap3A_692 = arith.constant 96 : index
      %swap3A_693 = tpu.vector_load %arg12[%swap3A_690, %swap3A_691, %swap3A_692] {strides = array<i32>} : memref<2x128x128xf32, #tpu.memory_space<vmem>>, vector<1x1x16xf32>,
      %swap3A_694 = vector.shape_cast %swap3A_693 : vector<1x1x16xf32> to vector<16xf32>
      %swap3A_695 = vector.shape_cast %mul3A_686 : vector<16xf32> to vector<1x1x16xf32>
      tpu.vector_store %arg12[%swap3A_690, %swap3A_691, %swap3A_692], %swap3A_695 {strides = array<i32>} : memref<2x128x128xf32, #tpu.memory_space<vmem>>, vector<1x1x16xf32>,
      %get3A_696 = arith.constant 0 : i32
      %get3A_697 = arith.index_cast %get3A_696 : i32 to index
      %get3A_698 = arith.index_cast %scan3A_479 : i32 to index
      %get3A_699 = arith.constant 112 : index
      %get3A_700 = tpu.vector_load %arg12[%get3A_697, %get3A_698, %get3A_699] {strides = array<i32>} : memref<2x128x128xf32, #tpu.memory_space<vmem>>, vector<1x1x16xf32>,
      %get3A_701 = vector.shape_cast %get3A_700 : vector<1x1x16xf32> to vector<16xf32>
      %get3A_702 = arith.constant 1 : i32
      %get3A_703 = arith.index_cast %get3A_702 : i32 to index
      %get3A_704 = arith.index_cast %scan3A_479 : i32 to index
      %get3A_705 = arith.constant 112 : index
      %get3A_706 = tpu.vector_load %arg12[%get3A_703, %get3A_704, %get3A_705] {strides = array<i32>} : memref<2x128x128xf32, #tpu.memory_space<vmem>>, vector<1x1x16xf32>,
      %get3A_707 = vector.shape_cast %get3A_706 : vector<1x1x16xf32> to vector<16xf32>
      %add3A_708 = arith.addf %get3A_701, %get3A_707 : vector<16xf32>
      %add3A_709 = arith.constant 64 : i32
      %add3A_710 = arith.addi %add3A_709, %scan3A_479 : i32
      %get3A_711 = arith.constant 0 : i32
      %get3A_712 = arith.index_cast %get3A_711 : i32 to index
      %get3A_713 = arith.index_cast %add3A_710 : i32 to index
      %get3A_714 = arith.constant 112 : index
      %get3A_715 = tpu.vector_load %arg12[%get3A_712, %get3A_713, %get3A_714] {strides = array<i32>} : memref<2x128x128xf32, #tpu.memory_space<vmem>>, vector<1x1x16xf32>,
      %get3A_716 = vector.shape_cast %get3A_715 : vector<1x1x16xf32> to vector<16xf32>
      %mul3A_717 = arith.mulf %add3A_708, %get3A_716 : vector<16xf32>
      %add3A_718 = arith.constant 64 : i32
      %add3A_719 = arith.addi %add3A_718, %scan3A_479 : i32
      %swap3A_720 = arith.constant 1 : i32
      %swap3A_721 = arith.index_cast %swap3A_720 : i32 to index
      %swap3A_722 = arith.index_cast %add3A_719 : i32 to index
      %swap3A_723 = arith.constant 112 : index
      %swap3A_724 = tpu.vector_load %arg12[%swap3A_721, %swap3A_722, %swap3A_723] {strides = array<i32>} : memref<2x128x128xf32, #tpu.memory_space<vmem>>, vector<1x1x16xf32>,
      %swap3A_725 = vector.shape_cast %swap3A_724 : vector<1x1x16xf32> to vector<16xf32>
      %swap3A_726 = vector.shape_cast %mul3A_717 : vector<16xf32> to vector<1x1x16xf32>
      tpu.vector_store %arg12[%swap3A_721, %swap3A_722, %swap3A_723], %swap3A_726 {strides = array<i32>} : memref<2x128x128xf32, #tpu.memory_space<vmem>>, vector<1x1x16xf32>,
      %scan3A_727 = arith.constant 0 : i32
      scf.yield %scan3A_727 : i32
    }
    %scan3A_425 = arith.constant 64 : i32
    %run_scoped3A_426 = arith.constant 1 : i32
    "tpu.region"() ({
      %run_scoped3A_479 = tpu.sem_alloc : memref<!tpu.dma_semaphore, #tpu.memory_space<semaphore_mem>>
      %dma_start3A_480 = arith.constant 64 : i32
      %dma_start3A_481 = arith.constant 0 : i32
      %dma_start3A_482 = tpu.memref_slice %arg12[%run_scoped3A_426, %dma_start3A_480, %dma_start3A_481] : memref<2x128x128xf32, #tpu.memory_space<vmem>> -> memref<1x64x128xf32, #tpu.memory_space<vmem>>
      %dma_start3A_483 = tpu.memref_squeeze %dma_start3A_482 : memref<1x64x128xf32, #tpu.memory_space<vmem>> -> memref<64x128xf32, #tpu.memory_space<vmem>>
      %dma_start3A_484 = arith.constant 0 : i32
      %dma_start3A_485 = tpu.memref_slice %arg7[%add3A_365, %dma_start3A_484] : memref<10240x128xf32, #tpu.memory_space<hbm>> -> memref<64x128xf32, #tpu.memory_space<hbm>>
      %dma_start3A_486 = arith.constant 0 : i32
      %dma_start3A_487 = tpu.memref_slice %arg7[%add3A_365, %dma_start3A_486] : memref<10240x128xf32, #tpu.memory_space<hbm>> -> memref<64x128xf32, #tpu.memory_space<hbm>>
      %dma_start3A_488 = arith.constant 64 : i32
      %dma_start3A_489 = arith.constant 0 : i32
      %dma_start3A_490 = tpu.memref_slice %arg12[%run_scoped3A_426, %dma_start3A_488, %dma_start3A_489] : memref<2x128x128xf32, #tpu.memory_space<vmem>> -> memref<1x64x128xf32, #tpu.memory_space<vmem>>
      %dma_start3A_491 = tpu.memref_squeeze %dma_start3A_490 : memref<1x64x128xf32, #tpu.memory_space<vmem>> -> memref<64x128xf32, #tpu.memory_space<vmem>>
      tpu.enqueue_dma source(%dma_start3A_491 : memref<64x128xf32, #tpu.memory_space<vmem>>) target(%dma_start3A_487 : memref<64x128xf32, #tpu.memory_space<hbm>>) target_semaphore(%run_scoped3A_479 : memref<!tpu.dma_semaphore, #tpu.memory_space<semaphore_mem>>)
      %dma_wait3A_492 = arith.constant 64 : i32
      %dma_wait3A_493 = arith.constant 0 : i32
      %dma_wait3A_494 = tpu.memref_slice %arg12[%run_scoped3A_426, %dma_wait3A_492, %dma_wait3A_493] : memref<2x128x128xf32, #tpu.memory_space<vmem>> -> memref<1x64x128xf32, #tpu.memory_space<vmem>>
      %dma_wait3A_495 = tpu.memref_squeeze %dma_wait3A_494 : memref<1x64x128xf32, #tpu.memory_space<vmem>> -> memref<64x128xf32, #tpu.memory_space<vmem>>
      %dma_wait3A_496 = arith.constant 0 : i32
      %dma_wait3A_497 = tpu.memref_slice %arg7[%add3A_365, %dma_wait3A_496] : memref<10240x128xf32, #tpu.memory_space<hbm>> -> memref<64x128xf32, #tpu.memory_space<hbm>>
      %dma_wait3A_498 = arith.constant 0 : i32
      %dma_wait3A_499 = tpu.memref_slice %arg7[%add3A_365, %dma_wait3A_498] : memref<10240x128xf32, #tpu.memory_space<hbm>> -> memref<64x128xf32, #tpu.memory_space<hbm>>
      %dma_wait3A_500 = arith.constant 64 : i32
      %dma_wait3A_501 = arith.constant 0 : i32
      %dma_wait3A_502 = tpu.memref_slice %arg12[%run_scoped3A_426, %dma_wait3A_500, %dma_wait3A_501] : memref<2x128x128xf32, #tpu.memory_space<vmem>> -> memref<1x64x128xf32, #tpu.memory_space<vmem>>
      %dma_wait3A_503 = tpu.memref_squeeze %dma_wait3A_502 : memref<1x64x128xf32, #tpu.memory_space<vmem>> -> memref<64x128xf32, #tpu.memory_space<vmem>>
      tpu.wait_dma2 semaphore(%run_scoped3A_479 : memref<!tpu.dma_semaphore, #tpu.memory_space<semaphore_mem>>) src(%dma_wait3A_503 : memref<64x128xf32, #tpu.memory_space<vmem>>) dst(%dma_wait3A_499 : memref<64x128xf32, #tpu.memory_space<hbm>>)
      tpu.yield
    }) : () -> ()
    %barrier3A_427 = arith.constant 0 : index
    tpu.barrier barrier_id(%barrier3A_427)
    %scan3A_428 = arith.constant 0 : i32
    %scan3A_429 = arith.constant 0 : i32
    %scan3A_430 = arith.constant 64 : i32
    %scan3A_431 = arith.addi %scan3A_429, %scan3A_430 : i32
    %scan3A_432 = arith.constant 1 : i32
    %scan3A_433 = scf.for %scan3A_479 = %scan3A_429 to %scan3A_431 step %scan3A_432 iter_args(%scan3A_480 = %scan3A_428) -> (i32)  : i32 {
      %broadcast_in_dim3A = arith.constant 0.000000e+00 : f32
      %broadcast_in_dim3A_481 = vector.broadcast %broadcast_in_dim3A : f32 to vector<16xf32>
      %swap3A = arith.constant 0 : i32
      %swap3A_482 = arith.index_cast %swap3A : i32 to index
      %swap3A_483 = arith.index_cast %scan3A_479 : i32 to index
      %swap3A_484 = arith.constant 0 : index
      %swap3A_485 = tpu.vector_load %arg12[%swap3A_482, %swap3A_483, %swap3A_484] {strides = array<i32>} : memref<2x128x128xf32, #tpu.memory_space<vmem>>, vector<1x1x16xf32>,
      %swap3A_486 = vector.shape_cast %swap3A_485 : vector<1x1x16xf32> to vector<16xf32>
      %swap3A_487 = vector.shape_cast %broadcast_in_dim3A_481 : vector<16xf32> to vector<1x1x16xf32>
      tpu.vector_store %arg12[%swap3A_482, %swap3A_483, %swap3A_484], %swap3A_487 {strides = array<i32>} : memref<2x128x128xf32, #tpu.memory_space<vmem>>, vector<1x1x16xf32>,
      %broadcast_in_dim3A_488 = arith.constant 0.000000e+00 : f32
      %broadcast_in_dim3A_489 = vector.broadcast %broadcast_in_dim3A_488 : f32 to vector<16xf32>
      %swap3A_490 = arith.constant 0 : i32
      %swap3A_491 = arith.index_cast %swap3A_490 : i32 to index
      %swap3A_492 = arith.index_cast %scan3A_479 : i32 to index
      %swap3A_493 = arith.constant 16 : index
      %swap3A_494 = tpu.vector_load %arg12[%swap3A_491, %swap3A_492, %swap3A_493] {strides = array<i32>} : memref<2x128x128xf32, #tpu.memory_space<vmem>>, vector<1x1x16xf32>,
      %swap3A_495 = vector.shape_cast %swap3A_494 : vector<1x1x16xf32> to vector<16xf32>
      %swap3A_496 = vector.shape_cast %broadcast_in_dim3A_489 : vector<16xf32> to vector<1x1x16xf32>
      tpu.vector_store %arg12[%swap3A_491, %swap3A_492, %swap3A_493], %swap3A_496 {strides = array<i32>} : memref<2x128x128xf32, #tpu.memory_space<vmem>>, vector<1x1x16xf32>,
      %broadcast_in_dim3A_497 = arith.constant 0.000000e+00 : f32
      %broadcast_in_dim3A_498 = vector.broadcast %broadcast_in_dim3A_497 : f32 to vector<16xf32>
      %swap3A_499 = arith.constant 0 : i32
      %swap3A_500 = arith.index_cast %swap3A_499 : i32 to index
      %swap3A_501 = arith.index_cast %scan3A_479 : i32 to index
      %swap3A_502 = arith.constant 32 : index
      %swap3A_503 = tpu.vector_load %arg12[%swap3A_500, %swap3A_501, %swap3A_502] {strides = array<i32>} : memref<2x128x128xf32, #tpu.memory_space<vmem>>, vector<1x1x16xf32>,
      %swap3A_504 = vector.shape_cast %swap3A_503 : vector<1x1x16xf32> to vector<16xf32>
      %swap3A_505 = vector.shape_cast %broadcast_in_dim3A_498 : vector<16xf32> to vector<1x1x16xf32>
      tpu.vector_store %arg12[%swap3A_500, %swap3A_501, %swap3A_502], %swap3A_505 {strides = array<i32>} : memref<2x128x128xf32, #tpu.memory_space<vmem>>, vector<1x1x16xf32>,
      %broadcast_in_dim3A_506 = arith.constant 0.000000e+00 : f32
      %broadcast_in_dim3A_507 = vector.broadcast %broadcast_in_dim3A_506 : f32 to vector<16xf32>
      %swap3A_508 = arith.constant 0 : i32
      %swap3A_509 = arith.index_cast %swap3A_508 : i32 to index
      %swap3A_510 = arith.index_cast %scan3A_479 : i32 to index
      %swap3A_511 = arith.constant 48 : index
      %swap3A_512 = tpu.vector_load %arg12[%swap3A_509, %swap3A_510, %swap3A_511] {strides = array<i32>} : memref<2x128x128xf32, #tpu.memory_space<vmem>>, vector<1x1x16xf32>,
      %swap3A_513 = vector.shape_cast %swap3A_512 : vector<1x1x16xf32> to vector<16xf32>
      %swap3A_514 = vector.shape_cast %broadcast_in_dim3A_507 : vector<16xf32> to vector<1x1x16xf32>
      tpu.vector_store %arg12[%swap3A_509, %swap3A_510, %swap3A_511], %swap3A_514 {strides = array<i32>} : memref<2x128x128xf32, #tpu.memory_space<vmem>>, vector<1x1x16xf32>,
      %broadcast_in_dim3A_515 = arith.constant 0.000000e+00 : f32
      %broadcast_in_dim3A_516 = vector.broadcast %broadcast_in_dim3A_515 : f32 to vector<16xf32>
      %swap3A_517 = arith.constant 0 : i32
      %swap3A_518 = arith.index_cast %swap3A_517 : i32 to index
      %swap3A_519 = arith.index_cast %scan3A_479 : i32 to index
      %swap3A_520 = arith.constant 64 : index
      %swap3A_521 = tpu.vector_load %arg12[%swap3A_518, %swap3A_519, %swap3A_520] {strides = array<i32>} : memref<2x128x128xf32, #tpu.memory_space<vmem>>, vector<1x1x16xf32>,
      %swap3A_522 = vector.shape_cast %swap3A_521 : vector<1x1x16xf32> to vector<16xf32>
      %swap3A_523 = vector.shape_cast %broadcast_in_dim3A_516 : vector<16xf32> to vector<1x1x16xf32>
      tpu.vector_store %arg12[%swap3A_518, %swap3A_519, %swap3A_520], %swap3A_523 {strides = array<i32>} : memref<2x128x128xf32, #tpu.memory_space<vmem>>, vector<1x1x16xf32>,
      %broadcast_in_dim3A_524 = arith.constant 0.000000e+00 : f32
      %broadcast_in_dim3A_525 = vector.broadcast %broadcast_in_dim3A_524 : f32 to vector<16xf32>
      %swap3A_526 = arith.constant 0 : i32
      %swap3A_527 = arith.index_cast %swap3A_526 : i32 to index
      %swap3A_528 = arith.index_cast %scan3A_479 : i32 to index
      %swap3A_529 = arith.constant 80 : index
      %swap3A_530 = tpu.vector_load %arg12[%swap3A_527, %swap3A_528, %swap3A_529] {strides = array<i32>} : memref<2x128x128xf32, #tpu.memory_space<vmem>>, vector<1x1x16xf32>,
      %swap3A_531 = vector.shape_cast %swap3A_530 : vector<1x1x16xf32> to vector<16xf32>
      %swap3A_532 = vector.shape_cast %broadcast_in_dim3A_525 : vector<16xf32> to vector<1x1x16xf32>
      tpu.vector_store %arg12[%swap3A_527, %swap3A_528, %swap3A_529], %swap3A_532 {strides = array<i32>} : memref<2x128x128xf32, #tpu.memory_space<vmem>>, vector<1x1x16xf32>,
      %broadcast_in_dim3A_533 = arith.constant 0.000000e+00 : f32
      %broadcast_in_dim3A_534 = vector.broadcast %broadcast_in_dim3A_533 : f32 to vector<16xf32>
      %swap3A_535 = arith.constant 0 : i32
      %swap3A_536 = arith.index_cast %swap3A_535 : i32 to index
      %swap3A_537 = arith.index_cast %scan3A_479 : i32 to index
      %swap3A_538 = arith.constant 96 : index
      %swap3A_539 = tpu.vector_load %arg12[%swap3A_536, %swap3A_537, %swap3A_538] {strides = array<i32>} : memref<2x128x128xf32, #tpu.memory_space<vmem>>, vector<1x1x16xf32>,
      %swap3A_540 = vector.shape_cast %swap3A_539 : vector<1x1x16xf32> to vector<16xf32>
      %swap3A_541 = vector.shape_cast %broadcast_in_dim3A_534 : vector<16xf32> to vector<1x1x16xf32>
      tpu.vector_store %arg12[%swap3A_536, %swap3A_537, %swap3A_538], %swap3A_541 {strides = array<i32>} : memref<2x128x128xf32, #tpu.memory_space<vmem>>, vector<1x1x16xf32>,
      %broadcast_in_dim3A_542 = arith.constant 0.000000e+00 : f32
      %broadcast_in_dim3A_543 = vector.broadcast %broadcast_in_dim3A_542 : f32 to vector<16xf32>
      %swap3A_544 = arith.constant 0 : i32
      %swap3A_545 = arith.index_cast %swap3A_544 : i32 to index
      %swap3A_546 = arith.index_cast %scan3A_479 : i32 to index
      %swap3A_547 = arith.constant 112 : index
      %swap3A_548 = tpu.vector_load %arg12[%swap3A_545, %swap3A_546, %swap3A_547] {strides = array<i32>} : memref<2x128x128xf32, #tpu.memory_space<vmem>>, vector<1x1x16xf32>,
      %swap3A_549 = vector.shape_cast %swap3A_548 : vector<1x1x16xf32> to vector<16xf32>
      %swap3A_550 = vector.shape_cast %broadcast_in_dim3A_543 : vector<16xf32> to vector<1x1x16xf32>
      tpu.vector_store %arg12[%swap3A_545, %swap3A_546, %swap3A_547], %swap3A_550 {strides = array<i32>} : memref<2x128x128xf32, #tpu.memory_space<vmem>>, vector<1x1x16xf32>,
      %scan3A_551 = arith.constant 0 : i32
      scf.yield %scan3A_551 : i32
    }
    %scan3A_434 = arith.constant 64 : i32
    %mul3A_435 = arith.constant 128 : i32
    %mul3A_436 = arith.muli %arg1, %mul3A_435 : i32
    %add3A_437 = arith.constant 0 : i32
    %add3A_438 = arith.addi %mul3A_436, %add3A_437 : i32
    %run_scoped3A_439 = arith.constant 0 : i32
    "tpu.region"() ({
      %run_scoped3A_479 = tpu.sem_alloc : memref<!tpu.dma_semaphore, #tpu.memory_space<semaphore_mem>>
      %dma_start3A_480 = arith.constant 0 : i32
      %dma_start3A_481 = arith.constant 0 : i32
      %dma_start3A_482 = tpu.memref_slice %arg12[%run_scoped3A_439, %dma_start3A_480, %dma_start3A_481] : memref<2x128x128xf32, #tpu.memory_space<vmem>> -> memref<1x64x128xf32, #tpu.memory_space<vmem>>
      %dma_start3A_483 = tpu.memref_squeeze %dma_start3A_482 : memref<1x64x128xf32, #tpu.memory_space<vmem>> -> memref<64x128xf32, #tpu.memory_space<vmem>>
      %dma_start3A_484 = arith.constant 0 : i32
      %dma_start3A_485 = tpu.memref_slice %arg14[%add3A_438, %dma_start3A_484] : memref<5184x128xf32, #tpu.memory_space<vmem_shared>> -> memref<64x128xf32, #tpu.memory_space<vmem_shared>>
      %dma_start3A_486 = arith.constant 0 : i32
      %dma_start3A_487 = tpu.memref_slice %arg14[%add3A_438, %dma_start3A_486] : memref<5184x128xf32, #tpu.memory_space<vmem_shared>> -> memref<64x128xf32, #tpu.memory_space<vmem_shared>>
      %dma_start3A_488 = arith.constant 0 : i32
      %dma_start3A_489 = arith.constant 0 : i32
      %dma_start3A_490 = tpu.memref_slice %arg12[%run_scoped3A_439, %dma_start3A_488, %dma_start3A_489] : memref<2x128x128xf32, #tpu.memory_space<vmem>> -> memref<1x64x128xf32, #tpu.memory_space<vmem>>
      %dma_start3A_491 = tpu.memref_squeeze %dma_start3A_490 : memref<1x64x128xf32, #tpu.memory_space<vmem>> -> memref<64x128xf32, #tpu.memory_space<vmem>>
      tpu.enqueue_dma source(%dma_start3A_491 : memref<64x128xf32, #tpu.memory_space<vmem>>) target(%dma_start3A_487 : memref<64x128xf32, #tpu.memory_space<vmem_shared>>) target_semaphore(%run_scoped3A_479 : memref<!tpu.dma_semaphore, #tpu.memory_space<semaphore_mem>>)
      %dma_wait3A_492 = arith.constant 0 : i32
      %dma_wait3A_493 = arith.constant 0 : i32
      %dma_wait3A_494 = tpu.memref_slice %arg12[%run_scoped3A_439, %dma_wait3A_492, %dma_wait3A_493] : memref<2x128x128xf32, #tpu.memory_space<vmem>> -> memref<1x64x128xf32, #tpu.memory_space<vmem>>
      %dma_wait3A_495 = tpu.memref_squeeze %dma_wait3A_494 : memref<1x64x128xf32, #tpu.memory_space<vmem>> -> memref<64x128xf32, #tpu.memory_space<vmem>>
      %dma_wait3A_496 = arith.constant 0 : i32
      %dma_wait3A_497 = tpu.memref_slice %arg14[%add3A_438, %dma_wait3A_496] : memref<5184x128xf32, #tpu.memory_space<vmem_shared>> -> memref<64x128xf32, #tpu.memory_space<vmem_shared>>
      %dma_wait3A_498 = arith.constant 0 : i32
      %dma_wait3A_499 = tpu.memref_slice %arg14[%add3A_438, %dma_wait3A_498] : memref<5184x128xf32, #tpu.memory_space<vmem_shared>> -> memref<64x128xf32, #tpu.memory_space<vmem_shared>>
      %dma_wait3A_500 = arith.constant 0 : i32
      %dma_wait3A_501 = arith.constant 0 : i32
      %dma_wait3A_502 = tpu.memref_slice %arg12[%run_scoped3A_439, %dma_wait3A_500, %dma_wait3A_501] : memref<2x128x128xf32, #tpu.memory_space<vmem>> -> memref<1x64x128xf32, #tpu.memory_space<vmem>>
      %dma_wait3A_503 = tpu.memref_squeeze %dma_wait3A_502 : memref<1x64x128xf32, #tpu.memory_space<vmem>> -> memref<64x128xf32, #tpu.memory_space<vmem>>
      tpu.wait_dma2 semaphore(%run_scoped3A_479 : memref<!tpu.dma_semaphore, #tpu.memory_space<semaphore_mem>>) src(%dma_wait3A_503 : memref<64x128xf32, #tpu.memory_space<vmem>>) dst(%dma_wait3A_499 : memref<64x128xf32, #tpu.memory_space<vmem_shared>>)
      tpu.yield
    }) : () -> ()
    %mul3A_440 = arith.constant 128 : i32
    %mul3A_441 = arith.muli %arg1, %mul3A_440 : i32
    %add3A_442 = arith.constant 64 : i32
    %add3A_443 = arith.addi %mul3A_441, %add3A_442 : i32
    %run_scoped3A_444 = arith.constant 0 : i32
    "tpu.region"() ({
      %run_scoped3A_479 = tpu.sem_alloc : memref<!tpu.dma_semaphore, #tpu.memory_space<semaphore_mem>>
      %dma_start3A_480 = arith.constant 0 : i32
      %dma_start3A_481 = arith.constant 0 : i32
      %dma_start3A_482 = tpu.memref_slice %arg12[%run_scoped3A_444, %dma_start3A_480, %dma_start3A_481] : memref<2x128x128xf32, #tpu.memory_space<vmem>> -> memref<1x64x128xf32, #tpu.memory_space<vmem>>
      %dma_start3A_483 = tpu.memref_squeeze %dma_start3A_482 : memref<1x64x128xf32, #tpu.memory_space<vmem>> -> memref<64x128xf32, #tpu.memory_space<vmem>>
      %dma_start3A_484 = arith.constant 0 : i32
      %dma_start3A_485 = tpu.memref_slice %arg14[%add3A_443, %dma_start3A_484] : memref<5184x128xf32, #tpu.memory_space<vmem_shared>> -> memref<64x128xf32, #tpu.memory_space<vmem_shared>>
      %dma_start3A_486 = arith.constant 0 : i32
      %dma_start3A_487 = tpu.memref_slice %arg14[%add3A_443, %dma_start3A_486] : memref<5184x128xf32, #tpu.memory_space<vmem_shared>> -> memref<64x128xf32, #tpu.memory_space<vmem_shared>>
      %dma_start3A_488 = arith.constant 0 : i32
      %dma_start3A_489 = arith.constant 0 : i32
      %dma_start3A_490 = tpu.memref_slice %arg12[%run_scoped3A_444, %dma_start3A_488, %dma_start3A_489] : memref<2x128x128xf32, #tpu.memory_space<vmem>> -> memref<1x64x128xf32, #tpu.memory_space<vmem>>
      %dma_start3A_491 = tpu.memref_squeeze %dma_start3A_490 : memref<1x64x128xf32, #tpu.memory_space<vmem>> -> memref<64x128xf32, #tpu.memory_space<vmem>>
      tpu.enqueue_dma source(%dma_start3A_491 : memref<64x128xf32, #tpu.memory_space<vmem>>) target(%dma_start3A_487 : memref<64x128xf32, #tpu.memory_space<vmem_shared>>) target_semaphore(%run_scoped3A_479 : memref<!tpu.dma_semaphore, #tpu.memory_space<semaphore_mem>>)
      %dma_wait3A_492 = arith.constant 0 : i32
      %dma_wait3A_493 = arith.constant 0 : i32
      %dma_wait3A_494 = tpu.memref_slice %arg12[%run_scoped3A_444, %dma_wait3A_492, %dma_wait3A_493] : memref<2x128x128xf32, #tpu.memory_space<vmem>> -> memref<1x64x128xf32, #tpu.memory_space<vmem>>
      %dma_wait3A_495 = tpu.memref_squeeze %dma_wait3A_494 : memref<1x64x128xf32, #tpu.memory_space<vmem>> -> memref<64x128xf32, #tpu.memory_space<vmem>>
      %dma_wait3A_496 = arith.constant 0 : i32
      %dma_wait3A_497 = tpu.memref_slice %arg14[%add3A_443, %dma_wait3A_496] : memref<5184x128xf32, #tpu.memory_space<vmem_shared>> -> memref<64x128xf32, #tpu.memory_space<vmem_shared>>
      %dma_wait3A_498 = arith.constant 0 : i32
      %dma_wait3A_499 = tpu.memref_slice %arg14[%add3A_443, %dma_wait3A_498] : memref<5184x128xf32, #tpu.memory_space<vmem_shared>> -> memref<64x128xf32, #tpu.memory_space<vmem_shared>>
      %dma_wait3A_500 = arith.constant 0 : i32
      %dma_wait3A_501 = arith.constant 0 : i32
      %dma_wait3A_502 = tpu.memref_slice %arg12[%run_scoped3A_444, %dma_wait3A_500, %dma_wait3A_501] : memref<2x128x128xf32, #tpu.memory_space<vmem>> -> memref<1x64x128xf32, #tpu.memory_space<vmem>>
      %dma_wait3A_503 = tpu.memref_squeeze %dma_wait3A_502 : memref<1x64x128xf32, #tpu.memory_space<vmem>> -> memref<64x128xf32, #tpu.memory_space<vmem>>
      tpu.wait_dma2 semaphore(%run_scoped3A_479 : memref<!tpu.dma_semaphore, #tpu.memory_space<semaphore_mem>>) src(%dma_wait3A_503 : memref<64x128xf32, #tpu.memory_space<vmem>>) dst(%dma_wait3A_499 : memref<64x128xf32, #tpu.memory_space<vmem_shared>>)
      tpu.yield
    }) : () -> ()
    %barrier3A_445 = arith.constant 0 : index
    tpu.barrier barrier_id(%barrier3A_445)
    %add3A_446 = arith.constant 0 : i32
    %add3A_447 = arith.addi %add3A_37, %add3A_446 : i32
    %run_scoped3A_448 = arith.constant 1 : i32
    "tpu.region"() ({
      %run_scoped3A_479 = tpu.sem_alloc : memref<!tpu.dma_semaphore, #tpu.memory_space<semaphore_mem>>
      %dma_start3A_480 = arith.constant 0 : i32
      %dma_start3A_481 = arith.constant 0 : i32
      %dma_start3A_482 = tpu.memref_slice %arg12[%run_scoped3A_448, %dma_start3A_480, %dma_start3A_481] : memref<2x128x128xf32, #tpu.memory_space<vmem>> -> memref<1x64x128xf32, #tpu.memory_space<vmem>>
      %dma_start3A_483 = tpu.memref_squeeze %dma_start3A_482 : memref<1x64x128xf32, #tpu.memory_space<vmem>> -> memref<64x128xf32, #tpu.memory_space<vmem>>
      %dma_start3A_484 = arith.constant 0 : i32
      %dma_start3A_485 = tpu.memref_slice %arg7[%add3A_447, %dma_start3A_484] : memref<10240x128xf32, #tpu.memory_space<hbm>> -> memref<64x128xf32, #tpu.memory_space<hbm>>
      %dma_start3A_486 = arith.constant 0 : i32
      %dma_start3A_487 = arith.constant 0 : i32
      %dma_start3A_488 = tpu.memref_slice %arg12[%run_scoped3A_448, %dma_start3A_486, %dma_start3A_487] : memref<2x128x128xf32, #tpu.memory_space<vmem>> -> memref<1x64x128xf32, #tpu.memory_space<vmem>>
      %dma_start3A_489 = tpu.memref_squeeze %dma_start3A_488 : memref<1x64x128xf32, #tpu.memory_space<vmem>> -> memref<64x128xf32, #tpu.memory_space<vmem>>
      %dma_start3A_490 = arith.constant 0 : i32
      %dma_start3A_491 = tpu.memref_slice %arg7[%add3A_447, %dma_start3A_490] : memref<10240x128xf32, #tpu.memory_space<hbm>> -> memref<64x128xf32, #tpu.memory_space<hbm>>
      tpu.enqueue_dma source(%dma_start3A_491 : memref<64x128xf32, #tpu.memory_space<hbm>>) target(%dma_start3A_489 : memref<64x128xf32, #tpu.memory_space<vmem>>) target_semaphore(%run_scoped3A_479 : memref<!tpu.dma_semaphore, #tpu.memory_space<semaphore_mem>>)
      %dma_wait3A_492 = arith.constant 0 : i32
      %dma_wait3A_493 = arith.constant 0 : i32
      %dma_wait3A_494 = tpu.memref_slice %arg12[%run_scoped3A_448, %dma_wait3A_492, %dma_wait3A_493] : memref<2x128x128xf32, #tpu.memory_space<vmem>> -> memref<1x64x128xf32, #tpu.memory_space<vmem>>
      %dma_wait3A_495 = tpu.memref_squeeze %dma_wait3A_494 : memref<1x64x128xf32, #tpu.memory_space<vmem>> -> memref<64x128xf32, #tpu.memory_space<vmem>>
      %dma_wait3A_496 = arith.constant 0 : i32
      %dma_wait3A_497 = tpu.memref_slice %arg7[%add3A_447, %dma_wait3A_496] : memref<10240x128xf32, #tpu.memory_space<hbm>> -> memref<64x128xf32, #tpu.memory_space<hbm>>
      %dma_wait3A_498 = arith.constant 0 : i32
      %dma_wait3A_499 = arith.constant 0 : i32
      %dma_wait3A_500 = tpu.memref_slice %arg12[%run_scoped3A_448, %dma_wait3A_498, %dma_wait3A_499] : memref<2x128x128xf32, #tpu.memory_space<vmem>> -> memref<1x64x128xf32, #tpu.memory_space<vmem>>
      %dma_wait3A_501 = tpu.memref_squeeze %dma_wait3A_500 : memref<1x64x128xf32, #tpu.memory_space<vmem>> -> memref<64x128xf32, #tpu.memory_space<vmem>>
      %dma_wait3A_502 = arith.constant 0 : i32
      %dma_wait3A_503 = tpu.memref_slice %arg7[%add3A_447, %dma_wait3A_502] : memref<10240x128xf32, #tpu.memory_space<hbm>> -> memref<64x128xf32, #tpu.memory_space<hbm>>
      tpu.wait_dma2 semaphore(%run_scoped3A_479 : memref<!tpu.dma_semaphore, #tpu.memory_space<semaphore_mem>>) src(%dma_wait3A_503 : memref<64x128xf32, #tpu.memory_space<hbm>>) dst(%dma_wait3A_501 : memref<64x128xf32, #tpu.memory_space<vmem>>)
      tpu.yield
    }) : () -> ()
    %run_scoped3A_449 = arith.constant 1 : i32
    %run_scoped3A_450 = arith.constant 0 : i32
    "tpu.region"() ({
      %run_scoped3A_479 = tpu.sem_alloc : memref<!tpu.dma_semaphore, #tpu.memory_space<semaphore_mem>>
      %dma_start3A_480 = arith.constant 0 : i32
      %dma_start3A_481 = arith.constant 0 : i32
      %dma_start3A_482 = tpu.memref_slice %arg12[%run_scoped3A_449, %dma_start3A_480, %dma_start3A_481] : memref<2x128x128xf32, #tpu.memory_space<vmem>> -> memref<1x64x128xf32, #tpu.memory_space<vmem>>
      %dma_start3A_483 = tpu.memref_squeeze %dma_start3A_482 : memref<1x64x128xf32, #tpu.memory_space<vmem>> -> memref<64x128xf32, #tpu.memory_space<vmem>>
      %dma_start3A_484 = arith.constant 0 : i32
      %dma_start3A_485 = tpu.memref_slice %arg13[%run_scoped3A_450, %dma_start3A_484] : memref<5x64xi32, #tpu.memory_space<vmem>> -> memref<1x64xi32, #tpu.memory_space<vmem>>
      %dma_start3A_486 = tpu.memref_squeeze %dma_start3A_485 : memref<1x64xi32, #tpu.memory_space<vmem>> -> memref<64xi32, #tpu.memory_space<vmem>>
      %dma_start3A_487 = arith.constant 0 : i32
      %dma_start3A_488 = arith.constant 0 : i32
      %dma_start3A_489 = tpu.memref_slice %arg14[%dma_start3A_487, %dma_start3A_488] : memref<5184x128xf32, #tpu.memory_space<vmem_shared>> -> memref<5184x128xf32, #tpu.memory_space<vmem_shared>>
      tpu.enqueue_indirect_dma source(%dma_start3A_483 : memref<64x128xf32, #tpu.memory_space<vmem>>) target(%dma_start3A_489 : memref<5184x128xf32, #tpu.memory_space<vmem_shared>>) offsets(%dma_start3A_486 : memref<64xi32, #tpu.memory_space<vmem>>) semaphore(%run_scoped3A_479 : memref<!tpu.dma_semaphore, #tpu.memory_space<semaphore_mem>>) {add = true}
      %dma_wait3A_490 = arith.constant 0 : i32
      %dma_wait3A_491 = arith.constant 0 : i32
      %dma_wait3A_492 = tpu.memref_slice %arg12[%run_scoped3A_449, %dma_wait3A_490, %dma_wait3A_491] : memref<2x128x128xf32, #tpu.memory_space<vmem>> -> memref<1x64x128xf32, #tpu.memory_space<vmem>>
      %dma_wait3A_493 = tpu.memref_squeeze %dma_wait3A_492 : memref<1x64x128xf32, #tpu.memory_space<vmem>> -> memref<64x128xf32, #tpu.memory_space<vmem>>
      %dma_wait3A_494 = arith.constant 0 : i32
      %dma_wait3A_495 = tpu.memref_slice %arg13[%run_scoped3A_450, %dma_wait3A_494] : memref<5x64xi32, #tpu.memory_space<vmem>> -> memref<1x64xi32, #tpu.memory_space<vmem>>
      %dma_wait3A_496 = tpu.memref_squeeze %dma_wait3A_495 : memref<1x64xi32, #tpu.memory_space<vmem>> -> memref<64xi32, #tpu.memory_space<vmem>>
      %dma_wait3A_497 = arith.constant 0 : i32
      %dma_wait3A_498 = arith.constant 0 : i32
      %dma_wait3A_499 = tpu.memref_slice %arg14[%dma_wait3A_497, %dma_wait3A_498] : memref<5184x128xf32, #tpu.memory_space<vmem_shared>> -> memref<5184x128xf32, #tpu.memory_space<vmem_shared>>
      tpu.wait_indirect_dma semaphore(%run_scoped3A_479 : memref<!tpu.dma_semaphore, #tpu.memory_space<semaphore_mem>>) src(%dma_wait3A_493 : memref<64x128xf32, #tpu.memory_space<vmem>>) dst(%dma_wait3A_499 : memref<5184x128xf32, #tpu.memory_space<vmem_shared>>)
      tpu.yield
    }) : () -> ()
    %add3A_451 = arith.constant 64 : i32
    %add3A_452 = arith.addi %add3A_37, %add3A_451 : i32
    %run_scoped3A_453 = arith.constant 1 : i32
    "tpu.region"() ({
      %run_scoped3A_479 = tpu.sem_alloc : memref<!tpu.dma_semaphore, #tpu.memory_space<semaphore_mem>>
      %dma_start3A_480 = arith.constant 0 : i32
      %dma_start3A_481 = arith.constant 0 : i32
      %dma_start3A_482 = tpu.memref_slice %arg12[%run_scoped3A_453, %dma_start3A_480, %dma_start3A_481] : memref<2x128x128xf32, #tpu.memory_space<vmem>> -> memref<1x64x128xf32, #tpu.memory_space<vmem>>
      %dma_start3A_483 = tpu.memref_squeeze %dma_start3A_482 : memref<1x64x128xf32, #tpu.memory_space<vmem>> -> memref<64x128xf32, #tpu.memory_space<vmem>>
      %dma_start3A_484 = arith.constant 0 : i32
      %dma_start3A_485 = tpu.memref_slice %arg7[%add3A_452, %dma_start3A_484] : memref<10240x128xf32, #tpu.memory_space<hbm>> -> memref<64x128xf32, #tpu.memory_space<hbm>>
      %dma_start3A_486 = arith.constant 0 : i32
      %dma_start3A_487 = arith.constant 0 : i32
      %dma_start3A_488 = tpu.memref_slice %arg12[%run_scoped3A_453, %dma_start3A_486, %dma_start3A_487] : memref<2x128x128xf32, #tpu.memory_space<vmem>> -> memref<1x64x128xf32, #tpu.memory_space<vmem>>
      %dma_start3A_489 = tpu.memref_squeeze %dma_start3A_488 : memref<1x64x128xf32, #tpu.memory_space<vmem>> -> memref<64x128xf32, #tpu.memory_space<vmem>>
      %dma_start3A_490 = arith.constant 0 : i32
      %dma_start3A_491 = tpu.memref_slice %arg7[%add3A_452, %dma_start3A_490] : memref<10240x128xf32, #tpu.memory_space<hbm>> -> memref<64x128xf32, #tpu.memory_space<hbm>>
      tpu.enqueue_dma source(%dma_start3A_491 : memref<64x128xf32, #tpu.memory_space<hbm>>) target(%dma_start3A_489 : memref<64x128xf32, #tpu.memory_space<vmem>>) target_semaphore(%run_scoped3A_479 : memref<!tpu.dma_semaphore, #tpu.memory_space<semaphore_mem>>)
      %dma_wait3A_492 = arith.constant 0 : i32
      %dma_wait3A_493 = arith.constant 0 : i32
      %dma_wait3A_494 = tpu.memref_slice %arg12[%run_scoped3A_453, %dma_wait3A_492, %dma_wait3A_493] : memref<2x128x128xf32, #tpu.memory_space<vmem>> -> memref<1x64x128xf32, #tpu.memory_space<vmem>>
      %dma_wait3A_495 = tpu.memref_squeeze %dma_wait3A_494 : memref<1x64x128xf32, #tpu.memory_space<vmem>> -> memref<64x128xf32, #tpu.memory_space<vmem>>
      %dma_wait3A_496 = arith.constant 0 : i32
      %dma_wait3A_497 = tpu.memref_slice %arg7[%add3A_452, %dma_wait3A_496] : memref<10240x128xf32, #tpu.memory_space<hbm>> -> memref<64x128xf32, #tpu.memory_space<hbm>>
      %dma_wait3A_498 = arith.constant 0 : i32
      %dma_wait3A_499 = arith.constant 0 : i32
      %dma_wait3A_500 = tpu.memref_slice %arg12[%run_scoped3A_453, %dma_wait3A_498, %dma_wait3A_499] : memref<2x128x128xf32, #tpu.memory_space<vmem>> -> memref<1x64x128xf32, #tpu.memory_space<vmem>>
      %dma_wait3A_501 = tpu.memref_squeeze %dma_wait3A_500 : memref<1x64x128xf32, #tpu.memory_space<vmem>> -> memref<64x128xf32, #tpu.memory_space<vmem>>
      %dma_wait3A_502 = arith.constant 0 : i32
      %dma_wait3A_503 = tpu.memref_slice %arg7[%add3A_452, %dma_wait3A_502] : memref<10240x128xf32, #tpu.memory_space<hbm>> -> memref<64x128xf32, #tpu.memory_space<hbm>>
      tpu.wait_dma2 semaphore(%run_scoped3A_479 : memref<!tpu.dma_semaphore, #tpu.memory_space<semaphore_mem>>) src(%dma_wait3A_503 : memref<64x128xf32, #tpu.memory_space<hbm>>) dst(%dma_wait3A_501 : memref<64x128xf32, #tpu.memory_space<vmem>>)
      tpu.yield
    }) : () -> ()
    %run_scoped3A_454 = arith.constant 1 : i32
    %run_scoped3A_455 = arith.constant 1 : i32
    "tpu.region"() ({
      %run_scoped3A_479 = tpu.sem_alloc : memref<!tpu.dma_semaphore, #tpu.memory_space<semaphore_mem>>
      %dma_start3A_480 = arith.constant 0 : i32
      %dma_start3A_481 = arith.constant 0 : i32
      %dma_start3A_482 = tpu.memref_slice %arg12[%run_scoped3A_454, %dma_start3A_480, %dma_start3A_481] : memref<2x128x128xf32, #tpu.memory_space<vmem>> -> memref<1x64x128xf32, #tpu.memory_space<vmem>>
      %dma_start3A_483 = tpu.memref_squeeze %dma_start3A_482 : memref<1x64x128xf32, #tpu.memory_space<vmem>> -> memref<64x128xf32, #tpu.memory_space<vmem>>
      %dma_start3A_484 = arith.constant 0 : i32
      %dma_start3A_485 = tpu.memref_slice %arg13[%run_scoped3A_455, %dma_start3A_484] : memref<5x64xi32, #tpu.memory_space<vmem>> -> memref<1x64xi32, #tpu.memory_space<vmem>>
      %dma_start3A_486 = tpu.memref_squeeze %dma_start3A_485 : memref<1x64xi32, #tpu.memory_space<vmem>> -> memref<64xi32, #tpu.memory_space<vmem>>
      %dma_start3A_487 = arith.constant 0 : i32
      %dma_start3A_488 = arith.constant 0 : i32
      %dma_start3A_489 = tpu.memref_slice %arg14[%dma_start3A_487, %dma_start3A_488] : memref<5184x128xf32, #tpu.memory_space<vmem_shared>> -> memref<5184x128xf32, #tpu.memory_space<vmem_shared>>
      tpu.enqueue_indirect_dma source(%dma_start3A_483 : memref<64x128xf32, #tpu.memory_space<vmem>>) target(%dma_start3A_489 : memref<5184x128xf32, #tpu.memory_space<vmem_shared>>) offsets(%dma_start3A_486 : memref<64xi32, #tpu.memory_space<vmem>>) semaphore(%run_scoped3A_479 : memref<!tpu.dma_semaphore, #tpu.memory_space<semaphore_mem>>) {add = true}
      %dma_wait3A_490 = arith.constant 0 : i32
      %dma_wait3A_491 = arith.constant 0 : i32
      %dma_wait3A_492 = tpu.memref_slice %arg12[%run_scoped3A_454, %dma_wait3A_490, %dma_wait3A_491] : memref<2x128x128xf32, #tpu.memory_space<vmem>> -> memref<1x64x128xf32, #tpu.memory_space<vmem>>
      %dma_wait3A_493 = tpu.memref_squeeze %dma_wait3A_492 : memref<1x64x128xf32, #tpu.memory_space<vmem>> -> memref<64x128xf32, #tpu.memory_space<vmem>>
      %dma_wait3A_494 = arith.constant 0 : i32
      %dma_wait3A_495 = tpu.memref_slice %arg13[%run_scoped3A_455, %dma_wait3A_494] : memref<5x64xi32, #tpu.memory_space<vmem>> -> memref<1x64xi32, #tpu.memory_space<vmem>>
      %dma_wait3A_496 = tpu.memref_squeeze %dma_wait3A_495 : memref<1x64xi32, #tpu.memory_space<vmem>> -> memref<64xi32, #tpu.memory_space<vmem>>
      %dma_wait3A_497 = arith.constant 0 : i32
      %dma_wait3A_498 = arith.constant 0 : i32
      %dma_wait3A_499 = tpu.memref_slice %arg14[%dma_wait3A_497, %dma_wait3A_498] : memref<5184x128xf32, #tpu.memory_space<vmem_shared>> -> memref<5184x128xf32, #tpu.memory_space<vmem_shared>>
      tpu.wait_indirect_dma semaphore(%run_scoped3A_479 : memref<!tpu.dma_semaphore, #tpu.memory_space<semaphore_mem>>) src(%dma_wait3A_493 : memref<64x128xf32, #tpu.memory_space<vmem>>) dst(%dma_wait3A_499 : memref<5184x128xf32, #tpu.memory_space<vmem_shared>>)
      tpu.yield
    }) : () -> ()
    %add3A_456 = arith.constant 128 : i32
    %add3A_457 = arith.addi %add3A_37, %add3A_456 : i32
    %run_scoped3A_458 = arith.constant 1 : i32
    "tpu.region"() ({
      %run_scoped3A_479 = tpu.sem_alloc : memref<!tpu.dma_semaphore, #tpu.memory_space<semaphore_mem>>
      %dma_start3A_480 = arith.constant 0 : i32
      %dma_start3A_481 = arith.constant 0 : i32
      %dma_start3A_482 = tpu.memref_slice %arg12[%run_scoped3A_458, %dma_start3A_480, %dma_start3A_481] : memref<2x128x128xf32, #tpu.memory_space<vmem>> -> memref<1x64x128xf32, #tpu.memory_space<vmem>>
      %dma_start3A_483 = tpu.memref_squeeze %dma_start3A_482 : memref<1x64x128xf32, #tpu.memory_space<vmem>> -> memref<64x128xf32, #tpu.memory_space<vmem>>
      %dma_start3A_484 = arith.constant 0 : i32
      %dma_start3A_485 = tpu.memref_slice %arg7[%add3A_457, %dma_start3A_484] : memref<10240x128xf32, #tpu.memory_space<hbm>> -> memref<64x128xf32, #tpu.memory_space<hbm>>
      %dma_start3A_486 = arith.constant 0 : i32
      %dma_start3A_487 = arith.constant 0 : i32
      %dma_start3A_488 = tpu.memref_slice %arg12[%run_scoped3A_458, %dma_start3A_486, %dma_start3A_487] : memref<2x128x128xf32, #tpu.memory_space<vmem>> -> memref<1x64x128xf32, #tpu.memory_space<vmem>>
      %dma_start3A_489 = tpu.memref_squeeze %dma_start3A_488 : memref<1x64x128xf32, #tpu.memory_space<vmem>> -> memref<64x128xf32, #tpu.memory_space<vmem>>
      %dma_start3A_490 = arith.constant 0 : i32
      %dma_start3A_491 = tpu.memref_slice %arg7[%add3A_457, %dma_start3A_490] : memref<10240x128xf32, #tpu.memory_space<hbm>> -> memref<64x128xf32, #tpu.memory_space<hbm>>
      tpu.enqueue_dma source(%dma_start3A_491 : memref<64x128xf32, #tpu.memory_space<hbm>>) target(%dma_start3A_489 : memref<64x128xf32, #tpu.memory_space<vmem>>) target_semaphore(%run_scoped3A_479 : memref<!tpu.dma_semaphore, #tpu.memory_space<semaphore_mem>>)
      %dma_wait3A_492 = arith.constant 0 : i32
      %dma_wait3A_493 = arith.constant 0 : i32
      %dma_wait3A_494 = tpu.memref_slice %arg12[%run_scoped3A_458, %dma_wait3A_492, %dma_wait3A_493] : memref<2x128x128xf32, #tpu.memory_space<vmem>> -> memref<1x64x128xf32, #tpu.memory_space<vmem>>
      %dma_wait3A_495 = tpu.memref_squeeze %dma_wait3A_494 : memref<1x64x128xf32, #tpu.memory_space<vmem>> -> memref<64x128xf32, #tpu.memory_space<vmem>>
      %dma_wait3A_496 = arith.constant 0 : i32
      %dma_wait3A_497 = tpu.memref_slice %arg7[%add3A_457, %dma_wait3A_496] : memref<10240x128xf32, #tpu.memory_space<hbm>> -> memref<64x128xf32, #tpu.memory_space<hbm>>
      %dma_wait3A_498 = arith.constant 0 : i32
      %dma_wait3A_499 = arith.constant 0 : i32
      %dma_wait3A_500 = tpu.memref_slice %arg12[%run_scoped3A_458, %dma_wait3A_498, %dma_wait3A_499] : memref<2x128x128xf32, #tpu.memory_space<vmem>> -> memref<1x64x128xf32, #tpu.memory_space<vmem>>
      %dma_wait3A_501 = tpu.memref_squeeze %dma_wait3A_500 : memref<1x64x128xf32, #tpu.memory_space<vmem>> -> memref<64x128xf32, #tpu.memory_space<vmem>>
      %dma_wait3A_502 = arith.constant 0 : i32
      %dma_wait3A_503 = tpu.memref_slice %arg7[%add3A_457, %dma_wait3A_502] : memref<10240x128xf32, #tpu.memory_space<hbm>> -> memref<64x128xf32, #tpu.memory_space<hbm>>
      tpu.wait_dma2 semaphore(%run_scoped3A_479 : memref<!tpu.dma_semaphore, #tpu.memory_space<semaphore_mem>>) src(%dma_wait3A_503 : memref<64x128xf32, #tpu.memory_space<hbm>>) dst(%dma_wait3A_501 : memref<64x128xf32, #tpu.memory_space<vmem>>)
      tpu.yield
    }) : () -> ()
    %run_scoped3A_459 = arith.constant 1 : i32
    %run_scoped3A_460 = arith.constant 2 : i32
    "tpu.region"() ({
      %run_scoped3A_479 = tpu.sem_alloc : memref<!tpu.dma_semaphore, #tpu.memory_space<semaphore_mem>>
      %dma_start3A_480 = arith.constant 0 : i32
      %dma_start3A_481 = arith.constant 0 : i32
      %dma_start3A_482 = tpu.memref_slice %arg12[%run_scoped3A_459, %dma_start3A_480, %dma_start3A_481] : memref<2x128x128xf32, #tpu.memory_space<vmem>> -> memref<1x64x128xf32, #tpu.memory_space<vmem>>
      %dma_start3A_483 = tpu.memref_squeeze %dma_start3A_482 : memref<1x64x128xf32, #tpu.memory_space<vmem>> -> memref<64x128xf32, #tpu.memory_space<vmem>>
      %dma_start3A_484 = arith.constant 0 : i32
      %dma_start3A_485 = tpu.memref_slice %arg13[%run_scoped3A_460, %dma_start3A_484] : memref<5x64xi32, #tpu.memory_space<vmem>> -> memref<1x64xi32, #tpu.memory_space<vmem>>
      %dma_start3A_486 = tpu.memref_squeeze %dma_start3A_485 : memref<1x64xi32, #tpu.memory_space<vmem>> -> memref<64xi32, #tpu.memory_space<vmem>>
      %dma_start3A_487 = arith.constant 0 : i32
      %dma_start3A_488 = arith.constant 0 : i32
      %dma_start3A_489 = tpu.memref_slice %arg14[%dma_start3A_487, %dma_start3A_488] : memref<5184x128xf32, #tpu.memory_space<vmem_shared>> -> memref<5184x128xf32, #tpu.memory_space<vmem_shared>>
      tpu.enqueue_indirect_dma source(%dma_start3A_483 : memref<64x128xf32, #tpu.memory_space<vmem>>) target(%dma_start3A_489 : memref<5184x128xf32, #tpu.memory_space<vmem_shared>>) offsets(%dma_start3A_486 : memref<64xi32, #tpu.memory_space<vmem>>) semaphore(%run_scoped3A_479 : memref<!tpu.dma_semaphore, #tpu.memory_space<semaphore_mem>>) {add = true}
      %dma_wait3A_490 = arith.constant 0 : i32
      %dma_wait3A_491 = arith.constant 0 : i32
      %dma_wait3A_492 = tpu.memref_slice %arg12[%run_scoped3A_459, %dma_wait3A_490, %dma_wait3A_491] : memref<2x128x128xf32, #tpu.memory_space<vmem>> -> memref<1x64x128xf32, #tpu.memory_space<vmem>>
      %dma_wait3A_493 = tpu.memref_squeeze %dma_wait3A_492 : memref<1x64x128xf32, #tpu.memory_space<vmem>> -> memref<64x128xf32, #tpu.memory_space<vmem>>
      %dma_wait3A_494 = arith.constant 0 : i32
      %dma_wait3A_495 = tpu.memref_slice %arg13[%run_scoped3A_460, %dma_wait3A_494] : memref<5x64xi32, #tpu.memory_space<vmem>> -> memref<1x64xi32, #tpu.memory_space<vmem>>
      %dma_wait3A_496 = tpu.memref_squeeze %dma_wait3A_495 : memref<1x64xi32, #tpu.memory_space<vmem>> -> memref<64xi32, #tpu.memory_space<vmem>>
      %dma_wait3A_497 = arith.constant 0 : i32
      %dma_wait3A_498 = arith.constant 0 : i32
      %dma_wait3A_499 = tpu.memref_slice %arg14[%dma_wait3A_497, %dma_wait3A_498] : memref<5184x128xf32, #tpu.memory_space<vmem_shared>> -> memref<5184x128xf32, #tpu.memory_space<vmem_shared>>
      tpu.wait_indirect_dma semaphore(%run_scoped3A_479 : memref<!tpu.dma_semaphore, #tpu.memory_space<semaphore_mem>>) src(%dma_wait3A_493 : memref<64x128xf32, #tpu.memory_space<vmem>>) dst(%dma_wait3A_499 : memref<5184x128xf32, #tpu.memory_space<vmem_shared>>)
      tpu.yield
    }) : () -> ()
    %add3A_461 = arith.constant 192 : i32
    %add3A_462 = arith.addi %add3A_37, %add3A_461 : i32
    %run_scoped3A_463 = arith.constant 1 : i32
    "tpu.region"() ({
      %run_scoped3A_479 = tpu.sem_alloc : memref<!tpu.dma_semaphore, #tpu.memory_space<semaphore_mem>>
      %dma_start3A_480 = arith.constant 0 : i32
      %dma_start3A_481 = arith.constant 0 : i32
      %dma_start3A_482 = tpu.memref_slice %arg12[%run_scoped3A_463, %dma_start3A_480, %dma_start3A_481] : memref<2x128x128xf32, #tpu.memory_space<vmem>> -> memref<1x64x128xf32, #tpu.memory_space<vmem>>
      %dma_start3A_483 = tpu.memref_squeeze %dma_start3A_482 : memref<1x64x128xf32, #tpu.memory_space<vmem>> -> memref<64x128xf32, #tpu.memory_space<vmem>>
      %dma_start3A_484 = arith.constant 0 : i32
      %dma_start3A_485 = tpu.memref_slice %arg7[%add3A_462, %dma_start3A_484] : memref<10240x128xf32, #tpu.memory_space<hbm>> -> memref<64x128xf32, #tpu.memory_space<hbm>>
      %dma_start3A_486 = arith.constant 0 : i32
      %dma_start3A_487 = arith.constant 0 : i32
      %dma_start3A_488 = tpu.memref_slice %arg12[%run_scoped3A_463, %dma_start3A_486, %dma_start3A_487] : memref<2x128x128xf32, #tpu.memory_space<vmem>> -> memref<1x64x128xf32, #tpu.memory_space<vmem>>
      %dma_start3A_489 = tpu.memref_squeeze %dma_start3A_488 : memref<1x64x128xf32, #tpu.memory_space<vmem>> -> memref<64x128xf32, #tpu.memory_space<vmem>>
      %dma_start3A_490 = arith.constant 0 : i32
      %dma_start3A_491 = tpu.memref_slice %arg7[%add3A_462, %dma_start3A_490] : memref<10240x128xf32, #tpu.memory_space<hbm>> -> memref<64x128xf32, #tpu.memory_space<hbm>>
      tpu.enqueue_dma source(%dma_start3A_491 : memref<64x128xf32, #tpu.memory_space<hbm>>) target(%dma_start3A_489 : memref<64x128xf32, #tpu.memory_space<vmem>>) target_semaphore(%run_scoped3A_479 : memref<!tpu.dma_semaphore, #tpu.memory_space<semaphore_mem>>)
      %dma_wait3A_492 = arith.constant 0 : i32
      %dma_wait3A_493 = arith.constant 0 : i32
      %dma_wait3A_494 = tpu.memref_slice %arg12[%run_scoped3A_463, %dma_wait3A_492, %dma_wait3A_493] : memref<2x128x128xf32, #tpu.memory_space<vmem>> -> memref<1x64x128xf32, #tpu.memory_space<vmem>>
      %dma_wait3A_495 = tpu.memref_squeeze %dma_wait3A_494 : memref<1x64x128xf32, #tpu.memory_space<vmem>> -> memref<64x128xf32, #tpu.memory_space<vmem>>
      %dma_wait3A_496 = arith.constant 0 : i32
      %dma_wait3A_497 = tpu.memref_slice %arg7[%add3A_462, %dma_wait3A_496] : memref<10240x128xf32, #tpu.memory_space<hbm>> -> memref<64x128xf32, #tpu.memory_space<hbm>>
      %dma_wait3A_498 = arith.constant 0 : i32
      %dma_wait3A_499 = arith.constant 0 : i32
      %dma_wait3A_500 = tpu.memref_slice %arg12[%run_scoped3A_463, %dma_wait3A_498, %dma_wait3A_499] : memref<2x128x128xf32, #tpu.memory_space<vmem>> -> memref<1x64x128xf32, #tpu.memory_space<vmem>>
      %dma_wait3A_501 = tpu.memref_squeeze %dma_wait3A_500 : memref<1x64x128xf32, #tpu.memory_space<vmem>> -> memref<64x128xf32, #tpu.memory_space<vmem>>
      %dma_wait3A_502 = arith.constant 0 : i32
      %dma_wait3A_503 = tpu.memref_slice %arg7[%add3A_462, %dma_wait3A_502] : memref<10240x128xf32, #tpu.memory_space<hbm>> -> memref<64x128xf32, #tpu.memory_space<hbm>>
      tpu.wait_dma2 semaphore(%run_scoped3A_479 : memref<!tpu.dma_semaphore, #tpu.memory_space<semaphore_mem>>) src(%dma_wait3A_503 : memref<64x128xf32, #tpu.memory_space<hbm>>) dst(%dma_wait3A_501 : memref<64x128xf32, #tpu.memory_space<vmem>>)
      tpu.yield
    }) : () -> ()
    %run_scoped3A_464 = arith.constant 1 : i32
    %run_scoped3A_465 = arith.constant 3 : i32
    "tpu.region"() ({
      %run_scoped3A_479 = tpu.sem_alloc : memref<!tpu.dma_semaphore, #tpu.memory_space<semaphore_mem>>
      %dma_start3A_480 = arith.constant 0 : i32
      %dma_start3A_481 = arith.constant 0 : i32
      %dma_start3A_482 = tpu.memref_slice %arg12[%run_scoped3A_464, %dma_start3A_480, %dma_start3A_481] : memref<2x128x128xf32, #tpu.memory_space<vmem>> -> memref<1x64x128xf32, #tpu.memory_space<vmem>>
      %dma_start3A_483 = tpu.memref_squeeze %dma_start3A_482 : memref<1x64x128xf32, #tpu.memory_space<vmem>> -> memref<64x128xf32, #tpu.memory_space<vmem>>
      %dma_start3A_484 = arith.constant 0 : i32
      %dma_start3A_485 = tpu.memref_slice %arg13[%run_scoped3A_465, %dma_start3A_484] : memref<5x64xi32, #tpu.memory_space<vmem>> -> memref<1x64xi32, #tpu.memory_space<vmem>>
      %dma_start3A_486 = tpu.memref_squeeze %dma_start3A_485 : memref<1x64xi32, #tpu.memory_space<vmem>> -> memref<64xi32, #tpu.memory_space<vmem>>
      %dma_start3A_487 = arith.constant 0 : i32
      %dma_start3A_488 = arith.constant 0 : i32
      %dma_start3A_489 = tpu.memref_slice %arg14[%dma_start3A_487, %dma_start3A_488] : memref<5184x128xf32, #tpu.memory_space<vmem_shared>> -> memref<5184x128xf32, #tpu.memory_space<vmem_shared>>
      tpu.enqueue_indirect_dma source(%dma_start3A_483 : memref<64x128xf32, #tpu.memory_space<vmem>>) target(%dma_start3A_489 : memref<5184x128xf32, #tpu.memory_space<vmem_shared>>) offsets(%dma_start3A_486 : memref<64xi32, #tpu.memory_space<vmem>>) semaphore(%run_scoped3A_479 : memref<!tpu.dma_semaphore, #tpu.memory_space<semaphore_mem>>) {add = true}
      %dma_wait3A_490 = arith.constant 0 : i32
      %dma_wait3A_491 = arith.constant 0 : i32
      %dma_wait3A_492 = tpu.memref_slice %arg12[%run_scoped3A_464, %dma_wait3A_490, %dma_wait3A_491] : memref<2x128x128xf32, #tpu.memory_space<vmem>> -> memref<1x64x128xf32, #tpu.memory_space<vmem>>
      %dma_wait3A_493 = tpu.memref_squeeze %dma_wait3A_492 : memref<1x64x128xf32, #tpu.memory_space<vmem>> -> memref<64x128xf32, #tpu.memory_space<vmem>>
      %dma_wait3A_494 = arith.constant 0 : i32
      %dma_wait3A_495 = tpu.memref_slice %arg13[%run_scoped3A_465, %dma_wait3A_494] : memref<5x64xi32, #tpu.memory_space<vmem>> -> memref<1x64xi32, #tpu.memory_space<vmem>>
      %dma_wait3A_496 = tpu.memref_squeeze %dma_wait3A_495 : memref<1x64xi32, #tpu.memory_space<vmem>> -> memref<64xi32, #tpu.memory_space<vmem>>
      %dma_wait3A_497 = arith.constant 0 : i32
      %dma_wait3A_498 = arith.constant 0 : i32
      %dma_wait3A_499 = tpu.memref_slice %arg14[%dma_wait3A_497, %dma_wait3A_498] : memref<5184x128xf32, #tpu.memory_space<vmem_shared>> -> memref<5184x128xf32, #tpu.memory_space<vmem_shared>>
      tpu.wait_indirect_dma semaphore(%run_scoped3A_479 : memref<!tpu.dma_semaphore, #tpu.memory_space<semaphore_mem>>) src(%dma_wait3A_493 : memref<64x128xf32, #tpu.memory_space<vmem>>) dst(%dma_wait3A_499 : memref<5184x128xf32, #tpu.memory_space<vmem_shared>>)
      tpu.yield
    }) : () -> ()
    %add3A_466 = arith.constant 256 : i32
    %add3A_467 = arith.addi %add3A_37, %add3A_466 : i32
    %run_scoped3A_468 = arith.constant 1 : i32
    "tpu.region"() ({
      %run_scoped3A_479 = tpu.sem_alloc : memref<!tpu.dma_semaphore, #tpu.memory_space<semaphore_mem>>
      %dma_start3A_480 = arith.constant 0 : i32
      %dma_start3A_481 = arith.constant 0 : i32
      %dma_start3A_482 = tpu.memref_slice %arg12[%run_scoped3A_468, %dma_start3A_480, %dma_start3A_481] : memref<2x128x128xf32, #tpu.memory_space<vmem>> -> memref<1x64x128xf32, #tpu.memory_space<vmem>>
      %dma_start3A_483 = tpu.memref_squeeze %dma_start3A_482 : memref<1x64x128xf32, #tpu.memory_space<vmem>> -> memref<64x128xf32, #tpu.memory_space<vmem>>
      %dma_start3A_484 = arith.constant 0 : i32
      %dma_start3A_485 = tpu.memref_slice %arg7[%add3A_467, %dma_start3A_484] : memref<10240x128xf32, #tpu.memory_space<hbm>> -> memref<64x128xf32, #tpu.memory_space<hbm>>
      %dma_start3A_486 = arith.constant 0 : i32
      %dma_start3A_487 = arith.constant 0 : i32
      %dma_start3A_488 = tpu.memref_slice %arg12[%run_scoped3A_468, %dma_start3A_486, %dma_start3A_487] : memref<2x128x128xf32, #tpu.memory_space<vmem>> -> memref<1x64x128xf32, #tpu.memory_space<vmem>>
      %dma_start3A_489 = tpu.memref_squeeze %dma_start3A_488 : memref<1x64x128xf32, #tpu.memory_space<vmem>> -> memref<64x128xf32, #tpu.memory_space<vmem>>
      %dma_start3A_490 = arith.constant 0 : i32
      %dma_start3A_491 = tpu.memref_slice %arg7[%add3A_467, %dma_start3A_490] : memref<10240x128xf32, #tpu.memory_space<hbm>> -> memref<64x128xf32, #tpu.memory_space<hbm>>
      tpu.enqueue_dma source(%dma_start3A_491 : memref<64x128xf32, #tpu.memory_space<hbm>>) target(%dma_start3A_489 : memref<64x128xf32, #tpu.memory_space<vmem>>) target_semaphore(%run_scoped3A_479 : memref<!tpu.dma_semaphore, #tpu.memory_space<semaphore_mem>>)
      %dma_wait3A_492 = arith.constant 0 : i32
      %dma_wait3A_493 = arith.constant 0 : i32
      %dma_wait3A_494 = tpu.memref_slice %arg12[%run_scoped3A_468, %dma_wait3A_492, %dma_wait3A_493] : memref<2x128x128xf32, #tpu.memory_space<vmem>> -> memref<1x64x128xf32, #tpu.memory_space<vmem>>
      %dma_wait3A_495 = tpu.memref_squeeze %dma_wait3A_494 : memref<1x64x128xf32, #tpu.memory_space<vmem>> -> memref<64x128xf32, #tpu.memory_space<vmem>>
      %dma_wait3A_496 = arith.constant 0 : i32
      %dma_wait3A_497 = tpu.memref_slice %arg7[%add3A_467, %dma_wait3A_496] : memref<10240x128xf32, #tpu.memory_space<hbm>> -> memref<64x128xf32, #tpu.memory_space<hbm>>
      %dma_wait3A_498 = arith.constant 0 : i32
      %dma_wait3A_499 = arith.constant 0 : i32
      %dma_wait3A_500 = tpu.memref_slice %arg12[%run_scoped3A_468, %dma_wait3A_498, %dma_wait3A_499] : memref<2x128x128xf32, #tpu.memory_space<vmem>> -> memref<1x64x128xf32, #tpu.memory_space<vmem>>
      %dma_wait3A_501 = tpu.memref_squeeze %dma_wait3A_500 : memref<1x64x128xf32, #tpu.memory_space<vmem>> -> memref<64x128xf32, #tpu.memory_space<vmem>>
      %dma_wait3A_502 = arith.constant 0 : i32
      %dma_wait3A_503 = tpu.memref_slice %arg7[%add3A_467, %dma_wait3A_502] : memref<10240x128xf32, #tpu.memory_space<hbm>> -> memref<64x128xf32, #tpu.memory_space<hbm>>
      tpu.wait_dma2 semaphore(%run_scoped3A_479 : memref<!tpu.dma_semaphore, #tpu.memory_space<semaphore_mem>>) src(%dma_wait3A_503 : memref<64x128xf32, #tpu.memory_space<hbm>>) dst(%dma_wait3A_501 : memref<64x128xf32, #tpu.memory_space<vmem>>)
      tpu.yield
    }) : () -> ()
    %run_scoped3A_469 = arith.constant 1 : i32
    %run_scoped3A_470 = arith.constant 4 : i32
    "tpu.region"() ({
      %run_scoped3A_479 = tpu.sem_alloc : memref<!tpu.dma_semaphore, #tpu.memory_space<semaphore_mem>>
      %dma_start3A_480 = arith.constant 0 : i32
      %dma_start3A_481 = arith.constant 0 : i32
      %dma_start3A_482 = tpu.memref_slice %arg12[%run_scoped3A_469, %dma_start3A_480, %dma_start3A_481] : memref<2x128x128xf32, #tpu.memory_space<vmem>> -> memref<1x64x128xf32, #tpu.memory_space<vmem>>
      %dma_start3A_483 = tpu.memref_squeeze %dma_start3A_482 : memref<1x64x128xf32, #tpu.memory_space<vmem>> -> memref<64x128xf32, #tpu.memory_space<vmem>>
      %dma_start3A_484 = arith.constant 0 : i32
      %dma_start3A_485 = tpu.memref_slice %arg13[%run_scoped3A_470, %dma_start3A_484] : memref<5x64xi32, #tpu.memory_space<vmem>> -> memref<1x64xi32, #tpu.memory_space<vmem>>
      %dma_start3A_486 = tpu.memref_squeeze %dma_start3A_485 : memref<1x64xi32, #tpu.memory_space<vmem>> -> memref<64xi32, #tpu.memory_space<vmem>>
      %dma_start3A_487 = arith.constant 0 : i32
      %dma_start3A_488 = arith.constant 0 : i32
      %dma_start3A_489 = tpu.memref_slice %arg14[%dma_start3A_487, %dma_start3A_488] : memref<5184x128xf32, #tpu.memory_space<vmem_shared>> -> memref<5184x128xf32, #tpu.memory_space<vmem_shared>>
      tpu.enqueue_indirect_dma source(%dma_start3A_483 : memref<64x128xf32, #tpu.memory_space<vmem>>) target(%dma_start3A_489 : memref<5184x128xf32, #tpu.memory_space<vmem_shared>>) offsets(%dma_start3A_486 : memref<64xi32, #tpu.memory_space<vmem>>) semaphore(%run_scoped3A_479 : memref<!tpu.dma_semaphore, #tpu.memory_space<semaphore_mem>>) {add = true}
      %dma_wait3A_490 = arith.constant 0 : i32
      %dma_wait3A_491 = arith.constant 0 : i32
      %dma_wait3A_492 = tpu.memref_slice %arg12[%run_scoped3A_469, %dma_wait3A_490, %dma_wait3A_491] : memref<2x128x128xf32, #tpu.memory_space<vmem>> -> memref<1x64x128xf32, #tpu.memory_space<vmem>>
      %dma_wait3A_493 = tpu.memref_squeeze %dma_wait3A_492 : memref<1x64x128xf32, #tpu.memory_space<vmem>> -> memref<64x128xf32, #tpu.memory_space<vmem>>
      %dma_wait3A_494 = arith.constant 0 : i32
      %dma_wait3A_495 = tpu.memref_slice %arg13[%run_scoped3A_470, %dma_wait3A_494] : memref<5x64xi32, #tpu.memory_space<vmem>> -> memref<1x64xi32, #tpu.memory_space<vmem>>
      %dma_wait3A_496 = tpu.memref_squeeze %dma_wait3A_495 : memref<1x64xi32, #tpu.memory_space<vmem>> -> memref<64xi32, #tpu.memory_space<vmem>>
      %dma_wait3A_497 = arith.constant 0 : i32
      %dma_wait3A_498 = arith.constant 0 : i32
      %dma_wait3A_499 = tpu.memref_slice %arg14[%dma_wait3A_497, %dma_wait3A_498] : memref<5184x128xf32, #tpu.memory_space<vmem_shared>> -> memref<5184x128xf32, #tpu.memory_space<vmem_shared>>
      tpu.wait_indirect_dma semaphore(%run_scoped3A_479 : memref<!tpu.dma_semaphore, #tpu.memory_space<semaphore_mem>>) src(%dma_wait3A_493 : memref<64x128xf32, #tpu.memory_space<vmem>>) dst(%dma_wait3A_499 : memref<5184x128xf32, #tpu.memory_space<vmem_shared>>)
      tpu.yield
    }) : () -> ()
    %barrier3A_471 = arith.constant 0 : index
    tpu.barrier barrier_id(%barrier3A_471)
    %eq3A = arith.constant 0 : i32
    %eq3A_472 = arith.cmpi eq, %arg0, %eq3A : i32
    %convert_element_type3A = arith.extui %eq3A_472 : i1 to i32
    %cond3A = arith.constant 0 : i32
    %cond3A_473 = arith.cmpi ne, %convert_element_type3A, %cond3A : i32
    scf.if %cond3A_473 {
      %mul3A_479 = arith.constant 128 : i32
      %mul3A_480 = arith.muli %arg1, %mul3A_479 : i32
      %mul3A_481 = arith.constant 128 : i32
      %mul3A_482 = arith.muli %arg1, %mul3A_481 : i32
      "tpu.region"() ({
        %run_scoped3A_483 = tpu.sem_alloc : memref<!tpu.dma_semaphore, #tpu.memory_space<semaphore_mem>>
        %dma_start3A_484 = arith.constant 0 : i32
        %dma_start3A_485 = tpu.memref_slice %arg8[%mul3A_482, %dma_start3A_484] : memref<2048x128xf32, #tpu.memory_space<hbm>> -> memref<128x128xf32, #tpu.memory_space<hbm>>
        %dma_start3A_486 = arith.constant 0 : i32
        %dma_start3A_487 = tpu.memref_slice %arg14[%mul3A_480, %dma_start3A_486] : memref<5184x128xf32, #tpu.memory_space<vmem_shared>> -> memref<128x128xf32, #tpu.memory_space<vmem_shared>>
        tpu.enqueue_dma source(%dma_start3A_487 : memref<128x128xf32, #tpu.memory_space<vmem_shared>>) target(%dma_start3A_485 : memref<128x128xf32, #tpu.memory_space<hbm>>) target_semaphore(%run_scoped3A_483 : memref<!tpu.dma_semaphore, #tpu.memory_space<semaphore_mem>>)
        %dma_wait3A_488 = arith.constant 0 : i32
        %dma_wait3A_489 = tpu.memref_slice %arg8[%mul3A_482, %dma_wait3A_488] : memref<2048x128xf32, #tpu.memory_space<hbm>> -> memref<128x128xf32, #tpu.memory_space<hbm>>
        %dma_wait3A_490 = arith.constant 0 : i32
        %dma_wait3A_491 = tpu.memref_slice %arg14[%mul3A_480, %dma_wait3A_490] : memref<5184x128xf32, #tpu.memory_space<vmem_shared>> -> memref<128x128xf32, #tpu.memory_space<vmem_shared>>
        tpu.wait_dma2 semaphore(%run_scoped3A_483 : memref<!tpu.dma_semaphore, #tpu.memory_space<semaphore_mem>>) src(%dma_wait3A_491 : memref<128x128xf32, #tpu.memory_space<vmem_shared>>) dst(%dma_wait3A_489 : memref<128x128xf32, #tpu.memory_space<hbm>>)
        tpu.yield
      }) : () -> ()
    } else {
    }
    %eq3A_474 = arith.constant 1 : i32
    %eq3A_475 = arith.cmpi eq, %arg0, %eq3A_474 : i32
    %convert_element_type3A_476 = arith.extui %eq3A_475 : i1 to i32
    %cond3A_477 = arith.constant 0 : i32
    %cond3A_478 = arith.cmpi ne, %convert_element_type3A_476, %cond3A_477 : i32
    scf.if %cond3A_478 {
      %mul3A_479 = arith.constant 128 : i32
      %mul3A_480 = arith.muli %arg1, %mul3A_479 : i32
      %mul3A_481 = arith.constant 128 : i32
      %mul3A_482 = arith.muli %arg1, %mul3A_481 : i32
      "tpu.region"() ({
        %run_scoped3A_483 = tpu.sem_alloc : memref<!tpu.dma_semaphore, #tpu.memory_space<semaphore_mem>>
        %dma_start3A_484 = arith.constant 0 : i32
        %dma_start3A_485 = tpu.memref_slice %arg9[%mul3A_482, %dma_start3A_484] : memref<2048x128xf32, #tpu.memory_space<hbm>> -> memref<128x128xf32, #tpu.memory_space<hbm>>
        %dma_start3A_486 = arith.constant 0 : i32
        %dma_start3A_487 = tpu.memref_slice %arg14[%mul3A_480, %dma_start3A_486] : memref<5184x128xf32, #tpu.memory_space<vmem_shared>> -> memref<128x128xf32, #tpu.memory_space<vmem_shared>>
        tpu.enqueue_dma source(%dma_start3A_487 : memref<128x128xf32, #tpu.memory_space<vmem_shared>>) target(%dma_start3A_485 : memref<128x128xf32, #tpu.memory_space<hbm>>) target_semaphore(%run_scoped3A_483 : memref<!tpu.dma_semaphore, #tpu.memory_space<semaphore_mem>>)
        %dma_wait3A_488 = arith.constant 0 : i32
        %dma_wait3A_489 = tpu.memref_slice %arg9[%mul3A_482, %dma_wait3A_488] : memref<2048x128xf32, #tpu.memory_space<hbm>> -> memref<128x128xf32, #tpu.memory_space<hbm>>
        %dma_wait3A_490 = arith.constant 0 : i32
        %dma_wait3A_491 = tpu.memref_slice %arg14[%mul3A_480, %dma_wait3A_490] : memref<5184x128xf32, #tpu.memory_space<vmem_shared>> -> memref<128x128xf32, #tpu.memory_space<vmem_shared>>
        tpu.wait_dma2 semaphore(%run_scoped3A_483 : memref<!tpu.dma_semaphore, #tpu.memory_space<semaphore_mem>>) src(%dma_wait3A_491 : memref<128x128xf32, #tpu.memory_space<vmem_shared>>) dst(%dma_wait3A_489 : memref<128x128xf32, #tpu.memory_space<hbm>>)
        tpu.yield
      }) : () -> ()
    } else {
    }
    return
  }
}

#map = affine_map<(d0, d1) -> (0, 0)>
#map1 = affine_map<(d0, d1) -> (0, 0, 0)>
module attributes {stable_mosaic.version = 14 : i64} {
  func.func @_sc_frag(%arg0: i32, %arg1: i32, %arg2: memref<2048x128xf32, #tpu.memory_space<hbm>>, %arg3: memref<2048x128xf32, #tpu.memory_space<hbm>>, %arg4: memref<32x2x128xi32, #tpu.memory_space<hbm>>, %arg5: memref<32x2x128xi32, #tpu.memory_space<hbm>>, %arg6: memref<2x2048x128xf32, #tpu.memory_space<hbm>>, %arg7: memref<128x128xf32, #tpu.memory_space<vmem>>, %arg8: memref<128x128xf32, #tpu.memory_space<vmem>>, %arg9: memref<2x128xi32, #tpu.memory_space<vmem>>, %arg10: memref<2x128xi32, #tpu.memory_space<vmem>>, %arg11: memref<2048x128xf32, #tpu.memory_space<vmem_shared>>, %arg12: memref<!tpu.dma_semaphore, #tpu.memory_space<semaphore_mem>>) attributes {dimension_semantics = [#tpu.dimension_semantics<core_parallel>, #tpu.dimension_semantics<subcore_parallel>], iteration_bounds = array<i64: 2, 16>, scalar_prefetch = 0 : i64, scratch_operands = 6 : i64, tpu.core_type = #tpu.core_type<sc_vector_subcore>, window_params = [{transform_indices = #map}, {transform_indices = #map}, {transform_indices = #map1}, {transform_indices = #map1}, {transform_indices = #map1}]} {
    %mul3A = arith.constant 16 : i32
    %mul3A_0 = arith.muli %arg0, %mul3A : i32
    %add3A = arith.addi %mul3A_0, %arg1 : i32
    %mul3A_1 = arith.constant 128 : i32
    %mul3A_2 = arith.muli %arg1, %mul3A_1 : i32
    %scan3A = arith.constant 0 : i32
    %scan3A_3 = arith.constant 0 : i32
    %scan3A_4 = arith.constant 128 : i32
    %scan3A_5 = arith.addi %scan3A_3, %scan3A_4 : i32
    %scan3A_6 = arith.constant 1 : i32
    %scan3A_7 = scf.for %scan3A_79 = %scan3A_3 to %scan3A_5 step %scan3A_6 iter_args(%scan3A_80 = %scan3A) -> (i32)  : i32 {
      %broadcast_in_dim3A = arith.constant 0.000000e+00 : f32
      %broadcast_in_dim3A_81 = vector.broadcast %broadcast_in_dim3A : f32 to vector<16xf32>
      %swap3A = arith.index_cast %scan3A_79 : i32 to index
      %swap3A_82 = arith.constant 0 : index
      %swap3A_83 = tpu.vector_load %arg8[%swap3A, %swap3A_82] {strides = array<i32>} : memref<128x128xf32, #tpu.memory_space<vmem>>, vector<1x16xf32>,
      %swap3A_84 = vector.shape_cast %swap3A_83 : vector<1x16xf32> to vector<16xf32>
      %swap3A_85 = vector.shape_cast %broadcast_in_dim3A_81 : vector<16xf32> to vector<1x16xf32>
      tpu.vector_store %arg8[%swap3A, %swap3A_82], %swap3A_85 {strides = array<i32>} : memref<128x128xf32, #tpu.memory_space<vmem>>, vector<1x16xf32>,
      %broadcast_in_dim3A_86 = arith.constant 0.000000e+00 : f32
      %broadcast_in_dim3A_87 = vector.broadcast %broadcast_in_dim3A_86 : f32 to vector<16xf32>
      %swap3A_88 = arith.index_cast %scan3A_79 : i32 to index
      %swap3A_89 = arith.constant 16 : index
      %swap3A_90 = tpu.vector_load %arg8[%swap3A_88, %swap3A_89] {strides = array<i32>} : memref<128x128xf32, #tpu.memory_space<vmem>>, vector<1x16xf32>,
      %swap3A_91 = vector.shape_cast %swap3A_90 : vector<1x16xf32> to vector<16xf32>
      %swap3A_92 = vector.shape_cast %broadcast_in_dim3A_87 : vector<16xf32> to vector<1x16xf32>
      tpu.vector_store %arg8[%swap3A_88, %swap3A_89], %swap3A_92 {strides = array<i32>} : memref<128x128xf32, #tpu.memory_space<vmem>>, vector<1x16xf32>,
      %broadcast_in_dim3A_93 = arith.constant 0.000000e+00 : f32
      %broadcast_in_dim3A_94 = vector.broadcast %broadcast_in_dim3A_93 : f32 to vector<16xf32>
      %swap3A_95 = arith.index_cast %scan3A_79 : i32 to index
      %swap3A_96 = arith.constant 32 : index
      %swap3A_97 = tpu.vector_load %arg8[%swap3A_95, %swap3A_96] {strides = array<i32>} : memref<128x128xf32, #tpu.memory_space<vmem>>, vector<1x16xf32>,
      %swap3A_98 = vector.shape_cast %swap3A_97 : vector<1x16xf32> to vector<16xf32>
      %swap3A_99 = vector.shape_cast %broadcast_in_dim3A_94 : vector<16xf32> to vector<1x16xf32>
      tpu.vector_store %arg8[%swap3A_95, %swap3A_96], %swap3A_99 {strides = array<i32>} : memref<128x128xf32, #tpu.memory_space<vmem>>, vector<1x16xf32>,
      %broadcast_in_dim3A_100 = arith.constant 0.000000e+00 : f32
      %broadcast_in_dim3A_101 = vector.broadcast %broadcast_in_dim3A_100 : f32 to vector<16xf32>
      %swap3A_102 = arith.index_cast %scan3A_79 : i32 to index
      %swap3A_103 = arith.constant 48 : index
      %swap3A_104 = tpu.vector_load %arg8[%swap3A_102, %swap3A_103] {strides = array<i32>} : memref<128x128xf32, #tpu.memory_space<vmem>>, vector<1x16xf32>,
      %swap3A_105 = vector.shape_cast %swap3A_104 : vector<1x16xf32> to vector<16xf32>
      %swap3A_106 = vector.shape_cast %broadcast_in_dim3A_101 : vector<16xf32> to vector<1x16xf32>
      tpu.vector_store %arg8[%swap3A_102, %swap3A_103], %swap3A_106 {strides = array<i32>} : memref<128x128xf32, #tpu.memory_space<vmem>>, vector<1x16xf32>,
      %broadcast_in_dim3A_107 = arith.constant 0.000000e+00 : f32
      %broadcast_in_dim3A_108 = vector.broadcast %broadcast_in_dim3A_107 : f32 to vector<16xf32>
      %swap3A_109 = arith.index_cast %scan3A_79 : i32 to index
      %swap3A_110 = arith.constant 64 : index
      %swap3A_111 = tpu.vector_load %arg8[%swap3A_109, %swap3A_110] {strides = array<i32>} : memref<128x128xf32, #tpu.memory_space<vmem>>, vector<1x16xf32>,
      %swap3A_112 = vector.shape_cast %swap3A_111 : vector<1x16xf32> to vector<16xf32>
      %swap3A_113 = vector.shape_cast %broadcast_in_dim3A_108 : vector<16xf32> to vector<1x16xf32>
      tpu.vector_store %arg8[%swap3A_109, %swap3A_110], %swap3A_113 {strides = array<i32>} : memref<128x128xf32, #tpu.memory_space<vmem>>, vector<1x16xf32>,
      %broadcast_in_dim3A_114 = arith.constant 0.000000e+00 : f32
      %broadcast_in_dim3A_115 = vector.broadcast %broadcast_in_dim3A_114 : f32 to vector<16xf32>
      %swap3A_116 = arith.index_cast %scan3A_79 : i32 to index
      %swap3A_117 = arith.constant 80 : index
      %swap3A_118 = tpu.vector_load %arg8[%swap3A_116, %swap3A_117] {strides = array<i32>} : memref<128x128xf32, #tpu.memory_space<vmem>>, vector<1x16xf32>,
      %swap3A_119 = vector.shape_cast %swap3A_118 : vector<1x16xf32> to vector<16xf32>
      %swap3A_120 = vector.shape_cast %broadcast_in_dim3A_115 : vector<16xf32> to vector<1x16xf32>
      tpu.vector_store %arg8[%swap3A_116, %swap3A_117], %swap3A_120 {strides = array<i32>} : memref<128x128xf32, #tpu.memory_space<vmem>>, vector<1x16xf32>,
      %broadcast_in_dim3A_121 = arith.constant 0.000000e+00 : f32
      %broadcast_in_dim3A_122 = vector.broadcast %broadcast_in_dim3A_121 : f32 to vector<16xf32>
      %swap3A_123 = arith.index_cast %scan3A_79 : i32 to index
      %swap3A_124 = arith.constant 96 : index
      %swap3A_125 = tpu.vector_load %arg8[%swap3A_123, %swap3A_124] {strides = array<i32>} : memref<128x128xf32, #tpu.memory_space<vmem>>, vector<1x16xf32>,
      %swap3A_126 = vector.shape_cast %swap3A_125 : vector<1x16xf32> to vector<16xf32>
      %swap3A_127 = vector.shape_cast %broadcast_in_dim3A_122 : vector<16xf32> to vector<1x16xf32>
      tpu.vector_store %arg8[%swap3A_123, %swap3A_124], %swap3A_127 {strides = array<i32>} : memref<128x128xf32, #tpu.memory_space<vmem>>, vector<1x16xf32>,
      %broadcast_in_dim3A_128 = arith.constant 0.000000e+00 : f32
      %broadcast_in_dim3A_129 = vector.broadcast %broadcast_in_dim3A_128 : f32 to vector<16xf32>
      %swap3A_130 = arith.index_cast %scan3A_79 : i32 to index
      %swap3A_131 = arith.constant 112 : index
      %swap3A_132 = tpu.vector_load %arg8[%swap3A_130, %swap3A_131] {strides = array<i32>} : memref<128x128xf32, #tpu.memory_space<vmem>>, vector<1x16xf32>,
      %swap3A_133 = vector.shape_cast %swap3A_132 : vector<1x16xf32> to vector<16xf32>
      %swap3A_134 = vector.shape_cast %broadcast_in_dim3A_129 : vector<16xf32> to vector<1x16xf32>
      tpu.vector_store %arg8[%swap3A_130, %swap3A_131], %swap3A_134 {strides = array<i32>} : memref<128x128xf32, #tpu.memory_space<vmem>>, vector<1x16xf32>,
      %scan3A_135 = arith.constant 0 : i32
      scf.yield %scan3A_135 : i32
    }
    %scan3A_8 = arith.constant 128 : i32
    "tpu.region"() ({
      %run_scoped3A_79 = tpu.sem_alloc : memref<!tpu.dma_semaphore, #tpu.memory_space<semaphore_mem>>
      %dma_start3A_80 = arith.constant 0 : i32
      %dma_start3A_81 = tpu.memref_slice %arg11[%mul3A_2, %dma_start3A_80] : memref<2048x128xf32, #tpu.memory_space<vmem_shared>> -> memref<128x128xf32, #tpu.memory_space<vmem_shared>>
      %dma_start3A_82 = arith.constant 0 : i32
      %dma_start3A_83 = tpu.memref_slice %arg11[%mul3A_2, %dma_start3A_82] : memref<2048x128xf32, #tpu.memory_space<vmem_shared>> -> memref<128x128xf32, #tpu.memory_space<vmem_shared>>
      tpu.enqueue_dma source(%arg8 : memref<128x128xf32, #tpu.memory_space<vmem>>) target(%dma_start3A_83 : memref<128x128xf32, #tpu.memory_space<vmem_shared>>) target_semaphore(%run_scoped3A_79 : memref<!tpu.dma_semaphore, #tpu.memory_space<semaphore_mem>>)
      %dma_wait3A_84 = arith.constant 0 : i32
      %dma_wait3A_85 = tpu.memref_slice %arg11[%mul3A_2, %dma_wait3A_84] : memref<2048x128xf32, #tpu.memory_space<vmem_shared>> -> memref<128x128xf32, #tpu.memory_space<vmem_shared>>
      %dma_wait3A_86 = arith.constant 0 : i32
      %dma_wait3A_87 = tpu.memref_slice %arg11[%mul3A_2, %dma_wait3A_86] : memref<2048x128xf32, #tpu.memory_space<vmem_shared>> -> memref<128x128xf32, #tpu.memory_space<vmem_shared>>
      tpu.wait_dma2 semaphore(%run_scoped3A_79 : memref<!tpu.dma_semaphore, #tpu.memory_space<semaphore_mem>>) src(%arg8 : memref<128x128xf32, #tpu.memory_space<vmem>>) dst(%dma_wait3A_87 : memref<128x128xf32, #tpu.memory_space<vmem_shared>>)
      tpu.yield
    }) : () -> ()
    "tpu.region"() ({
      %run_scoped3A_79 = tpu.sem_alloc : memref<!tpu.dma_semaphore, #tpu.memory_space<semaphore_mem>>
      %dma_start3A_80 = arith.constant 0 : i32
      %dma_start3A_81 = arith.constant 0 : i32
      %dma_start3A_82 = tpu.memref_slice %arg4[%add3A, %dma_start3A_80, %dma_start3A_81] : memref<32x2x128xi32, #tpu.memory_space<hbm>> -> memref<1x2x128xi32, #tpu.memory_space<hbm>>
      %dma_start3A_83 = tpu.memref_squeeze %dma_start3A_82 : memref<1x2x128xi32, #tpu.memory_space<hbm>> -> memref<2x128xi32, #tpu.memory_space<hbm>>
      %dma_start3A_84 = arith.constant 0 : i32
      %dma_start3A_85 = arith.constant 0 : i32
      %dma_start3A_86 = tpu.memref_slice %arg4[%add3A, %dma_start3A_84, %dma_start3A_85] : memref<32x2x128xi32, #tpu.memory_space<hbm>> -> memref<1x2x128xi32, #tpu.memory_space<hbm>>
      %dma_start3A_87 = tpu.memref_squeeze %dma_start3A_86 : memref<1x2x128xi32, #tpu.memory_space<hbm>> -> memref<2x128xi32, #tpu.memory_space<hbm>>
      tpu.enqueue_dma source(%dma_start3A_87 : memref<2x128xi32, #tpu.memory_space<hbm>>) target(%arg9 : memref<2x128xi32, #tpu.memory_space<vmem>>) target_semaphore(%run_scoped3A_79 : memref<!tpu.dma_semaphore, #tpu.memory_space<semaphore_mem>>)
      %dma_wait3A_88 = arith.constant 0 : i32
      %dma_wait3A_89 = arith.constant 0 : i32
      %dma_wait3A_90 = tpu.memref_slice %arg4[%add3A, %dma_wait3A_88, %dma_wait3A_89] : memref<32x2x128xi32, #tpu.memory_space<hbm>> -> memref<1x2x128xi32, #tpu.memory_space<hbm>>
      %dma_wait3A_91 = tpu.memref_squeeze %dma_wait3A_90 : memref<1x2x128xi32, #tpu.memory_space<hbm>> -> memref<2x128xi32, #tpu.memory_space<hbm>>
      %dma_wait3A_92 = arith.constant 0 : i32
      %dma_wait3A_93 = arith.constant 0 : i32
      %dma_wait3A_94 = tpu.memref_slice %arg4[%add3A, %dma_wait3A_92, %dma_wait3A_93] : memref<32x2x128xi32, #tpu.memory_space<hbm>> -> memref<1x2x128xi32, #tpu.memory_space<hbm>>
      %dma_wait3A_95 = tpu.memref_squeeze %dma_wait3A_94 : memref<1x2x128xi32, #tpu.memory_space<hbm>> -> memref<2x128xi32, #tpu.memory_space<hbm>>
      tpu.wait_dma2 semaphore(%run_scoped3A_79 : memref<!tpu.dma_semaphore, #tpu.memory_space<semaphore_mem>>) src(%dma_wait3A_95 : memref<2x128xi32, #tpu.memory_space<hbm>>) dst(%arg9 : memref<2x128xi32, #tpu.memory_space<vmem>>)
      tpu.yield
    }) : () -> ()
    "tpu.region"() ({
      %run_scoped3A_79 = tpu.sem_alloc : memref<!tpu.dma_semaphore, #tpu.memory_space<semaphore_mem>>
      %dma_start3A_80 = arith.constant 0 : i32
      %dma_start3A_81 = arith.constant 0 : i32
      %dma_start3A_82 = tpu.memref_slice %arg5[%add3A, %dma_start3A_80, %dma_start3A_81] : memref<32x2x128xi32, #tpu.memory_space<hbm>> -> memref<1x2x128xi32, #tpu.memory_space<hbm>>
      %dma_start3A_83 = tpu.memref_squeeze %dma_start3A_82 : memref<1x2x128xi32, #tpu.memory_space<hbm>> -> memref<2x128xi32, #tpu.memory_space<hbm>>
      %dma_start3A_84 = arith.constant 0 : i32
      %dma_start3A_85 = arith.constant 0 : i32
      %dma_start3A_86 = tpu.memref_slice %arg5[%add3A, %dma_start3A_84, %dma_start3A_85] : memref<32x2x128xi32, #tpu.memory_space<hbm>> -> memref<1x2x128xi32, #tpu.memory_space<hbm>>
      %dma_start3A_87 = tpu.memref_squeeze %dma_start3A_86 : memref<1x2x128xi32, #tpu.memory_space<hbm>> -> memref<2x128xi32, #tpu.memory_space<hbm>>
      tpu.enqueue_dma source(%dma_start3A_87 : memref<2x128xi32, #tpu.memory_space<hbm>>) target(%arg10 : memref<2x128xi32, #tpu.memory_space<vmem>>) target_semaphore(%run_scoped3A_79 : memref<!tpu.dma_semaphore, #tpu.memory_space<semaphore_mem>>)
      %dma_wait3A_88 = arith.constant 0 : i32
      %dma_wait3A_89 = arith.constant 0 : i32
      %dma_wait3A_90 = tpu.memref_slice %arg5[%add3A, %dma_wait3A_88, %dma_wait3A_89] : memref<32x2x128xi32, #tpu.memory_space<hbm>> -> memref<1x2x128xi32, #tpu.memory_space<hbm>>
      %dma_wait3A_91 = tpu.memref_squeeze %dma_wait3A_90 : memref<1x2x128xi32, #tpu.memory_space<hbm>> -> memref<2x128xi32, #tpu.memory_space<hbm>>
      %dma_wait3A_92 = arith.constant 0 : i32
      %dma_wait3A_93 = arith.constant 0 : i32
      %dma_wait3A_94 = tpu.memref_slice %arg5[%add3A, %dma_wait3A_92, %dma_wait3A_93] : memref<32x2x128xi32, #tpu.memory_space<hbm>> -> memref<1x2x128xi32, #tpu.memory_space<hbm>>
      %dma_wait3A_95 = tpu.memref_squeeze %dma_wait3A_94 : memref<1x2x128xi32, #tpu.memory_space<hbm>> -> memref<2x128xi32, #tpu.memory_space<hbm>>
      tpu.wait_dma2 semaphore(%run_scoped3A_79 : memref<!tpu.dma_semaphore, #tpu.memory_space<semaphore_mem>>) src(%dma_wait3A_95 : memref<2x128xi32, #tpu.memory_space<hbm>>) dst(%arg10 : memref<2x128xi32, #tpu.memory_space<vmem>>)
      tpu.yield
    }) : () -> ()
    %barrier3A = arith.constant 0 : index
    tpu.barrier barrier_id(%barrier3A)
    %dma_start3A = arith.constant 0 : i32
    %dma_start3A_9 = arith.constant 0 : i32
    %dma_start3A_10 = tpu.memref_slice %arg9[%dma_start3A, %dma_start3A_9] : memref<2x128xi32, #tpu.memory_space<vmem>> -> memref<1x128xi32, #tpu.memory_space<vmem>>
    %dma_start3A_11 = tpu.memref_squeeze %dma_start3A_10 : memref<1x128xi32, #tpu.memory_space<vmem>> -> memref<128xi32, #tpu.memory_space<vmem>>
    %dma_start3A_12 = arith.constant 0 : i32
    %dma_start3A_13 = arith.constant 0 : i32
    %dma_start3A_14 = tpu.memref_slice %arg2[%dma_start3A_12, %dma_start3A_13] : memref<2048x128xf32, #tpu.memory_space<hbm>> -> memref<2048x128xf32, #tpu.memory_space<hbm>>
    tpu.enqueue_indirect_dma source(%dma_start3A_14 : memref<2048x128xf32, #tpu.memory_space<hbm>>) target(%arg7 : memref<128x128xf32, #tpu.memory_space<vmem>>) offsets(%dma_start3A_11 : memref<128xi32, #tpu.memory_space<vmem>>) semaphore(%arg12 : memref<!tpu.dma_semaphore, #tpu.memory_space<semaphore_mem>>)
    %dma_start3A_15 = arith.constant 0 : i32
    %dma_start3A_16 = arith.constant 0 : i32
    %dma_start3A_17 = tpu.memref_slice %arg9[%dma_start3A_15, %dma_start3A_16] : memref<2x128xi32, #tpu.memory_space<vmem>> -> memref<1x128xi32, #tpu.memory_space<vmem>>
    %dma_start3A_18 = tpu.memref_squeeze %dma_start3A_17 : memref<1x128xi32, #tpu.memory_space<vmem>> -> memref<128xi32, #tpu.memory_space<vmem>>
    %dma_start3A_19 = arith.constant 0 : i32
    %dma_start3A_20 = arith.constant 0 : i32
    %dma_start3A_21 = tpu.memref_slice %arg3[%dma_start3A_19, %dma_start3A_20] : memref<2048x128xf32, #tpu.memory_space<hbm>> -> memref<2048x128xf32, #tpu.memory_space<hbm>>
    tpu.enqueue_indirect_dma source(%dma_start3A_21 : memref<2048x128xf32, #tpu.memory_space<hbm>>) target(%arg8 : memref<128x128xf32, #tpu.memory_space<vmem>>) offsets(%dma_start3A_18 : memref<128xi32, #tpu.memory_space<vmem>>) semaphore(%arg12 : memref<!tpu.dma_semaphore, #tpu.memory_space<semaphore_mem>>)
    %dma_wait3A = arith.constant 0 : i32
    %dma_wait3A_22 = arith.constant 0 : i32
    %dma_wait3A_23 = tpu.memref_slice %arg9[%dma_wait3A, %dma_wait3A_22] : memref<2x128xi32, #tpu.memory_space<vmem>> -> memref<1x128xi32, #tpu.memory_space<vmem>>
    %dma_wait3A_24 = tpu.memref_squeeze %dma_wait3A_23 : memref<1x128xi32, #tpu.memory_space<vmem>> -> memref<128xi32, #tpu.memory_space<vmem>>
    %dma_wait3A_25 = arith.constant 0 : i32
    %dma_wait3A_26 = arith.constant 0 : i32
    %dma_wait3A_27 = tpu.memref_slice %arg2[%dma_wait3A_25, %dma_wait3A_26] : memref<2048x128xf32, #tpu.memory_space<hbm>> -> memref<2048x128xf32, #tpu.memory_space<hbm>>
    tpu.wait_indirect_dma semaphore(%arg12 : memref<!tpu.dma_semaphore, #tpu.memory_space<semaphore_mem>>) src(%dma_wait3A_27 : memref<2048x128xf32, #tpu.memory_space<hbm>>) dst(%arg7 : memref<128x128xf32, #tpu.memory_space<vmem>>)
    %dma_wait3A_28 = arith.constant 0 : i32
    %dma_wait3A_29 = arith.constant 0 : i32
    %dma_wait3A_30 = tpu.memref_slice %arg9[%dma_wait3A_28, %dma_wait3A_29] : memref<2x128xi32, #tpu.memory_space<vmem>> -> memref<1x128xi32, #tpu.memory_space<vmem>>
    %dma_wait3A_31 = tpu.memref_squeeze %dma_wait3A_30 : memref<1x128xi32, #tpu.memory_space<vmem>> -> memref<128xi32, #tpu.memory_space<vmem>>
    %dma_wait3A_32 = arith.constant 0 : i32
    %dma_wait3A_33 = arith.constant 0 : i32
    %dma_wait3A_34 = tpu.memref_slice %arg3[%dma_wait3A_32, %dma_wait3A_33] : memref<2048x128xf32, #tpu.memory_space<hbm>> -> memref<2048x128xf32, #tpu.memory_space<hbm>>
    tpu.wait_indirect_dma semaphore(%arg12 : memref<!tpu.dma_semaphore, #tpu.memory_space<semaphore_mem>>) src(%dma_wait3A_34 : memref<2048x128xf32, #tpu.memory_space<hbm>>) dst(%arg8 : memref<128x128xf32, #tpu.memory_space<vmem>>)
    %scan3A_35 = arith.constant 0 : i32
    %scan3A_36 = arith.constant 0 : i32
    %scan3A_37 = arith.constant 128 : i32
    %scan3A_38 = arith.addi %scan3A_36, %scan3A_37 : i32
    %scan3A_39 = arith.constant 1 : i32
    %scan3A_40 = scf.for %scan3A_79 = %scan3A_36 to %scan3A_38 step %scan3A_39 iter_args(%scan3A_80 = %scan3A_35) -> (i32)  : i32 {
      %get3A = arith.index_cast %scan3A_79 : i32 to index
      %get3A_81 = arith.constant 0 : index
      %get3A_82 = tpu.vector_load %arg7[%get3A, %get3A_81] {strides = array<i32>} : memref<128x128xf32, #tpu.memory_space<vmem>>, vector<1x16xf32>,
      %get3A_83 = vector.shape_cast %get3A_82 : vector<1x16xf32> to vector<16xf32>
      %get3A_84 = arith.index_cast %scan3A_79 : i32 to index
      %get3A_85 = arith.constant 0 : index
      %get3A_86 = tpu.vector_load %arg8[%get3A_84, %get3A_85] {strides = array<i32>} : memref<128x128xf32, #tpu.memory_space<vmem>>, vector<1x16xf32>,
      %get3A_87 = vector.shape_cast %get3A_86 : vector<1x16xf32> to vector<16xf32>
      %add3A_88 = arith.addf %get3A_83, %get3A_87 : vector<16xf32>
      %swap3A = arith.index_cast %scan3A_79 : i32 to index
      %swap3A_89 = arith.constant 0 : index
      %swap3A_90 = tpu.vector_load %arg7[%swap3A, %swap3A_89] {strides = array<i32>} : memref<128x128xf32, #tpu.memory_space<vmem>>, vector<1x16xf32>,
      %swap3A_91 = vector.shape_cast %swap3A_90 : vector<1x16xf32> to vector<16xf32>
      %swap3A_92 = vector.shape_cast %add3A_88 : vector<16xf32> to vector<1x16xf32>
      tpu.vector_store %arg7[%swap3A, %swap3A_89], %swap3A_92 {strides = array<i32>} : memref<128x128xf32, #tpu.memory_space<vmem>>, vector<1x16xf32>,
      %get3A_93 = arith.index_cast %scan3A_79 : i32 to index
      %get3A_94 = arith.constant 16 : index
      %get3A_95 = tpu.vector_load %arg7[%get3A_93, %get3A_94] {strides = array<i32>} : memref<128x128xf32, #tpu.memory_space<vmem>>, vector<1x16xf32>,
      %get3A_96 = vector.shape_cast %get3A_95 : vector<1x16xf32> to vector<16xf32>
      %get3A_97 = arith.index_cast %scan3A_79 : i32 to index
      %get3A_98 = arith.constant 16 : index
      %get3A_99 = tpu.vector_load %arg8[%get3A_97, %get3A_98] {strides = array<i32>} : memref<128x128xf32, #tpu.memory_space<vmem>>, vector<1x16xf32>,
      %get3A_100 = vector.shape_cast %get3A_99 : vector<1x16xf32> to vector<16xf32>
      %add3A_101 = arith.addf %get3A_96, %get3A_100 : vector<16xf32>
      %swap3A_102 = arith.index_cast %scan3A_79 : i32 to index
      %swap3A_103 = arith.constant 16 : index
      %swap3A_104 = tpu.vector_load %arg7[%swap3A_102, %swap3A_103] {strides = array<i32>} : memref<128x128xf32, #tpu.memory_space<vmem>>, vector<1x16xf32>,
      %swap3A_105 = vector.shape_cast %swap3A_104 : vector<1x16xf32> to vector<16xf32>
      %swap3A_106 = vector.shape_cast %add3A_101 : vector<16xf32> to vector<1x16xf32>
      tpu.vector_store %arg7[%swap3A_102, %swap3A_103], %swap3A_106 {strides = array<i32>} : memref<128x128xf32, #tpu.memory_space<vmem>>, vector<1x16xf32>,
      %get3A_107 = arith.index_cast %scan3A_79 : i32 to index
      %get3A_108 = arith.constant 32 : index
      %get3A_109 = tpu.vector_load %arg7[%get3A_107, %get3A_108] {strides = array<i32>} : memref<128x128xf32, #tpu.memory_space<vmem>>, vector<1x16xf32>,
      %get3A_110 = vector.shape_cast %get3A_109 : vector<1x16xf32> to vector<16xf32>
      %get3A_111 = arith.index_cast %scan3A_79 : i32 to index
      %get3A_112 = arith.constant 32 : index
      %get3A_113 = tpu.vector_load %arg8[%get3A_111, %get3A_112] {strides = array<i32>} : memref<128x128xf32, #tpu.memory_space<vmem>>, vector<1x16xf32>,
      %get3A_114 = vector.shape_cast %get3A_113 : vector<1x16xf32> to vector<16xf32>
      %add3A_115 = arith.addf %get3A_110, %get3A_114 : vector<16xf32>
      %swap3A_116 = arith.index_cast %scan3A_79 : i32 to index
      %swap3A_117 = arith.constant 32 : index
      %swap3A_118 = tpu.vector_load %arg7[%swap3A_116, %swap3A_117] {strides = array<i32>} : memref<128x128xf32, #tpu.memory_space<vmem>>, vector<1x16xf32>,
      %swap3A_119 = vector.shape_cast %swap3A_118 : vector<1x16xf32> to vector<16xf32>
      %swap3A_120 = vector.shape_cast %add3A_115 : vector<16xf32> to vector<1x16xf32>
      tpu.vector_store %arg7[%swap3A_116, %swap3A_117], %swap3A_120 {strides = array<i32>} : memref<128x128xf32, #tpu.memory_space<vmem>>, vector<1x16xf32>,
      %get3A_121 = arith.index_cast %scan3A_79 : i32 to index
      %get3A_122 = arith.constant 48 : index
      %get3A_123 = tpu.vector_load %arg7[%get3A_121, %get3A_122] {strides = array<i32>} : memref<128x128xf32, #tpu.memory_space<vmem>>, vector<1x16xf32>,
      %get3A_124 = vector.shape_cast %get3A_123 : vector<1x16xf32> to vector<16xf32>
      %get3A_125 = arith.index_cast %scan3A_79 : i32 to index
      %get3A_126 = arith.constant 48 : index
      %get3A_127 = tpu.vector_load %arg8[%get3A_125, %get3A_126] {strides = array<i32>} : memref<128x128xf32, #tpu.memory_space<vmem>>, vector<1x16xf32>,
      %get3A_128 = vector.shape_cast %get3A_127 : vector<1x16xf32> to vector<16xf32>
      %add3A_129 = arith.addf %get3A_124, %get3A_128 : vector<16xf32>
      %swap3A_130 = arith.index_cast %scan3A_79 : i32 to index
      %swap3A_131 = arith.constant 48 : index
      %swap3A_132 = tpu.vector_load %arg7[%swap3A_130, %swap3A_131] {strides = array<i32>} : memref<128x128xf32, #tpu.memory_space<vmem>>, vector<1x16xf32>,
      %swap3A_133 = vector.shape_cast %swap3A_132 : vector<1x16xf32> to vector<16xf32>
      %swap3A_134 = vector.shape_cast %add3A_129 : vector<16xf32> to vector<1x16xf32>
      tpu.vector_store %arg7[%swap3A_130, %swap3A_131], %swap3A_134 {strides = array<i32>} : memref<128x128xf32, #tpu.memory_space<vmem>>, vector<1x16xf32>,
      %get3A_135 = arith.index_cast %scan3A_79 : i32 to index
      %get3A_136 = arith.constant 64 : index
      %get3A_137 = tpu.vector_load %arg7[%get3A_135, %get3A_136] {strides = array<i32>} : memref<128x128xf32, #tpu.memory_space<vmem>>, vector<1x16xf32>,
      %get3A_138 = vector.shape_cast %get3A_137 : vector<1x16xf32> to vector<16xf32>
      %get3A_139 = arith.index_cast %scan3A_79 : i32 to index
      %get3A_140 = arith.constant 64 : index
      %get3A_141 = tpu.vector_load %arg8[%get3A_139, %get3A_140] {strides = array<i32>} : memref<128x128xf32, #tpu.memory_space<vmem>>, vector<1x16xf32>,
      %get3A_142 = vector.shape_cast %get3A_141 : vector<1x16xf32> to vector<16xf32>
      %add3A_143 = arith.addf %get3A_138, %get3A_142 : vector<16xf32>
      %swap3A_144 = arith.index_cast %scan3A_79 : i32 to index
      %swap3A_145 = arith.constant 64 : index
      %swap3A_146 = tpu.vector_load %arg7[%swap3A_144, %swap3A_145] {strides = array<i32>} : memref<128x128xf32, #tpu.memory_space<vmem>>, vector<1x16xf32>,
      %swap3A_147 = vector.shape_cast %swap3A_146 : vector<1x16xf32> to vector<16xf32>
      %swap3A_148 = vector.shape_cast %add3A_143 : vector<16xf32> to vector<1x16xf32>
      tpu.vector_store %arg7[%swap3A_144, %swap3A_145], %swap3A_148 {strides = array<i32>} : memref<128x128xf32, #tpu.memory_space<vmem>>, vector<1x16xf32>,
      %get3A_149 = arith.index_cast %scan3A_79 : i32 to index
      %get3A_150 = arith.constant 80 : index
      %get3A_151 = tpu.vector_load %arg7[%get3A_149, %get3A_150] {strides = array<i32>} : memref<128x128xf32, #tpu.memory_space<vmem>>, vector<1x16xf32>,
      %get3A_152 = vector.shape_cast %get3A_151 : vector<1x16xf32> to vector<16xf32>
      %get3A_153 = arith.index_cast %scan3A_79 : i32 to index
      %get3A_154 = arith.constant 80 : index
      %get3A_155 = tpu.vector_load %arg8[%get3A_153, %get3A_154] {strides = array<i32>} : memref<128x128xf32, #tpu.memory_space<vmem>>, vector<1x16xf32>,
      %get3A_156 = vector.shape_cast %get3A_155 : vector<1x16xf32> to vector<16xf32>
      %add3A_157 = arith.addf %get3A_152, %get3A_156 : vector<16xf32>
      %swap3A_158 = arith.index_cast %scan3A_79 : i32 to index
      %swap3A_159 = arith.constant 80 : index
      %swap3A_160 = tpu.vector_load %arg7[%swap3A_158, %swap3A_159] {strides = array<i32>} : memref<128x128xf32, #tpu.memory_space<vmem>>, vector<1x16xf32>,
      %swap3A_161 = vector.shape_cast %swap3A_160 : vector<1x16xf32> to vector<16xf32>
      %swap3A_162 = vector.shape_cast %add3A_157 : vector<16xf32> to vector<1x16xf32>
      tpu.vector_store %arg7[%swap3A_158, %swap3A_159], %swap3A_162 {strides = array<i32>} : memref<128x128xf32, #tpu.memory_space<vmem>>, vector<1x16xf32>,
      %get3A_163 = arith.index_cast %scan3A_79 : i32 to index
      %get3A_164 = arith.constant 96 : index
      %get3A_165 = tpu.vector_load %arg7[%get3A_163, %get3A_164] {strides = array<i32>} : memref<128x128xf32, #tpu.memory_space<vmem>>, vector<1x16xf32>,
      %get3A_166 = vector.shape_cast %get3A_165 : vector<1x16xf32> to vector<16xf32>
      %get3A_167 = arith.index_cast %scan3A_79 : i32 to index
      %get3A_168 = arith.constant 96 : index
      %get3A_169 = tpu.vector_load %arg8[%get3A_167, %get3A_168] {strides = array<i32>} : memref<128x128xf32, #tpu.memory_space<vmem>>, vector<1x16xf32>,
      %get3A_170 = vector.shape_cast %get3A_169 : vector<1x16xf32> to vector<16xf32>
      %add3A_171 = arith.addf %get3A_166, %get3A_170 : vector<16xf32>
      %swap3A_172 = arith.index_cast %scan3A_79 : i32 to index
      %swap3A_173 = arith.constant 96 : index
      %swap3A_174 = tpu.vector_load %arg7[%swap3A_172, %swap3A_173] {strides = array<i32>} : memref<128x128xf32, #tpu.memory_space<vmem>>, vector<1x16xf32>,
      %swap3A_175 = vector.shape_cast %swap3A_174 : vector<1x16xf32> to vector<16xf32>
      %swap3A_176 = vector.shape_cast %add3A_171 : vector<16xf32> to vector<1x16xf32>
      tpu.vector_store %arg7[%swap3A_172, %swap3A_173], %swap3A_176 {strides = array<i32>} : memref<128x128xf32, #tpu.memory_space<vmem>>, vector<1x16xf32>,
      %get3A_177 = arith.index_cast %scan3A_79 : i32 to index
      %get3A_178 = arith.constant 112 : index
      %get3A_179 = tpu.vector_load %arg7[%get3A_177, %get3A_178] {strides = array<i32>} : memref<128x128xf32, #tpu.memory_space<vmem>>, vector<1x16xf32>,
      %get3A_180 = vector.shape_cast %get3A_179 : vector<1x16xf32> to vector<16xf32>
      %get3A_181 = arith.index_cast %scan3A_79 : i32 to index
      %get3A_182 = arith.constant 112 : index
      %get3A_183 = tpu.vector_load %arg8[%get3A_181, %get3A_182] {strides = array<i32>} : memref<128x128xf32, #tpu.memory_space<vmem>>, vector<1x16xf32>,
      %get3A_184 = vector.shape_cast %get3A_183 : vector<1x16xf32> to vector<16xf32>
      %add3A_185 = arith.addf %get3A_180, %get3A_184 : vector<16xf32>
      %swap3A_186 = arith.index_cast %scan3A_79 : i32 to index
      %swap3A_187 = arith.constant 112 : index
      %swap3A_188 = tpu.vector_load %arg7[%swap3A_186, %swap3A_187] {strides = array<i32>} : memref<128x128xf32, #tpu.memory_space<vmem>>, vector<1x16xf32>,
      %swap3A_189 = vector.shape_cast %swap3A_188 : vector<1x16xf32> to vector<16xf32>
      %swap3A_190 = vector.shape_cast %add3A_185 : vector<16xf32> to vector<1x16xf32>
      tpu.vector_store %arg7[%swap3A_186, %swap3A_187], %swap3A_190 {strides = array<i32>} : memref<128x128xf32, #tpu.memory_space<vmem>>, vector<1x16xf32>,
      %scan3A_191 = arith.constant 0 : i32
      scf.yield %scan3A_191 : i32
    }
    %scan3A_41 = arith.constant 128 : i32
    %run_scoped3A = arith.constant 0 : i32
    "tpu.region"() ({
      %run_scoped3A_79 = tpu.sem_alloc : memref<!tpu.dma_semaphore, #tpu.memory_space<semaphore_mem>>
      %dma_start3A_80 = arith.constant 0 : i32
      %dma_start3A_81 = tpu.memref_slice %arg10[%run_scoped3A, %dma_start3A_80] : memref<2x128xi32, #tpu.memory_space<vmem>> -> memref<1x128xi32, #tpu.memory_space<vmem>>
      %dma_start3A_82 = tpu.memref_squeeze %dma_start3A_81 : memref<1x128xi32, #tpu.memory_space<vmem>> -> memref<128xi32, #tpu.memory_space<vmem>>
      %dma_start3A_83 = arith.constant 0 : i32
      %dma_start3A_84 = arith.constant 0 : i32
      %dma_start3A_85 = tpu.memref_slice %arg11[%dma_start3A_83, %dma_start3A_84] : memref<2048x128xf32, #tpu.memory_space<vmem_shared>> -> memref<2048x128xf32, #tpu.memory_space<vmem_shared>>
      tpu.enqueue_indirect_dma source(%arg7 : memref<128x128xf32, #tpu.memory_space<vmem>>) target(%dma_start3A_85 : memref<2048x128xf32, #tpu.memory_space<vmem_shared>>) offsets(%dma_start3A_82 : memref<128xi32, #tpu.memory_space<vmem>>) semaphore(%run_scoped3A_79 : memref<!tpu.dma_semaphore, #tpu.memory_space<semaphore_mem>>) {add = true}
      %dma_wait3A_86 = arith.constant 0 : i32
      %dma_wait3A_87 = tpu.memref_slice %arg10[%run_scoped3A, %dma_wait3A_86] : memref<2x128xi32, #tpu.memory_space<vmem>> -> memref<1x128xi32, #tpu.memory_space<vmem>>
      %dma_wait3A_88 = tpu.memref_squeeze %dma_wait3A_87 : memref<1x128xi32, #tpu.memory_space<vmem>> -> memref<128xi32, #tpu.memory_space<vmem>>
      %dma_wait3A_89 = arith.constant 0 : i32
      %dma_wait3A_90 = arith.constant 0 : i32
      %dma_wait3A_91 = tpu.memref_slice %arg11[%dma_wait3A_89, %dma_wait3A_90] : memref<2048x128xf32, #tpu.memory_space<vmem_shared>> -> memref<2048x128xf32, #tpu.memory_space<vmem_shared>>
      tpu.wait_indirect_dma semaphore(%run_scoped3A_79 : memref<!tpu.dma_semaphore, #tpu.memory_space<semaphore_mem>>) src(%arg7 : memref<128x128xf32, #tpu.memory_space<vmem>>) dst(%dma_wait3A_91 : memref<2048x128xf32, #tpu.memory_space<vmem_shared>>)
      tpu.yield
    }) : () -> ()
    %dma_start3A_42 = arith.constant 1 : i32
    %dma_start3A_43 = arith.constant 0 : i32
    %dma_start3A_44 = tpu.memref_slice %arg9[%dma_start3A_42, %dma_start3A_43] : memref<2x128xi32, #tpu.memory_space<vmem>> -> memref<1x128xi32, #tpu.memory_space<vmem>>
    %dma_start3A_45 = tpu.memref_squeeze %dma_start3A_44 : memref<1x128xi32, #tpu.memory_space<vmem>> -> memref<128xi32, #tpu.memory_space<vmem>>
    %dma_start3A_46 = arith.constant 0 : i32
    %dma_start3A_47 = arith.constant 0 : i32
    %dma_start3A_48 = tpu.memref_slice %arg2[%dma_start3A_46, %dma_start3A_47] : memref<2048x128xf32, #tpu.memory_space<hbm>> -> memref<2048x128xf32, #tpu.memory_space<hbm>>
    tpu.enqueue_indirect_dma source(%dma_start3A_48 : memref<2048x128xf32, #tpu.memory_space<hbm>>) target(%arg7 : memref<128x128xf32, #tpu.memory_space<vmem>>) offsets(%dma_start3A_45 : memref<128xi32, #tpu.memory_space<vmem>>) semaphore(%arg12 : memref<!tpu.dma_semaphore, #tpu.memory_space<semaphore_mem>>)
    %dma_start3A_49 = arith.constant 1 : i32
    %dma_start3A_50 = arith.constant 0 : i32
    %dma_start3A_51 = tpu.memref_slice %arg9[%dma_start3A_49, %dma_start3A_50] : memref<2x128xi32, #tpu.memory_space<vmem>> -> memref<1x128xi32, #tpu.memory_space<vmem>>
    %dma_start3A_52 = tpu.memref_squeeze %dma_start3A_51 : memref<1x128xi32, #tpu.memory_space<vmem>> -> memref<128xi32, #tpu.memory_space<vmem>>
    %dma_start3A_53 = arith.constant 0 : i32
    %dma_start3A_54 = arith.constant 0 : i32
    %dma_start3A_55 = tpu.memref_slice %arg3[%dma_start3A_53, %dma_start3A_54] : memref<2048x128xf32, #tpu.memory_space<hbm>> -> memref<2048x128xf32, #tpu.memory_space<hbm>>
    tpu.enqueue_indirect_dma source(%dma_start3A_55 : memref<2048x128xf32, #tpu.memory_space<hbm>>) target(%arg8 : memref<128x128xf32, #tpu.memory_space<vmem>>) offsets(%dma_start3A_52 : memref<128xi32, #tpu.memory_space<vmem>>) semaphore(%arg12 : memref<!tpu.dma_semaphore, #tpu.memory_space<semaphore_mem>>)
    %dma_wait3A_56 = arith.constant 1 : i32
    %dma_wait3A_57 = arith.constant 0 : i32
    %dma_wait3A_58 = tpu.memref_slice %arg9[%dma_wait3A_56, %dma_wait3A_57] : memref<2x128xi32, #tpu.memory_space<vmem>> -> memref<1x128xi32, #tpu.memory_space<vmem>>
    %dma_wait3A_59 = tpu.memref_squeeze %dma_wait3A_58 : memref<1x128xi32, #tpu.memory_space<vmem>> -> memref<128xi32, #tpu.memory_space<vmem>>
    %dma_wait3A_60 = arith.constant 0 : i32
    %dma_wait3A_61 = arith.constant 0 : i32
    %dma_wait3A_62 = tpu.memref_slice %arg2[%dma_wait3A_60, %dma_wait3A_61] : memref<2048x128xf32, #tpu.memory_space<hbm>> -> memref<2048x128xf32, #tpu.memory_space<hbm>>
    tpu.wait_indirect_dma semaphore(%arg12 : memref<!tpu.dma_semaphore, #tpu.memory_space<semaphore_mem>>) src(%dma_wait3A_62 : memref<2048x128xf32, #tpu.memory_space<hbm>>) dst(%arg7 : memref<128x128xf32, #tpu.memory_space<vmem>>)
    %dma_wait3A_63 = arith.constant 1 : i32
    %dma_wait3A_64 = arith.constant 0 : i32
    %dma_wait3A_65 = tpu.memref_slice %arg9[%dma_wait3A_63, %dma_wait3A_64] : memref<2x128xi32, #tpu.memory_space<vmem>> -> memref<1x128xi32, #tpu.memory_space<vmem>>
    %dma_wait3A_66 = tpu.memref_squeeze %dma_wait3A_65 : memref<1x128xi32, #tpu.memory_space<vmem>> -> memref<128xi32, #tpu.memory_space<vmem>>
    %dma_wait3A_67 = arith.constant 0 : i32
    %dma_wait3A_68 = arith.constant 0 : i32
    %dma_wait3A_69 = tpu.memref_slice %arg3[%dma_wait3A_67, %dma_wait3A_68] : memref<2048x128xf32, #tpu.memory_space<hbm>> -> memref<2048x128xf32, #tpu.memory_space<hbm>>
    tpu.wait_indirect_dma semaphore(%arg12 : memref<!tpu.dma_semaphore, #tpu.memory_space<semaphore_mem>>) src(%dma_wait3A_69 : memref<2048x128xf32, #tpu.memory_space<hbm>>) dst(%arg8 : memref<128x128xf32, #tpu.memory_space<vmem>>)
    %scan3A_70 = arith.constant 0 : i32
    %scan3A_71 = arith.constant 0 : i32
    %scan3A_72 = arith.constant 128 : i32
    %scan3A_73 = arith.addi %scan3A_71, %scan3A_72 : i32
    %scan3A_74 = arith.constant 1 : i32
    %scan3A_75 = scf.for %scan3A_79 = %scan3A_71 to %scan3A_73 step %scan3A_74 iter_args(%scan3A_80 = %scan3A_70) -> (i32)  : i32 {
      %get3A = arith.index_cast %scan3A_79 : i32 to index
      %get3A_81 = arith.constant 0 : index
      %get3A_82 = tpu.vector_load %arg7[%get3A, %get3A_81] {strides = array<i32>} : memref<128x128xf32, #tpu.memory_space<vmem>>, vector<1x16xf32>,
      %get3A_83 = vector.shape_cast %get3A_82 : vector<1x16xf32> to vector<16xf32>
      %get3A_84 = arith.index_cast %scan3A_79 : i32 to index
      %get3A_85 = arith.constant 0 : index
      %get3A_86 = tpu.vector_load %arg8[%get3A_84, %get3A_85] {strides = array<i32>} : memref<128x128xf32, #tpu.memory_space<vmem>>, vector<1x16xf32>,
      %get3A_87 = vector.shape_cast %get3A_86 : vector<1x16xf32> to vector<16xf32>
      %add3A_88 = arith.addf %get3A_83, %get3A_87 : vector<16xf32>
      %swap3A = arith.index_cast %scan3A_79 : i32 to index
      %swap3A_89 = arith.constant 0 : index
      %swap3A_90 = tpu.vector_load %arg7[%swap3A, %swap3A_89] {strides = array<i32>} : memref<128x128xf32, #tpu.memory_space<vmem>>, vector<1x16xf32>,
      %swap3A_91 = vector.shape_cast %swap3A_90 : vector<1x16xf32> to vector<16xf32>
      %swap3A_92 = vector.shape_cast %add3A_88 : vector<16xf32> to vector<1x16xf32>
      tpu.vector_store %arg7[%swap3A, %swap3A_89], %swap3A_92 {strides = array<i32>} : memref<128x128xf32, #tpu.memory_space<vmem>>, vector<1x16xf32>,
      %get3A_93 = arith.index_cast %scan3A_79 : i32 to index
      %get3A_94 = arith.constant 16 : index
      %get3A_95 = tpu.vector_load %arg7[%get3A_93, %get3A_94] {strides = array<i32>} : memref<128x128xf32, #tpu.memory_space<vmem>>, vector<1x16xf32>,
      %get3A_96 = vector.shape_cast %get3A_95 : vector<1x16xf32> to vector<16xf32>
      %get3A_97 = arith.index_cast %scan3A_79 : i32 to index
      %get3A_98 = arith.constant 16 : index
      %get3A_99 = tpu.vector_load %arg8[%get3A_97, %get3A_98] {strides = array<i32>} : memref<128x128xf32, #tpu.memory_space<vmem>>, vector<1x16xf32>,
      %get3A_100 = vector.shape_cast %get3A_99 : vector<1x16xf32> to vector<16xf32>
      %add3A_101 = arith.addf %get3A_96, %get3A_100 : vector<16xf32>
      %swap3A_102 = arith.index_cast %scan3A_79 : i32 to index
      %swap3A_103 = arith.constant 16 : index
      %swap3A_104 = tpu.vector_load %arg7[%swap3A_102, %swap3A_103] {strides = array<i32>} : memref<128x128xf32, #tpu.memory_space<vmem>>, vector<1x16xf32>,
      %swap3A_105 = vector.shape_cast %swap3A_104 : vector<1x16xf32> to vector<16xf32>
      %swap3A_106 = vector.shape_cast %add3A_101 : vector<16xf32> to vector<1x16xf32>
      tpu.vector_store %arg7[%swap3A_102, %swap3A_103], %swap3A_106 {strides = array<i32>} : memref<128x128xf32, #tpu.memory_space<vmem>>, vector<1x16xf32>,
      %get3A_107 = arith.index_cast %scan3A_79 : i32 to index
      %get3A_108 = arith.constant 32 : index
      %get3A_109 = tpu.vector_load %arg7[%get3A_107, %get3A_108] {strides = array<i32>} : memref<128x128xf32, #tpu.memory_space<vmem>>, vector<1x16xf32>,
      %get3A_110 = vector.shape_cast %get3A_109 : vector<1x16xf32> to vector<16xf32>
      %get3A_111 = arith.index_cast %scan3A_79 : i32 to index
      %get3A_112 = arith.constant 32 : index
      %get3A_113 = tpu.vector_load %arg8[%get3A_111, %get3A_112] {strides = array<i32>} : memref<128x128xf32, #tpu.memory_space<vmem>>, vector<1x16xf32>,
      %get3A_114 = vector.shape_cast %get3A_113 : vector<1x16xf32> to vector<16xf32>
      %add3A_115 = arith.addf %get3A_110, %get3A_114 : vector<16xf32>
      %swap3A_116 = arith.index_cast %scan3A_79 : i32 to index
      %swap3A_117 = arith.constant 32 : index
      %swap3A_118 = tpu.vector_load %arg7[%swap3A_116, %swap3A_117] {strides = array<i32>} : memref<128x128xf32, #tpu.memory_space<vmem>>, vector<1x16xf32>,
      %swap3A_119 = vector.shape_cast %swap3A_118 : vector<1x16xf32> to vector<16xf32>
      %swap3A_120 = vector.shape_cast %add3A_115 : vector<16xf32> to vector<1x16xf32>
      tpu.vector_store %arg7[%swap3A_116, %swap3A_117], %swap3A_120 {strides = array<i32>} : memref<128x128xf32, #tpu.memory_space<vmem>>, vector<1x16xf32>,
      %get3A_121 = arith.index_cast %scan3A_79 : i32 to index
      %get3A_122 = arith.constant 48 : index
      %get3A_123 = tpu.vector_load %arg7[%get3A_121, %get3A_122] {strides = array<i32>} : memref<128x128xf32, #tpu.memory_space<vmem>>, vector<1x16xf32>,
      %get3A_124 = vector.shape_cast %get3A_123 : vector<1x16xf32> to vector<16xf32>
      %get3A_125 = arith.index_cast %scan3A_79 : i32 to index
      %get3A_126 = arith.constant 48 : index
      %get3A_127 = tpu.vector_load %arg8[%get3A_125, %get3A_126] {strides = array<i32>} : memref<128x128xf32, #tpu.memory_space<vmem>>, vector<1x16xf32>,
      %get3A_128 = vector.shape_cast %get3A_127 : vector<1x16xf32> to vector<16xf32>
      %add3A_129 = arith.addf %get3A_124, %get3A_128 : vector<16xf32>
      %swap3A_130 = arith.index_cast %scan3A_79 : i32 to index
      %swap3A_131 = arith.constant 48 : index
      %swap3A_132 = tpu.vector_load %arg7[%swap3A_130, %swap3A_131] {strides = array<i32>} : memref<128x128xf32, #tpu.memory_space<vmem>>, vector<1x16xf32>,
      %swap3A_133 = vector.shape_cast %swap3A_132 : vector<1x16xf32> to vector<16xf32>
      %swap3A_134 = vector.shape_cast %add3A_129 : vector<16xf32> to vector<1x16xf32>
      tpu.vector_store %arg7[%swap3A_130, %swap3A_131], %swap3A_134 {strides = array<i32>} : memref<128x128xf32, #tpu.memory_space<vmem>>, vector<1x16xf32>,
      %get3A_135 = arith.index_cast %scan3A_79 : i32 to index
      %get3A_136 = arith.constant 64 : index
      %get3A_137 = tpu.vector_load %arg7[%get3A_135, %get3A_136] {strides = array<i32>} : memref<128x128xf32, #tpu.memory_space<vmem>>, vector<1x16xf32>,
      %get3A_138 = vector.shape_cast %get3A_137 : vector<1x16xf32> to vector<16xf32>
      %get3A_139 = arith.index_cast %scan3A_79 : i32 to index
      %get3A_140 = arith.constant 64 : index
      %get3A_141 = tpu.vector_load %arg8[%get3A_139, %get3A_140] {strides = array<i32>} : memref<128x128xf32, #tpu.memory_space<vmem>>, vector<1x16xf32>,
      %get3A_142 = vector.shape_cast %get3A_141 : vector<1x16xf32> to vector<16xf32>
      %add3A_143 = arith.addf %get3A_138, %get3A_142 : vector<16xf32>
      %swap3A_144 = arith.index_cast %scan3A_79 : i32 to index
      %swap3A_145 = arith.constant 64 : index
      %swap3A_146 = tpu.vector_load %arg7[%swap3A_144, %swap3A_145] {strides = array<i32>} : memref<128x128xf32, #tpu.memory_space<vmem>>, vector<1x16xf32>,
      %swap3A_147 = vector.shape_cast %swap3A_146 : vector<1x16xf32> to vector<16xf32>
      %swap3A_148 = vector.shape_cast %add3A_143 : vector<16xf32> to vector<1x16xf32>
      tpu.vector_store %arg7[%swap3A_144, %swap3A_145], %swap3A_148 {strides = array<i32>} : memref<128x128xf32, #tpu.memory_space<vmem>>, vector<1x16xf32>,
      %get3A_149 = arith.index_cast %scan3A_79 : i32 to index
      %get3A_150 = arith.constant 80 : index
      %get3A_151 = tpu.vector_load %arg7[%get3A_149, %get3A_150] {strides = array<i32>} : memref<128x128xf32, #tpu.memory_space<vmem>>, vector<1x16xf32>,
      %get3A_152 = vector.shape_cast %get3A_151 : vector<1x16xf32> to vector<16xf32>
      %get3A_153 = arith.index_cast %scan3A_79 : i32 to index
      %get3A_154 = arith.constant 80 : index
      %get3A_155 = tpu.vector_load %arg8[%get3A_153, %get3A_154] {strides = array<i32>} : memref<128x128xf32, #tpu.memory_space<vmem>>, vector<1x16xf32>,
      %get3A_156 = vector.shape_cast %get3A_155 : vector<1x16xf32> to vector<16xf32>
      %add3A_157 = arith.addf %get3A_152, %get3A_156 : vector<16xf32>
      %swap3A_158 = arith.index_cast %scan3A_79 : i32 to index
      %swap3A_159 = arith.constant 80 : index
      %swap3A_160 = tpu.vector_load %arg7[%swap3A_158, %swap3A_159] {strides = array<i32>} : memref<128x128xf32, #tpu.memory_space<vmem>>, vector<1x16xf32>,
      %swap3A_161 = vector.shape_cast %swap3A_160 : vector<1x16xf32> to vector<16xf32>
      %swap3A_162 = vector.shape_cast %add3A_157 : vector<16xf32> to vector<1x16xf32>
      tpu.vector_store %arg7[%swap3A_158, %swap3A_159], %swap3A_162 {strides = array<i32>} : memref<128x128xf32, #tpu.memory_space<vmem>>, vector<1x16xf32>,
      %get3A_163 = arith.index_cast %scan3A_79 : i32 to index
      %get3A_164 = arith.constant 96 : index
      %get3A_165 = tpu.vector_load %arg7[%get3A_163, %get3A_164] {strides = array<i32>} : memref<128x128xf32, #tpu.memory_space<vmem>>, vector<1x16xf32>,
      %get3A_166 = vector.shape_cast %get3A_165 : vector<1x16xf32> to vector<16xf32>
      %get3A_167 = arith.index_cast %scan3A_79 : i32 to index
      %get3A_168 = arith.constant 96 : index
      %get3A_169 = tpu.vector_load %arg8[%get3A_167, %get3A_168] {strides = array<i32>} : memref<128x128xf32, #tpu.memory_space<vmem>>, vector<1x16xf32>,
      %get3A_170 = vector.shape_cast %get3A_169 : vector<1x16xf32> to vector<16xf32>
      %add3A_171 = arith.addf %get3A_166, %get3A_170 : vector<16xf32>
      %swap3A_172 = arith.index_cast %scan3A_79 : i32 to index
      %swap3A_173 = arith.constant 96 : index
      %swap3A_174 = tpu.vector_load %arg7[%swap3A_172, %swap3A_173] {strides = array<i32>} : memref<128x128xf32, #tpu.memory_space<vmem>>, vector<1x16xf32>,
      %swap3A_175 = vector.shape_cast %swap3A_174 : vector<1x16xf32> to vector<16xf32>
      %swap3A_176 = vector.shape_cast %add3A_171 : vector<16xf32> to vector<1x16xf32>
      tpu.vector_store %arg7[%swap3A_172, %swap3A_173], %swap3A_176 {strides = array<i32>} : memref<128x128xf32, #tpu.memory_space<vmem>>, vector<1x16xf32>,
      %get3A_177 = arith.index_cast %scan3A_79 : i32 to index
      %get3A_178 = arith.constant 112 : index
      %get3A_179 = tpu.vector_load %arg7[%get3A_177, %get3A_178] {strides = array<i32>} : memref<128x128xf32, #tpu.memory_space<vmem>>, vector<1x16xf32>,
      %get3A_180 = vector.shape_cast %get3A_179 : vector<1x16xf32> to vector<16xf32>
      %get3A_181 = arith.index_cast %scan3A_79 : i32 to index
      %get3A_182 = arith.constant 112 : index
      %get3A_183 = tpu.vector_load %arg8[%get3A_181, %get3A_182] {strides = array<i32>} : memref<128x128xf32, #tpu.memory_space<vmem>>, vector<1x16xf32>,
      %get3A_184 = vector.shape_cast %get3A_183 : vector<1x16xf32> to vector<16xf32>
      %add3A_185 = arith.addf %get3A_180, %get3A_184 : vector<16xf32>
      %swap3A_186 = arith.index_cast %scan3A_79 : i32 to index
      %swap3A_187 = arith.constant 112 : index
      %swap3A_188 = tpu.vector_load %arg7[%swap3A_186, %swap3A_187] {strides = array<i32>} : memref<128x128xf32, #tpu.memory_space<vmem>>, vector<1x16xf32>,
      %swap3A_189 = vector.shape_cast %swap3A_188 : vector<1x16xf32> to vector<16xf32>
      %swap3A_190 = vector.shape_cast %add3A_185 : vector<16xf32> to vector<1x16xf32>
      tpu.vector_store %arg7[%swap3A_186, %swap3A_187], %swap3A_190 {strides = array<i32>} : memref<128x128xf32, #tpu.memory_space<vmem>>, vector<1x16xf32>,
      %scan3A_191 = arith.constant 0 : i32
      scf.yield %scan3A_191 : i32
    }
    %scan3A_76 = arith.constant 128 : i32
    %run_scoped3A_77 = arith.constant 1 : i32
    "tpu.region"() ({
      %run_scoped3A_79 = tpu.sem_alloc : memref<!tpu.dma_semaphore, #tpu.memory_space<semaphore_mem>>
      %dma_start3A_80 = arith.constant 0 : i32
      %dma_start3A_81 = tpu.memref_slice %arg10[%run_scoped3A_77, %dma_start3A_80] : memref<2x128xi32, #tpu.memory_space<vmem>> -> memref<1x128xi32, #tpu.memory_space<vmem>>
      %dma_start3A_82 = tpu.memref_squeeze %dma_start3A_81 : memref<1x128xi32, #tpu.memory_space<vmem>> -> memref<128xi32, #tpu.memory_space<vmem>>
      %dma_start3A_83 = arith.constant 0 : i32
      %dma_start3A_84 = arith.constant 0 : i32
      %dma_start3A_85 = tpu.memref_slice %arg11[%dma_start3A_83, %dma_start3A_84] : memref<2048x128xf32, #tpu.memory_space<vmem_shared>> -> memref<2048x128xf32, #tpu.memory_space<vmem_shared>>
      tpu.enqueue_indirect_dma source(%arg7 : memref<128x128xf32, #tpu.memory_space<vmem>>) target(%dma_start3A_85 : memref<2048x128xf32, #tpu.memory_space<vmem_shared>>) offsets(%dma_start3A_82 : memref<128xi32, #tpu.memory_space<vmem>>) semaphore(%run_scoped3A_79 : memref<!tpu.dma_semaphore, #tpu.memory_space<semaphore_mem>>) {add = true}
      %dma_wait3A_86 = arith.constant 0 : i32
      %dma_wait3A_87 = tpu.memref_slice %arg10[%run_scoped3A_77, %dma_wait3A_86] : memref<2x128xi32, #tpu.memory_space<vmem>> -> memref<1x128xi32, #tpu.memory_space<vmem>>
      %dma_wait3A_88 = tpu.memref_squeeze %dma_wait3A_87 : memref<1x128xi32, #tpu.memory_space<vmem>> -> memref<128xi32, #tpu.memory_space<vmem>>
      %dma_wait3A_89 = arith.constant 0 : i32
      %dma_wait3A_90 = arith.constant 0 : i32
      %dma_wait3A_91 = tpu.memref_slice %arg11[%dma_wait3A_89, %dma_wait3A_90] : memref<2048x128xf32, #tpu.memory_space<vmem_shared>> -> memref<2048x128xf32, #tpu.memory_space<vmem_shared>>
      tpu.wait_indirect_dma semaphore(%run_scoped3A_79 : memref<!tpu.dma_semaphore, #tpu.memory_space<semaphore_mem>>) src(%arg7 : memref<128x128xf32, #tpu.memory_space<vmem>>) dst(%dma_wait3A_91 : memref<2048x128xf32, #tpu.memory_space<vmem_shared>>)
      tpu.yield
    }) : () -> ()
    %barrier3A_78 = arith.constant 0 : index
    tpu.barrier barrier_id(%barrier3A_78)
    "tpu.region"() ({
      %run_scoped3A_79 = tpu.sem_alloc : memref<!tpu.dma_semaphore, #tpu.memory_space<semaphore_mem>>
      %dma_start3A_80 = arith.constant 0 : i32
      %dma_start3A_81 = tpu.memref_slice %arg6[%arg0, %mul3A_2, %dma_start3A_80] : memref<2x2048x128xf32, #tpu.memory_space<hbm>> -> memref<1x128x128xf32, #tpu.memory_space<hbm>>
      %dma_start3A_82 = tpu.memref_squeeze %dma_start3A_81 : memref<1x128x128xf32, #tpu.memory_space<hbm>> -> memref<128x128xf32, #tpu.memory_space<hbm>>
      %dma_start3A_83 = arith.constant 0 : i32
      %dma_start3A_84 = tpu.memref_slice %arg11[%mul3A_2, %dma_start3A_83] : memref<2048x128xf32, #tpu.memory_space<vmem_shared>> -> memref<128x128xf32, #tpu.memory_space<vmem_shared>>
      tpu.enqueue_dma source(%dma_start3A_84 : memref<128x128xf32, #tpu.memory_space<vmem_shared>>) target(%dma_start3A_82 : memref<128x128xf32, #tpu.memory_space<hbm>>) target_semaphore(%run_scoped3A_79 : memref<!tpu.dma_semaphore, #tpu.memory_space<semaphore_mem>>)
      %dma_wait3A_85 = arith.constant 0 : i32
      %dma_wait3A_86 = tpu.memref_slice %arg6[%arg0, %mul3A_2, %dma_wait3A_85] : memref<2x2048x128xf32, #tpu.memory_space<hbm>> -> memref<1x128x128xf32, #tpu.memory_space<hbm>>
      %dma_wait3A_87 = tpu.memref_squeeze %dma_wait3A_86 : memref<1x128x128xf32, #tpu.memory_space<hbm>> -> memref<128x128xf32, #tpu.memory_space<hbm>>
      %dma_wait3A_88 = arith.constant 0 : i32
      %dma_wait3A_89 = tpu.memref_slice %arg11[%mul3A_2, %dma_wait3A_88] : memref<2048x128xf32, #tpu.memory_space<vmem_shared>> -> memref<128x128xf32, #tpu.memory_space<vmem_shared>>
      tpu.wait_dma2 semaphore(%run_scoped3A_79 : memref<!tpu.dma_semaphore, #tpu.memory_space<semaphore_mem>>) src(%dma_wait3A_89 : memref<128x128xf32, #tpu.memory_space<vmem_shared>>) dst(%dma_wait3A_87 : memref<128x128xf32, #tpu.memory_space<hbm>>)
      tpu.yield
    }) : () -> ()
    return
  }
}

module attributes {stable_mosaic.version = 14 : i64} {
  func.func @_tc_embed_body(%arg0: memref<10240x128xf32, #tpu.memory_space<vmem>>, %arg1: memref<10240x1xf32, #tpu.memory_space<vmem>>, %arg2: memref<128x128xf32, #tpu.memory_space<vmem>>, %arg3: memref<1x128xf32, #tpu.memory_space<vmem>>, %arg4: memref<10240x128xf32, #tpu.memory_space<vmem>>, %arg5: memref<10240x128xf32, #tpu.memory_space<vmem>>) attributes {dimension_semantics = [], scalar_prefetch = 0 : i64, scratch_operands = 0 : i64, tpu.core_type = #tpu.core_type<tc>} {
    %get3A = arith.constant 0 : index
    %get3A_0 = arith.constant 0 : index
    %get3A_1 = vector.load %arg0[%get3A, %get3A_0] : memref<10240x128xf32, #tpu.memory_space<vmem>>, vector<10240x128xf32>
    %get3A_2 = arith.constant 0 : index
    %get3A_3 = arith.constant 0 : index
    %get3A_4 = vector.load %arg2[%get3A_2, %get3A_3] : memref<128x128xf32, #tpu.memory_space<vmem>>, vector<128x128xf32>
    %dot_general3A = arith.constant dense<0.000000e+00> : vector<10240x128xf32>
    %dot_general3A_5 = tpu.matmul %get3A_1, %get3A_4, %dot_general3A {dimension_numbers = #tpu.dot_dimension_numbers<[1], [0], [0], [1], [0, 0, 1, 1], [], []>, transpose_lhs_hint = false} : vector<10240x128xf32>, vector<128x128xf32>, vector<10240x128xf32> -> vector<10240x128xf32>
    %get3A_6 = arith.constant 0 : index
    %get3A_7 = arith.constant 0 : index
    %get3A_8 = vector.load %arg3[%get3A_6, %get3A_7] : memref<1x128xf32, #tpu.memory_space<vmem>>, vector<1x128xf32>
    %add3A = vector.broadcast %get3A_8 : vector<1x128xf32> to vector<10240x128xf32>
    %add3A_9 = arith.addf %dot_general3A_5, %add3A : vector<10240x128xf32>
    %get3A_10 = arith.constant 0 : index
    %get3A_11 = arith.constant 0 : index
    %get3A_12 = vector.load %arg1[%get3A_10, %get3A_11] : memref<10240x1xf32, #tpu.memory_space<vmem>>, vector<10240x1xf32>
    %mul3A = vector.broadcast %get3A_12 : vector<10240x1xf32> to vector<10240x128xf32>
    %mul3A_13 = arith.mulf %mul3A, %add3A_9 : vector<10240x128xf32>
    %swap3A = arith.constant 0 : index
    %swap3A_14 = arith.constant 0 : index
    %swap3A_15 = vector.load %arg4[%swap3A, %swap3A_14] : memref<10240x128xf32, #tpu.memory_space<vmem>>, vector<10240x128xf32>
    tpu.vector_store %arg4[%swap3A, %swap3A_14], %mul3A_13 {strides = array<i32>} : memref<10240x128xf32, #tpu.memory_space<vmem>>, vector<10240x128xf32>,
    %broadcast_in_dim3A = vector.shape_cast %get3A_12 : vector<10240x1xf32> to vector<10240x1xf32>
    %broadcast_in_dim3A_16 = vector.broadcast %broadcast_in_dim3A : vector<10240x1xf32> to vector<10240x128xf32>
    %swap3A_17 = arith.constant 0 : index
    %swap3A_18 = arith.constant 0 : index
    %swap3A_19 = vector.load %arg5[%swap3A_17, %swap3A_18] : memref<10240x128xf32, #tpu.memory_space<vmem>>, vector<10240x128xf32>
    tpu.vector_store %arg5[%swap3A_17, %swap3A_18], %broadcast_in_dim3A_16 {strides = array<i32>} : memref<10240x128xf32, #tpu.memory_space<vmem>>, vector<10240x128xf32>,
    return
  }
}

module attributes {stable_mosaic.version = 14 : i64} {
  func.func @_tc_mlp_body(%arg0: memref<2x2048x128xf32, #tpu.memory_space<vmem>>, %arg1: memref<128x256xf32, #tpu.memory_space<vmem>>, %arg2: memref<1x256xf32, #tpu.memory_space<vmem>>, %arg3: memref<256x128xf32, #tpu.memory_space<vmem>>, %arg4: memref<1x128xf32, #tpu.memory_space<vmem>>, %arg5: memref<2048x128xf32, #tpu.memory_space<vmem>>) attributes {dimension_semantics = [], scalar_prefetch = 0 : i64, scratch_operands = 0 : i64, tpu.core_type = #tpu.core_type<tc>} {
    %get3A = arith.constant 0 : index
    %get3A_0 = arith.constant 0 : index
    %get3A_1 = arith.constant 0 : index
    %get3A_2 = vector.load %arg0[%get3A, %get3A_0, %get3A_1] : memref<2x2048x128xf32, #tpu.memory_space<vmem>>, vector<1x2048x128xf32>
    %get3A_3 = vector.shape_cast %get3A_2 : vector<1x2048x128xf32> to vector<2048x128xf32>
    %get3A_4 = arith.constant 1 : index
    %get3A_5 = arith.constant 0 : index
    %get3A_6 = arith.constant 0 : index
    %get3A_7 = vector.load %arg0[%get3A_4, %get3A_5, %get3A_6] : memref<2x2048x128xf32, #tpu.memory_space<vmem>>, vector<1x2048x128xf32>
    %get3A_8 = vector.shape_cast %get3A_7 : vector<1x2048x128xf32> to vector<2048x128xf32>
    %add3A = arith.addf %get3A_3, %get3A_8 : vector<2048x128xf32>
    %get3A_9 = arith.constant 0 : index
    %get3A_10 = arith.constant 0 : index
    %get3A_11 = vector.load %arg1[%get3A_9, %get3A_10] : memref<128x256xf32, #tpu.memory_space<vmem>>, vector<128x256xf32>
    %dot_general3A = arith.constant dense<0.000000e+00> : vector<2048x256xf32>
    %dot_general3A_12 = tpu.matmul %add3A, %get3A_11, %dot_general3A {dimension_numbers = #tpu.dot_dimension_numbers<[1], [0], [0], [1], [0, 0, 1, 1], [], []>, transpose_lhs_hint = false} : vector<2048x128xf32>, vector<128x256xf32>, vector<2048x256xf32> -> vector<2048x256xf32>
    %get3A_13 = arith.constant 0 : index
    %get3A_14 = arith.constant 0 : index
    %get3A_15 = vector.load %arg2[%get3A_13, %get3A_14] : memref<1x256xf32, #tpu.memory_space<vmem>>, vector<1x256xf32>
    %add3A_16 = vector.broadcast %get3A_15 : vector<1x256xf32> to vector<2048x256xf32>
    %add3A_17 = arith.addf %dot_general3A_12, %add3A_16 : vector<2048x256xf32>
    %max3A = arith.constant 0.000000e+00 : f32
    %max3A_18 = vector.broadcast %max3A : f32 to vector<2048x256xf32>
    %max3A_19 = arith.maximumf %add3A_17, %max3A_18 : vector<2048x256xf32>
    %get3A_20 = arith.constant 0 : index
    %get3A_21 = arith.constant 0 : index
    %get3A_22 = vector.load %arg3[%get3A_20, %get3A_21] : memref<256x128xf32, #tpu.memory_space<vmem>>, vector<256x128xf32>
    %dot_general3A_23 = arith.constant dense<0.000000e+00> : vector<2048x128xf32>
    %dot_general3A_24 = tpu.matmul %max3A_19, %get3A_22, %dot_general3A_23 {dimension_numbers = #tpu.dot_dimension_numbers<[1], [0], [0], [1], [0, 0, 1, 1], [], []>, transpose_lhs_hint = false} : vector<2048x256xf32>, vector<256x128xf32>, vector<2048x128xf32> -> vector<2048x128xf32>
    %get3A_25 = arith.constant 0 : index
    %get3A_26 = arith.constant 0 : index
    %get3A_27 = vector.load %arg4[%get3A_25, %get3A_26] : memref<1x128xf32, #tpu.memory_space<vmem>>, vector<1x128xf32>
    %add3A_28 = vector.broadcast %get3A_27 : vector<1x128xf32> to vector<2048x128xf32>
    %add3A_29 = arith.addf %dot_general3A_24, %add3A_28 : vector<2048x128xf32>
    %swap3A = arith.constant 0 : index
    %swap3A_30 = arith.constant 0 : index
    %swap3A_31 = vector.load %arg5[%swap3A, %swap3A_30] : memref<2048x128xf32, #tpu.memory_space<vmem>>, vector<2048x128xf32>
    tpu.vector_store %arg5[%swap3A, %swap3A_30], %add3A_29 {strides = array<i32>} : memref<2048x128xf32, #tpu.memory_space<vmem>>, vector<2048x128xf32>,
    return
  }
}

</mosaic_0001>

<sc_bundles>
// kernel: kernel.10.cloned.1.call-start
scs
__scs_entry_jumppad:
0x0: {  	(pc) =	sbr.rel $0x88, $3  }
0x1: {  	(tag) =	ssettag $0x0;
	lr =	simm.s32 $0x1  }
0x2: {  	[smem:$0x3F97] =	sst lr;
	_ =	strace $0xD0000000  }
0x3: {  	_ = 	snop  }
0x4: {  	_ = 	snop  }
0x5: {  	_ = 	snop  }
0x6: {  	_ = 	snop  }
0x7: {  	_ = 	snop  }
__scs_overlays_trampoline_lowered:
0x8: {  	[smem:$0x3FA6] =	sst s0  }
0x9: {  	[smem:$0x3FA7] =	sst s1  }
0xa: {  	[smem:$0x3FA8] =	sst s2  }
0xb: {  	[smem:$0x3FA9] =	sst s3  }
0xc: {  	[smem:$0x3FAA] =	sst s4  }
0xd: {  	[smem:$0x3FAB] =	sst s5  }
0xe: {  	[smem:$0x3FAC] =	sst s6  }
0xf: {  	[smem:$0x3FAD] =	sst s7  }
0x10: {  	[smem:$0x3FAE] =	sst s8  }
0x11: {  	[smem:$0x3FAF] =	sst s9;
	s0 =	simm.s32 @!p0 $0x0  }
0x12: {  	s1 =	sld [smem:$0x3F95];
	s0 =	simm.s32 @p0 $0x1  }
0x13: {  	[smem:$0x3FB0] =	sst s0;
	s0 =	simm.s32 @!p1 $0x0  }
0x14: {  	s2 =	sld [smem:$0x3F94];
	s0 =	simm.s32 @p1 $0x1  }
0x15: {  	[smem:$0x3FB1] =	sst s0;
	s0 =	simm.s32 @!p2 $0x0  }
0x16: {  	s3 =	sld [smem:$0x3FDB];
	s0 =	simm.s32 @p2 $0x1  }
0x17: {  	s4 =	simm.s32 $0x1BF5;
	[smem:$0x3FB3] =	sst s0  }
0x18: {  	s0 =	sld [smem:$0x3F96];
	_ =	swait.ge [sflag:s4], $0x0  }
0x19: {  	s7 =	sld [smem:$0x3F97]  }
0x1a: {  	s8 =	sadd.s32 $0xFFFFE003, lr  }
0x1b: {  	s9 =	sadd.s32 $0xFFFFFEF7, lr;
	s5 =	simm.s32 $0xFFFFFFFF;
	p2 =	slt.u32 s8, $0xFFFFF086  }
0x1c: {  	p1 =	slt.u32 s9, $0xF7A;
	s5 =	simm.s32 @!p2 $0x0  }
0x1d: {  	s5 =	simm.s32 @p1 $0x1;
	p0 =	seq.s32 s7, s2  }
0x1e: {  	s7 =	smul.u32 @!p0 $0xF7A, s2;
	p2 =	seq.s32 @!p0 s5, $0x0  }
0x1f: {  	s9 =	smul.u32 $0xF7A, s1;
	s8 =	simm.s32 @!p0 $0x1BF5;
	p2 =	por !p2, p0  }
0x20: {  	[sflag:s8] =	ssyncset.s32 @!p0 $0xFFFFF086;
	s6 =	sadd.s32 @!p0 s3, s7;
	s7 =	simm.s32 @!p0 $0x108  }
0x21: {  	s3 =	sadd.s32 s3, s9;
	s6 =	sadd.s32 @!p0 $0x88, s6;
	s7 =	simm.s32 @p2 $0x1082  }
0x22: {  	[simem:s7], [sflag:s8] =	dma.local @!p0 [hbm:s6], $0xF7A  }
0x23: {  	s9 =	sor.u32 $0xD0000000, s2;
	s6 =	simm.s32 $0x108;
	_ =	swait.ge @!p0 [sflag:s8], $0x0  }
0x24: {  	s3 =	sadd.s32 $0x88, s3;
	s6 =	simm.s32 @!p1 $0x1082;
	[sflag:s4] =	ssyncset.s32 $0xFFFFF086  }
0x25: {  	[simem:s6], [sflag:s4] =	dma.local [hbm:s3], $0xF7A  }
0x26: {  	[smem:$0x3F97] =	sst s1;
	(tag) =	ssettag s2;
	_ =	strace s9  }
0x27: {  	s1 =	sld [smem:$0x3FA7]  }
0x28: {  	s2 =	sld [smem:$0x3FA8]  }
0x29: {  	s4 =	sld [smem:$0x3FAA]  }
0x2a: {  	p0 =	seq.s32 s5, $0x0;
	s5 =	sld [smem:$0x3FAB]  }
0x2b: {  	s6 =	sld [smem:$0x3FAC]  }
0x2c: {  	s7 =	sld [smem:$0x3FAD]  }
0x2d: {  	s3 =	simm.s32 $0x108;
	s8 =	sld [smem:$0x3FAE]  }
0x2e: {  	s3 =	simm.s32 @!p0 $0x1082;
	s9 =	sld [smem:$0x3FAF]  }
0x2f: {  	lr =	sadd.s32 s0, s3;
	s0 =	sld [smem:$0x3FA6]  }
0x30: {  	s3 =	sld [smem:$0x3FA9]  }
0x31: {  	[smem:$0x3FB2] =	sst s10  }
0x32: {  	s10 =	sld [smem:$0x3FB0];
	_ =	sdelay $0x3  }
0x33: {  	p0 =	seq.s32 s10, $0x1;
	s10 =	sld [smem:$0x3FB2];
	_ =	sdelay $0x3  }
0x34: {  	[smem:$0x3FB2] =	sst s10  }
0x35: {  	s10 =	sld [smem:$0x3FB1];
	_ =	sdelay $0x3  }
0x36: {  	p1 =	seq.s32 s10, $0x1;
	s10 =	sld [smem:$0x3FB2];
	_ =	sdelay $0x3  }
0x37: {  	[smem:$0x3FB2] =	sst s10  }
0x38: {  	s10 =	sld [smem:$0x3FB3]  }
0x39: {  	_ = 	snop;
	(pc) =	sbr.ind lr, $3  }
0x3a: {  	_ = 	snop  }
0x3b: {  	_ = 	snop  }
0x3c: {  	p2 =	seq.s32 s10, $0x1;
	s10 =	sld [smem:$0x3FB2]  }
0x3d: {  	_ =	shalt  }
0x3e: {  	_ =	shalt  }
0x3f: {  	_ =	shalt  }
0x40: {  	_ =	shalt  }
0x41: {  	_ =	shalt  }
0x42: {  	_ =	shalt  }
0x43: {  	_ =	shalt  }
0x44: {  	_ =	shalt  }
0x45: {  	_ =	shalt  }
0x46: {  	_ =	shalt  }
0x47: {  	_ =	shalt  }
0x48: {  	_ =	shalt  }
0x49: {  	_ =	shalt  }
0x4a: {  	_ =	shalt  }
0x4b: {  	_ =	shalt  }
0x4c: {  	_ =	shalt  }
0x4d: {  	_ =	shalt  }
0x4e: {  	_ =	shalt  }
0x4f: {  	_ =	shalt  }
0x50: {  	_ =	shalt  }
0x51: {  	_ =	shalt  }
0x52: {  	_ =	shalt  }
0x53: {  	_ =	shalt  }
0x54: {  	_ =	shalt  }
0x55: {  	_ =	shalt  }
0x56: {  	_ =	shalt  }
0x57: {  	_ =	shalt  }
0x58: {  	_ =	shalt  }
0x59: {  	_ =	shalt  }
0x5a: {  	_ =	shalt  }
0x5b: {  	_ =	shalt  }
0x5c: {  	_ =	shalt  }
0x5d: {  	_ =	shalt  }
0x5e: {  	_ =	shalt  }
0x5f: {  	_ =	shalt  }
0x60: {  	_ =	shalt  }
0x61: {  	_ =	shalt  }
0x62: {  	_ =	shalt  }
0x63: {  	_ =	shalt  }
0x64: {  	_ =	shalt  }
0x65: {  	_ =	shalt  }
0x66: {  	_ =	shalt  }
0x67: {  	_ =	shalt  }
0x68: {  	_ =	shalt  }
0x69: {  	_ =	shalt  }
0x6a: {  	_ =	shalt  }
0x6b: {  	_ =	shalt  }
0x6c: {  	_ =	shalt  }
0x6d: {  	_ =	shalt  }
0x6e: {  	_ =	shalt  }
0x6f: {  	_ =	shalt  }
0x70: {  	_ =	shalt  }
0x71: {  	_ =	shalt  }
0x72: {  	_ =	shalt  }
0x73: {  	_ =	shalt  }
0x74: {  	_ =	shalt  }
0x75: {  	_ =	shalt  }
0x76: {  	_ =	shalt  }
0x77: {  	_ =	shalt  }
0x78: {  	_ =	shalt  }
0x79: {  	_ =	shalt  }
0x7a: {  	_ =	shalt  }
0x7b: {  	_ =	shalt  }
0x7c: {  	_ =	shalt  }
0x7d: {  	_ =	shalt  }
0x7e: {  	_ =	shalt  }
0x7f: {  	_ =	shalt  }
0x80: {  	_ =	shalt  }
0x81: {  	_ =	shalt  }
0x82: {  	_ =	shalt  }
0x83: {  	_ =	shalt  }
0x84: {  	_ =	shalt  }
0x85: {  	_ =	shalt  }
0x86: {  	_ =	shalt  }
0x87: {  	_ =	shalt  }
.Lfunc_end0:
.L_simem_size_0:
called_computation.1_lowered:
.L_overlay_start_0:
0x88: {  	s2 =	sld [smem:$0x3FD9]  }
0x89: {  	s3 =	sld [smem:$0x3FFE];
	_ =	sdelay $0x1  }
0x8a: {  	s1 =	srdreg.scid  }
0x8b: {  	s0 =	sand.u32 $0x1, s1  }
0x8c: {  	s14 =	sshll.u32 s0, $0xA;
	s2 =	sadd.s32 s3, s2  }
0x8d: {  	s2 =	sadd.s32 s2, s14  }
0x8e: {  	[smem:$0x3FBE] =	sst s2  }
0x8f: {  	_ = 	snop  }
0x90: {  	s2 =	sld [smem:$0x3FD0];
	_ =	sdelay $0x2  }
0x91: {  	s15 =	simm.s32 $0xA;
	s4 =	simm.s32 $0x10  }
0x92: {  	[smem:s4], [sflag:s15] =	dma.local [hbm:s2], $0x1  }
0x93: {  	_ =	swait.eq [sflag:s15], $0x1  }
0x94: {  	[sflag:s15] =	ssyncset.done $0x0  }
0x95: {  	[sflag:s15] =	ssyncadd.s32 $0xFFFFFFFF  }
0x96: {  	s16 =	sld [smem:$0x10];
	(tm) =	ssettm $0x1  }
0x97: {  	s17 =	sld [smem:$0x3FFB];
	_ =	sdelay $0x3  }
0x98: {  	_ =	strace s17  }
0x99: {  	s3 =	sld [smem:$0x3FFC];
	_ =	sdelay $0x3  }
0x9a: {  	_ =	strace s3  }
0x9b: {  	s3 =	sld [smem:$0x3FFD];
	_ =	sdelay $0x3  }
0x9c: {  	_ =	strace s3  }
0x9d: {  	_ =	strace $0x8FFFFFFF  }
0x9e: {  	s18 =	sld [smem:$0x3FDB];
	_ =	sdelay $0x1  }
0x9f: {  	s19 =	simm.s32 $_scs_section_size  }
0xa0: {  	s5 =	simm.s32 $_size__tile_overlayer_lowered;
	s6 =	simm.s32 $_tile_overlayer_lowered  }
0xa1: {  	s22 =	simm.s32 $0x1BFF;
	s21 =	sshll.u32 s6, $0x1;
	s3 =	sadd.s32 s19, s18  }
0xa2: {  	s7 =	simm.s32 $0x0;
	s20 =	sshll.u32 s5, $0x1;
	s5 =	sadd.s32 s21, s3  }
0xa3: {  	[timem:s7], [sflag:s22] =	dma.local [hbm:s5], s20  }
0xa4: {  	_ =	swait.ge [sflag:s22], s20  }
0xa5: {  	s4 =	ssub.s32 $0x0, s20;
	[sflag:s22] =	ssyncset.done $0x0  }
0xa6: {  	[sflag:s22] =	ssyncadd.s32 s4;
	_ =	sdelay $0x1  }
0xa7: {  	s23 =	simm.s32 $0x1B8B  }
0xa8: {  	_ =	swait.ge [sflag:s23], $0x1  }
0xa9: {  	[sflag:s23] =	ssyncset.done $0x0  }
0xaa: {  	s25 =	simm.s32 $0x1B8E;
	s24 =	sld [smem:$0x3FFE];
	[sflag:s23] =	ssyncadd.s32 $0xFFFFFFFF  }
0xab: {  	s26 =	simm.s32 $execute0_lowered;
	[smem:$0x3FD2] =	sst s25  }
0xac: {  	s5 =	sshll.u32 s26, $0x1;
	_ =	strace $0x80000049;
	[dreg:$0x1] =	wrdreg $0xFFFFFFFF  }
0xad: {  	s28 =	simm.s32 $_size_execute0_lowered;
	s3 =	sadd.s32 s3, s5;
	[dreg:$0x0] =	wrdreg $0x0  }
0xae: {  	s5 =	sshll.u32 s28, $0x1;
	[dreg:$0x2] =	wrdreg s3  }
0xaf: {  	[dreg:$0x3] =	wrdreg s5  }
0xb0: {  	[dreg:$0x4] =	wrdreg $0xC0  }
0xb1: {  	_ =	task [dreg:s7], $0x5FFFF  }
0xb2: {  	[dreg:$0x1] =	wrdreg $0xFFFFFFFF  }
0xb3: {  	[dreg:$0x0] =	wrdreg $0x60  }
0xb4: {  	[dreg:$0x2] =	wrdreg s24  }
0xb5: {  	[dreg:$0x3] =	wrdreg s16  }
0xb6: {  	[dreg:$0x4] =	wrdreg $0x124000  }
0xb7: {  	[dreg:$0x5] =	wrdreg $0x9  }
0xb8: {  	_ =	task.clear_ibuf [dreg:s7], $0x6FFFF;
	_ =	strace $0x90000049  }
0xb9: {  	s29 =	simm.s32 $0x9;
	_ =	strace $0x8000004B  }
0xba: {  	_ =	swait.ge [sflag:s29], $0x1  }
0xbb: {  	[sflag:s29] =	ssyncadd.s32 $0xFFFFFFFF  }
0xbc: {  	_ =	strace $0x9000004B  }
0xbd: {  	_ =	sfence  }
0xbe: {  	s30 =	sld [smem:$0x0];
	_ =	sdelay $0x2  }
0xbf: {  	s31 =	sshll.u32 s1, $0xD;
	s1 =	sshrl.u32 s1, $0x2  }
0xc0: {  	s3 =	sand.u32 $0x4000, s31;
	s1 =	sadd.s32 s1, s30  }
0xc1: {  	s0 =	sor.u32 s3, s0;
	s1 =	sshll.u32 s1, $0x11  }
0xc2: {  	s0 =	sor.u32 s1, s0  }
0xc3: {  	s0 =	sadd.s32 $0x8F2B, s0  }
0xc4: {  	[sflag:s0] =	ssyncadd.remote.s32 $0x1  }
0xc5: {  	_ =	sfence.sel $0xFFFF  }
0xc6: {  	[dreg:$0x0] =	wrdreg $0xFFFFFFFF;
	(pc) =	sbr.abs _section_cstart, $3  }
0xc7: {  	[dreg:$0x1] =	wrdreg $0xFFFFFFFF  }
0xc8: {  	_ =	task.clear_ibuf [dreg:s7], $0x2FFFF;
	_ =	strace $0x9FFFFFFF  }
0xc9: {  	(tm) =	ssettm $0x7FFFFFFF  }
tec
execute0_lowered:
.L_overlay_start_1:
0x0: {  	(tag) =	ssettag $0x1  }
0x1: {  	s0 =	rddreg [dreg:$0x0]  }
0x2: {  	s6 =	rddreg [dreg:$0x1]  }
0x3: {  	s2 =	rddreg [dreg:$0x2]  }
0x4: {  	s3 =	simm.s32 $0x0;
	s19 =	stileid.u32;
	s1 =	srdreg.scid  }
0x5: {  	s28 =	simm.s32 $0x2;
	[smem:$0x7FF] =	sst s3;
	s7 =	smul.u32 $0xA00, s19  }
0x6: {  	s4 =	sadd.s32 $0x17000, s0;
	s8 =	sand.u32 $0x1, s1;
	s5 =	smul.u32 $0x28800, s19  }
0x7: {  	s9 =	sadd.s32 $0x3F000, s0;
	s10 =	sadd.s32 $0x16A00, s0;
	s13 =	smul.u32 $0x140, s19  }
0x8: {  	s14 =	sadd.s32 $0x67000, s0;
	s26 =	smul.u32 $0x28000, s19;
	s17 =	sshll.u32 s19, $0xB  }
0x9: {  	_ =	strace $0x8000004A;
	s1 =	smul.u32 $0x1400, s8;
	s12 =	ssub.s32 $0x2, s8  }
0xa: {  	p0 =	seq.s32 s8, $0x1;
	s8 =	simm.s32 $0x8F000;
	s11 =	sadd.s32 s7, s0  }
0xb: {  	s15 =	sshrl.u32 s12, $0x1;
	s5 =	sshrl.u32 s5, $0x2;
	s6 =	sadd.s32 s6, s7  }
0xc: {  	s8 =	simm.s32 @!p0 $0x2A00;
	s12 =	ssub.s32 s12, s15;
	s5 =	sadd.s32 s5, s2  }
0xd: {  	s13 =	sadd.s32 s13, s1;
	[dreg:$0x4] =	wrdreg s6;
	s11 =	sadd.s32 $0xCA00, s11  }
0xe: {  	s0 =	sadd.s32 s8, s0;
	s20 =	sshrl.u32 s13, $0x3;
	s7 =	sadd.s32 $0x40, s13  }
0xf: {  	[dreg:$0x5] =	wrdreg s11;
	s11 =	sadd.s32 $0xC0, s13;
	s0 =	sadd.s32 s0, s17  }
0x10: {  	s25 =	sshll.u32 s13, $0x4;
	s6 =	sadd.s32 s10, s20;
	[dreg:$0xc] =	wrdreg s0  }
0x11: {  	s21 =	sshrl.u32 s7, $0x3;
	s20 =	sadd.s32 s9, s25;
	[dreg:$0x6] =	wrdreg s6  }
0x12: {  	s16 =	sshrl.u32 s11, $0x3;
	s6 =	sadd.s32 s10, s21;
	[dreg:$0xd] =	wrdreg s20  }
0x13: {  	s18 =	sadd.s32 $0x100, s13;
	s23 =	sadd.s32 s10, s16;
	[dreg:$0x7] =	wrdreg s6  }
0x14: {  	s24 =	sshrl.u32 s18, $0x3;
	s16 =	sadd.s32 s4, s25;
	[dreg:$0x9] =	wrdreg s23  }
0x15: {  	s21 =	sshrl.u32 s26, $0x2;
	s6 =	sadd.s32 $0x80, s13;
	[dreg:$0xb] =	wrdreg s16  }
0x16: {  	s16 =	sadd.s32 s21, s2;
	s21 =	sadd.s32 $0x6000, s5;
	s22 =	sshrl.u32 s6, $0x3  }
0x17: {  	s17 =	sadd.s32 s14, s25;
	[dreg:$0x19] =	wrdreg s21;
	s15 =	sadd.s32 s10, s22  }
0x18: {  	s6 =	sshll.u32 s6, $0x4;
	s10 =	sadd.s32 s10, s24;
	[dreg:$0x8] =	wrdreg s15  }
0x19: {  	s22 =	sshll.u32 s7, $0x4;
	s25 =	sadd.s32 s4, s6;
	[dreg:$0xa] =	wrdreg s10  }
0x1a: {  	s24 =	sshll.u32 s11, $0x4;
	s26 =	sadd.s32 s9, s6;
	[dreg:$0x10] =	wrdreg s25  }
0x1b: {  	s11 =	sshll.u32 s18, $0x4;
	s18 =	sadd.s32 $0x2000, s5;
	[dreg:$0x11] =	wrdreg s26  }
0x1c: {  	s30 =	simm.s32 $0xC000;
	s7 =	sadd.s32 s4, s22;
	[dreg:$0x17] =	wrdreg s18  }
0x1d: {  	v0 =	vmov s1;
	s1 =	simm.s32 $0x10000;
	s23 =	sadd.s32 s9, s22;
	[dreg:$0xe] =	wrdreg s7  }
0x1e: {  	s21 =	simm.s32 $0x80;
	s8 =	sadd.s32 s4, s24;
	[dreg:$0xf] =	wrdreg s23  }
0x1f: {  	s20 =	sadd.s32 s14, s22;
	s10 =	sadd.s32 s9, s24;
	[dreg:$0x12] =	wrdreg s8  }
0x20: {  	s26 =	sadd.s32 s14, s24;
	s13 =	sadd.s32 s9, s11;
	[dreg:$0x13] =	wrdreg s10  }
0x21: {  	s29 =	sadd.s32 s14, s11;
	s0 =	sadd.s32 s4, s11;
	[dreg:$0x14] =	wrdreg s13  }
0x22: {  	s15 =	smax.u32 s12, $0x1;
	s22 =	sadd.s32 $0x8000, s5;
	[dreg:$0x15] =	wrdreg s0  }
0x23: {  	s24 =	sadd.s32 $0xA000, s5;
	s25 =	sadd.s32 $0x2000, s16;
	[dreg:$0x16] =	wrdreg s15  }
0x24: {  	s11 =	sadd.s32 $0x4000, s16;
	s12 =	sadd.s32 $0x6000, s16;
	[dreg:$0x1a] =	wrdreg s22  }
0x25: {  	s18 =	simm.s32 $0x6;
	s23 =	sadd.s32 s14, s6;
	[dreg:$0x1b] =	wrdreg s24  }
0x26: {  	s14 =	sshll.u32 s19, $0xE;
	s19 =	sadd.s32 $0x4000, s5;
	[dreg:$0x1c] =	wrdreg s25  }
0x27: {  	s13 =	sadd.s32 $0x8000, s16;
	s15 =	simm.s32 $0xA000;
	s22 =	simm.s32 $0xE000  }
0x28: {  	s24 =	simm.s32 $0x1;
	s25 =	simm.s32 $0x4;
	s0 =	simm.s32 $0x5  }
0x29: {  	s6 =	simm.s32 $0x40;
	s7 =	simm.s32 $0x0;
	s31 =	sadd.s32 s14, s2  }
0x2a: {  	v1 =	vimm.f32 $0.0e+00;
	[dreg:$0x18] =	wrdreg s19;
	s19 =	simm.s32 $0x3;
	s14 =	sadd.s32 $0x2000, s31  }
.LBB2_1:
0x2b: {  	s8 =	simm.s32 $0x0;
	s9 =	simm.s32 $0x200  }
.LBB2_2:
0x2c: {  	p0 =	sne.s32 s9, $0x7E00;
	[tilespmem:s8+$0xA070] =	vst v1  }
0x2d: {  	[tilespmem:s8+$0xA000] =	vst v1  }
0x2e: {  	[tilespmem:s8+$0xA010] =	vst v1  }
.Ltmp0:
0x2f: {  	[tilespmem:s8+$0xA020] =	vst v1;
	(pc) =	sbr.rel @p0 .LBB2_2-.Ltmp0, $4  }
0x30: {  	[tilespmem:s8+$0xA030] =	vst v1  }
0x31: {  	[tilespmem:s8+$0xA040] =	vst v1  }
0x32: {  	[tilespmem:s8+$0xA050] =	vst v1  }
0x33: {  	[tilespmem:s8+$0xA060] =	vst v1;
	s8 =	sshra.s32 s9, $0x2;
	s9 =	sadd.s32 $0x200, s9  }
0x34: {  	[tilespmem:s8+$0xA070] =	vst v1  }
0x35: {  	[tilespmem:s8+$0xA000] =	vst v1  }
0x36: {  	[tilespmem:s8+$0xA010] =	vst v1  }
0x37: {  	[tilespmem:s8+$0xA020] =	vst v1  }
0x38: {  	[tilespmem:s8+$0xA030] =	vst v1  }
0x39: {  	[tilespmem:s8+$0xA040] =	vst v1  }
0x3a: {  	[tilespmem:s8+$0xA050] =	vst v1  }
0x3b: {  	[tilespmem:s8+$0xA060] =	vst v1  }
0x3c: {  	[spmem:s5] =	stream.linear.scatter [tilespmem:s15], [sflag:$0x6], $0x2000, $0x38;
	[tilespmem:$0x1C600] =	vst v63  }
0x3d: {  	_ =	swait.ge [sflag:s18], $0x2000  }
0x3e: {  	[sflag:s18] =	ssyncset.done $0x0  }
0x3f: {  	s10 =	rddreg [dreg:$0x17];
	[sflag:s18] =	ssyncadd.s32 $0xFFFFE000  }
0x40: {  	[spmem:s10] =	stream.linear.scatter [tilespmem:s15], [sflag:$0x6], $0x2000, $0x38;
	[tilespmem:$0x1C600] =	vst v63  }
0x41: {  	_ =	swait.ge [sflag:s18], $0x2000  }
0x42: {  	[sflag:s18] =	ssyncset.done $0x0  }
0x43: {  	s9 =	rddreg [dreg:$0x18];
	[sflag:s18] =	ssyncadd.s32 $0xFFFFE000  }
0x44: {  	[spmem:s9] =	stream.linear.scatter [tilespmem:s15], [sflag:$0x6], $0x2000, $0x38;
	[tilespmem:$0x1C600] =	vst v63  }
0x45: {  	_ =	swait.ge [sflag:s18], $0x2000  }
0x46: {  	[sflag:s18] =	ssyncset.done $0x0  }
0x47: {  	s10 =	rddreg [dreg:$0x19];
	[sflag:s18] =	ssyncadd.s32 $0xFFFFE000  }
0x48: {  	[spmem:s10] =	stream.linear.scatter [tilespmem:s15], [sflag:$0x6], $0x2000, $0x38;
	[tilespmem:$0x1C600] =	vst v63  }
0x49: {  	_ =	swait.ge [sflag:s18], $0x2000  }
0x4a: {  	[sflag:s18] =	ssyncset.done $0x0  }
0x4b: {  	s9 =	rddreg [dreg:$0x1a];
	[sflag:s18] =	ssyncadd.s32 $0xFFFFE000  }
0x4c: {  	[spmem:s9] =	stream.linear.scatter [tilespmem:s15], [sflag:$0x6], $0x2000, $0x38;
	[tilespmem:$0x1C600] =	vst v63  }
0x4d: {  	_ =	swait.ge [sflag:s18], $0x2000  }
0x4e: {  	[sflag:s18] =	ssyncset.done $0x0  }
0x4f: {  	s10 =	rddreg [dreg:$0x1b];
	[sflag:s18] =	ssyncadd.s32 $0xFFFFE000  }
0x50: {  	[spmem:s10] =	stream.linear.scatter [tilespmem:s15], [sflag:$0x6], $0x200, $0x38;
	[tilespmem:$0x1C600] =	vst v63  }
0x51: {  	_ =	swait.ge [sflag:s18], $0x200  }
0x52: {  	[sflag:s18] =	ssyncset.done $0x0  }
0x53: {  	s8 =	simm.s32 $0x0;
	s9 =	rddreg [dreg:$0x4];
	[sflag:s18] =	ssyncadd.s32 $0xFFFFFE00  }
0x54: {  	[tilespmem:s8], [sflag:$0x6] =	stream.linear.gather [hbm4b:s9+s8], $0x5000, $0x38;
	[tilespmem:$0x1C600] =	vst v63  }
0x55: {  	_ =	swait.ge [sflag:s18], $0x5000  }
0x56: {  	[sflag:s18] =	ssyncset.done $0x0  }
0x57: {  	s10 =	simm.s32 $0x5000;
	s9 =	rddreg [dreg:$0x5];
	[sflag:s18] =	ssyncadd.s32 $0xFFFFB000  }
0x58: {  	[tilespmem:s10], [sflag:$0x6] =	stream.linear.gather [hbm4b:s9+s8], $0x5000, $0x38;
	[tilespmem:$0x1C600] =	vst v63  }
0x59: {  	_ =	swait.ge [sflag:s18], $0x5000  }
0x5a: {  	[sflag:s18] =	ssyncset.done $0x0  }
0x5b: {  	s10 =	simm.s32 $0x12000;
	s9 =	rddreg [dreg:$0x6];
	[sflag:s18] =	ssyncadd.s32 $0xFFFFB000  }
0x5c: {  	[tilespmem:s10], [sflag:$0x6] =	stream.linear.gather [hbm4b:s9+s8], $0x40, $0x38;
	[tilespmem:$0x1C600] =	vst v63  }
0x5d: {  	_ =	swait.ge [sflag:s18], $0x40  }
0x5e: {  	[sflag:s18] =	ssyncset.done $0x0  }
0x5f: {  	s10 =	simm.s32 $0x12080;
	s9 =	rddreg [dreg:$0x7];
	[sflag:s18] =	ssyncadd.s32 $0xFFFFFFC0  }
0x60: {  	[tilespmem:s10], [sflag:$0x6] =	stream.linear.gather [hbm4b:s9+s8], $0x40, $0x38;
	[tilespmem:$0x1C600] =	vst v63  }
0x61: {  	_ =	swait.ge [sflag:s18], $0x40  }
0x62: {  	[sflag:s18] =	ssyncset.done $0x0  }
0x63: {  	s10 =	simm.s32 $0x12100;
	s9 =	rddreg [dreg:$0x8];
	[sflag:s18] =	ssyncadd.s32 $0xFFFFFFC0  }
0x64: {  	[tilespmem:s10], [sflag:$0x6] =	stream.linear.gather [hbm4b:s9+s8], $0x40, $0x38;
	[tilespmem:$0x1C600] =	vst v63  }
0x65: {  	_ =	swait.ge [sflag:s18], $0x40  }
0x66: {  	[sflag:s18] =	ssyncset.done $0x0  }
0x67: {  	s10 =	simm.s32 $0x12180;
	s9 =	rddreg [dreg:$0x9];
	[sflag:s18] =	ssyncadd.s32 $0xFFFFFFC0  }
0x68: {  	[tilespmem:s10], [sflag:$0x6] =	stream.linear.gather [hbm4b:s9+s8], $0x40, $0x38;
	[tilespmem:$0x1C600] =	vst v63  }
0x69: {  	_ =	swait.ge [sflag:s18], $0x40  }
0x6a: {  	[sflag:s18] =	ssyncset.done $0x0  }
0x6b: {  	s10 =	simm.s32 $0x12200;
	s9 =	rddreg [dreg:$0xa];
	[sflag:s18] =	ssyncadd.s32 $0xFFFFFFC0  }
0x6c: {  	[tilespmem:s10], [sflag:$0x6] =	stream.linear.gather [hbm4b:s9+s8], $0x40, $0x38;
	[tilespmem:$0x1C600] =	vst v63  }
0x6d: {  	_ =	swait.ge [sflag:s18], $0x40  }
0x6e: {  	[sflag:s18] =	ssyncset.done $0x0  }
0x6f: {  	s8 =	simm.s32 $0x0;
	[sflag:s18] =	ssyncadd.s32 $0xFFFFFFC0  }
0x70: {  	v2 =	vld [tilespmem:s8+$0x5000]  }
0x71: {  	v3 =	vld [tilespmem:s8+$0x5010];
	_ =	sdelay $0x2  }
0x72: {  	v4 =	vld [tilespmem:s8+$0x5020]  }
0x73: {  	v9 =	vld [tilespmem:s8+$0x5030]  }
0x74: {  	v5 =	vsub.s32 v2, v0;
	v2 =	vand.u32 $0x3F, v2;
	v7 =	vsub.s32 v3, v0  }
0x75: {  	v6 =	vld [tilespmem:s8+$0x5040];
	v3 =	vand.u32 $0x3F, v3;
	vm0 =	vlt.u32 v5, $0x1400;
	v2 =	vor.u32 $0x1400, v2  }
0x76: {  	v5 =	vsel vm0, v5, v2;
	vm0 =	vlt.u32 v7, $0x1400;
	v2 =	vor.u32 $0x1400, v3  }
0x77: {  	v3 =	vsel vm0, v7, v2;
	v7 =	vsub.s32 v4, v0;
	v2 =	vand.u32 $0x3F, v4;
	v4 =	vld [tilespmem:s8+$0x5050]  }
0x78: {  	v8 =	vsub.s32 v9, v0;
	vm0 =	vlt.u32 v7, $0x1400;
	v10 =	vor.u32 $0x1400, v2;
	v2 =	vld [tilespmem:s8+$0x5060]  }
0x79: {  	s9 =	simm.s32 $0x200;
	v9 =	vand.u32 $0x3F, v9;
	v7 =	vsel vm0, v7, v10;
	vm0 =	vlt.u32 v8, $0x1400  }
.LBB2_4:
0x7a: {  	p0 =	sne.s32 s9, $0x13E00;
	v9 =	vor.u32 $0x1400, v9;
	v10 =	vsub.s32 v6, v0;
	v6 =	vand.u32 $0x3F, v6;
	v11 =	vld [tilespmem:s8+$0x5070]  }
0x7b: {  	s10 =	sshra.s32 s9, $0x2;
	[tilespmem:s8+$0x5000] =	vst v5;
	v5 =	vsel vm0, v8, v9;
	vm0 =	vlt.u32 v10, $0x1400;
	v6 =	vor.u32 $0x1400, v6  }
0x7c: {  	v8 =	vld [tilespmem:s10+$0x5000];
	[tilespmem:s8+$0x5010] =	vst v3;
	v3 =	vsel vm0, v10, v6;
	v6 =	vsub.s32 v4, v0;
	v4 =	vand.u32 $0x3F, v4  }
0x7d: {  	[tilespmem:s8+$0x5020] =	vst v7;
	vm0 =	vlt.u32 v6, $0x1400;
	v4 =	vor.u32 $0x1400, v4;
	v7 =	vsub.s32 v2, v0  }
0x7e: {  	v2 =	vand.u32 $0x3F, v2;
	v9 =	vld [tilespmem:s10+$0x5010];
	[tilespmem:s8+$0x5030] =	vst v5;
	v4 =	vsel vm0, v6, v4;
	vm0 =	vlt.u32 v7, $0x1400  }
0x7f: {  	v2 =	vor.u32 $0x1400, v2;
	[tilespmem:s8+$0x5040] =	vst v3;
	v3 =	vsub.s32 v11, v0;
	v5 =	vand.u32 $0x3F, v11  }
0x80: {  	v2 =	vsel vm0, v7, v2;
	v10 =	vld [tilespmem:s10+$0x5020];
	[tilespmem:s8+$0x5050] =	vst v4;
	vm0 =	vlt.u32 v3, $0x1400;
	v4 =	vor.u32 $0x1400, v5  }
0x81: {  	v5 =	vsub.s32 v8, v0;
	v11 =	vld [tilespmem:s10+$0x5030];
	[tilespmem:s8+$0x5060] =	vst v2;
	v2 =	vsel vm0, v3, v4  }
0x82: {  	v3 =	vand.u32 $0x3F, v8;
	vm0 =	vlt.u32 v5, $0x1400;
	[tilespmem:s8+$0x5070] =	vst v2;
	s8 =	smov.u32 s10  }
.Ltmp1:
0x83: {  	v2 =	vor.u32 $0x1400, v3;
	v3 =	vsub.s32 v9, v0;
	v4 =	vand.u32 $0x3F, v9;
	v6 =	vld [tilespmem:s8+$0x5040];
	(pc) =	sbr.rel @p0 .LBB2_4-.Ltmp1, $4  }
0x84: {  	v5 =	vsel vm0, v5, v2;
	vm0 =	vlt.u32 v3, $0x1400;
	v2 =	vor.u32 $0x1400, v4  }
0x85: {  	v3 =	vsel vm0, v3, v2;
	v7 =	vsub.s32 v10, v0;
	v2 =	vand.u32 $0x3F, v10;
	v4 =	vld [tilespmem:s8+$0x5050]  }
0x86: {  	vm0 =	vlt.u32 v7, $0x1400;
	v9 =	vor.u32 $0x1400, v2;
	v8 =	vsub.s32 v11, v0;
	v2 =	vld [tilespmem:s8+$0x5060]  }
0x87: {  	s9 =	sadd.s32 $0x200, s9;
	v7 =	vsel vm0, v7, v9;
	vm0 =	vlt.u32 v8, $0x1400;
	v9 =	vand.u32 $0x3F, v11  }
0x88: {  	v9 =	vor.u32 $0x1400, v9;
	v10 =	vsub.s32 v6, v0;
	v57 =	vand.u32 $0x3F, v6;
	v11 =	vld [tilespmem:s8+$0x5070]  }
0x89: {  	[tilespmem:s8+$0x5000] =	vst v5;
	v58 =	vsel vm0, v8, v9;
	vm12 =	vlt.u32 v10, $0x1400;
	v6 =	vor.u32 $0x1400, v57  }
0x8a: {  	[tilespmem:s8+$0x5010] =	vst v3;
	v3 =	vsel vm12, v10, v6;
	v59 =	vsub.s32 v4, v0;
	v60 =	vand.u32 $0x3F, v4  }
0x8b: {  	[tilespmem:s8+$0x5020] =	vst v7;
	vm13 =	vlt.u32 v59, $0x1400;
	v4 =	vor.u32 $0x1400, v60;
	v61 =	vsub.s32 v2, v0  }
0x8c: {  	[tilespmem:s8+$0x5030] =	vst v58;
	v2 =	vand.u32 $0x3F, v2;
	v4 =	vsel vm13, v59, v4;
	vm14 =	vlt.u32 v61, $0x1400  }
0x8d: {  	[tilespmem:s8+$0x5040] =	vst v3;
	v2 =	vor.u32 $0x1400, v2;
	v3 =	vsub.s32 v11, v0;
	v62 =	vand.u32 $0x3F, v11  }
0x8e: {  	[tilespmem:s8+$0x5050] =	vst v4;
	v2 =	vsel vm14, v61, v2;
	vm15 =	vlt.u32 v3, $0x1400;
	v63 =	vor.u32 $0x1400, v62  }
0x8f: {  	[tilespmem:s8+$0x5060] =	vst v2;
	v2 =	vsel vm15, v3, v63  }
0x90: {  	[tilespmem:s8+$0x5070] =	vst v2  }
0x91: {  	[bflag:$0x0] =	sbarrier.arrive $0xFFFF  }
0x92: {  	[tilespmem:s15], [sflag:$0x1] =	stream.indirect.gather [hbm4b:s4+s21], $0x80, s3, s21, $0xb8;
	[tilespmem:$0x1C600] =	vst v63  }
0x93: {  	_ = 	snop  }
0x94: {  	[tilespmem:s22], [sflag:$0x2] =	stream.indirect.gather [hbm4b:s4+s21], $0x80, s21, s21, $0xb8;
	[tilespmem:$0x1C600] =	vst v63  }
0x95: {  	_ =	swait.ge [sflag:s24], $0x4000  }
0x96: {  	[sflag:s24] =	ssyncset.done $0x0  }
0x97: {  	s10 =	simm.s32 $0x5000;
	[sflag:s24] =	ssyncadd.s32 $0xFFFFC000  }
0x98: {  	[spmem:s2] =	stream.indirect.scatter.add.f32 [tilespmem:s15], [sflag:$0x3], $0x80, s10, s21, $0xb8;
	[tilespmem:$0x1C600] =	vst v63  }
0x99: {  	_ =	swait.ge [sflag:s28], $0x4000  }
0x9a: {  	[sflag:s28] =	ssyncset.done $0x0  }
0x9b: {  	s9 =	simm.s32 $0x5080;
	[sflag:s28] =	ssyncadd.s32 $0xFFFFC000  }
0x9c: {  	[spmem:s2] =	stream.indirect.scatter.add.f32 [tilespmem:s22], [sflag:$0x4], $0x80, s9, s21, $0xb8;
	[tilespmem:$0x1C600] =	vst v63  }
0x9d: {  	_ =	swait.ge [sflag:s19], $0x4000  }
0x9e: {  	[sflag:s19] =	ssyncset.done $0x0  }
0x9f: {  	s10 =	simm.s32 $0x100;
	[sflag:s19] =	ssyncadd.s32 $0xFFFFC000  }
0xa0: {  	[tilespmem:s15], [sflag:$0x1] =	stream.indirect.gather [hbm4b:s4+s21], $0x80, s10, s21, $0xb8;
	[tilespmem:$0x1C600] =	vst v63  }
0xa1: {  	_ =	swait.ge [sflag:s25], $0x4000  }
0xa2: {  	[sflag:s25] =	ssyncset.done $0x0  }
0xa3: {  	s9 =	simm.s32 $0x180;
	[sflag:s25] =	ssyncadd.s32 $0xFFFFC000  }
0xa4: {  	[tilespmem:s22], [sflag:$0x2] =	stream.indirect.gather [hbm4b:s4+s21], $0x80, s9, s21, $0xb8;
	[tilespmem:$0x1C600] =	vst v63  }
0xa5: {  	_ =	swait.ge [sflag:s24], $0x4000  }
0xa6: {  	[sflag:s24] =	ssyncset.done $0x0  }
0xa7: {  	s10 =	simm.s32 $0x5100;
	[sflag:s24] =	ssyncadd.s32 $0xFFFFC000  }
0xa8: {  	[spmem:s2] =	stream.indirect.scatter.add.f32 [tilespmem:s15], [sflag:$0x3], $0x80, s10, s21, $0xb8;
	[tilespmem:$0x1C600] =	vst v63  }
0xa9: {  	_ =	swait.ge [sflag:s28], $0x4000  }
0xaa: {  	[sflag:s28] =	ssyncset.done $0x0  }
0xab: {  	s8 =	simm.s32 $0xFFFEC800;
	s9 =	simm.s32 $0x5180;
	[sflag:s28] =	ssyncadd.s32 $0xFFFFC000  }
.LBB2_6:
0xac: {  	[spmem:s2] =	stream.indirect.scatter.add.f32 [tilespmem:s22], [sflag:$0x4], $0x80, s9, s21, $0xb8;
	[tilespmem:$0x1C600] =	vst v63  }
0xad: {  	s9 =	smov.u32 s8  }
0xae: {  	p0 =	sne.s32 s8, $0xFFFFFC00;
	s8 =	sadd.s32 $0x400, s8;
	_ =	swait.ge [sflag:s19], $0x4000  }
0xaf: {  	s9 =	sshra.s32 s9, $0x2;
	[sflag:s19] =	ssyncset.done $0x0  }
0xb0: {  	s10 =	sadd.s32 $0x5000, s9;
	[sflag:s19] =	ssyncadd.s32 $0xFFFFC000  }
0xb1: {  	[tilespmem:s15], [sflag:$0x1] =	stream.indirect.gather [hbm4b:s4+s21], $0x80, s10, s21, $0xb8;
	[tilespmem:$0x1C600] =	vst v63  }
0xb2: {  	_ =	swait.ge [sflag:s25], $0x4000  }
0xb3: {  	[sflag:s25] =	ssyncset.done $0x0  }
0xb4: {  	s10 =	sadd.s32 $0x5080, s9;
	[sflag:s25] =	ssyncadd.s32 $0xFFFFC000  }
0xb5: {  	[tilespmem:s22], [sflag:$0x2] =	stream.indirect.gather [hbm4b:s4+s21], $0x80, s10, s21, $0xb8;
	[tilespmem:$0x1C600] =	vst v63  }
0xb6: {  	_ =	swait.ge [sflag:s24], $0x4000  }
0xb7: {  	[sflag:s24] =	ssyncset.done $0x0  }
.Ltmp2:
0xb8: {  	s10 =	sadd.s32 $0xA000, s9;
	[sflag:s24] =	ssyncadd.s32 $0xFFFFC000;
	(pc) =	sbr.rel @p0 .LBB2_6-.Ltmp2, $4  }
0xb9: {  	[spmem:s2] =	stream.indirect.scatter.add.f32 [tilespmem:s15], [sflag:$0x3], $0x80, s10, s21, $0xb8;
	[tilespmem:$0x1C600] =	vst v63  }
0xba: {  	_ =	swait.ge [sflag:s28], $0x4000  }
0xbb: {  	[sflag:s28] =	ssyncset.done $0x0  }
0xbc: {  	s9 =	sadd.s32 $0xA080, s9;
	[sflag:s28] =	ssyncadd.s32 $0xFFFFC000  }
0xbd: {  	[spmem:s2] =	stream.indirect.scatter.add.f32 [tilespmem:s22], [sflag:$0x4], $0x80, s9, s21, $0xb8;
	[tilespmem:$0x1C600] =	vst v63  }
0xbe: {  	_ =	swait.ge [sflag:s19], $0x4000  }
0xbf: {  	[sflag:s19] =	ssyncset.done $0x0  }
0xc0: {  	[sflag:s19] =	ssyncadd.s32 $0xFFFFC000  }
0xc1: {  	_ =	swait.ge [sflag:s25], $0x4000  }
0xc2: {  	[sflag:s25] =	ssyncset.done $0x0  }
0xc3: {  	[sflag:s25] =	ssyncadd.s32 $0xFFFFC000  }
0xc4: {  	[bflag:$0x0] =	sbarrier.arrive $0xFFFF  }
0xc5: {  	s8 =	simm.s32 $0x0;
	s10 =	rddreg [dreg:$0xb]  }
0xc6: {  	[tilespmem:s22], [sflag:$0x5] =	stream.linear.gather [hbm4b:s10+s8], $0x2000, $0x38;
	[tilespmem:$0x1C600] =	vst v63  }
0xc7: {  	s10 =	rddreg [dreg:$0xd]  }
0xc8: {  	[tilespmem:s30], [sflag:$0x5] =	stream.linear.gather [hbm4b:s10+s8], $0x2000, $0x38;
	[tilespmem:$0x1C600] =	vst v63  }
0xc9: {  	_ = 	snop  }
0xca: {  	[tilespmem:s15], [sflag:$0x6] =	stream.linear.gather [spmem:s16], $0x2000, $0x38;
	[tilespmem:$0x1C600] =	vst v63  }
0xcb: {  	_ =	swait.ge [sflag:s18], $0x2000  }
0xcc: {  	[sflag:s18] =	ssyncset.done $0x0  }
0xcd: {  	[sflag:s18] =	ssyncadd.s32 $0xFFFFE000  }
0xce: {  	_ =	swait.ge [sflag:s0], $0x2000  }
0xcf: {  	[sflag:s0] =	ssyncset.done $0x0  }
0xd0: {  	[sflag:s0] =	ssyncadd.s32 $0xFFFFE000  }
0xd1: {  	_ =	swait.ge [sflag:s0], $0x2000  }
0xd2: {  	[sflag:s0] =	ssyncset.done $0x0  }
0xd3: {  	s8 =	simm.s32 $0x0;
	[sflag:s0] =	ssyncadd.s32 $0xFFFFE000  }
0xd4: {  	v2 =	vld [tilespmem:s8+$0xA070]  }
0xd5: {  	v3 =	vld [tilespmem:s8+$0xE070]  }
0xd6: {  	v4 =	vld [tilespmem:s8+$0xA000]  }
0xd7: {  	v5 =	vld [tilespmem:s8+$0xC070]  }
0xd8: {  	v6 =	vld [tilespmem:s8+$0xE000]  }
0xd9: {  	v7 =	vld [tilespmem:s8+$0xA010]  }
0xda: {  	v9 =	vld [tilespmem:s8+$0xE010]  }
0xdb: {  	v11 =	vld [tilespmem:s8+$0xE020]  }
0xdc: {  	v12 =	vld [tilespmem:s8+$0xE030]  }
0xdd: {  	v13 =	vld [tilespmem:s8+$0xA040]  }
0xde: {  	v14 =	vld [tilespmem:s8+$0xE040]  }
0xdf: {  	v15 =	vld [tilespmem:s8+$0xA050]  }
0xe0: {  	v16 =	vld [tilespmem:s8+$0xE050]  }
0xe1: {  	v17 =	vld [tilespmem:s8+$0xA060]  }
0xe2: {  	v18 =	vld [tilespmem:s8+$0xE060]  }
0xe3: {  	v19 =	vld [tilespmem:s8+$0xC000];
	v2 =	vadd.f32 v3, v2  }
0xe4: {  	v3 =	vld [tilespmem:s8+$0xA020]  }
0xe5: {  	v2 =	vmul.f32 v5, v2;
	v5 =	vld [tilespmem:s8+$0xA030]  }
0xe6: {  	v20 =	vld [tilespmem:s8+$0xC010]  }
0xe7: {  	v21 =	vld [tilespmem:s8+$0xC020]  }
0xe8: {  	v10 =	vld [tilespmem:s8+$0xC030];
	v4 =	vadd.f32 v6, v4  }
0xe9: {  	v8 =	vld [tilespmem:s8+$0xC040];
	v22 =	vadd.f32 v9, v7  }
0xea: {  	v7 =	vld [tilespmem:s8+$0xC050];
	[tilespmem:s8+$0x10070] =	vst v2;
	v23 =	vadd.f32 v11, v3;
	v2 =	vadd.f32 v12, v5;
	v12 =	vmul.f32 v19, v4  }
0xeb: {  	s9 =	simm.s32 $0x80;
	v9 =	vld [tilespmem:s8+$0xC060];
	v6 =	vadd.f32 v14, v13;
	v11 =	vmul.f32 v20, v22  }
0xec: {  	s10 =	simm.s32 $0x400;
	v3 =	vld [tilespmem:s9+$0xA070];
	v4 =	vadd.f32 v16, v15;
	v5 =	vadd.f32 v18, v17;
	[tilespmem:s8+$0x10000] =	vst v12;
	v12 =	vmul.f32 v21, v23  }
.LBB2_8:
0xed: {  	p0 =	sne.s32 s10, $0x7E00;
	v13 =	vld [tilespmem:s9+$0xE070];
	[tilespmem:s8+$0x10010] =	vst v11;
	v2 =	vmul.f32 v10, v2  }
0xee: {  	v10 =	vld [tilespmem:s9+$0xA000];
	[tilespmem:s8+$0x10020] =	vst v12;
	v6 =	vmul.f32 v8, v6  }
0xef: {  	v8 =	vld [tilespmem:s9+$0xC070];
	[tilespmem:s8+$0x10030] =	vst v2;
	v2 =	vmul.f32 v7, v4  }
0xf0: {  	v4 =	vld [tilespmem:s9+$0xE000];
	[tilespmem:s8+$0x10040] =	vst v6;
	v5 =	vmul.f32 v9, v5  }
0xf1: {  	v6 =	vld [tilespmem:s9+$0xA010];
	[tilespmem:s8+$0x10050] =	vst v2  }
0xf2: {  	v2 =	vld [tilespmem:s9+$0xE010];
	v3 =	vadd.f32 v13, v3;
	[tilespmem:s8+$0x10060] =	vst v5;
	s8 =	smov.u32 s9  }
0xf3: {  	v5 =	vld [tilespmem:s8+$0xA020]  }
0xf4: {  	v7 =	vld [tilespmem:s8+$0xE020];
	v3 =	vmul.f32 v8, v3  }
0xf5: {  	v9 =	vadd.f32 v4, v10;
	v4 =	vld [tilespmem:s8+$0xA030]  }
0xf6: {  	v8 =	vld [tilespmem:s8+$0xE030];
	[tilespmem:s8+$0x10070] =	vst v3  }
0xf7: {  	v3 =	vadd.f32 v2, v6;
	v6 =	vld [tilespmem:s8+$0xA040]  }
0xf8: {  	v10 =	vld [tilespmem:s8+$0xE040]  }
0xf9: {  	v12 =	vadd.f32 v7, v5;
	v5 =	vld [tilespmem:s8+$0xA050]  }
0xfa: {  	v7 =	vld [tilespmem:s8+$0xE050]  }
0xfb: {  	v2 =	vadd.f32 v8, v4;
	v11 =	vld [tilespmem:s8+$0xA060]  }
0xfc: {  	v13 =	vld [tilespmem:s8+$0xE060]  }
0xfd: {  	v14 =	vld [tilespmem:s8+$0xC000];
	v6 =	vadd.f32 v10, v6  }
0xfe: {  	v15 =	vld [tilespmem:s8+$0xC010]  }
0xff: {  	v16 =	vld [tilespmem:s8+$0xC020];
	v4 =	vadd.f32 v7, v5  }
.Ltmp3:
0x100: {  	v10 =	vld [tilespmem:s8+$0xC030];
	(pc) =	sbr.rel @p0 .LBB2_8-.Ltmp3, $4  }
0x101: {  	v8 =	vld [tilespmem:s8+$0xC040];
	v5 =	vadd.f32 v13, v11  }
0x102: {  	v13 =	vmul.f32 v14, v9;
	v7 =	vld [tilespmem:s8+$0xC050]  }
0x103: {  	s9 =	sshra.s32 s10, $0x2;
	v11 =	vmul.f32 v15, v3;
	v9 =	vld [tilespmem:s8+$0xC060]  }
0x104: {  	s10 =	sadd.s32 $0x200, s10;
	v3 =	vld [tilespmem:s9+$0xA070];
	[tilespmem:s8+$0x10000] =	vst v13;
	v12 =	vmul.f32 v16, v12  }
0x105: {  	v13 =	vld [tilespmem:s9+$0xE070];
	[tilespmem:s8+$0x10010] =	vst v11;
	v2 =	vmul.f32 v10, v2  }
0x106: {  	v11 =	vld [tilespmem:s9+$0xA000];
	[tilespmem:s8+$0x10020] =	vst v12;
	v6 =	vmul.f32 v8, v6  }
0x107: {  	v10 =	vld [tilespmem:s9+$0xC070];
	[tilespmem:s8+$0x10030] =	vst v2;
	v4 =	vmul.f32 v7, v4  }
0x108: {  	v2 =	vld [tilespmem:s9+$0xE000];
	[tilespmem:s8+$0x10040] =	vst v6;
	v5 =	vmul.f32 v9, v5  }
0x109: {  	v6 =	vld [tilespmem:s9+$0xA010];
	[tilespmem:s8+$0x10050] =	vst v4  }
0x10a: {  	v4 =	vld [tilespmem:s9+$0xE010];
	[tilespmem:s8+$0x10060] =	vst v5  }
0x10b: {  	v5 =	vld [tilespmem:s9+$0xA020]  }
0x10c: {  	v7 =	vld [tilespmem:s9+$0xE020]  }
0x10d: {  	v8 =	vld [tilespmem:s9+$0xA030]  }
0x10e: {  	v9 =	vld [tilespmem:s9+$0xE030]  }
0x10f: {  	v12 =	vld [tilespmem:s9+$0xA050]  }
0x110: {  	v3 =	vadd.f32 v13, v3;
	v13 =	vld [tilespmem:s9+$0xE050]  }
0x111: {  	v14 =	vld [tilespmem:s9+$0xA060]  }
0x112: {  	v15 =	vld [tilespmem:s9+$0xE060]  }
0x113: {  	v16 =	vld [tilespmem:s9+$0xC000]  }
0x114: {  	v17 =	vld [tilespmem:s9+$0xC010]  }
0x115: {  	v18 =	vld [tilespmem:s9+$0xC020];
	v3 =	vmul.f32 v10, v3  }
0x116: {  	v10 =	vld [tilespmem:s9+$0xE040]  }
0x117: {  	[tilespmem:s9+$0x10070] =	vst v3;
	v3 =	vld [tilespmem:s9+$0xA040]  }
0x118: {  	v2 =	vadd.f32 v2, v11;
	v11 =	vld [tilespmem:s9+$0xC030]  }
0x119: {  	v4 =	vadd.f32 v4, v6;
	v6 =	vld [tilespmem:s9+$0xC040]  }
0x11a: {  	v5 =	vadd.f32 v7, v5;
	v2 =	vmul.f32 v16, v2;
	v7 =	vld [tilespmem:s9+$0xC050]  }
0x11b: {  	v8 =	vadd.f32 v9, v8;
	v9 =	vld [tilespmem:s9+$0xC060];
	v4 =	vmul.f32 v17, v4  }
0x11c: {  	[tilespmem:s9+$0x10000] =	vst v2;
	v2 =	vmul.f32 v18, v5;
	v3 =	vadd.f32 v10, v3  }
0x11d: {  	v5 =	vadd.f32 v13, v12;
	[tilespmem:s9+$0x10010] =	vst v4;
	v4 =	vmul.f32 v11, v8  }
0x11e: {  	v8 =	vadd.f32 v15, v14;
	[tilespmem:s9+$0x10020] =	vst v2;
	v2 =	vmul.f32 v6, v3  }
0x11f: {  	[tilespmem:s9+$0x10030] =	vst v4;
	v3 =	vmul.f32 v7, v5  }
0x120: {  	[tilespmem:s9+$0x10040] =	vst v2;
	v2 =	vmul.f32 v9, v8  }
0x121: {  	[tilespmem:s9+$0x10050] =	vst v3  }
0x122: {  	s8 =	simm.s32 $0x0;
	[tilespmem:s9+$0x10060] =	vst v2  }
0x123: {  	[hbm4b:s17+s8] =	stream.linear.scatter [tilespmem:s1], [sflag:$0x6], $0x2000, $0x38;
	[tilespmem:$0x1C600] =	vst v63  }
0x124: {  	_ =	swait.ge [sflag:s18], $0x2000  }
0x125: {  	[sflag:s18] =	ssyncset.done $0x0  }
0x126: {  	s10 =	rddreg [dreg:$0xe];
	[sflag:s18] =	ssyncadd.s32 $0xFFFFE000  }
0x127: {  	[tilespmem:s22], [sflag:$0x5] =	stream.linear.gather [hbm4b:s10+s8], $0x2000, $0x38;
	[tilespmem:$0x1C600] =	vst v63  }
0x128: {  	s10 =	rddreg [dreg:$0xf]  }
0x129: {  	[tilespmem:s30], [sflag:$0x5] =	stream.linear.gather [hbm4b:s10+s8], $0x2000, $0x38;
	[tilespmem:$0x1C600] =	vst v63  }
0x12a: {  	s10 =	rddreg [dreg:$0x1c]  }
0x12b: {  	[tilespmem:s15], [sflag:$0x6] =	stream.linear.gather [spmem:s10], $0x2000, $0x38;
	[tilespmem:$0x1C600] =	vst v63  }
0x12c: {  	_ =	swait.ge [sflag:s18], $0x2000  }
0x12d: {  	[sflag:s18] =	ssyncset.done $0x0  }
0x12e: {  	[sflag:s18] =	ssyncadd.s32 $0xFFFFE000  }
0x12f: {  	_ =	swait.ge [sflag:s0], $0x2000  }
0x130: {  	[sflag:s0] =	ssyncset.done $0x0  }
0x131: {  	[sflag:s0] =	ssyncadd.s32 $0xFFFFE000  }
0x132: {  	_ =	swait.ge [sflag:s0], $0x2000  }
0x133: {  	[sflag:s0] =	ssyncset.done $0x0  }
0x134: {  	s8 =	simm.s32 $0x0;
	[sflag:s0] =	ssyncadd.s32 $0xFFFFE000  }
0x135: {  	v2 =	vld [tilespmem:s8+$0xA070]  }
0x136: {  	v3 =	vld [tilespmem:s8+$0xE070]  }
0x137: {  	v4 =	vld [tilespmem:s8+$0xA000]  }
0x138: {  	v5 =	vld [tilespmem:s8+$0xC070]  }
0x139: {  	v6 =	vld [tilespmem:s8+$0xE000]  }
0x13a: {  	v7 =	vld [tilespmem:s8+$0xA010]  }
0x13b: {  	v9 =	vld [tilespmem:s8+$0xE010]  }
0x13c: {  	v11 =	vld [tilespmem:s8+$0xE020]  }
0x13d: {  	v12 =	vld [tilespmem:s8+$0xE030]  }
0x13e: {  	v13 =	vld [tilespmem:s8+$0xA040]  }
0x13f: {  	v14 =	vld [tilespmem:s8+$0xE040]  }
0x140: {  	v15 =	vld [tilespmem:s8+$0xA050]  }
0x141: {  	v61 =	vld [tilespmem:s8+$0xE050]  }
0x142: {  	v62 =	vld [tilespmem:s8+$0xA060]  }
0x143: {  	v63 =	vld [tilespmem:s8+$0xE060]  }
0x144: {  	v19 =	vld [tilespmem:s8+$0xC000];
	v2 =	vadd.f32 v3, v2  }
0x145: {  	v3 =	vld [tilespmem:s8+$0xA020]  }
0x146: {  	v2 =	vmul.f32 v5, v2;
	v5 =	vld [tilespmem:s8+$0xA030]  }
0x147: {  	v20 =	vld [tilespmem:s8+$0xC010]  }
0x148: {  	v21 =	vld [tilespmem:s8+$0xC020]  }
0x149: {  	v10 =	vld [tilespmem:s8+$0xC030];
	v4 =	vadd.f32 v6, v4  }
0x14a: {  	v8 =	vld [tilespmem:s8+$0xC040];
	v22 =	vadd.f32 v9, v7  }
0x14b: {  	v7 =	vld [tilespmem:s8+$0xC050];
	[tilespmem:s8+$0x10070] =	vst v2;
	v23 =	vadd.f32 v11, v3;
	v2 =	vadd.f32 v12, v5;
	v12 =	vmul.f32 v19, v4  }
0x14c: {  	s9 =	simm.s32 $0x80;
	v9 =	vld [tilespmem:s8+$0xC060];
	v6 =	vadd.f32 v14, v13;
	v11 =	vmul.f32 v20, v22  }
0x14d: {  	s10 =	simm.s32 $0x400;
	v3 =	vld [tilespmem:s9+$0xA070];
	v4 =	vadd.f32 v61, v15;
	v5 =	vadd.f32 v63, v62;
	[tilespmem:s8+$0x10000] =	vst v12;
	v12 =	vmul.f32 v21, v23  }
.LBB2_10:
0x14e: {  	p0 =	sne.s32 s10, $0x7E00;
	v13 =	vld [tilespmem:s9+$0xE070];
	[tilespmem:s8+$0x10010] =	vst v11;
	v2 =	vmul.f32 v10, v2  }
0x14f: {  	v10 =	vld [tilespmem:s9+$0xA000];
	[tilespmem:s8+$0x10020] =	vst v12;
	v6 =	vmul.f32 v8, v6  }
0x150: {  	v8 =	vld [tilespmem:s9+$0xC070];
	[tilespmem:s8+$0x10030] =	vst v2;
	v2 =	vmul.f32 v7, v4  }
0x151: {  	v4 =	vld [tilespmem:s9+$0xE000];
	[tilespmem:s8+$0x10040] =	vst v6;
	v5 =	vmul.f32 v9, v5  }
0x152: {  	v6 =	vld [tilespmem:s9+$0xA010];
	[tilespmem:s8+$0x10050] =	vst v2  }
0x153: {  	v2 =	vld [tilespmem:s9+$0xE010];
	v3 =	vadd.f32 v13, v3;
	[tilespmem:s8+$0x10060] =	vst v5;
	s8 =	smov.u32 s9  }
0x154: {  	v5 =	vld [tilespmem:s8+$0xA020]  }
0x155: {  	v7 =	vld [tilespmem:s8+$0xE020];
	v3 =	vmul.f32 v8, v3  }
0x156: {  	v9 =	vadd.f32 v4, v10;
	v4 =	vld [tilespmem:s8+$0xA030]  }
0x157: {  	v8 =	vld [tilespmem:s8+$0xE030];
	[tilespmem:s8+$0x10070] =	vst v3  }
0x158: {  	v3 =	vadd.f32 v2, v6;
	v6 =	vld [tilespmem:s8+$0xA040]  }
0x159: {  	v10 =	vld [tilespmem:s8+$0xE040]  }
0x15a: {  	v12 =	vadd.f32 v7, v5;
	v5 =	vld [tilespmem:s8+$0xA050]  }
0x15b: {  	v7 =	vld [tilespmem:s8+$0xE050]  }
0x15c: {  	v2 =	vadd.f32 v8, v4;
	v11 =	vld [tilespmem:s8+$0xA060]  }
0x15d: {  	v13 =	vld [tilespmem:s8+$0xE060]  }
0x15e: {  	v14 =	vld [tilespmem:s8+$0xC000];
	v6 =	vadd.f32 v10, v6  }
0x15f: {  	v15 =	vld [tilespmem:s8+$0xC010]  }
0x160: {  	v16 =	vld [tilespmem:s8+$0xC020];
	v4 =	vadd.f32 v7, v5  }
.Ltmp4:
0x161: {  	v10 =	vld [tilespmem:s8+$0xC030];
	(pc) =	sbr.rel @p0 .LBB2_10-.Ltmp4, $4  }
0x162: {  	v8 =	vld [tilespmem:s8+$0xC040];
	v5 =	vadd.f32 v13, v11  }
0x163: {  	v13 =	vmul.f32 v14, v9;
	v7 =	vld [tilespmem:s8+$0xC050]  }
0x164: {  	s9 =	sshra.s32 s10, $0x2;
	v11 =	vmul.f32 v15, v3;
	v9 =	vld [tilespmem:s8+$0xC060]  }
0x165: {  	s10 =	sadd.s32 $0x200, s10;
	v3 =	vld [tilespmem:s9+$0xA070];
	[tilespmem:s8+$0x10000] =	vst v13;
	v12 =	vmul.f32 v16, v12  }
0x166: {  	v13 =	vld [tilespmem:s9+$0xE070];
	[tilespmem:s8+$0x10010] =	vst v11;
	v2 =	vmul.f32 v10, v2  }
0x167: {  	v11 =	vld [tilespmem:s9+$0xA000];
	[tilespmem:s8+$0x10020] =	vst v12;
	v6 =	vmul.f32 v8, v6  }
0x168: {  	v10 =	vld [tilespmem:s9+$0xC070];
	[tilespmem:s8+$0x10030] =	vst v2;
	v4 =	vmul.f32 v7, v4  }
0x169: {  	v2 =	vld [tilespmem:s9+$0xE000];
	[tilespmem:s8+$0x10040] =	vst v6;
	v5 =	vmul.f32 v9, v5  }
0x16a: {  	v6 =	vld [tilespmem:s9+$0xA010];
	[tilespmem:s8+$0x10050] =	vst v4  }
0x16b: {  	v4 =	vld [tilespmem:s9+$0xE010];
	[tilespmem:s8+$0x10060] =	vst v5  }
0x16c: {  	v5 =	vld [tilespmem:s9+$0xA020]  }
0x16d: {  	v7 =	vld [tilespmem:s9+$0xE020]  }
0x16e: {  	v8 =	vld [tilespmem:s9+$0xA030]  }
0x16f: {  	v9 =	vld [tilespmem:s9+$0xE030]  }
0x170: {  	v12 =	vld [tilespmem:s9+$0xA050]  }
0x171: {  	v3 =	vadd.f32 v13, v3;
	v13 =	vld [tilespmem:s9+$0xE050]  }
0x172: {  	v14 =	vld [tilespmem:s9+$0xA060]  }
0x173: {  	v15 =	vld [tilespmem:s9+$0xE060]  }
0x174: {  	v16 =	vld [tilespmem:s9+$0xC000]  }
0x175: {  	v17 =	vld [tilespmem:s9+$0xC010]  }
0x176: {  	v18 =	vld [tilespmem:s9+$0xC020];
	v3 =	vmul.f32 v10, v3  }
0x177: {  	v10 =	vld [tilespmem:s9+$0xE040]  }
0x178: {  	[tilespmem:s9+$0x10070] =	vst v3;
	v3 =	vld [tilespmem:s9+$0xA040]  }
0x179: {  	v2 =	vadd.f32 v2, v11;
	v11 =	vld [tilespmem:s9+$0xC030]  }
0x17a: {  	v4 =	vadd.f32 v4, v6;
	v6 =	vld [tilespmem:s9+$0xC040]  }
0x17b: {  	v5 =	vadd.f32 v7, v5;
	v2 =	vmul.f32 v16, v2;
	v7 =	vld [tilespmem:s9+$0xC050]  }
0x17c: {  	v8 =	vadd.f32 v9, v8;
	v9 =	vld [tilespmem:s9+$0xC060];
	v4 =	vmul.f32 v17, v4  }
0x17d: {  	[tilespmem:s9+$0x10000] =	vst v2;
	v2 =	vmul.f32 v18, v5;
	v3 =	vadd.f32 v10, v3  }
0x17e: {  	v5 =	vadd.f32 v13, v12;
	[tilespmem:s9+$0x10010] =	vst v4;
	v4 =	vmul.f32 v11, v8  }
0x17f: {  	v8 =	vadd.f32 v15, v14;
	[tilespmem:s9+$0x10020] =	vst v2;
	v2 =	vmul.f32 v6, v3  }
0x180: {  	[tilespmem:s9+$0x10030] =	vst v4;
	v3 =	vmul.f32 v7, v5  }
0x181: {  	[tilespmem:s9+$0x10040] =	vst v2;
	v2 =	vmul.f32 v9, v8  }
0x182: {  	[tilespmem:s9+$0x10050] =	vst v3  }
0x183: {  	s8 =	simm.s32 $0x0;
	[tilespmem:s9+$0x10060] =	vst v2  }
0x184: {  	[hbm4b:s20+s8] =	stream.linear.scatter [tilespmem:s1], [sflag:$0x6], $0x2000, $0x38;
	[tilespmem:$0x1C600] =	vst v63  }
0x185: {  	_ =	swait.ge [sflag:s18], $0x2000  }
0x186: {  	[sflag:s18] =	ssyncset.done $0x0  }
0x187: {  	s10 =	rddreg [dreg:$0x10];
	[sflag:s18] =	ssyncadd.s32 $0xFFFFE000  }
0x188: {  	[tilespmem:s22], [sflag:$0x5] =	stream.linear.gather [hbm4b:s10+s8], $0x2000, $0x38;
	[tilespmem:$0x1C600] =	vst v63  }
0x189: {  	s10 =	rddreg [dreg:$0x11]  }
0x18a: {  	[tilespmem:s30], [sflag:$0x5] =	stream.linear.gather [hbm4b:s10+s8], $0x2000, $0x38;
	[tilespmem:$0x1C600] =	vst v63  }
0x18b: {  	_ = 	snop  }
0x18c: {  	[tilespmem:s15], [sflag:$0x6] =	stream.linear.gather [spmem:s11], $0x2000, $0x38;
	[tilespmem:$0x1C600] =	vst v63  }
0x18d: {  	_ =	swait.ge [sflag:s18], $0x2000  }
0x18e: {  	[sflag:s18] =	ssyncset.done $0x0  }
0x18f: {  	[sflag:s18] =	ssyncadd.s32 $0xFFFFE000  }
0x190: {  	_ =	swait.ge [sflag:s0], $0x2000  }
0x191: {  	[sflag:s0] =	ssyncset.done $0x0  }
0x192: {  	[sflag:s0] =	ssyncadd.s32 $0xFFFFE000  }
0x193: {  	_ =	swait.ge [sflag:s0], $0x2000  }
0x194: {  	[sflag:s0] =	ssyncset.done $0x0  }
0x195: {  	s8 =	simm.s32 $0x0;
	[sflag:s0] =	ssyncadd.s32 $0xFFFFE000  }
0x196: {  	v2 =	vld [tilespmem:s8+$0xA070]  }
0x197: {  	v3 =	vld [tilespmem:s8+$0xE070]  }
0x198: {  	v4 =	vld [tilespmem:s8+$0xA000]  }
0x199: {  	v5 =	vld [tilespmem:s8+$0xC070]  }
0x19a: {  	v6 =	vld [tilespmem:s8+$0xE000]  }
0x19b: {  	v7 =	vld [tilespmem:s8+$0xA010]  }
0x19c: {  	v9 =	vld [tilespmem:s8+$0xE010]  }
0x19d: {  	v11 =	vld [tilespmem:s8+$0xE020]  }
0x19e: {  	v12 =	vld [tilespmem:s8+$0xE030]  }
0x19f: {  	v13 =	vld [tilespmem:s8+$0xA040]  }
0x1a0: {  	v14 =	vld [tilespmem:s8+$0xE040]  }
0x1a1: {  	v15 =	vld [tilespmem:s8+$0xA050]  }
0x1a2: {  	v61 =	vld [tilespmem:s8+$0xE050]  }
0x1a3: {  	v62 =	vld [tilespmem:s8+$0xA060]  }
0x1a4: {  	v63 =	vld [tilespmem:s8+$0xE060]  }
0x1a5: {  	v19 =	vld [tilespmem:s8+$0xC000];
	v2 =	vadd.f32 v3, v2  }
0x1a6: {  	v3 =	vld [tilespmem:s8+$0xA020]  }
0x1a7: {  	v2 =	vmul.f32 v5, v2;
	v5 =	vld [tilespmem:s8+$0xA030]  }
0x1a8: {  	v20 =	vld [tilespmem:s8+$0xC010]  }
0x1a9: {  	v21 =	vld [tilespmem:s8+$0xC020]  }
0x1aa: {  	v10 =	vld [tilespmem:s8+$0xC030];
	v4 =	vadd.f32 v6, v4  }
0x1ab: {  	v8 =	vld [tilespmem:s8+$0xC040];
	v22 =	vadd.f32 v9, v7  }
0x1ac: {  	v7 =	vld [tilespmem:s8+$0xC050];
	[tilespmem:s8+$0x10070] =	vst v2;
	v23 =	vadd.f32 v11, v3;
	v2 =	vadd.f32 v12, v5;
	v12 =	vmul.f32 v19, v4  }
0x1ad: {  	s9 =	simm.s32 $0x80;
	v9 =	vld [tilespmem:s8+$0xC060];
	v6 =	vadd.f32 v14, v13;
	v11 =	vmul.f32 v20, v22  }
0x1ae: {  	s10 =	simm.s32 $0x400;
	v3 =	vld [tilespmem:s9+$0xA070];
	v4 =	vadd.f32 v61, v15;
	v5 =	vadd.f32 v63, v62;
	[tilespmem:s8+$0x10000] =	vst v12;
	v12 =	vmul.f32 v21, v23  }
.LBB2_12:
0x1af: {  	p0 =	sne.s32 s10, $0x7E00;
	v13 =	vld [tilespmem:s9+$0xE070];
	[tilespmem:s8+$0x10010] =	vst v11;
	v2 =	vmul.f32 v10, v2  }
0x1b0: {  	v10 =	vld [tilespmem:s9+$0xA000];
	[tilespmem:s8+$0x10020] =	vst v12;
	v6 =	vmul.f32 v8, v6  }
0x1b1: {  	v8 =	vld [tilespmem:s9+$0xC070];
	[tilespmem:s8+$0x10030] =	vst v2;
	v2 =	vmul.f32 v7, v4  }
0x1b2: {  	v4 =	vld [tilespmem:s9+$0xE000];
	[tilespmem:s8+$0x10040] =	vst v6;
	v5 =	vmul.f32 v9, v5  }
0x1b3: {  	v6 =	vld [tilespmem:s9+$0xA010];
	[tilespmem:s8+$0x10050] =	vst v2  }
0x1b4: {  	v2 =	vld [tilespmem:s9+$0xE010];
	v3 =	vadd.f32 v13, v3;
	[tilespmem:s8+$0x10060] =	vst v5;
	s8 =	smov.u32 s9  }
0x1b5: {  	v5 =	vld [tilespmem:s8+$0xA020]  }
0x1b6: {  	v7 =	vld [tilespmem:s8+$0xE020];
	v3 =	vmul.f32 v8, v3  }
0x1b7: {  	v9 =	vadd.f32 v4, v10;
	v4 =	vld [tilespmem:s8+$0xA030]  }
0x1b8: {  	v8 =	vld [tilespmem:s8+$0xE030];
	[tilespmem:s8+$0x10070] =	vst v3  }
0x1b9: {  	v3 =	vadd.f32 v2, v6;
	v6 =	vld [tilespmem:s8+$0xA040]  }
0x1ba: {  	v10 =	vld [tilespmem:s8+$0xE040]  }
0x1bb: {  	v12 =	vadd.f32 v7, v5;
	v5 =	vld [tilespmem:s8+$0xA050]  }
0x1bc: {  	v7 =	vld [tilespmem:s8+$0xE050]  }
0x1bd: {  	v2 =	vadd.f32 v8, v4;
	v11 =	vld [tilespmem:s8+$0xA060]  }
0x1be: {  	v13 =	vld [tilespmem:s8+$0xE060]  }
0x1bf: {  	v14 =	vld [tilespmem:s8+$0xC000];
	v6 =	vadd.f32 v10, v6  }
0x1c0: {  	v15 =	vld [tilespmem:s8+$0xC010]  }
0x1c1: {  	v16 =	vld [tilespmem:s8+$0xC020];
	v4 =	vadd.f32 v7, v5  }
.Ltmp5:
0x1c2: {  	v10 =	vld [tilespmem:s8+$0xC030];
	(pc) =	sbr.rel @p0 .LBB2_12-.Ltmp5, $4  }
0x1c3: {  	v8 =	vld [tilespmem:s8+$0xC040];
	v5 =	vadd.f32 v13, v11  }
0x1c4: {  	v13 =	vmul.f32 v14, v9;
	v7 =	vld [tilespmem:s8+$0xC050]  }
0x1c5: {  	s9 =	sshra.s32 s10, $0x2;
	v11 =	vmul.f32 v15, v3;
	v9 =	vld [tilespmem:s8+$0xC060]  }
0x1c6: {  	s10 =	sadd.s32 $0x200, s10;
	v3 =	vld [tilespmem:s9+$0xA070];
	[tilespmem:s8+$0x10000] =	vst v13;
	v12 =	vmul.f32 v16, v12  }
0x1c7: {  	v13 =	vld [tilespmem:s9+$0xE070];
	[tilespmem:s8+$0x10010] =	vst v11;
	v2 =	vmul.f32 v10, v2  }
0x1c8: {  	v11 =	vld [tilespmem:s9+$0xA000];
	[tilespmem:s8+$0x10020] =	vst v12;
	v6 =	vmul.f32 v8, v6  }
0x1c9: {  	v10 =	vld [tilespmem:s9+$0xC070];
	[tilespmem:s8+$0x10030] =	vst v2;
	v4 =	vmul.f32 v7, v4  }
0x1ca: {  	v2 =	vld [tilespmem:s9+$0xE000];
	[tilespmem:s8+$0x10040] =	vst v6;
	v5 =	vmul.f32 v9, v5  }
0x1cb: {  	v6 =	vld [tilespmem:s9+$0xA010];
	[tilespmem:s8+$0x10050] =	vst v4  }
0x1cc: {  	v4 =	vld [tilespmem:s9+$0xE010];
	[tilespmem:s8+$0x10060] =	vst v5  }
0x1cd: {  	v5 =	vld [tilespmem:s9+$0xA020]  }
0x1ce: {  	v7 =	vld [tilespmem:s9+$0xE020]  }
0x1cf: {  	v8 =	vld [tilespmem:s9+$0xA030]  }
0x1d0: {  	v9 =	vld [tilespmem:s9+$0xE030]  }
0x1d1: {  	v12 =	vld [tilespmem:s9+$0xA050]  }
0x1d2: {  	v3 =	vadd.f32 v13, v3;
	v13 =	vld [tilespmem:s9+$0xE050]  }
0x1d3: {  	v14 =	vld [tilespmem:s9+$0xA060]  }
0x1d4: {  	v15 =	vld [tilespmem:s9+$0xE060]  }
0x1d5: {  	v16 =	vld [tilespmem:s9+$0xC000]  }
0x1d6: {  	v17 =	vld [tilespmem:s9+$0xC010]  }
0x1d7: {  	v18 =	vld [tilespmem:s9+$0xC020];
	v3 =	vmul.f32 v10, v3  }
0x1d8: {  	v10 =	vld [tilespmem:s9+$0xE040]  }
0x1d9: {  	[tilespmem:s9+$0x10070] =	vst v3;
	v3 =	vld [tilespmem:s9+$0xA040]  }
0x1da: {  	v2 =	vadd.f32 v2, v11;
	v11 =	vld [tilespmem:s9+$0xC030]  }
0x1db: {  	v4 =	vadd.f32 v4, v6;
	v6 =	vld [tilespmem:s9+$0xC040]  }
0x1dc: {  	v5 =	vadd.f32 v7, v5;
	v2 =	vmul.f32 v16, v2;
	v7 =	vld [tilespmem:s9+$0xC050]  }
0x1dd: {  	v8 =	vadd.f32 v9, v8;
	v9 =	vld [tilespmem:s9+$0xC060];
	v4 =	vmul.f32 v17, v4  }
0x1de: {  	[tilespmem:s9+$0x10000] =	vst v2;
	v2 =	vmul.f32 v18, v5;
	v3 =	vadd.f32 v10, v3  }
0x1df: {  	v5 =	vadd.f32 v13, v12;
	[tilespmem:s9+$0x10010] =	vst v4;
	v4 =	vmul.f32 v11, v8  }
0x1e0: {  	v8 =	vadd.f32 v15, v14;
	[tilespmem:s9+$0x10020] =	vst v2;
	v2 =	vmul.f32 v6, v3  }
0x1e1: {  	[tilespmem:s9+$0x10030] =	vst v4;
	v3 =	vmul.f32 v7, v5  }
0x1e2: {  	[tilespmem:s9+$0x10040] =	vst v2;
	v2 =	vmul.f32 v9, v8  }
0x1e3: {  	[tilespmem:s9+$0x10050] =	vst v3  }
0x1e4: {  	s8 =	simm.s32 $0x0;
	[tilespmem:s9+$0x10060] =	vst v2  }
0x1e5: {  	[hbm4b:s23+s8] =	stream.linear.scatter [tilespmem:s1], [sflag:$0x6], $0x2000, $0x38;
	[tilespmem:$0x1C600] =	vst v63  }
0x1e6: {  	_ =	swait.ge [sflag:s18], $0x2000  }
0x1e7: {  	[sflag:s18] =	ssyncset.done $0x0  }
0x1e8: {  	s10 =	rddreg [dreg:$0x12];
	[sflag:s18] =	ssyncadd.s32 $0xFFFFE000  }
0x1e9: {  	[tilespmem:s22], [sflag:$0x5] =	stream.linear.gather [hbm4b:s10+s8], $0x2000, $0x38;
	[tilespmem:$0x1C600] =	vst v63  }
0x1ea: {  	s10 =	rddreg [dreg:$0x13]  }
0x1eb: {  	[tilespmem:s30], [sflag:$0x5] =	stream.linear.gather [hbm4b:s10+s8], $0x2000, $0x38;
	[tilespmem:$0x1C600] =	vst v63  }
0x1ec: {  	_ = 	snop  }
0x1ed: {  	[tilespmem:s15], [sflag:$0x6] =	stream.linear.gather [spmem:s12], $0x2000, $0x38;
	[tilespmem:$0x1C600] =	vst v63  }
0x1ee: {  	_ =	swait.ge [sflag:s18], $0x2000  }
0x1ef: {  	[sflag:s18] =	ssyncset.done $0x0  }
0x1f0: {  	[sflag:s18] =	ssyncadd.s32 $0xFFFFE000  }
0x1f1: {  	_ =	swait.ge [sflag:s0], $0x2000  }
0x1f2: {  	[sflag:s0] =	ssyncset.done $0x0  }
0x1f3: {  	[sflag:s0] =	ssyncadd.s32 $0xFFFFE000  }
0x1f4: {  	_ =	swait.ge [sflag:s0], $0x2000  }
0x1f5: {  	[sflag:s0] =	ssyncset.done $0x0  }
0x1f6: {  	s8 =	simm.s32 $0x0;
	[sflag:s0] =	ssyncadd.s32 $0xFFFFE000  }
0x1f7: {  	v2 =	vld [tilespmem:s8+$0xA070]  }
0x1f8: {  	v3 =	vld [tilespmem:s8+$0xE070]  }
0x1f9: {  	v4 =	vld [tilespmem:s8+$0xA000]  }
0x1fa: {  	v5 =	vld [tilespmem:s8+$0xC070]  }
0x1fb: {  	v6 =	vld [tilespmem:s8+$0xE000]  }
0x1fc: {  	v7 =	vld [tilespmem:s8+$0xA010]  }
0x1fd: {  	v9 =	vld [tilespmem:s8+$0xE010]  }
0x1fe: {  	v11 =	vld [tilespmem:s8+$0xE020]  }
0x1ff: {  	v12 =	vld [tilespmem:s8+$0xE030]  }
0x200: {  	v13 =	vld [tilespmem:s8+$0xA040]  }
0x201: {  	v14 =	vld [tilespmem:s8+$0xE040]  }
0x202: {  	v15 =	vld [tilespmem:s8+$0xA050]  }
0x203: {  	v61 =	vld [tilespmem:s8+$0xE050]  }
0x204: {  	v62 =	vld [tilespmem:s8+$0xA060]  }
0x205: {  	v63 =	vld [tilespmem:s8+$0xE060]  }
0x206: {  	v19 =	vld [tilespmem:s8+$0xC000];
	v2 =	vadd.f32 v3, v2  }
0x207: {  	v3 =	vld [tilespmem:s8+$0xA020]  }
0x208: {  	v2 =	vmul.f32 v5, v2;
	v5 =	vld [tilespmem:s8+$0xA030]  }
0x209: {  	v20 =	vld [tilespmem:s8+$0xC010]  }
0x20a: {  	v21 =	vld [tilespmem:s8+$0xC020]  }
0x20b: {  	v10 =	vld [tilespmem:s8+$0xC030];
	v4 =	vadd.f32 v6, v4  }
0x20c: {  	v8 =	vld [tilespmem:s8+$0xC040];
	v22 =	vadd.f32 v9, v7  }
0x20d: {  	v7 =	vld [tilespmem:s8+$0xC050];
	[tilespmem:s8+$0x10070] =	vst v2;
	v23 =	vadd.f32 v11, v3;
	v2 =	vadd.f32 v12, v5;
	v12 =	vmul.f32 v19, v4  }
0x20e: {  	s9 =	simm.s32 $0x80;
	v9 =	vld [tilespmem:s8+$0xC060];
	v6 =	vadd.f32 v14, v13;
	v11 =	vmul.f32 v20, v22  }
0x20f: {  	s10 =	simm.s32 $0x400;
	v3 =	vld [tilespmem:s9+$0xA070];
	v4 =	vadd.f32 v61, v15;
	v5 =	vadd.f32 v63, v62;
	[tilespmem:s8+$0x10000] =	vst v12;
	v12 =	vmul.f32 v21, v23  }
.LBB2_14:
0x210: {  	p0 =	sne.s32 s10, $0x7E00;
	v13 =	vld [tilespmem:s9+$0xE070];
	[tilespmem:s8+$0x10010] =	vst v11;
	v2 =	vmul.f32 v10, v2  }
0x211: {  	v10 =	vld [tilespmem:s9+$0xA000];
	[tilespmem:s8+$0x10020] =	vst v12;
	v6 =	vmul.f32 v8, v6  }
0x212: {  	v8 =	vld [tilespmem:s9+$0xC070];
	[tilespmem:s8+$0x10030] =	vst v2;
	v2 =	vmul.f32 v7, v4  }
0x213: {  	v4 =	vld [tilespmem:s9+$0xE000];
	[tilespmem:s8+$0x10040] =	vst v6;
	v5 =	vmul.f32 v9, v5  }
0x214: {  	v6 =	vld [tilespmem:s9+$0xA010];
	[tilespmem:s8+$0x10050] =	vst v2  }
0x215: {  	v2 =	vld [tilespmem:s9+$0xE010];
	v3 =	vadd.f32 v13, v3;
	[tilespmem:s8+$0x10060] =	vst v5;
	s8 =	smov.u32 s9  }
0x216: {  	v5 =	vld [tilespmem:s8+$0xA020]  }
0x217: {  	v7 =	vld [tilespmem:s8+$0xE020];
	v3 =	vmul.f32 v8, v3  }
0x218: {  	v9 =	vadd.f32 v4, v10;
	v4 =	vld [tilespmem:s8+$0xA030]  }
0x219: {  	v8 =	vld [tilespmem:s8+$0xE030];
	[tilespmem:s8+$0x10070] =	vst v3  }
0x21a: {  	v3 =	vadd.f32 v2, v6;
	v6 =	vld [tilespmem:s8+$0xA040]  }
0x21b: {  	v10 =	vld [tilespmem:s8+$0xE040]  }
0x21c: {  	v12 =	vadd.f32 v7, v5;
	v5 =	vld [tilespmem:s8+$0xA050]  }
0x21d: {  	v7 =	vld [tilespmem:s8+$0xE050]  }
0x21e: {  	v2 =	vadd.f32 v8, v4;
	v11 =	vld [tilespmem:s8+$0xA060]  }
0x21f: {  	v13 =	vld [tilespmem:s8+$0xE060]  }
0x220: {  	v14 =	vld [tilespmem:s8+$0xC000];
	v6 =	vadd.f32 v10, v6  }
0x221: {  	v15 =	vld [tilespmem:s8+$0xC010]  }
0x222: {  	v16 =	vld [tilespmem:s8+$0xC020];
	v4 =	vadd.f32 v7, v5  }
.Ltmp6:
0x223: {  	v10 =	vld [tilespmem:s8+$0xC030];
	(pc) =	sbr.rel @p0 .LBB2_14-.Ltmp6, $4  }
0x224: {  	v8 =	vld [tilespmem:s8+$0xC040];
	v5 =	vadd.f32 v13, v11  }
0x225: {  	v13 =	vmul.f32 v14, v9;
	v7 =	vld [tilespmem:s8+$0xC050]  }
0x226: {  	s9 =	sshra.s32 s10, $0x2;
	v11 =	vmul.f32 v15, v3;
	v9 =	vld [tilespmem:s8+$0xC060]  }
0x227: {  	s10 =	sadd.s32 $0x200, s10;
	v3 =	vld [tilespmem:s9+$0xA070];
	[tilespmem:s8+$0x10000] =	vst v13;
	v12 =	vmul.f32 v16, v12  }
0x228: {  	v13 =	vld [tilespmem:s9+$0xE070];
	[tilespmem:s8+$0x10010] =	vst v11;
	v2 =	vmul.f32 v10, v2  }
0x229: {  	v11 =	vld [tilespmem:s9+$0xA000];
	[tilespmem:s8+$0x10020] =	vst v12;
	v6 =	vmul.f32 v8, v6  }
0x22a: {  	v10 =	vld [tilespmem:s9+$0xC070];
	[tilespmem:s8+$0x10030] =	vst v2;
	v4 =	vmul.f32 v7, v4  }
0x22b: {  	v2 =	vld [tilespmem:s9+$0xE000];
	[tilespmem:s8+$0x10040] =	vst v6;
	v5 =	vmul.f32 v9, v5  }
0x22c: {  	v6 =	vld [tilespmem:s9+$0xA010];
	[tilespmem:s8+$0x10050] =	vst v4  }
0x22d: {  	v4 =	vld [tilespmem:s9+$0xE010];
	[tilespmem:s8+$0x10060] =	vst v5  }
0x22e: {  	v5 =	vld [tilespmem:s9+$0xA020]  }
0x22f: {  	v7 =	vld [tilespmem:s9+$0xE020]  }
0x230: {  	v8 =	vld [tilespmem:s9+$0xA030]  }
0x231: {  	v9 =	vld [tilespmem:s9+$0xE030]  }
0x232: {  	v12 =	vld [tilespmem:s9+$0xA050]  }
0x233: {  	v3 =	vadd.f32 v13, v3;
	v13 =	vld [tilespmem:s9+$0xE050]  }
0x234: {  	v14 =	vld [tilespmem:s9+$0xA060]  }
0x235: {  	v15 =	vld [tilespmem:s9+$0xE060]  }
0x236: {  	v16 =	vld [tilespmem:s9+$0xC000]  }
0x237: {  	v17 =	vld [tilespmem:s9+$0xC010]  }
0x238: {  	v18 =	vld [tilespmem:s9+$0xC020];
	v3 =	vmul.f32 v10, v3  }
0x239: {  	v10 =	vld [tilespmem:s9+$0xE040]  }
0x23a: {  	[tilespmem:s9+$0x10070] =	vst v3;
	v3 =	vld [tilespmem:s9+$0xA040]  }
0x23b: {  	v2 =	vadd.f32 v2, v11;
	v11 =	vld [tilespmem:s9+$0xC030]  }
0x23c: {  	v4 =	vadd.f32 v4, v6;
	v6 =	vld [tilespmem:s9+$0xC040]  }
0x23d: {  	v5 =	vadd.f32 v7, v5;
	v2 =	vmul.f32 v16, v2;
	v7 =	vld [tilespmem:s9+$0xC050]  }
0x23e: {  	v8 =	vadd.f32 v9, v8;
	v9 =	vld [tilespmem:s9+$0xC060];
	v4 =	vmul.f32 v17, v4  }
0x23f: {  	[tilespmem:s9+$0x10000] =	vst v2;
	v2 =	vmul.f32 v18, v5;
	v3 =	vadd.f32 v10, v3  }
0x240: {  	v5 =	vadd.f32 v13, v12;
	[tilespmem:s9+$0x10010] =	vst v4;
	v4 =	vmul.f32 v11, v8  }
0x241: {  	v8 =	vadd.f32 v15, v14;
	[tilespmem:s9+$0x10020] =	vst v2;
	v2 =	vmul.f32 v6, v3  }
0x242: {  	[tilespmem:s9+$0x10030] =	vst v4;
	v3 =	vmul.f32 v7, v5  }
0x243: {  	[tilespmem:s9+$0x10040] =	vst v2;
	v2 =	vmul.f32 v9, v8  }
0x244: {  	[tilespmem:s9+$0x10050] =	vst v3  }
0x245: {  	s8 =	simm.s32 $0x0;
	[tilespmem:s9+$0x10060] =	vst v2  }
0x246: {  	[hbm4b:s26+s8] =	stream.linear.scatter [tilespmem:s1], [sflag:$0x6], $0x2000, $0x38;
	[tilespmem:$0x1C600] =	vst v63  }
0x247: {  	_ =	swait.ge [sflag:s18], $0x2000  }
0x248: {  	[sflag:s18] =	ssyncset.done $0x0  }
0x249: {  	s10 =	rddreg [dreg:$0x15];
	[sflag:s18] =	ssyncadd.s32 $0xFFFFE000  }
0x24a: {  	[tilespmem:s22], [sflag:$0x5] =	stream.linear.gather [hbm4b:s10+s8], $0x2000, $0x38;
	[tilespmem:$0x1C600] =	vst v63  }
0x24b: {  	s10 =	rddreg [dreg:$0x14]  }
0x24c: {  	[tilespmem:s30], [sflag:$0x5] =	stream.linear.gather [hbm4b:s10+s8], $0x2000, $0x38;
	[tilespmem:$0x1C600] =	vst v63  }
0x24d: {  	_ = 	snop  }
0x24e: {  	[tilespmem:s15], [sflag:$0x6] =	stream.linear.gather [spmem:s13], $0x2000, $0x38;
	[tilespmem:$0x1C600] =	vst v63  }
0x24f: {  	_ =	swait.ge [sflag:s18], $0x2000  }
0x250: {  	[sflag:s18] =	ssyncset.done $0x0  }
0x251: {  	[sflag:s18] =	ssyncadd.s32 $0xFFFFE000  }
0x252: {  	_ =	swait.ge [sflag:s0], $0x2000  }
0x253: {  	[sflag:s0] =	ssyncset.done $0x0  }
0x254: {  	[sflag:s0] =	ssyncadd.s32 $0xFFFFE000  }
0x255: {  	_ =	swait.ge [sflag:s0], $0x2000  }
0x256: {  	[sflag:s0] =	ssyncset.done $0x0  }
0x257: {  	s8 =	simm.s32 $0x0;
	[sflag:s0] =	ssyncadd.s32 $0xFFFFE000  }
0x258: {  	v2 =	vld [tilespmem:s8+$0xA070]  }
0x259: {  	v3 =	vld [tilespmem:s8+$0xE070]  }
0x25a: {  	v4 =	vld [tilespmem:s8+$0xA000]  }
0x25b: {  	v5 =	vld [tilespmem:s8+$0xC070]  }
0x25c: {  	v6 =	vld [tilespmem:s8+$0xE000]  }
0x25d: {  	v7 =	vld [tilespmem:s8+$0xA010]  }
0x25e: {  	v9 =	vld [tilespmem:s8+$0xE010]  }
0x25f: {  	v11 =	vld [tilespmem:s8+$0xE020]  }
0x260: {  	v12 =	vld [tilespmem:s8+$0xE030]  }
0x261: {  	v13 =	vld [tilespmem:s8+$0xA040]  }
0x262: {  	v14 =	vld [tilespmem:s8+$0xE040]  }
0x263: {  	v15 =	vld [tilespmem:s8+$0xA050]  }
0x264: {  	v61 =	vld [tilespmem:s8+$0xE050]  }
0x265: {  	v62 =	vld [tilespmem:s8+$0xA060]  }
0x266: {  	v63 =	vld [tilespmem:s8+$0xE060]  }
0x267: {  	v19 =	vld [tilespmem:s8+$0xC000];
	v2 =	vadd.f32 v3, v2  }
0x268: {  	v3 =	vld [tilespmem:s8+$0xA020]  }
0x269: {  	v2 =	vmul.f32 v5, v2;
	v5 =	vld [tilespmem:s8+$0xA030]  }
0x26a: {  	v20 =	vld [tilespmem:s8+$0xC010]  }
0x26b: {  	v21 =	vld [tilespmem:s8+$0xC020]  }
0x26c: {  	v10 =	vld [tilespmem:s8+$0xC030];
	v4 =	vadd.f32 v6, v4  }
0x26d: {  	v8 =	vld [tilespmem:s8+$0xC040];
	v22 =	vadd.f32 v9, v7  }
0x26e: {  	v7 =	vld [tilespmem:s8+$0xC050];
	[tilespmem:s8+$0x10070] =	vst v2;
	v23 =	vadd.f32 v11, v3;
	v2 =	vadd.f32 v12, v5;
	v12 =	vmul.f32 v19, v4  }
0x26f: {  	s9 =	simm.s32 $0x80;
	v9 =	vld [tilespmem:s8+$0xC060];
	v6 =	vadd.f32 v14, v13;
	v11 =	vmul.f32 v20, v22  }
0x270: {  	s10 =	simm.s32 $0x400;
	v3 =	vld [tilespmem:s9+$0xA070];
	v4 =	vadd.f32 v61, v15;
	v5 =	vadd.f32 v63, v62;
	[tilespmem:s8+$0x10000] =	vst v12;
	v12 =	vmul.f32 v21, v23  }
.LBB2_16:
0x271: {  	p0 =	sne.s32 s10, $0x7E00;
	v13 =	vld [tilespmem:s9+$0xE070];
	[tilespmem:s8+$0x10010] =	vst v11;
	v2 =	vmul.f32 v10, v2  }
0x272: {  	v10 =	vld [tilespmem:s9+$0xA000];
	[tilespmem:s8+$0x10020] =	vst v12;
	v6 =	vmul.f32 v8, v6  }
0x273: {  	v8 =	vld [tilespmem:s9+$0xC070];
	[tilespmem:s8+$0x10030] =	vst v2;
	v2 =	vmul.f32 v7, v4  }
0x274: {  	v4 =	vld [tilespmem:s9+$0xE000];
	[tilespmem:s8+$0x10040] =	vst v6;
	v5 =	vmul.f32 v9, v5  }
0x275: {  	v6 =	vld [tilespmem:s9+$0xA010];
	[tilespmem:s8+$0x10050] =	vst v2  }
0x276: {  	v2 =	vld [tilespmem:s9+$0xE010];
	v3 =	vadd.f32 v13, v3;
	[tilespmem:s8+$0x10060] =	vst v5;
	s8 =	smov.u32 s9  }
0x277: {  	v5 =	vld [tilespmem:s8+$0xA020]  }
0x278: {  	v7 =	vld [tilespmem:s8+$0xE020];
	v3 =	vmul.f32 v8, v3  }
0x279: {  	v9 =	vadd.f32 v4, v10;
	v4 =	vld [tilespmem:s8+$0xA030]  }
0x27a: {  	v8 =	vld [tilespmem:s8+$0xE030];
	[tilespmem:s8+$0x10070] =	vst v3  }
0x27b: {  	v3 =	vadd.f32 v2, v6;
	v6 =	vld [tilespmem:s8+$0xA040]  }
0x27c: {  	v10 =	vld [tilespmem:s8+$0xE040]  }
0x27d: {  	v12 =	vadd.f32 v7, v5;
	v5 =	vld [tilespmem:s8+$0xA050]  }
0x27e: {  	v7 =	vld [tilespmem:s8+$0xE050]  }
0x27f: {  	v2 =	vadd.f32 v8, v4;
	v11 =	vld [tilespmem:s8+$0xA060]  }
0x280: {  	v13 =	vld [tilespmem:s8+$0xE060]  }
0x281: {  	v14 =	vld [tilespmem:s8+$0xC000];
	v6 =	vadd.f32 v10, v6  }
0x282: {  	v15 =	vld [tilespmem:s8+$0xC010]  }
0x283: {  	v16 =	vld [tilespmem:s8+$0xC020];
	v4 =	vadd.f32 v7, v5  }
.Ltmp7:
0x284: {  	v10 =	vld [tilespmem:s8+$0xC030];
	(pc) =	sbr.rel @p0 .LBB2_16-.Ltmp7, $4  }
0x285: {  	v8 =	vld [tilespmem:s8+$0xC040];
	v5 =	vadd.f32 v13, v11  }
0x286: {  	v13 =	vmul.f32 v14, v9;
	v7 =	vld [tilespmem:s8+$0xC050]  }
0x287: {  	s9 =	sshra.s32 s10, $0x2;
	v11 =	vmul.f32 v15, v3;
	v9 =	vld [tilespmem:s8+$0xC060]  }
0x288: {  	s10 =	sadd.s32 $0x200, s10;
	v3 =	vld [tilespmem:s9+$0xA070];
	[tilespmem:s8+$0x10000] =	vst v13;
	v12 =	vmul.f32 v16, v12  }
0x289: {  	v13 =	vld [tilespmem:s9+$0xE070];
	[tilespmem:s8+$0x10010] =	vst v11;
	v2 =	vmul.f32 v10, v2  }
0x28a: {  	v11 =	vld [tilespmem:s9+$0xA000];
	[tilespmem:s8+$0x10020] =	vst v12;
	v6 =	vmul.f32 v8, v6  }
0x28b: {  	v51 =	vld [tilespmem:s9+$0xC070];
	[tilespmem:s8+$0x10030] =	vst v2;
	v4 =	vmul.f32 v7, v4  }
0x28c: {  	v2 =	vld [tilespmem:s9+$0xE000];
	[tilespmem:s8+$0x10040] =	vst v6;
	v5 =	vmul.f32 v9, v5  }
0x28d: {  	v6 =	vld [tilespmem:s9+$0xA010];
	[tilespmem:s8+$0x10050] =	vst v4  }
0x28e: {  	v4 =	vld [tilespmem:s9+$0xE010];
	[tilespmem:s8+$0x10060] =	vst v5  }
0x28f: {  	v5 =	vld [tilespmem:s9+$0xA020]  }
0x290: {  	v52 =	vld [tilespmem:s9+$0xE020]  }
0x291: {  	v53 =	vld [tilespmem:s9+$0xA030]  }
0x292: {  	v54 =	vld [tilespmem:s9+$0xE030]  }
0x293: {  	v55 =	vld [tilespmem:s9+$0xE040]  }
0x294: {  	v12 =	vld [tilespmem:s9+$0xA050]  }
0x295: {  	v56 =	vld [tilespmem:s9+$0xE050]  }
0x296: {  	v14 =	vld [tilespmem:s9+$0xA060]  }
0x297: {  	v3 =	vadd.f32 v13, v3;
	v15 =	vld [tilespmem:s9+$0xE060]  }
0x298: {  	v16 =	vld [tilespmem:s9+$0xC000]  }
0x299: {  	v17 =	vld [tilespmem:s9+$0xC010];
	v3 =	vmul.f32 v51, v3  }
0x29a: {  	v18 =	vld [tilespmem:s9+$0xC020]  }
0x29b: {  	[tilespmem:s9+$0x10070] =	vst v3;
	v3 =	vld [tilespmem:s9+$0xA040]  }
0x29c: {  	v57 =	vld [tilespmem:s9+$0xC030];
	v2 =	vadd.f32 v2, v11  }
0x29d: {  	v58 =	vld [tilespmem:s9+$0xC040];
	v4 =	vadd.f32 v4, v6  }
0x29e: {  	v59 =	vld [tilespmem:s9+$0xC050];
	v5 =	vadd.f32 v52, v5;
	v2 =	vmul.f32 v16, v2  }
0x29f: {  	v60 =	vld [tilespmem:s9+$0xC060];
	v8 =	vadd.f32 v54, v53;
	v4 =	vmul.f32 v17, v4  }
0x2a0: {  	[tilespmem:s9+$0x10000] =	vst v2;
	v2 =	vmul.f32 v18, v5;
	v3 =	vadd.f32 v55, v3  }
0x2a1: {  	v61 =	vadd.f32 v56, v12;
	v62 =	vmul.f32 v57, v8;
	[tilespmem:s9+$0x10010] =	vst v4  }
0x2a2: {  	v63 =	vadd.f32 v15, v14;
	[tilespmem:s9+$0x10020] =	vst v2;
	v2 =	vmul.f32 v58, v3  }
0x2a3: {  	[tilespmem:s9+$0x10030] =	vst v62;
	v3 =	vmul.f32 v59, v61  }
0x2a4: {  	[tilespmem:s9+$0x10040] =	vst v2;
	v2 =	vmul.f32 v60, v63  }
0x2a5: {  	[tilespmem:s9+$0x10050] =	vst v3  }
0x2a6: {  	s10 =	simm.s32 $0x0;
	[tilespmem:s9+$0x10060] =	vst v2  }
0x2a7: {  	[hbm4b:s29+s10] =	stream.linear.scatter [tilespmem:s1], [sflag:$0x6], $0x2000, $0x38;
	[tilespmem:$0x1C600] =	vst v63  }
0x2a8: {  	_ =	swait.ge [sflag:s18], $0x2000  }
0x2a9: {  	[sflag:s18] =	ssyncset.done $0x0  }
0x2aa: {  	[sflag:s18] =	ssyncadd.s32 $0xFFFFE000  }
0x2ab: {  	s8 =	simm.s32 $0x0;
	s9 =	simm.s32 $0x200;
	[bflag:$0x0] =	sbarrier.arrive $0xFFFF  }
.LBB2_18:
0x2ac: {  	p0 =	sne.s32 s9, $0x7E00;
	[tilespmem:s8+$0xA070] =	vst v1  }
0x2ad: {  	[tilespmem:s8+$0xA000] =	vst v1  }
0x2ae: {  	[tilespmem:s8+$0xA010] =	vst v1  }
.Ltmp8:
0x2af: {  	[tilespmem:s8+$0xA020] =	vst v1;
	(pc) =	sbr.rel @p0 .LBB2_18-.Ltmp8, $4  }
0x2b0: {  	[tilespmem:s8+$0xA030] =	vst v1  }
0x2b1: {  	[tilespmem:s8+$0xA040] =	vst v1  }
0x2b2: {  	[tilespmem:s8+$0xA050] =	vst v1  }
0x2b3: {  	[tilespmem:s8+$0xA060] =	vst v1;
	s8 =	sshra.s32 s9, $0x2;
	s9 =	sadd.s32 $0x200, s9  }
0x2b4: {  	[tilespmem:s8+$0xA070] =	vst v1  }
0x2b5: {  	[tilespmem:s8+$0xA000] =	vst v1  }
0x2b6: {  	[tilespmem:s8+$0xA010] =	vst v1  }
0x2b7: {  	[tilespmem:s8+$0xA020] =	vst v1  }
0x2b8: {  	[tilespmem:s8+$0xA030] =	vst v1  }
0x2b9: {  	[tilespmem:s8+$0xA040] =	vst v1  }
0x2ba: {  	[tilespmem:s8+$0xA050] =	vst v1  }
0x2bb: {  	[tilespmem:s8+$0xA060] =	vst v1  }
0x2bc: {  	[spmem:s31] =	stream.linear.scatter [tilespmem:s15], [sflag:$0x6], $0x2000, $0x38;
	[tilespmem:$0x1C600] =	vst v63  }
0x2bd: {  	_ =	swait.ge [sflag:s18], $0x2000  }
0x2be: {  	[sflag:s18] =	ssyncset.done $0x0  }
0x2bf: {  	[sflag:s18] =	ssyncadd.s32 $0xFFFFE000  }
0x2c0: {  	[spmem:s14] =	stream.linear.scatter [tilespmem:s15], [sflag:$0x6], $0x2000, $0x38;
	[tilespmem:$0x1C600] =	vst v63  }
0x2c1: {  	_ =	swait.ge [sflag:s18], $0x2000  }
0x2c2: {  	[sflag:s18] =	ssyncset.done $0x0  }
0x2c3: {  	[sflag:s18] =	ssyncadd.s32 $0xFFFFE000  }
0x2c4: {  	[bflag:$0x0] =	sbarrier.arrive $0xFFFF  }
0x2c5: {  	[tilespmem:s22], [sflag:$0x6] =	stream.linear.gather [hbm4b:s17+s3], $0x2000, $0x38;
	[tilespmem:$0x1C600] =	vst v63  }
0x2c6: {  	_ =	swait.ge [sflag:s18], $0x2000  }
0x2c7: {  	[sflag:s18] =	ssyncset.done $0x0  }
0x2c8: {  	s10 =	simm.s32 $0x12000;
	[sflag:s18] =	ssyncadd.s32 $0xFFFFE000  }
0x2c9: {  	[spmem:s2] =	stream.indirect.scatter.add.f32 [tilespmem:s22], [sflag:$0x6], $0x80, s10, s6, $0xb8;
	[tilespmem:$0x1C600] =	vst v63  }
0x2ca: {  	_ =	swait.ge [sflag:s18], $0x2000  }
0x2cb: {  	[sflag:s18] =	ssyncset.done $0x0  }
0x2cc: {  	[sflag:s18] =	ssyncadd.s32 $0xFFFFE000  }
0x2cd: {  	[tilespmem:s22], [sflag:$0x6] =	stream.linear.gather [hbm4b:s20+s3], $0x2000, $0x38;
	[tilespmem:$0x1C600] =	vst v63  }
0x2ce: {  	_ =	swait.ge [sflag:s18], $0x2000  }
0x2cf: {  	[sflag:s18] =	ssyncset.done $0x0  }
0x2d0: {  	s9 =	simm.s32 $0x12080;
	[sflag:s18] =	ssyncadd.s32 $0xFFFFE000  }
0x2d1: {  	[spmem:s2] =	stream.indirect.scatter.add.f32 [tilespmem:s22], [sflag:$0x6], $0x80, s9, s6, $0xb8;
	[tilespmem:$0x1C600] =	vst v63  }
0x2d2: {  	_ =	swait.ge [sflag:s18], $0x2000  }
0x2d3: {  	[sflag:s18] =	ssyncset.done $0x0  }
0x2d4: {  	[sflag:s18] =	ssyncadd.s32 $0xFFFFE000  }
0x2d5: {  	[tilespmem:s22], [sflag:$0x6] =	stream.linear.gather [hbm4b:s23+s3], $0x2000, $0x38;
	[tilespmem:$0x1C600] =	vst v63  }
0x2d6: {  	_ =	swait.ge [sflag:s18], $0x2000  }
0x2d7: {  	[sflag:s18] =	ssyncset.done $0x0  }
0x2d8: {  	s10 =	simm.s32 $0x12100;
	[sflag:s18] =	ssyncadd.s32 $0xFFFFE000  }
0x2d9: {  	[spmem:s2] =	stream.indirect.scatter.add.f32 [tilespmem:s22], [sflag:$0x6], $0x80, s10, s6, $0xb8;
	[tilespmem:$0x1C600] =	vst v63  }
0x2da: {  	_ =	swait.ge [sflag:s18], $0x2000  }
0x2db: {  	[sflag:s18] =	ssyncset.done $0x0  }
0x2dc: {  	[sflag:s18] =	ssyncadd.s32 $0xFFFFE000  }
0x2dd: {  	[tilespmem:s22], [sflag:$0x6] =	stream.linear.gather [hbm4b:s26+s3], $0x2000, $0x38;
	[tilespmem:$0x1C600] =	vst v63  }
0x2de: {  	_ =	swait.ge [sflag:s18], $0x2000  }
0x2df: {  	[sflag:s18] =	ssyncset.done $0x0  }
0x2e0: {  	s9 =	simm.s32 $0x12180;
	[sflag:s18] =	ssyncadd.s32 $0xFFFFE000  }
0x2e1: {  	[spmem:s2] =	stream.indirect.scatter.add.f32 [tilespmem:s22], [sflag:$0x6], $0x80, s9, s6, $0xb8;
	[tilespmem:$0x1C600] =	vst v63  }
0x2e2: {  	_ =	swait.ge [sflag:s18], $0x2000  }
0x2e3: {  	[sflag:s18] =	ssyncset.done $0x0  }
0x2e4: {  	[sflag:s18] =	ssyncadd.s32 $0xFFFFE000  }
0x2e5: {  	[tilespmem:s22], [sflag:$0x6] =	stream.linear.gather [hbm4b:s29+s3], $0x2000, $0x38;
	[tilespmem:$0x1C600] =	vst v63  }
0x2e6: {  	_ =	swait.ge [sflag:s18], $0x2000  }
0x2e7: {  	[sflag:s18] =	ssyncset.done $0x0  }
0x2e8: {  	s10 =	simm.s32 $0x12200;
	[sflag:s18] =	ssyncadd.s32 $0xFFFFE000  }
0x2e9: {  	[spmem:s2] =	stream.indirect.scatter.add.f32 [tilespmem:s22], [sflag:$0x6], $0x80, s10, s6, $0xb8;
	[tilespmem:$0x1C600] =	vst v63  }
0x2ea: {  	_ =	swait.ge [sflag:s18], $0x2000  }
0x2eb: {  	[sflag:s18] =	ssyncset.done $0x0  }
0x2ec: {  	s9 =	stileid.u32;
	[sflag:s18] =	ssyncadd.s32 $0xFFFFE000  }
0x2ed: {  	s8 =	sshll.u32 s9, $0x6;
	[bflag:$0x0] =	sbarrier.arrive $0xFFFF  }
0x2ee: {  	s9 =	sshrl.u32 s31, $0x3;
	s8 =	sor.u32 $0x1C06, s8;
	s10 =	rddreg [dreg:$0xc]  }
0x2ef: {  	[hbm:s10], [sflag:s8] =	dma.local [spmem:s9], $0x800  }
0x2f0: {  	_ =	swait.ge [sflag:s18], $0x800  }
0x2f1: {  	s7 =	sadd.s32 $0x1, s7;
	s10 =	rddreg [dreg:$0x16]  }
0x2f2: {  	p0 =	sne.s32 s7, s10  }
.Ltmp9:
0x2f3: {  	_ = 	snop;
	(pc) =	sbr.rel @p0 .LBB2_1-.Ltmp9, $3  }
0x2f4: {  	_ =	sdelay $0x1  }
0x2f5: {  	[sflag:s18] =	ssyncset.done $0x0  }
0x2f6: {  	[sflag:s18] =	ssyncadd.s32 $0xFFFFF800  }
0x2f7: {  	_ =	sfence.sel $0x180000  }
0x2f8: {  	[bflag:$0x0] =	sbarrier.arrive $0xFFFF  }
0x2f9: {  	_ =	strace $0x9000004A  }
0x2fa: {  	s0 =	stileid.u32;
	[bflag:$0x2] =	sbarrier.arrive $0xFFFF  }
0x2fb: {  	p0 =	sne.s32 s0, $0x0;
	s0 =	rddreg [dreg:$0x3]  }
0x2fc: {  	s0 =	sadd.s32 @!p0 $0x100000, s0  }
0x2fd: {  	[sflag:s0] =	ssyncadd.tile.s32 @!p0 $0x1;
	_ =	shalt  }
.Lfunc_end2:
_tile_overlayer_lowered:
.L_overlay_start_2:
0x2fe: {  	(tag) =	ssettag $0x2  }
0x2ff: {  	s0 =	rddreg [dreg:$0x0];
	s2 =	stileid.u32  }
0x300: {  	s1 =	rddreg [dreg:$0x1];
	p0 =	sne.s32 s2, $0x0  }
0x301: {  	s3 =	rddreg [dreg:$0x2];
	[bflag:$0x3] =	sbarrier.arrive $0xFFFF;
	s2 =	simm.s32 @!p0 $0x1C06  }
0x302: {  	[timem:s3], [sflag:s2] =	dma.local @!p0 [hbm:s0], s1  }
0x303: {  	s0 =	simm.s32 @!p0 $0x6  }
0x304: {  	_ =	swait.ge @!p0 [sflag:s0], s1  }
0x305: {  	s1 =	ssub.s32 @!p0 $0x0, s1;
	[sflag:s0] =	ssyncset.done @!p0 $0x0  }
0x306: {  	[sflag:s0] =	ssyncadd.s32 @!p0 s1  }
0x307: {  	[bflag:$0x3] =	sbarrier.arrive $0xFFFF  }
0x308: {  	_ =	shalt  }

// kernel: kernel.13.cloned.1.call-start
scs
__scs_entry_jumppad:
0x0: {  	(pc) =	sbr.rel $0x88, $3  }
0x1: {  	(tag) =	ssettag $0x0;
	lr =	simm.s32 $0x1  }
0x2: {  	[smem:$0x3F97] =	sst lr;
	_ =	strace $0xD0000000  }
0x3: {  	_ = 	snop  }
0x4: {  	_ = 	snop  }
0x5: {  	_ = 	snop  }
0x6: {  	_ = 	snop  }
0x7: {  	_ = 	snop  }
__scs_overlays_trampoline_lowered:
0x8: {  	[smem:$0x3FA6] =	sst s0  }
0x9: {  	[smem:$0x3FA7] =	sst s1  }
0xa: {  	[smem:$0x3FA8] =	sst s2  }
0xb: {  	[smem:$0x3FA9] =	sst s3  }
0xc: {  	[smem:$0x3FAA] =	sst s4  }
0xd: {  	[smem:$0x3FAB] =	sst s5  }
0xe: {  	[smem:$0x3FAC] =	sst s6  }
0xf: {  	[smem:$0x3FAD] =	sst s7  }
0x10: {  	[smem:$0x3FAE] =	sst s8  }
0x11: {  	[smem:$0x3FAF] =	sst s9;
	s0 =	simm.s32 @!p0 $0x0  }
0x12: {  	s1 =	sld [smem:$0x3F95];
	s0 =	simm.s32 @p0 $0x1  }
0x13: {  	[smem:$0x3FB0] =	sst s0;
	s0 =	simm.s32 @!p1 $0x0  }
0x14: {  	s2 =	sld [smem:$0x3F94];
	s0 =	simm.s32 @p1 $0x1  }
0x15: {  	[smem:$0x3FB1] =	sst s0;
	s0 =	simm.s32 @!p2 $0x0  }
0x16: {  	s3 =	sld [smem:$0x3FDB];
	s0 =	simm.s32 @p2 $0x1  }
0x17: {  	s4 =	simm.s32 $0x1BF5;
	[smem:$0x3FB3] =	sst s0  }
0x18: {  	s0 =	sld [smem:$0x3F96];
	_ =	swait.ge [sflag:s4], $0x0  }
0x19: {  	s7 =	sld [smem:$0x3F97]  }
0x1a: {  	s8 =	sadd.s32 $0xFFFFE003, lr  }
0x1b: {  	s9 =	sadd.s32 $0xFFFFFEF7, lr;
	s5 =	simm.s32 $0xFFFFFFFF;
	p2 =	slt.u32 s8, $0xFFFFF086  }
0x1c: {  	p1 =	slt.u32 s9, $0xF7A;
	s5 =	simm.s32 @!p2 $0x0  }
0x1d: {  	s5 =	simm.s32 @p1 $0x1;
	p0 =	seq.s32 s7, s2  }
0x1e: {  	s7 =	smul.u32 @!p0 $0xF7A, s2;
	p2 =	seq.s32 @!p0 s5, $0x0  }
0x1f: {  	s9 =	smul.u32 $0xF7A, s1;
	s8 =	simm.s32 @!p0 $0x1BF5;
	p2 =	por !p2, p0  }
0x20: {  	[sflag:s8] =	ssyncset.s32 @!p0 $0xFFFFF086;
	s6 =	sadd.s32 @!p0 s3, s7;
	s7 =	simm.s32 @!p0 $0x108  }
0x21: {  	s3 =	sadd.s32 s3, s9;
	s6 =	sadd.s32 @!p0 $0x88, s6;
	s7 =	simm.s32 @p2 $0x1082  }
0x22: {  	[simem:s7], [sflag:s8] =	dma.local @!p0 [hbm:s6], $0xF7A  }
0x23: {  	s9 =	sor.u32 $0xD0000000, s2;
	s6 =	simm.s32 $0x108;
	_ =	swait.ge @!p0 [sflag:s8], $0x0  }
0x24: {  	s3 =	sadd.s32 $0x88, s3;
	s6 =	simm.s32 @!p1 $0x1082;
	[sflag:s4] =	ssyncset.s32 $0xFFFFF086  }
0x25: {  	[simem:s6], [sflag:s4] =	dma.local [hbm:s3], $0xF7A  }
0x26: {  	[smem:$0x3F97] =	sst s1;
	(tag) =	ssettag s2;
	_ =	strace s9  }
0x27: {  	s1 =	sld [smem:$0x3FA7]  }
0x28: {  	s2 =	sld [smem:$0x3FA8]  }
0x29: {  	s4 =	sld [smem:$0x3FAA]  }
0x2a: {  	p0 =	seq.s32 s5, $0x0;
	s5 =	sld [smem:$0x3FAB]  }
0x2b: {  	s6 =	sld [smem:$0x3FAC]  }
0x2c: {  	s7 =	sld [smem:$0x3FAD]  }
0x2d: {  	s3 =	simm.s32 $0x108;
	s8 =	sld [smem:$0x3FAE]  }
0x2e: {  	s3 =	simm.s32 @!p0 $0x1082;
	s9 =	sld [smem:$0x3FAF]  }
0x2f: {  	lr =	sadd.s32 s0, s3;
	s0 =	sld [smem:$0x3FA6]  }
0x30: {  	s3 =	sld [smem:$0x3FA9]  }
0x31: {  	[smem:$0x3FB2] =	sst s10  }
0x32: {  	s10 =	sld [smem:$0x3FB0];
	_ =	sdelay $0x3  }
0x33: {  	p0 =	seq.s32 s10, $0x1;
	s10 =	sld [smem:$0x3FB2];
	_ =	sdelay $0x3  }
0x34: {  	[smem:$0x3FB2] =	sst s10  }
0x35: {  	s10 =	sld [smem:$0x3FB1];
	_ =	sdelay $0x3  }
0x36: {  	p1 =	seq.s32 s10, $0x1;
	s10 =	sld [smem:$0x3FB2];
	_ =	sdelay $0x3  }
0x37: {  	[smem:$0x3FB2] =	sst s10  }
0x38: {  	s10 =	sld [smem:$0x3FB3]  }
0x39: {  	_ = 	snop;
	(pc) =	sbr.ind lr, $3  }
0x3a: {  	_ = 	snop  }
0x3b: {  	_ = 	snop  }
0x3c: {  	p2 =	seq.s32 s10, $0x1;
	s10 =	sld [smem:$0x3FB2]  }
0x3d: {  	_ =	shalt  }
0x3e: {  	_ =	shalt  }
0x3f: {  	_ =	shalt  }
0x40: {  	_ =	shalt  }
0x41: {  	_ =	shalt  }
0x42: {  	_ =	shalt  }
0x43: {  	_ =	shalt  }
0x44: {  	_ =	shalt  }
0x45: {  	_ =	shalt  }
0x46: {  	_ =	shalt  }
0x47: {  	_ =	shalt  }
0x48: {  	_ =	shalt  }
0x49: {  	_ =	shalt  }
0x4a: {  	_ =	shalt  }
0x4b: {  	_ =	shalt  }
0x4c: {  	_ =	shalt  }
0x4d: {  	_ =	shalt  }
0x4e: {  	_ =	shalt  }
0x4f: {  	_ =	shalt  }
0x50: {  	_ =	shalt  }
0x51: {  	_ =	shalt  }
0x52: {  	_ =	shalt  }
0x53: {  	_ =	shalt  }
0x54: {  	_ =	shalt  }
0x55: {  	_ =	shalt  }
0x56: {  	_ =	shalt  }
0x57: {  	_ =	shalt  }
0x58: {  	_ =	shalt  }
0x59: {  	_ =	shalt  }
0x5a: {  	_ =	shalt  }
0x5b: {  	_ =	shalt  }
0x5c: {  	_ =	shalt  }
0x5d: {  	_ =	shalt  }
0x5e: {  	_ =	shalt  }
0x5f: {  	_ =	shalt  }
0x60: {  	_ =	shalt  }
0x61: {  	_ =	shalt  }
0x62: {  	_ =	shalt  }
0x63: {  	_ =	shalt  }
0x64: {  	_ =	shalt  }
0x65: {  	_ =	shalt  }
0x66: {  	_ =	shalt  }
0x67: {  	_ =	shalt  }
0x68: {  	_ =	shalt  }
0x69: {  	_ =	shalt  }
0x6a: {  	_ =	shalt  }
0x6b: {  	_ =	shalt  }
0x6c: {  	_ =	shalt  }
0x6d: {  	_ =	shalt  }
0x6e: {  	_ =	shalt  }
0x6f: {  	_ =	shalt  }
0x70: {  	_ =	shalt  }
0x71: {  	_ =	shalt  }
0x72: {  	_ =	shalt  }
0x73: {  	_ =	shalt  }
0x74: {  	_ =	shalt  }
0x75: {  	_ =	shalt  }
0x76: {  	_ =	shalt  }
0x77: {  	_ =	shalt  }
0x78: {  	_ =	shalt  }
0x79: {  	_ =	shalt  }
0x7a: {  	_ =	shalt  }
0x7b: {  	_ =	shalt  }
0x7c: {  	_ =	shalt  }
0x7d: {  	_ =	shalt  }
0x7e: {  	_ =	shalt  }
0x7f: {  	_ =	shalt  }
0x80: {  	_ =	shalt  }
0x81: {  	_ =	shalt  }
0x82: {  	_ =	shalt  }
0x83: {  	_ =	shalt  }
0x84: {  	_ =	shalt  }
0x85: {  	_ =	shalt  }
0x86: {  	_ =	shalt  }
0x87: {  	_ =	shalt  }
.Lfunc_end0:
.L_simem_size_0:
called_computation.2_lowered:
.L_overlay_start_0:
0x88: {  	s2 =	sld [smem:$0x3FD9]  }
0x89: {  	s3 =	sld [smem:$0x3FFE];
	_ =	sdelay $0x1  }
0x8a: {  	s1 =	srdreg.scid  }
0x8b: {  	s0 =	sand.u32 $0x1, s1  }
0x8c: {  	s14 =	sshll.u32 s0, $0xA;
	s2 =	sadd.s32 s3, s2  }
0x8d: {  	s2 =	sadd.s32 s2, s14  }
0x8e: {  	[smem:$0x3FBE] =	sst s2  }
0x8f: {  	_ = 	snop  }
0x90: {  	s2 =	sld [smem:$0x3FD0];
	_ =	sdelay $0x2  }
0x91: {  	s15 =	simm.s32 $0xA;
	s4 =	simm.s32 $0x10  }
0x92: {  	[smem:s4], [sflag:s15] =	dma.local [hbm:s2], $0x1  }
0x93: {  	_ =	swait.eq [sflag:s15], $0x1  }
0x94: {  	[sflag:s15] =	ssyncset.done $0x0  }
0x95: {  	[sflag:s15] =	ssyncadd.s32 $0xFFFFFFFF  }
0x96: {  	s16 =	sld [smem:$0x11];
	(tm) =	ssettm $0x1  }
0x97: {  	s17 =	sld [smem:$0x3FFB];
	_ =	sdelay $0x3  }
0x98: {  	_ =	strace s17  }
0x99: {  	s3 =	sld [smem:$0x3FFC];
	_ =	sdelay $0x3  }
0x9a: {  	_ =	strace s3  }
0x9b: {  	s3 =	sld [smem:$0x3FFD];
	_ =	sdelay $0x3  }
0x9c: {  	_ =	strace s3  }
0x9d: {  	_ =	strace $0x8FFFFFFF  }
0x9e: {  	s18 =	sld [smem:$0x3FDB];
	_ =	sdelay $0x1  }
0x9f: {  	s19 =	simm.s32 $_scs_section_size  }
0xa0: {  	s5 =	simm.s32 $_size__tile_overlayer_lowered;
	s6 =	simm.s32 $_tile_overlayer_lowered  }
0xa1: {  	s22 =	simm.s32 $0x1BFF;
	s21 =	sshll.u32 s6, $0x1;
	s3 =	sadd.s32 s19, s18  }
0xa2: {  	s7 =	simm.s32 $0x0;
	s20 =	sshll.u32 s5, $0x1;
	s5 =	sadd.s32 s21, s3  }
0xa3: {  	[timem:s7], [sflag:s22] =	dma.local [hbm:s5], s20  }
0xa4: {  	_ =	swait.ge [sflag:s22], s20  }
0xa5: {  	s4 =	ssub.s32 $0x0, s20;
	[sflag:s22] =	ssyncset.done $0x0  }
0xa6: {  	[sflag:s22] =	ssyncadd.s32 s4;
	_ =	sdelay $0x1  }
0xa7: {  	s23 =	simm.s32 $0x1B8B  }
0xa8: {  	_ =	swait.ge [sflag:s23], $0x1  }
0xa9: {  	[sflag:s23] =	ssyncset.done $0x0  }
0xaa: {  	s25 =	simm.s32 $0x1B8E;
	s24 =	sld [smem:$0x3FFE];
	[sflag:s23] =	ssyncadd.s32 $0xFFFFFFFF  }
0xab: {  	s26 =	simm.s32 $execute0_lowered;
	[smem:$0x3FD2] =	sst s25  }
0xac: {  	s5 =	sshll.u32 s26, $0x1;
	_ =	strace $0x8000004C;
	[dreg:$0x1] =	wrdreg $0xFFFFFFFF  }
0xad: {  	s28 =	simm.s32 $_size_execute0_lowered;
	s3 =	sadd.s32 s3, s5;
	[dreg:$0x0] =	wrdreg $0x0  }
0xae: {  	s5 =	sshll.u32 s28, $0x1;
	[dreg:$0x2] =	wrdreg s3  }
0xaf: {  	[dreg:$0x3] =	wrdreg s5  }
0xb0: {  	[dreg:$0x4] =	wrdreg $0xC0  }
0xb1: {  	_ =	task [dreg:s7], $0x5FFFF  }
0xb2: {  	[dreg:$0x1] =	wrdreg $0xFFFFFFFF  }
0xb3: {  	[dreg:$0x0] =	wrdreg $0x60  }
0xb4: {  	[dreg:$0x2] =	wrdreg s24  }
0xb5: {  	[dreg:$0x3] =	wrdreg s16  }
0xb6: {  	[dreg:$0x4] =	wrdreg $0x82000  }
0xb7: {  	[dreg:$0x5] =	wrdreg $0x9  }
0xb8: {  	_ =	task.clear_ibuf [dreg:s7], $0x6FFFF;
	_ =	strace $0x9000004C  }
0xb9: {  	s29 =	simm.s32 $0x9;
	_ =	strace $0x8000004E  }
0xba: {  	_ =	swait.ge [sflag:s29], $0x1  }
0xbb: {  	[sflag:s29] =	ssyncadd.s32 $0xFFFFFFFF  }
0xbc: {  	_ =	strace $0x9000004E  }
0xbd: {  	_ =	sfence  }
0xbe: {  	s30 =	sld [smem:$0x0];
	_ =	sdelay $0x2  }
0xbf: {  	s31 =	sshll.u32 s1, $0xD;
	s1 =	sshrl.u32 s1, $0x2  }
0xc0: {  	s3 =	sand.u32 $0x4000, s31;
	s1 =	sadd.s32 s1, s30  }
0xc1: {  	s0 =	sor.u32 s3, s0;
	s1 =	sshll.u32 s1, $0x11  }
0xc2: {  	s0 =	sor.u32 s1, s0  }
0xc3: {  	s0 =	sadd.s32 $0x8F2B, s0  }
0xc4: {  	[sflag:s0] =	ssyncadd.remote.s32 $0x1  }
0xc5: {  	_ =	sfence.sel $0xFFFF  }
0xc6: {  	[dreg:$0x0] =	wrdreg $0xFFFFFFFF;
	(pc) =	sbr.abs _section_cstart, $3  }
0xc7: {  	[dreg:$0x1] =	wrdreg $0xFFFFFFFF  }
0xc8: {  	_ =	task.clear_ibuf [dreg:s7], $0x2FFFF;
	_ =	strace $0x9FFFFFFF  }
0xc9: {  	(tm) =	ssettm $0x7FFFFFFF  }
tec
execute0_lowered:
.L_overlay_start_1:
0x0: {  	(tag) =	ssettag $0x1  }
0x1: {  	s6 =	rddreg [dreg:$0x0]  }
0x2: {  	s8 =	rddreg [dreg:$0x1]  }
0x3: {  	s1 =	rddreg [dreg:$0x2]  }
0x4: {  	s0 =	rddreg [dreg:$0x3];
	s2 =	simm.s32 $0x0  }
0x5: {  	s5 =	srdreg.scid;
	s3 =	stileid.u32;
	s14 =	simm.s32 $0x8100  }
0x6: {  	s15 =	simm.s32 $0x80;
	s16 =	simm.s32 $0x1;
	s17 =	simm.s32 $0x8080  }
0x7: {  	s18 =	simm.s32 $0x8180;
	s19 =	simm.s32 $0x0;
	[smem:$0x7FF] =	sst s2  }
0x8: {  	s4 =	sadd.s32 $0x2A00, s6;
	s7 =	sand.u32 $0x1, s5;
	s5 =	sadd.s32 $0x8F000, s6  }
0x9: {  	s10 =	sshll.u32 s3, $0x5;
	s29 =	sshll.u32 s3, $0xB;
	s31 =	sshll.u32 s3, $0xE  }
0xa: {  	_ =	strace $0x8000004D;
	s9 =	sshll.u32 s7, $0x9;
	s11 =	ssub.s32 $0x2, s7  }
0xb: {  	s13 =	sshll.u32 s7, $0xF;
	s9 =	sor.u32 s10, s9;
	s30 =	sshrl.u32 s11, $0x1  }
0xc: {  	s10 =	sadd.s32 s29, s6;
	s12 =	sadd.s32 s9, s6;
	s11 =	ssub.s32 s11, s30  }
0xd: {  	s6 =	sadd.s32 s31, s1;
	s10 =	sadd.s32 s13, s10;
	s8 =	sadd.s32 s8, s9  }
0xe: {  	s13 =	simm.s32 $0x8000;
	s7 =	sadd.s32 $0xAA00, s12;
	s9 =	sadd.s32 $0xAE00, s10  }
0xf: {  	v0 =	vimm.f32 $0.0e+00;
	s10 =	smax.u32 s11, $0x1;
	s11 =	simm.s32 $0x4000;
	s12 =	simm.s32 $0x2  }
.LBB2_1:
0x10: {  	s20 =	simm.s32 $0x0;
	s21 =	simm.s32 $0x200  }
.LBB2_2:
0x11: {  	p0 =	sne.s32 s21, $0xFE00;
	[tilespmem:s20+$0x4070] =	vst v0  }
0x12: {  	[tilespmem:s20+$0x4000] =	vst v0  }
0x13: {  	[tilespmem:s20+$0x4010] =	vst v0  }
.Ltmp0:
0x14: {  	[tilespmem:s20+$0x4020] =	vst v0;
	(pc) =	sbr.rel @p0 .LBB2_2-.Ltmp0, $4  }
0x15: {  	[tilespmem:s20+$0x4030] =	vst v0  }
0x16: {  	[tilespmem:s20+$0x4040] =	vst v0  }
0x17: {  	[tilespmem:s20+$0x4050] =	vst v0  }
0x18: {  	[tilespmem:s20+$0x4060] =	vst v0;
	s20 =	sshra.s32 s21, $0x2;
	s21 =	sadd.s32 $0x200, s21  }
0x19: {  	[tilespmem:s20+$0x4070] =	vst v0  }
0x1a: {  	[tilespmem:s20+$0x4000] =	vst v0  }
0x1b: {  	[tilespmem:s20+$0x4010] =	vst v0  }
0x1c: {  	[tilespmem:s20+$0x4020] =	vst v0  }
0x1d: {  	[tilespmem:s20+$0x4030] =	vst v0  }
0x1e: {  	[tilespmem:s20+$0x4040] =	vst v0  }
0x1f: {  	[tilespmem:s20+$0x4050] =	vst v0  }
0x20: {  	[tilespmem:s20+$0x4060] =	vst v0  }
0x21: {  	[spmem:s6] =	stream.linear.scatter [tilespmem:s11], [sflag:$0x2], $0x4000, $0x38;
	[tilespmem:$0xC200] =	vst v63  }
0x22: {  	_ =	swait.ge [sflag:s12], $0x4000  }
0x23: {  	[sflag:s12] =	ssyncset.done $0x0  }
0x24: {  	s31 =	simm.s32 $0x0;
	[sflag:s12] =	ssyncadd.s32 $0xFFFFC000  }
0x25: {  	[tilespmem:s13], [sflag:$0x2] =	stream.linear.gather [hbm4b:s7+s31], $0x100, $0x38;
	[tilespmem:$0xC200] =	vst v63  }
0x26: {  	_ =	swait.ge [sflag:s12], $0x100  }
0x27: {  	[sflag:s12] =	ssyncset.done $0x0  }
0x28: {  	[sflag:s12] =	ssyncadd.s32 $0xFFFFFF00  }
0x29: {  	[tilespmem:s14], [sflag:$0x2] =	stream.linear.gather [hbm4b:s8+s31], $0x100, $0x38;
	[tilespmem:$0xC200] =	vst v63  }
0x2a: {  	_ =	swait.ge [sflag:s12], $0x100  }
0x2b: {  	[sflag:s12] =	ssyncset.done $0x0  }
0x2c: {  	[sflag:s12] =	ssyncadd.s32 $0xFFFFFF00  }
0x2d: {  	[bflag:$0x0] =	sbarrier.arrive $0xFFFF  }
0x2e: {  	[tilespmem:s31], [sflag:$0x1] =	stream.indirect.gather [hbm4b:s4+s15], $0x80, s13, s15, $0xb8;
	[tilespmem:$0xC200] =	vst v63  }
0x2f: {  	_ = 	snop  }
0x30: {  	[tilespmem:s11], [sflag:$0x1] =	stream.indirect.gather [hbm4b:s5+s15], $0x80, s13, s15, $0xb8;
	[tilespmem:$0xC200] =	vst v63  }
0x31: {  	_ =	swait.ge [sflag:s16], $0x4000  }
0x32: {  	[sflag:s16] =	ssyncset.done $0x0  }
0x33: {  	[sflag:s16] =	ssyncadd.s32 $0xFFFFC000  }
0x34: {  	_ =	swait.ge [sflag:s16], $0x4000  }
0x35: {  	[sflag:s16] =	ssyncset.done $0x0  }
0x36: {  	s20 =	simm.s32 $0x0;
	[sflag:s16] =	ssyncadd.s32 $0xFFFFC000  }
0x37: {  	v8 =	vld [tilespmem:s20+$0x4000]  }
0x38: {  	v12 =	vld [tilespmem:s20+$0x4010]  }
0x39: {  	v6 =	vld [tilespmem:s20+$0x4020]  }
0x3a: {  	v5 =	vld [tilespmem:s20+$0x4030]  }
0x3b: {  	v4 =	vld [tilespmem:s20+$0x4040]  }
0x3c: {  	v3 =	vld [tilespmem:s20+$0x4050]  }
0x3d: {  	v2 =	vld [tilespmem:s20+$0x4060]  }
0x3e: {  	v1 =	vld [tilespmem:s20+$0x4070]  }
0x3f: {  	v13 =	vld [tilespmem:s20+$0x0]  }
0x40: {  	v14 =	vld [tilespmem:s20+$0x10]  }
0x41: {  	v11 =	vld [tilespmem:s20+$0x20]  }
0x42: {  	v10 =	vld [tilespmem:s20+$0x30]  }
0x43: {  	v9 =	vld [tilespmem:s20+$0x40]  }
0x44: {  	v7 =	vld [tilespmem:s20+$0x50];
	v13 =	vadd.f32 v8, v13  }
0x45: {  	s21 =	simm.s32 $0x200;
	v12 =	vadd.f32 v12, v14;
	v8 =	vld [tilespmem:s20+$0x60]  }
.LBB2_4:
0x46: {  	s22 =	sshra.s32 s21, $0x2;
	p0 =	sne.s32 s21, $0xFE00;
	[tilespmem:s20+$0x0] =	vst v13;
	v6 =	vadd.f32 v6, v11;
	v11 =	vld [tilespmem:s20+$0x70]  }
0x47: {  	v13 =	vld [tilespmem:s22+$0x4000];
	[tilespmem:s20+$0x10] =	vst v12;
	v5 =	vadd.f32 v5, v10  }
0x48: {  	v12 =	vld [tilespmem:s22+$0x4010];
	[tilespmem:s20+$0x20] =	vst v6;
	v4 =	vadd.f32 v4, v9  }
0x49: {  	v6 =	vld [tilespmem:s22+$0x4020];
	[tilespmem:s20+$0x30] =	vst v5;
	v3 =	vadd.f32 v3, v7  }
0x4a: {  	v5 =	vld [tilespmem:s22+$0x4030];
	[tilespmem:s20+$0x40] =	vst v4;
	v2 =	vadd.f32 v2, v8  }
0x4b: {  	v4 =	vld [tilespmem:s22+$0x4040];
	[tilespmem:s20+$0x50] =	vst v3;
	v1 =	vadd.f32 v1, v11  }
0x4c: {  	v3 =	vld [tilespmem:s22+$0x4050];
	[tilespmem:s20+$0x60] =	vst v2  }
0x4d: {  	v2 =	vld [tilespmem:s22+$0x4060];
	[tilespmem:s20+$0x70] =	vst v1;
	s20 =	smov.u32 s22  }
0x4e: {  	v1 =	vld [tilespmem:s20+$0x4070]  }
0x4f: {  	v7 =	vld [tilespmem:s20+$0x0]  }
0x50: {  	v8 =	vld [tilespmem:s20+$0x10]  }
.Ltmp1:
0x51: {  	v11 =	vld [tilespmem:s20+$0x20];
	(pc) =	sbr.rel @p0 .LBB2_4-.Ltmp1, $4  }
0x52: {  	v10 =	vld [tilespmem:s20+$0x30]  }
0x53: {  	v9 =	vld [tilespmem:s20+$0x40]  }
0x54: {  	v13 =	vadd.f32 v13, v7;
	v7 =	vld [tilespmem:s20+$0x50]  }
0x55: {  	s21 =	sadd.s32 $0x200, s21;
	v12 =	vadd.f32 v12, v8;
	v8 =	vld [tilespmem:s20+$0x60]  }
0x56: {  	[tilespmem:s20+$0x0] =	vst v13;
	v6 =	vadd.f32 v6, v11;
	v11 =	vld [tilespmem:s20+$0x70]  }
0x57: {  	[tilespmem:s20+$0x10] =	vst v12;
	v5 =	vadd.f32 v5, v10  }
0x58: {  	[tilespmem:s20+$0x20] =	vst v6;
	v4 =	vadd.f32 v4, v9  }
0x59: {  	[tilespmem:s20+$0x30] =	vst v5;
	v3 =	vadd.f32 v3, v7  }
0x5a: {  	[tilespmem:s20+$0x40] =	vst v4;
	v2 =	vadd.f32 v2, v8  }
0x5b: {  	[tilespmem:s20+$0x50] =	vst v3;
	v1 =	vadd.f32 v1, v11  }
0x5c: {  	[tilespmem:s20+$0x60] =	vst v2  }
0x5d: {  	s31 =	simm.s32 $0x0;
	[tilespmem:s20+$0x70] =	vst v1  }
0x5e: {  	[spmem:s1] =	stream.indirect.scatter.add.f32 [tilespmem:s31], [sflag:$0x2], $0x80, s14, s15, $0xb8;
	[tilespmem:$0xC200] =	vst v63  }
0x5f: {  	_ =	swait.ge [sflag:s12], $0x4000  }
0x60: {  	[sflag:s12] =	ssyncset.done $0x0  }
0x61: {  	[sflag:s12] =	ssyncadd.s32 $0xFFFFC000  }
0x62: {  	[tilespmem:s31], [sflag:$0x1] =	stream.indirect.gather [hbm4b:s4+s15], $0x80, s17, s15, $0xb8;
	[tilespmem:$0xC200] =	vst v63  }
0x63: {  	_ = 	snop  }
0x64: {  	[tilespmem:s11], [sflag:$0x1] =	stream.indirect.gather [hbm4b:s5+s15], $0x80, s17, s15, $0xb8;
	[tilespmem:$0xC200] =	vst v63  }
0x65: {  	_ =	swait.ge [sflag:s16], $0x4000  }
0x66: {  	[sflag:s16] =	ssyncset.done $0x0  }
0x67: {  	[sflag:s16] =	ssyncadd.s32 $0xFFFFC000  }
0x68: {  	_ =	swait.ge [sflag:s16], $0x4000  }
0x69: {  	[sflag:s16] =	ssyncset.done $0x0  }
0x6a: {  	s20 =	simm.s32 $0x0;
	[sflag:s16] =	ssyncadd.s32 $0xFFFFC000  }
0x6b: {  	v8 =	vld [tilespmem:s20+$0x4000]  }
0x6c: {  	v12 =	vld [tilespmem:s20+$0x4010]  }
0x6d: {  	v6 =	vld [tilespmem:s20+$0x4020]  }
0x6e: {  	v5 =	vld [tilespmem:s20+$0x4030]  }
0x6f: {  	v4 =	vld [tilespmem:s20+$0x4040]  }
0x70: {  	v3 =	vld [tilespmem:s20+$0x4050]  }
0x71: {  	v2 =	vld [tilespmem:s20+$0x4060]  }
0x72: {  	v1 =	vld [tilespmem:s20+$0x4070]  }
0x73: {  	v13 =	vld [tilespmem:s20+$0x0]  }
0x74: {  	v14 =	vld [tilespmem:s20+$0x10]  }
0x75: {  	v11 =	vld [tilespmem:s20+$0x20]  }
0x76: {  	v10 =	vld [tilespmem:s20+$0x30]  }
0x77: {  	v9 =	vld [tilespmem:s20+$0x40]  }
0x78: {  	v7 =	vld [tilespmem:s20+$0x50];
	v13 =	vadd.f32 v8, v13  }
0x79: {  	s21 =	simm.s32 $0x200;
	v12 =	vadd.f32 v12, v14;
	v8 =	vld [tilespmem:s20+$0x60]  }
.LBB2_6:
0x7a: {  	s22 =	sshra.s32 s21, $0x2;
	p0 =	sne.s32 s21, $0xFE00;
	[tilespmem:s20+$0x0] =	vst v13;
	v6 =	vadd.f32 v6, v11;
	v11 =	vld [tilespmem:s20+$0x70]  }
0x7b: {  	v13 =	vld [tilespmem:s22+$0x4000];
	[tilespmem:s20+$0x10] =	vst v12;
	v5 =	vadd.f32 v5, v10  }
0x7c: {  	v12 =	vld [tilespmem:s22+$0x4010];
	[tilespmem:s20+$0x20] =	vst v6;
	v4 =	vadd.f32 v4, v9  }
0x7d: {  	v6 =	vld [tilespmem:s22+$0x4020];
	[tilespmem:s20+$0x30] =	vst v5;
	v3 =	vadd.f32 v3, v7  }
0x7e: {  	v5 =	vld [tilespmem:s22+$0x4030];
	[tilespmem:s20+$0x40] =	vst v4;
	v2 =	vadd.f32 v2, v8  }
0x7f: {  	v4 =	vld [tilespmem:s22+$0x4040];
	[tilespmem:s20+$0x50] =	vst v3;
	v1 =	vadd.f32 v1, v11  }
0x80: {  	v3 =	vld [tilespmem:s22+$0x4050];
	[tilespmem:s20+$0x60] =	vst v2  }
0x81: {  	v2 =	vld [tilespmem:s22+$0x4060];
	[tilespmem:s20+$0x70] =	vst v1;
	s20 =	smov.u32 s22  }
0x82: {  	v1 =	vld [tilespmem:s20+$0x4070]  }
0x83: {  	v7 =	vld [tilespmem:s20+$0x0]  }
0x84: {  	v8 =	vld [tilespmem:s20+$0x10]  }
.Ltmp2:
0x85: {  	v11 =	vld [tilespmem:s20+$0x20];
	(pc) =	sbr.rel @p0 .LBB2_6-.Ltmp2, $4  }
0x86: {  	v10 =	vld [tilespmem:s20+$0x30]  }
0x87: {  	v9 =	vld [tilespmem:s20+$0x40]  }
0x88: {  	v13 =	vadd.f32 v13, v7;
	v7 =	vld [tilespmem:s20+$0x50]  }
0x89: {  	s21 =	sadd.s32 $0x200, s21;
	v12 =	vadd.f32 v12, v8;
	v8 =	vld [tilespmem:s20+$0x60]  }
0x8a: {  	[tilespmem:s20+$0x0] =	vst v13;
	v6 =	vadd.f32 v6, v11;
	v63 =	vld [tilespmem:s20+$0x70]  }
0x8b: {  	[tilespmem:s20+$0x10] =	vst v12;
	v5 =	vadd.f32 v5, v10  }
0x8c: {  	[tilespmem:s20+$0x20] =	vst v6;
	v4 =	vadd.f32 v4, v9  }
0x8d: {  	[tilespmem:s20+$0x30] =	vst v5;
	v3 =	vadd.f32 v3, v7  }
0x8e: {  	[tilespmem:s20+$0x40] =	vst v4;
	v2 =	vadd.f32 v2, v8  }
0x8f: {  	[tilespmem:s20+$0x50] =	vst v3;
	v1 =	vadd.f32 v1, v63  }
0x90: {  	[tilespmem:s20+$0x60] =	vst v2  }
0x91: {  	[tilespmem:s20+$0x70] =	vst v1  }
0x92: {  	[spmem:s1] =	stream.indirect.scatter.add.f32 [tilespmem:s2], [sflag:$0x2], $0x80, s18, s15, $0xb8;
	[tilespmem:$0xC200] =	vst v63  }
0x93: {  	_ =	swait.ge [sflag:s12], $0x4000  }
0x94: {  	s31 =	sshll.u32 s3, $0x6;
	s19 =	sadd.s32 $0x1, s19;
	[sflag:s12] =	ssyncset.done $0x0  }
0x95: {  	s21 =	sshrl.u32 s6, $0x3;
	p0 =	sne.s32 s19, s10;
	[sflag:s12] =	ssyncadd.s32 $0xFFFFC000  }
.Ltmp3:
0x96: {  	s20 =	sor.u32 $0x1C02, s31;
	[bflag:$0x0] =	sbarrier.arrive $0xFFFF;
	(pc) =	sbr.rel @p0 .LBB2_1-.Ltmp3, $4  }
0x97: {  	[hbm:s9], [sflag:s20] =	dma.local [spmem:s21], $0x800  }
0x98: {  	_ =	swait.ge [sflag:s12], $0x800  }
0x99: {  	[sflag:s12] =	ssyncset.done $0x0  }
0x9a: {  	[sflag:s12] =	ssyncadd.s32 $0xFFFFF800  }
0x9b: {  	_ =	sfence.sel $0x180000  }
0x9c: {  	[bflag:$0x0] =	sbarrier.arrive $0xFFFF  }
0x9d: {  	p0 =	sne.s32 s3, $0x0;
	_ =	strace $0x9000004D  }
0x9e: {  	s0 =	sadd.s32 @!p0 $0x100000, s0;
	[bflag:$0x2] =	sbarrier.arrive $0xFFFF  }
0x9f: {  	[sflag:s0] =	ssyncadd.tile.s32 @!p0 $0x1;
	_ =	shalt  }
.Lfunc_end2:
_tile_overlayer_lowered:
.L_overlay_start_2:
0xa0: {  	(tag) =	ssettag $0x2  }
0xa1: {  	s0 =	rddreg [dreg:$0x0];
	s2 =	stileid.u32  }
0xa2: {  	s1 =	rddreg [dreg:$0x1];
	p0 =	sne.s32 s2, $0x0  }
0xa3: {  	s3 =	rddreg [dreg:$0x2];
	[bflag:$0x3] =	sbarrier.arrive $0xFFFF;
	s2 =	simm.s32 @!p0 $0x1C02  }
0xa4: {  	[timem:s3], [sflag:s2] =	dma.local @!p0 [hbm:s0], s1  }
0xa5: {  	s0 =	simm.s32 @!p0 $0x2  }
0xa6: {  	_ =	swait.ge @!p0 [sflag:s0], s1  }
0xa7: {  	s1 =	ssub.s32 @!p0 $0x0, s1;
	[sflag:s0] =	ssyncset.done @!p0 $0x0  }
0xa8: {  	[sflag:s0] =	ssyncadd.s32 @!p0 s1  }
0xa9: {  	[bflag:$0x3] =	sbarrier.arrive $0xFFFF  }
0xaa: {  	_ =	shalt  }

// kernel: kernel.7.cloned.1.call-start
scs
__scs_entry_jumppad:
0x0: {  	(pc) =	sbr.rel $0x88, $3  }
0x1: {  	(tag) =	ssettag $0x0;
	lr =	simm.s32 $0x1  }
0x2: {  	[smem:$0x3F97] =	sst lr;
	_ =	strace $0xD0000000  }
0x3: {  	_ = 	snop  }
0x4: {  	_ = 	snop  }
0x5: {  	_ = 	snop  }
0x6: {  	_ = 	snop  }
0x7: {  	_ = 	snop  }
__scs_overlays_trampoline_lowered:
0x8: {  	[smem:$0x3FA6] =	sst s0  }
0x9: {  	[smem:$0x3FA7] =	sst s1  }
0xa: {  	[smem:$0x3FA8] =	sst s2  }
0xb: {  	[smem:$0x3FA9] =	sst s3  }
0xc: {  	[smem:$0x3FAA] =	sst s4  }
0xd: {  	[smem:$0x3FAB] =	sst s5  }
0xe: {  	[smem:$0x3FAC] =	sst s6  }
0xf: {  	[smem:$0x3FAD] =	sst s7  }
0x10: {  	[smem:$0x3FAE] =	sst s8  }
0x11: {  	[smem:$0x3FAF] =	sst s9;
	s0 =	simm.s32 @!p0 $0x0  }
0x12: {  	s1 =	sld [smem:$0x3F95];
	s0 =	simm.s32 @p0 $0x1  }
0x13: {  	[smem:$0x3FB0] =	sst s0;
	s0 =	simm.s32 @!p1 $0x0  }
0x14: {  	s2 =	sld [smem:$0x3F94];
	s0 =	simm.s32 @p1 $0x1  }
0x15: {  	[smem:$0x3FB1] =	sst s0;
	s0 =	simm.s32 @!p2 $0x0  }
0x16: {  	s3 =	sld [smem:$0x3FDB];
	s0 =	simm.s32 @p2 $0x1  }
0x17: {  	s4 =	simm.s32 $0x1BF5;
	[smem:$0x3FB3] =	sst s0  }
0x18: {  	s0 =	sld [smem:$0x3F96];
	_ =	swait.ge [sflag:s4], $0x0  }
0x19: {  	s7 =	sld [smem:$0x3F97]  }
0x1a: {  	s8 =	sadd.s32 $0xFFFFE003, lr  }
0x1b: {  	s9 =	sadd.s32 $0xFFFFFEF7, lr;
	s5 =	simm.s32 $0xFFFFFFFF;
	p2 =	slt.u32 s8, $0xFFFFF086  }
0x1c: {  	p1 =	slt.u32 s9, $0xF7A;
	s5 =	simm.s32 @!p2 $0x0  }
0x1d: {  	s5 =	simm.s32 @p1 $0x1;
	p0 =	seq.s32 s7, s2  }
0x1e: {  	s7 =	smul.u32 @!p0 $0xF7A, s2;
	p2 =	seq.s32 @!p0 s5, $0x0  }
0x1f: {  	s9 =	smul.u32 $0xF7A, s1;
	s8 =	simm.s32 @!p0 $0x1BF5;
	p2 =	por !p2, p0  }
0x20: {  	[sflag:s8] =	ssyncset.s32 @!p0 $0xFFFFF086;
	s6 =	sadd.s32 @!p0 s3, s7;
	s7 =	simm.s32 @!p0 $0x108  }
0x21: {  	s3 =	sadd.s32 s3, s9;
	s6 =	sadd.s32 @!p0 $0x88, s6;
	s7 =	simm.s32 @p2 $0x1082  }
0x22: {  	[simem:s7], [sflag:s8] =	dma.local @!p0 [hbm:s6], $0xF7A  }
0x23: {  	s9 =	sor.u32 $0xD0000000, s2;
	s6 =	simm.s32 $0x108;
	_ =	swait.ge @!p0 [sflag:s8], $0x0  }
0x24: {  	s3 =	sadd.s32 $0x88, s3;
	s6 =	simm.s32 @!p1 $0x1082;
	[sflag:s4] =	ssyncset.s32 $0xFFFFF086  }
0x25: {  	[simem:s6], [sflag:s4] =	dma.local [hbm:s3], $0xF7A  }
0x26: {  	[smem:$0x3F97] =	sst s1;
	(tag) =	ssettag s2;
	_ =	strace s9  }
0x27: {  	s1 =	sld [smem:$0x3FA7]  }
0x28: {  	s2 =	sld [smem:$0x3FA8]  }
0x29: {  	s4 =	sld [smem:$0x3FAA]  }
0x2a: {  	p0 =	seq.s32 s5, $0x0;
	s5 =	sld [smem:$0x3FAB]  }
0x2b: {  	s6 =	sld [smem:$0x3FAC]  }
0x2c: {  	s7 =	sld [smem:$0x3FAD]  }
0x2d: {  	s3 =	simm.s32 $0x108;
	s8 =	sld [smem:$0x3FAE]  }
0x2e: {  	s3 =	simm.s32 @!p0 $0x1082;
	s9 =	sld [smem:$0x3FAF]  }
0x2f: {  	lr =	sadd.s32 s0, s3;
	s0 =	sld [smem:$0x3FA6]  }
0x30: {  	s3 =	sld [smem:$0x3FA9]  }
0x31: {  	[smem:$0x3FB2] =	sst s10  }
0x32: {  	s10 =	sld [smem:$0x3FB0];
	_ =	sdelay $0x3  }
0x33: {  	p0 =	seq.s32 s10, $0x1;
	s10 =	sld [smem:$0x3FB2];
	_ =	sdelay $0x3  }
0x34: {  	[smem:$0x3FB2] =	sst s10  }
0x35: {  	s10 =	sld [smem:$0x3FB1];
	_ =	sdelay $0x3  }
0x36: {  	p1 =	seq.s32 s10, $0x1;
	s10 =	sld [smem:$0x3FB2];
	_ =	sdelay $0x3  }
0x37: {  	[smem:$0x3FB2] =	sst s10  }
0x38: {  	s10 =	sld [smem:$0x3FB3]  }
0x39: {  	_ = 	snop;
	(pc) =	sbr.ind lr, $3  }
0x3a: {  	_ = 	snop  }
0x3b: {  	_ = 	snop  }
0x3c: {  	p2 =	seq.s32 s10, $0x1;
	s10 =	sld [smem:$0x3FB2]  }
0x3d: {  	_ =	shalt  }
0x3e: {  	_ =	shalt  }
0x3f: {  	_ =	shalt  }
0x40: {  	_ =	shalt  }
0x41: {  	_ =	shalt  }
0x42: {  	_ =	shalt  }
0x43: {  	_ =	shalt  }
0x44: {  	_ =	shalt  }
0x45: {  	_ =	shalt  }
0x46: {  	_ =	shalt  }
0x47: {  	_ =	shalt  }
0x48: {  	_ =	shalt  }
0x49: {  	_ =	shalt  }
0x4a: {  	_ =	shalt  }
0x4b: {  	_ =	shalt  }
0x4c: {  	_ =	shalt  }
0x4d: {  	_ =	shalt  }
0x4e: {  	_ =	shalt  }
0x4f: {  	_ =	shalt  }
0x50: {  	_ =	shalt  }
0x51: {  	_ =	shalt  }
0x52: {  	_ =	shalt  }
0x53: {  	_ =	shalt  }
0x54: {  	_ =	shalt  }
0x55: {  	_ =	shalt  }
0x56: {  	_ =	shalt  }
0x57: {  	_ =	shalt  }
0x58: {  	_ =	shalt  }
0x59: {  	_ =	shalt  }
0x5a: {  	_ =	shalt  }
0x5b: {  	_ =	shalt  }
0x5c: {  	_ =	shalt  }
0x5d: {  	_ =	shalt  }
0x5e: {  	_ =	shalt  }
0x5f: {  	_ =	shalt  }
0x60: {  	_ =	shalt  }
0x61: {  	_ =	shalt  }
0x62: {  	_ =	shalt  }
0x63: {  	_ =	shalt  }
0x64: {  	_ =	shalt  }
0x65: {  	_ =	shalt  }
0x66: {  	_ =	shalt  }
0x67: {  	_ =	shalt  }
0x68: {  	_ =	shalt  }
0x69: {  	_ =	shalt  }
0x6a: {  	_ =	shalt  }
0x6b: {  	_ =	shalt  }
0x6c: {  	_ =	shalt  }
0x6d: {  	_ =	shalt  }
0x6e: {  	_ =	shalt  }
0x6f: {  	_ =	shalt  }
0x70: {  	_ =	shalt  }
0x71: {  	_ =	shalt  }
0x72: {  	_ =	shalt  }
0x73: {  	_ =	shalt  }
0x74: {  	_ =	shalt  }
0x75: {  	_ =	shalt  }
0x76: {  	_ =	shalt  }
0x77: {  	_ =	shalt  }
0x78: {  	_ =	shalt  }
0x79: {  	_ =	shalt  }
0x7a: {  	_ =	shalt  }
0x7b: {  	_ =	shalt  }
0x7c: {  	_ =	shalt  }
0x7d: {  	_ =	shalt  }
0x7e: {  	_ =	shalt  }
0x7f: {  	_ =	shalt  }
0x80: {  	_ =	shalt  }
0x81: {  	_ =	shalt  }
0x82: {  	_ =	shalt  }
0x83: {  	_ =	shalt  }
0x84: {  	_ =	shalt  }
0x85: {  	_ =	shalt  }
0x86: {  	_ =	shalt  }
0x87: {  	_ =	shalt  }
.Lfunc_end0:
.L_simem_size_0:
called_computation_lowered:
.L_overlay_start_0:
0x88: {  	s2 =	sld [smem:$0x3FD9]  }
0x89: {  	s3 =	sld [smem:$0x3FFE];
	_ =	sdelay $0x1  }
0x8a: {  	s1 =	srdreg.scid  }
0x8b: {  	s0 =	sand.u32 $0x1, s1  }
0x8c: {  	s14 =	sshll.u32 s0, $0xA;
	s2 =	sadd.s32 s3, s2  }
0x8d: {  	s2 =	sadd.s32 s2, s14  }
0x8e: {  	[smem:$0x3FBE] =	sst s2  }
0x8f: {  	_ = 	snop  }
0x90: {  	s2 =	sld [smem:$0x3FD0];
	_ =	sdelay $0x2  }
0x91: {  	s15 =	simm.s32 $0xA;
	s4 =	simm.s32 $0x10  }
0x92: {  	[smem:s4], [sflag:s15] =	dma.local [hbm:s2], $0x1  }
0x93: {  	_ =	swait.eq [sflag:s15], $0x1  }
0x94: {  	[sflag:s15] =	ssyncset.done $0x0  }
0x95: {  	[sflag:s15] =	ssyncadd.s32 $0xFFFFFFFF  }
0x96: {  	s16 =	sld [smem:$0x11];
	(tm) =	ssettm $0x1  }
0x97: {  	s17 =	sld [smem:$0x3FFB];
	_ =	sdelay $0x3  }
0x98: {  	_ =	strace s17  }
0x99: {  	s3 =	sld [smem:$0x3FFC];
	_ =	sdelay $0x3  }
0x9a: {  	_ =	strace s3  }
0x9b: {  	s3 =	sld [smem:$0x3FFD];
	_ =	sdelay $0x3  }
0x9c: {  	_ =	strace s3  }
0x9d: {  	_ =	strace $0x8FFFFFFF  }
0x9e: {  	s18 =	sld [smem:$0x3FDB];
	_ =	sdelay $0x1  }
0x9f: {  	s19 =	simm.s32 $_scs_section_size  }
0xa0: {  	s5 =	simm.s32 $_size__tile_overlayer_lowered;
	s6 =	simm.s32 $_tile_overlayer_lowered  }
0xa1: {  	s22 =	simm.s32 $0x1BFF;
	s21 =	sshll.u32 s6, $0x1;
	s3 =	sadd.s32 s19, s18  }
0xa2: {  	s7 =	simm.s32 $0x0;
	s20 =	sshll.u32 s5, $0x1;
	s5 =	sadd.s32 s21, s3  }
0xa3: {  	[timem:s7], [sflag:s22] =	dma.local [hbm:s5], s20  }
0xa4: {  	_ =	swait.ge [sflag:s22], s20  }
0xa5: {  	s4 =	ssub.s32 $0x0, s20;
	[sflag:s22] =	ssyncset.done $0x0  }
0xa6: {  	[sflag:s22] =	ssyncadd.s32 s4;
	_ =	sdelay $0x1  }
0xa7: {  	s23 =	simm.s32 $0x1B8B  }
0xa8: {  	_ =	swait.ge [sflag:s23], $0x1  }
0xa9: {  	[sflag:s23] =	ssyncset.done $0x0  }
0xaa: {  	s25 =	simm.s32 $0x1B8E;
	s24 =	sld [smem:$0x3FFE];
	[sflag:s23] =	ssyncadd.s32 $0xFFFFFFFF  }
0xab: {  	s26 =	simm.s32 $execute0_lowered;
	[smem:$0x3FD2] =	sst s25  }
0xac: {  	s5 =	sshll.u32 s26, $0x1;
	_ =	strace $0x80000046;
	[dreg:$0x1] =	wrdreg $0xFFFFFFFF  }
0xad: {  	s28 =	simm.s32 $_size_execute0_lowered;
	s3 =	sadd.s32 s3, s5;
	[dreg:$0x0] =	wrdreg $0x0  }
0xae: {  	s5 =	sshll.u32 s28, $0x1;
	[dreg:$0x2] =	wrdreg s3  }
0xaf: {  	[dreg:$0x3] =	wrdreg s5  }
0xb0: {  	[dreg:$0x4] =	wrdreg $0xC0  }
0xb1: {  	_ =	task [dreg:s7], $0x5FFFF  }
0xb2: {  	[dreg:$0x1] =	wrdreg $0xFFFFFFFF  }
0xb3: {  	[dreg:$0x0] =	wrdreg $0x60  }
0xb4: {  	[dreg:$0x2] =	wrdreg s24  }
0xb5: {  	[dreg:$0x3] =	wrdreg s16  }
0xb6: {  	[dreg:$0x4] =	wrdreg $0x2B000  }
0xb7: {  	[dreg:$0x5] =	wrdreg $0x9  }
0xb8: {  	_ =	task.clear_ibuf [dreg:s7], $0x6FFFF;
	_ =	strace $0x90000046  }
0xb9: {  	s29 =	simm.s32 $0x9;
	_ =	strace $0x80000048  }
0xba: {  	_ =	swait.ge [sflag:s29], $0x1  }
0xbb: {  	[sflag:s29] =	ssyncadd.s32 $0xFFFFFFFF  }
0xbc: {  	_ =	strace $0x90000048  }
0xbd: {  	_ =	sfence  }
0xbe: {  	s30 =	sld [smem:$0x0];
	_ =	sdelay $0x2  }
0xbf: {  	s31 =	sshll.u32 s1, $0xD;
	s1 =	sshrl.u32 s1, $0x2  }
0xc0: {  	s3 =	sand.u32 $0x4000, s31;
	s1 =	sadd.s32 s1, s30  }
0xc1: {  	s0 =	sor.u32 s3, s0;
	s1 =	sshll.u32 s1, $0x11  }
0xc2: {  	s0 =	sor.u32 s1, s0  }
0xc3: {  	s0 =	sadd.s32 $0x8F2B, s0  }
0xc4: {  	[sflag:s0] =	ssyncadd.remote.s32 $0x1  }
0xc5: {  	_ =	sfence.sel $0xFFFF  }
0xc6: {  	[dreg:$0x0] =	wrdreg $0xFFFFFFFF;
	(pc) =	sbr.abs _section_cstart, $3  }
0xc7: {  	[dreg:$0x1] =	wrdreg $0xFFFFFFFF  }
0xc8: {  	_ =	task.clear_ibuf [dreg:s7], $0x2FFFF;
	_ =	strace $0x9FFFFFFF  }
0xc9: {  	(tm) =	ssettm $0x7FFFFFFF  }
tec
execute0_lowered:
.L_overlay_start_1:
0x0: {  	(tag) =	ssettag $0x1  }
0x1: {  	s4 =	rddreg [dreg:$0x0]  }
0x2: {  	s6 =	rddreg [dreg:$0x1]  }
0x3: {  	s0 =	srdreg.scid;
	s2 =	rddreg [dreg:$0x2]  }
0x4: {  	s3 =	simm.s32 $0x0;
	s11 =	simm.s32 $0x2800;
	s14 =	simm.s32 $0x20  }
0x5: {  	s15 =	simm.s32 $0x10;
	s5 =	sand.u32 $0x1, s0;
	s0 =	stileid.u32  }
0x6: {  	s16 =	simm.s32 $0x0;
	[smem:$0x7FF] =	sst s3;
	s8 =	smul.u32 $0xA00, s0  }
0x7: {  	s1 =	sshll.u32 s5, $0x4;
	s9 =	ssub.s32 $0x2, s5;
	s10 =	smul.u32 $0x500, s0  }
0x8: {  	s5 =	sshll.u32 s5, $0x7;
	s12 =	sshll.u32 s0, $0x6;
	s7 =	sor.u32 s0, s1  }
0x9: {  	s1 =	rddreg [dreg:$0x3];
	_ =	strace $0x80000047;
	s28 =	sshrl.u32 s9, $0x1  }
0xa: {  	s12 =	sor.u32 $0x1C01, s12;
	s7 =	smul.u32 $0x500, s7;
	s9 =	ssub.s32 s9, s28  }
0xb: {  	s29 =	sshrl.u32 s8, $0x2;
	s30 =	sor.u32 s5, s10;
	s8 =	simm.s32 $0x2880  }
0xc: {  	s10 =	simm.s32 $0x80;
	s31 =	sshrl.u32 s30, $0x3;
	s7 =	sadd.s32 s7, s4  }
0xd: {  	s4 =	sadd.s32 s29, s2;
	s6 =	sadd.s32 s6, s31;
	s5 =	sadd.s32 $0x2A00, s7  }
0xe: {  	v0 =	vimm.f32 $1.000000000e+00;
	v1 =	vimm.f32 $0.0e+00;
	s7 =	smax.u32 s9, $0x1;
	s9 =	simm.s32 $0x1;
	s13 =	sshrl.u32 s4, $0x3  }
.LBB2_1:
0xf: {  	[tilespmem:$0x2800] =	vst v0  }
0x10: {  	[tilespmem:$0x2810] =	vst v0  }
0x11: {  	[tilespmem:$0x2820] =	vst v0  }
0x12: {  	[tilespmem:$0x2830] =	vst v0  }
0x13: {  	[tilespmem:$0x2840] =	vst v0  }
0x14: {  	[tilespmem:$0x2850] =	vst v0  }
0x15: {  	[tilespmem:$0x2860] =	vst v0  }
0x16: {  	[tilespmem:$0x2870] =	vst v0  }
0x17: {  	[tilespmem:$0x2880] =	vst v1  }
0x18: {  	[tilespmem:$0x2890] =	vst v1  }
0x19: {  	[tilespmem:$0x28A0] =	vst v1  }
0x1a: {  	[tilespmem:$0x28B0] =	vst v1  }
0x1b: {  	[tilespmem:$0x28C0] =	vst v1  }
0x1c: {  	[tilespmem:$0x28D0] =	vst v1  }
0x1d: {  	[tilespmem:$0x28E0] =	vst v1  }
0x1e: {  	[tilespmem:$0x28F0] =	vst v1  }
0x1f: {  	[tilespmem:$0x2900] =	vst v1  }
0x20: {  	[tilespmem:$0x2910] =	vst v1  }
0x21: {  	[tilespmem:$0x2920] =	vst v1  }
0x22: {  	[tilespmem:$0x2930] =	vst v1  }
0x23: {  	[tilespmem:$0x2940] =	vst v1  }
0x24: {  	[tilespmem:$0x2950] =	vst v1  }
0x25: {  	[tilespmem:$0x2960] =	vst v1  }
0x26: {  	[tilespmem:$0x2970] =	vst v1  }
0x27: {  	[tilespmem:$0x2980] =	vst v1  }
0x28: {  	[tilespmem:$0x2990] =	vst v1  }
0x29: {  	[tilespmem:$0x29A0] =	vst v1  }
0x2a: {  	[tilespmem:$0x29B0] =	vst v1  }
0x2b: {  	[tilespmem:$0x29C0] =	vst v1  }
0x2c: {  	[tilespmem:$0x29D0] =	vst v1  }
0x2d: {  	[tilespmem:$0x29E0] =	vst v1  }
0x2e: {  	[tilespmem:$0x29F0] =	vst v1  }
0x2f: {  	[tilespmem:$0x2A00] =	vst v1  }
0x30: {  	[tilespmem:$0x2A10] =	vst v1  }
0x31: {  	[tilespmem:$0x2A20] =	vst v1  }
0x32: {  	[tilespmem:$0x2A30] =	vst v1  }
0x33: {  	[tilespmem:$0x2A40] =	vst v1  }
0x34: {  	[tilespmem:$0x2A50] =	vst v1  }
0x35: {  	[tilespmem:$0x2A60] =	vst v1  }
0x36: {  	[tilespmem:$0x2A70] =	vst v1  }
0x37: {  	[tilespmem:$0x2A80] =	vst v1  }
0x38: {  	[tilespmem:$0x2A90] =	vst v1  }
0x39: {  	[tilespmem:$0x2AA0] =	vst v1  }
0x3a: {  	[tilespmem:$0x2AB0] =	vst v1  }
0x3b: {  	[tilespmem:$0x2AC0] =	vst v1  }
0x3c: {  	[tilespmem:$0x2AD0] =	vst v1  }
0x3d: {  	[tilespmem:$0x2AE0] =	vst v1  }
0x3e: {  	[tilespmem:$0x2AF0] =	vst v1  }
0x3f: {  	[spmem:s4] =	stream.linear.scatter [tilespmem:s8], [sflag:$0x1], $0x280, $0x38;
	[tilespmem:$0x2D80] =	vst v63  }
0x40: {  	_ =	swait.ge [sflag:s9], $0x280  }
0x41: {  	[sflag:s9] =	ssyncset.done $0x0  }
0x42: {  	[sflag:s9] =	ssyncadd.s32 $0xFFFFFD80  }
0x43: {  	[bflag:$0x0] =	sbarrier.arrive $0xFFFF  }
0x44: {  	[tilespmem:s3], [sflag:$0x1] =	stream.linear.gather [hbm4b:s5+s3], $0x2800, $0x38;
	[tilespmem:$0x2D80] =	vst v63  }
0x45: {  	_ =	swait.ge [sflag:s9], $0x2800  }
0x46: {  	[sflag:s9] =	ssyncset.done $0x0  }
0x47: {  	s17 =	simm.s32 $0x0;
	[sflag:s9] =	ssyncadd.s32 $0xFFFFD800  }
0x48: {  	[spmem:s2] =	stream.indirect.scatter.add.f32 [tilespmem:s11], [sflag:$0x1], $0x1, s17, s10, $0xb8;
	[tilespmem:$0x2D80] =	vst v63  }
0x49: {  	_ =	swait.ge [sflag:s9], $0x80  }
0x4a: {  	s17 =	simm.s32 $0x200;
	[sflag:s9] =	ssyncset.done $0x0  }
.LBB2_2:
0x4b: {  	s18 =	sshra.s32 s17, $0x2;
	[sflag:s9] =	ssyncadd.s32 $0xFFFFFF80;
	p0 =	sne.s32 s17, $0x9E00  }
0x4c: {  	[spmem:s2] =	stream.indirect.scatter.add.f32 [tilespmem:s11], [sflag:$0x1], $0x1, s18, s10, $0xb8;
	[tilespmem:$0x2D80] =	vst v63  }
.Ltmp0:
0x4d: {  	_ = 	snop;
	(pc) =	sbr.rel @p0 .LBB2_2-.Ltmp0, $4  }
0x4e: {  	_ = 	snop  }
0x4f: {  	s17 =	sadd.s32 $0x200, s17  }
0x50: {  	_ =	swait.ge [sflag:s9], $0x80  }
0x51: {  	[sflag:s9] =	ssyncset.done $0x0  }
0x52: {  	s16 =	sadd.s32 $0x1, s16  }
0x53: {  	[sflag:s9] =	ssyncadd.s32 $0xFFFFFF80;
	p0 =	sne.s32 s16, s7  }
.Ltmp1:
0x54: {  	[bflag:$0x0] =	sbarrier.arrive $0xFFFF;
	(pc) =	sbr.rel @p0 .LBB2_1-.Ltmp1, $4  }
0x55: {  	[hbm:s6@s14], [sflag:s12] =	dma.strided [spmem:s13@s15], $0x50, s9, $0x10   }
0x56: {  	_ =	swait.ge [sflag:s9], $0x50  }
0x57: {  	[sflag:s9] =	ssyncset.done $0x0  }
0x58: {  	[sflag:s9] =	ssyncadd.s32 $0xFFFFFFB0  }
0x59: {  	_ =	sfence.sel $0x180000  }
0x5a: {  	[bflag:$0x0] =	sbarrier.arrive $0xFFFF  }
0x5b: {  	p0 =	sne.s32 s0, $0x0;
	_ =	strace $0x90000047  }
0x5c: {  	s0 =	sadd.s32 @!p0 $0x100000, s1;
	[bflag:$0x2] =	sbarrier.arrive $0xFFFF  }
0x5d: {  	[sflag:s0] =	ssyncadd.tile.s32 @!p0 $0x1;
	_ =	shalt  }
.Lfunc_end2:
_tile_overlayer_lowered:
.L_overlay_start_2:
0x5e: {  	(tag) =	ssettag $0x2  }
0x5f: {  	s0 =	rddreg [dreg:$0x0];
	s2 =	stileid.u32  }
0x60: {  	s1 =	rddreg [dreg:$0x1];
	p0 =	sne.s32 s2, $0x0  }
0x61: {  	s3 =	rddreg [dreg:$0x2];
	[bflag:$0x3] =	sbarrier.arrive $0xFFFF;
	s2 =	simm.s32 @!p0 $0x1C01  }
0x62: {  	[timem:s3], [sflag:s2] =	dma.local @!p0 [hbm:s0], s1  }
0x63: {  	s0 =	simm.s32 @!p0 $0x1  }
0x64: {  	_ =	swait.ge @!p0 [sflag:s0], s1  }
0x65: {  	s1 =	ssub.s32 @!p0 $0x0, s1;
	[sflag:s0] =	ssyncset.done @!p0 $0x0  }
0x66: {  	[sflag:s0] =	ssyncadd.s32 @!p0 s1  }
0x67: {  	[bflag:$0x3] =	sbarrier.arrive $0xFFFF  }
0x68: {  	_ =	shalt  }

</sc_bundles>
